<compile_context>
chip_gen: v7x
topology: tpu7x:2x2x1
jax: 0.10.2.dev20260603
libtpu: 0.0.44.dev20260713+nightly
codegen_flags: <defaults>
</compile_context>

<pallas_src>
import functools

import jax
import jax.numpy as jnp
from jax import lax
from jax.experimental import pallas as pl
from jax.experimental.pallas import tpu as pltpu
from jax.experimental.pallas import tpu_sc as plsc

N_NODES_C = 100000
N_EDGES_C = 6400000

NCORES = 2
NSUB = 16
NW = NCORES * NSUB

EB = 2048
NB = N_EDGES_C // EB
NB_PER_W = -(-NB // NW)

NPAD = 100352
SLICE = NPAD // NSUB

_mesh = plsc.VectorSubcoreMesh(core_axis_name="c", subcore_axis_name="s")
_sc_params = pltpu.CompilerParams(use_tc_tiling_on_sc=False)

f32 = jnp.float32
i32 = jnp.int32


@functools.partial(
    pl.kernel,
    mesh=_mesh,
    compiler_params=_sc_params,
    out_type=[
        jax.ShapeDtypeStruct((NCORES, NPAD), f32),
        jax.ShapeDtypeStruct((NCORES, NPAD), f32),
    ],
    scratch_types=[
        pltpu.VMEM((1, EB), i32),
        pltpu.VMEM((1, EB), i32),
        pltpu.VMEM((EB,), f32),
        pltpu.VMEM((SLICE,), f32),
        pltpu.VMEM_SHARED((NPAD,), f32),
        pltpu.VMEM_SHARED((NPAD,), f32),
    ],
)
def _sc_degrees(src_hbm, dst_hbm, dego_hbm, degi_hbm,
                sbuf, dbuf, ones_v, bounce, dego_sh, degi_sh):
    c = lax.axis_index("c")
    s = lax.axis_index("s")
    wid = c * NSUB + s

    @pl.loop(0, EB, step=16)
    def _(i):
        ones_v[pl.ds(i, 16)] = jnp.ones((16,), f32)

    @pl.loop(0, SLICE, step=16)
    def _(i):
        bounce[pl.ds(i, 16)] = jnp.zeros((16,), f32)

    sl = pl.ds(s * SLICE, SLICE)
    pltpu.sync_copy(bounce, dego_sh.at[sl])
    pltpu.sync_copy(bounce, degi_sh.at[sl])
    plsc.subcore_barrier()

    @pl.loop(0, NB_PER_W)
    def _(i):
        b = wid + i * NW

        @pl.when(b < NB)
        def _():
            pltpu.sync_copy(src_hbm.at[pl.ds(b, 1)], sbuf)
            pltpu.sync_copy(dst_hbm.at[pl.ds(b, 1)], dbuf)
            pltpu.sync_copy(ones_v, dego_sh.at[sbuf.at[0]], add=True)
            pltpu.sync_copy(ones_v, degi_sh.at[dbuf.at[0]], add=True)

    plsc.subcore_barrier()
    pltpu.sync_copy(dego_sh.at[sl], bounce)
    pltpu.sync_copy(bounce, dego_hbm.at[c].at[sl])
    pltpu.sync_copy(degi_sh.at[sl], bounce)
    pltpu.sync_copy(bounce, degi_hbm.at[c].at[sl])


def _make_msg_pass(C, G):
    @functools.partial(
        pl.kernel,
        mesh=_mesh,
        compiler_params=_sc_params,
        out_type=jax.ShapeDtypeStruct((NCORES, C, NPAD), f32),
        scratch_types=[
            pltpu.VMEM((1, EB), i32),
            pltpu.VMEM((1, EB), i32),
            pltpu.VMEM((1, EB), i32),
            pltpu.VMEM((1, EB), i32),
            pltpu.VMEM((C, EB), f32),
            pltpu.VMEM((C, EB), f32),
            pltpu.VMEM((SLICE,), f32),
            pltpu.VMEM_SHARED((C, NPAD), f32),
            pltpu.VMEM_SHARED((C, NPAD), f32),
            pltpu.SemaphoreType.DMA,
            pltpu.SemaphoreType.DMA,
        ],
    )
    def _msg(src_hbm, dst_hbm, tab_hbm, agg_hbm,
             sbuf0, sbuf1, dbuf0, dbuf1, gv0, gv1, bounce, tab_sh, agg_sh,
             gsem0, gsem1):
        c = lax.axis_index("c")
        s = lax.axis_index("s")
        wid = c * NSUB + s
        sbuf = (sbuf0, sbuf1)
        dbuf = (dbuf0, dbuf1)
        gv = (gv0, gv1)
        gsem = (gsem0, gsem1)

        sl = pl.ds(s * SLICE, SLICE)

        @pl.loop(0, SLICE, step=16)
        def _(i):
            bounce[pl.ds(i, 16)] = jnp.zeros((16,), f32)

        for ch in range(C):
            pltpu.sync_copy(bounce, agg_sh.at[ch].at[sl])
        for ch in range(G, C):
            pltpu.sync_copy(tab_hbm.at[ch].at[sl], bounce)
            pltpu.sync_copy(bounce, tab_sh.at[ch].at[sl])
        plsc.subcore_barrier()

        def issue_gathers(k, b):
            pltpu.sync_copy(src_hbm.at[pl.ds(b, 1)], sbuf[k])
            pltpu.sync_copy(dst_hbm.at[pl.ds(b, 1)], dbuf[k])
            for ch in range(G):
                pltpu.make_async_copy(
                    tab_hbm.at[ch].at[sbuf[k].at[0]], gv[k].at[ch], gsem[k]
                ).start()

        def wait_and_scatter(k):
            for ch in range(G):
                pltpu.make_async_copy(
                    tab_hbm.at[ch].at[sbuf[k].at[0]], gv[k].at[ch], gsem[k]
                ).wait()
            for ch in range(G, C):
                pltpu.sync_copy(tab_sh.at[ch].at[sbuf[k].at[0]], gv[k].at[ch])
            for ch in range(C):
                pltpu.sync_copy(gv[k].at[ch], agg_sh.at[ch].at[dbuf[k].at[0]],
                                add=True)

        @pl.loop(0, NB_PER_W // 2)
        def _(th):
            for k in (0, 1):
                i = th * 2 + k

                @pl.when((i >= 1) & (wid + (i - 1) * NW < NB))
                def _():
                    wait_and_scatter(1 - k)

                b = wid + i * NW

                @pl.when(b < NB)
                def _():
                    issue_gathers(k, b)

        @pl.when(wid < NB - (NB_PER_W - 1) * NW)
        def _():
            wait_and_scatter(1)

        plsc.subcore_barrier()
        for ch in range(C):
            pltpu.sync_copy(agg_sh.at[ch].at[sl], bounce)
            pltpu.sync_copy(bounce, agg_hbm.at[c].at[ch].at[sl])

    return _msg


_sc_msg4 = _make_msg_pass(4, 2)
_sc_msg3 = _make_msg_pass(3, 1)


_BR = 6272


def _t1_body(dego_ref, degi_ref, feat_ref, h_ref, rso_ref, rsi_ref):
    dego = dego_ref[0, :] + dego_ref[1, :]
    degi = degi_ref[0, :] + degi_ref[1, :]
    rso = lax.rsqrt(jnp.maximum(dego, 1.0))
    rsi = lax.rsqrt(jnp.maximum(degi, 1.0))
    h_ref[...] = feat_ref[...].T * rso[None, :]
    rso_ref[...] = rso[:, None]
    rsi_ref[...] = rsi[:, None]


def _t1(dego_p, degi_p, featp):
    grid = NPAD // _BR
    return pl.pallas_call(
        _t1_body,
        grid=(grid,),
        in_specs=[
            pl.BlockSpec((NCORES, _BR), lambda i: (0, i)),
            pl.BlockSpec((NCORES, _BR), lambda i: (0, i)),
            pl.BlockSpec((_BR, 4), lambda i: (i, 0)),
        ],
        out_specs=[
            pl.BlockSpec((4, _BR), lambda i: (0, i)),
            pl.BlockSpec((_BR, 1), lambda i: (i, 0)),
            pl.BlockSpec((_BR, 1), lambda i: (i, 0)),
        ],
        out_shape=[
            jax.ShapeDtypeStruct((4, NPAD), f32),
            jax.ShapeDtypeStruct((NPAD, 1), f32),
            jax.ShapeDtypeStruct((NPAD, 1), f32),
        ],
    )(dego_p, degi_p, featp)


def _t2_body(agg_ref, rsi_ref, rso_ref, w1_ref, b1_ref, w2_ref, z_ref):
    a = (agg_ref[0] + agg_ref[1]).T * rsi_ref[...]
    y = jnp.dot(a, w1_ref[...], preferred_element_type=f32) + b1_ref[...]
    y = jnp.where(y >= 0.0, y, 0.01 * y)
    y = y * rso_ref[...]
    z = jnp.dot(y, w2_ref[...], preferred_element_type=f32)
    z_ref[...] = z.T


def _t2(agg1_p, rsi, rso, W1, b1, W2):
    grid = NPAD // _BR
    return pl.pallas_call(
        _t2_body,
        grid=(grid,),
        in_specs=[
            pl.BlockSpec((NCORES, 4, _BR), lambda i: (0, 0, i)),
            pl.BlockSpec((_BR, 1), lambda i: (i, 0)),
            pl.BlockSpec((_BR, 1), lambda i: (i, 0)),
            pl.BlockSpec((4, 64), lambda i: (0, 0)),
            pl.BlockSpec((1, 64), lambda i: (0, 0)),
            pl.BlockSpec((64, 3), lambda i: (0, 0)),
        ],
        out_specs=pl.BlockSpec((3, _BR), lambda i: (0, i)),
        out_shape=jax.ShapeDtypeStruct((3, NPAD), f32),
    )(agg1_p, rsi, rso, W1, b1.reshape(1, 64), W2)


def _t3_body(agg_ref, rsi_ref, b2_ref, out_ref):
    a = (agg_ref[0] + agg_ref[1]).T
    out_ref[...] = a * rsi_ref[...] + b2_ref[...]


def _t3(agg2_p, rsi, b2):
    grid = NPAD // _BR
    return pl.pallas_call(
        _t3_body,
        grid=(grid,),
        in_specs=[
            pl.BlockSpec((NCORES, 3, _BR), lambda i: (0, 0, i)),
            pl.BlockSpec((_BR, 1), lambda i: (i, 0)),
            pl.BlockSpec((1, 3), lambda i: (0, 0)),
        ],
        out_specs=pl.BlockSpec((_BR, 3), lambda i: (i, 0)),
        out_shape=jax.ShapeDtypeStruct((NPAD, 3), f32),
    )(agg2_p, rsi, b2.reshape(1, 3))


def kernel(features, edge_index, W1, b1, W2, b2):
    src = edge_index[0].astype(i32).reshape(NB, EB)
    dst = edge_index[1].astype(i32).reshape(NB, EB)

    dego_p, degi_p = _sc_degrees(src, dst)

    featp = jnp.zeros((NPAD, 4), f32).at[:N_NODES_C].set(features)
    h1, rso, rsi = _t1(dego_p, degi_p, featp)

    agg1_p = _sc_msg4(src, dst, h1)
    z3 = _t2(agg1_p, rsi, rso, W1, b1, W2)
    agg2_p = _sc_msg3(src, dst, z3)
    out = _t3(agg2_p, rsi, b2)
    return out[:N_NODES_C]

# --- scband reference (transcript-rebuilt; emitter-appended) ---
"""Pipeline reference for scband-shallow-net-14224931685025 (READ-ONLY COPY).

The authoritative reference and input builder live on the scoring server;
editing this copy changes nothing except your own understanding.
"""

import jax, jax.numpy as jnp
import numpy as np

N_NODES = 100000
N_EDGES = 6400000

def setup_inputs(seed: int = 0) -> dict:
    key = jax.random.key(seed)
    k1, k2, k3, k4, k5, k6 = jax.random.split(key, 6)
    features = jax.random.normal(k1, (N_NODES, 4), dtype=jnp.float32)
    edge_index = jax.random.randint(k2, (2, N_EDGES), 0, N_NODES, dtype=jnp.int64)
    # GraphConv(4, 64) params (glorot-like init)
    W1 = jax.random.normal(k3, (4, 64), dtype=jnp.float32) * (1.0 / np.sqrt(4))
    b1 = jnp.zeros((64,), dtype=jnp.float32)
    # GraphConv(64, 3) params
    W2 = jax.random.normal(k4, (64, 3), dtype=jnp.float32) * (1.0 / np.sqrt(64))
    b2 = jnp.zeros((3,), dtype=jnp.float32)
    return {"features": features, "edge_index": edge_index, "W1": W1, "b1": b1, "W2": W2, "b2": b2}

def _graph_conv(x, W, b, src, dst, n_nodes):
    # DGL GraphConv with norm='both':
    # h = x * deg_out^{-1/2}; aggregate sum src->dst; m = m * deg_in^{-1/2}; out = m @ W + b
    ones = jnp.ones((src.shape[0],), dtype=x.dtype)
    deg_out = jnp.zeros((n_nodes,), dtype=x.dtype).at[src].add(ones)
    deg_in = jnp.zeros((n_nodes,), dtype=x.dtype).at[dst].add(ones)
    deg_out = jnp.clip(deg_out, 1.0, None)
    deg_in = jnp.clip(deg_in, 1.0, None)
    h = x * (deg_out ** -0.5)[:, None]
    msg = jnp.take(h, src, axis=0)
    agg = jax.ops.segment_sum(msg, dst, num_segments=n_nodes)
    agg = agg * (deg_in ** -0.5)[:, None]
    return agg @ W + b

def reference(features, edge_index, W1, b1, W2, b2):
    src = edge_index[0]
    dst = edge_index[1]
    n_nodes = features.shape[0]
    x = _graph_conv(features, W1, b1, src, dst, n_nodes)
    x = jax.nn.leaky_relu(x, negative_slope=0.01)
    x = _graph_conv(x, W2, b2, src, dst, n_nodes)
    return x

if __name__ == "__main__":
    import jax
    _d = setup_inputs()
    print(jax.jit(kernel)(*tuple(_d.values())))

</pallas_src>

<mosaic_0001>
#map = affine_map<(d0, d1) -> (0, 0)>
#map1 = affine_map<(d0, d1) -> (0, 0, 0)>
module attributes {stable_mosaic.version = 14 : i64} {
  func.func @_msg(%arg0: i32, %arg1: i32, %arg2: memref<3125x2048xi32, #tpu.memory_space<hbm>>, %arg3: memref<3125x2048xi32, #tpu.memory_space<hbm>>, %arg4: memref<3x100352xf32, #tpu.memory_space<hbm>>, %arg5: memref<2x3x100352xf32, #tpu.memory_space<hbm>>, %arg6: memref<1x2048xi32, #tpu.memory_space<vmem>>, %arg7: memref<1x2048xi32, #tpu.memory_space<vmem>>, %arg8: memref<1x2048xi32, #tpu.memory_space<vmem>>, %arg9: memref<1x2048xi32, #tpu.memory_space<vmem>>, %arg10: memref<3x2048xf32, #tpu.memory_space<vmem>>, %arg11: memref<3x2048xf32, #tpu.memory_space<vmem>>, %arg12: memref<6272xf32, #tpu.memory_space<vmem>>, %arg13: memref<3x100352xf32, #tpu.memory_space<vmem_shared>>, %arg14: memref<3x100352xf32, #tpu.memory_space<vmem_shared>>, %arg15: memref<!tpu.dma_semaphore, #tpu.memory_space<semaphore_mem>>, %arg16: memref<!tpu.dma_semaphore, #tpu.memory_space<semaphore_mem>>) attributes {dimension_semantics = [#tpu.dimension_semantics<core_parallel>, #tpu.dimension_semantics<subcore_parallel>], iteration_bounds = array<i64: 2, 16>, scalar_prefetch = 0 : i64, scratch_operands = 11 : i64, tpu.core_type = #tpu.core_type<sc_vector_subcore>, window_params = [{transform_indices = #map}, {transform_indices = #map}, {transform_indices = #map}, {transform_indices = #map1}]} {
    %mul3A = arith.constant 16 : i32
    %mul3A_0 = arith.muli %arg0, %mul3A : i32
    %add3A = arith.addi %mul3A_0, %arg1 : i32
    %mul3A_1 = arith.constant 6272 : i32
    %mul3A_2 = arith.muli %arg1, %mul3A_1 : i32
    %scan3A = arith.constant 0 : i32
    %scan3A_3 = arith.constant 392 : i32
    %scan3A_4 = arith.addi %scan3A, %scan3A_3 : i32
    %scan3A_5 = arith.constant 1 : i32
    scf.for %scan3A_27 = %scan3A to %scan3A_4 step %scan3A_5  : i32 {
      %mul3A_28 = arith.constant 16 : i32
      %mul3A_29 = arith.muli %scan3A_27, %mul3A_28 : i32
      %add3A_30 = arith.constant 0 : i32
      %add3A_31 = arith.addi %add3A_30, %mul3A_29 : i32
      %broadcast_in_dim3A = arith.constant 0.000000e+00 : f32
      %broadcast_in_dim3A_32 = vector.broadcast %broadcast_in_dim3A : f32 to vector<16xf32>
      %swap3A = arith.index_cast %add3A_31 : i32 to index
      %swap3A_33 = tpu.vector_load %arg12[%swap3A] {strides = array<i32>} : memref<6272xf32, #tpu.memory_space<vmem>>, vector<16xf32>,
      %swap3A_34 = vector.shape_cast %swap3A_33 : vector<16xf32> to vector<16xf32>
      %swap3A_35 = vector.shape_cast %broadcast_in_dim3A_32 : vector<16xf32> to vector<16xf32>
      tpu.vector_store %arg12[%swap3A], %swap3A_35 {strides = array<i32>} : memref<6272xf32, #tpu.memory_space<vmem>>, vector<16xf32>,
    }
    %scan3A_6 = arith.constant 392 : i32
    %run_scoped3A = arith.constant 0 : i32
    "tpu.region"() ({
      %run_scoped3A_27 = tpu.sem_alloc : memref<!tpu.dma_semaphore, #tpu.memory_space<semaphore_mem>>
      %dma_start3A = arith.constant 0 : i32
      %dma_start3A_28 = tpu.memref_slice %arg14[%run_scoped3A, %dma_start3A] : memref<3x100352xf32, #tpu.memory_space<vmem_shared>> -> memref<1x100352xf32, #tpu.memory_space<vmem_shared>>
      %dma_start3A_29 = tpu.memref_squeeze %dma_start3A_28 : memref<1x100352xf32, #tpu.memory_space<vmem_shared>> -> memref<100352xf32, #tpu.memory_space<vmem_shared>>
      %dma_start3A_30 = tpu.memref_slice %dma_start3A_29[%mul3A_2] : memref<100352xf32, #tpu.memory_space<vmem_shared>> -> memref<6272xf32, #tpu.memory_space<vmem_shared>>
      %dma_start3A_31 = arith.constant 0 : i32
      %dma_start3A_32 = tpu.memref_slice %arg14[%run_scoped3A, %dma_start3A_31] : memref<3x100352xf32, #tpu.memory_space<vmem_shared>> -> memref<1x100352xf32, #tpu.memory_space<vmem_shared>>
      %dma_start3A_33 = tpu.memref_squeeze %dma_start3A_32 : memref<1x100352xf32, #tpu.memory_space<vmem_shared>> -> memref<100352xf32, #tpu.memory_space<vmem_shared>>
      %dma_start3A_34 = tpu.memref_slice %dma_start3A_33[%mul3A_2] : memref<100352xf32, #tpu.memory_space<vmem_shared>> -> memref<6272xf32, #tpu.memory_space<vmem_shared>>
      tpu.enqueue_dma source(%arg12 : memref<6272xf32, #tpu.memory_space<vmem>>) target(%dma_start3A_34 : memref<6272xf32, #tpu.memory_space<vmem_shared>>) target_semaphore(%run_scoped3A_27 : memref<!tpu.dma_semaphore, #tpu.memory_space<semaphore_mem>>)
      %dma_wait3A = arith.constant 0 : i32
      %dma_wait3A_35 = tpu.memref_slice %arg14[%run_scoped3A, %dma_wait3A] : memref<3x100352xf32, #tpu.memory_space<vmem_shared>> -> memref<1x100352xf32, #tpu.memory_space<vmem_shared>>
      %dma_wait3A_36 = tpu.memref_squeeze %dma_wait3A_35 : memref<1x100352xf32, #tpu.memory_space<vmem_shared>> -> memref<100352xf32, #tpu.memory_space<vmem_shared>>
      %dma_wait3A_37 = tpu.memref_slice %dma_wait3A_36[%mul3A_2] : memref<100352xf32, #tpu.memory_space<vmem_shared>> -> memref<6272xf32, #tpu.memory_space<vmem_shared>>
      %dma_wait3A_38 = arith.constant 0 : i32
      %dma_wait3A_39 = tpu.memref_slice %arg14[%run_scoped3A, %dma_wait3A_38] : memref<3x100352xf32, #tpu.memory_space<vmem_shared>> -> memref<1x100352xf32, #tpu.memory_space<vmem_shared>>
      %dma_wait3A_40 = tpu.memref_squeeze %dma_wait3A_39 : memref<1x100352xf32, #tpu.memory_space<vmem_shared>> -> memref<100352xf32, #tpu.memory_space<vmem_shared>>
      %dma_wait3A_41 = tpu.memref_slice %dma_wait3A_40[%mul3A_2] : memref<100352xf32, #tpu.memory_space<vmem_shared>> -> memref<6272xf32, #tpu.memory_space<vmem_shared>>
      tpu.wait_dma2 semaphore(%run_scoped3A_27 : memref<!tpu.dma_semaphore, #tpu.memory_space<semaphore_mem>>) src(%arg12 : memref<6272xf32, #tpu.memory_space<vmem>>) dst(%dma_wait3A_41 : memref<6272xf32, #tpu.memory_space<vmem_shared>>)
      tpu.yield
    }) : () -> ()
    %run_scoped3A_7 = arith.constant 1 : i32
    "tpu.region"() ({
      %run_scoped3A_27 = tpu.sem_alloc : memref<!tpu.dma_semaphore, #tpu.memory_space<semaphore_mem>>
      %dma_start3A = arith.constant 0 : i32
      %dma_start3A_28 = tpu.memref_slice %arg14[%run_scoped3A_7, %dma_start3A] : memref<3x100352xf32, #tpu.memory_space<vmem_shared>> -> memref<1x100352xf32, #tpu.memory_space<vmem_shared>>
      %dma_start3A_29 = tpu.memref_squeeze %dma_start3A_28 : memref<1x100352xf32, #tpu.memory_space<vmem_shared>> -> memref<100352xf32, #tpu.memory_space<vmem_shared>>
      %dma_start3A_30 = tpu.memref_slice %dma_start3A_29[%mul3A_2] : memref<100352xf32, #tpu.memory_space<vmem_shared>> -> memref<6272xf32, #tpu.memory_space<vmem_shared>>
      %dma_start3A_31 = arith.constant 0 : i32
      %dma_start3A_32 = tpu.memref_slice %arg14[%run_scoped3A_7, %dma_start3A_31] : memref<3x100352xf32, #tpu.memory_space<vmem_shared>> -> memref<1x100352xf32, #tpu.memory_space<vmem_shared>>
      %dma_start3A_33 = tpu.memref_squeeze %dma_start3A_32 : memref<1x100352xf32, #tpu.memory_space<vmem_shared>> -> memref<100352xf32, #tpu.memory_space<vmem_shared>>
      %dma_start3A_34 = tpu.memref_slice %dma_start3A_33[%mul3A_2] : memref<100352xf32, #tpu.memory_space<vmem_shared>> -> memref<6272xf32, #tpu.memory_space<vmem_shared>>
      tpu.enqueue_dma source(%arg12 : memref<6272xf32, #tpu.memory_space<vmem>>) target(%dma_start3A_34 : memref<6272xf32, #tpu.memory_space<vmem_shared>>) target_semaphore(%run_scoped3A_27 : memref<!tpu.dma_semaphore, #tpu.memory_space<semaphore_mem>>)
      %dma_wait3A = arith.constant 0 : i32
      %dma_wait3A_35 = tpu.memref_slice %arg14[%run_scoped3A_7, %dma_wait3A] : memref<3x100352xf32, #tpu.memory_space<vmem_shared>> -> memref<1x100352xf32, #tpu.memory_space<vmem_shared>>
      %dma_wait3A_36 = tpu.memref_squeeze %dma_wait3A_35 : memref<1x100352xf32, #tpu.memory_space<vmem_shared>> -> memref<100352xf32, #tpu.memory_space<vmem_shared>>
      %dma_wait3A_37 = tpu.memref_slice %dma_wait3A_36[%mul3A_2] : memref<100352xf32, #tpu.memory_space<vmem_shared>> -> memref<6272xf32, #tpu.memory_space<vmem_shared>>
      %dma_wait3A_38 = arith.constant 0 : i32
      %dma_wait3A_39 = tpu.memref_slice %arg14[%run_scoped3A_7, %dma_wait3A_38] : memref<3x100352xf32, #tpu.memory_space<vmem_shared>> -> memref<1x100352xf32, #tpu.memory_space<vmem_shared>>
      %dma_wait3A_40 = tpu.memref_squeeze %dma_wait3A_39 : memref<1x100352xf32, #tpu.memory_space<vmem_shared>> -> memref<100352xf32, #tpu.memory_space<vmem_shared>>
      %dma_wait3A_41 = tpu.memref_slice %dma_wait3A_40[%mul3A_2] : memref<100352xf32, #tpu.memory_space<vmem_shared>> -> memref<6272xf32, #tpu.memory_space<vmem_shared>>
      tpu.wait_dma2 semaphore(%run_scoped3A_27 : memref<!tpu.dma_semaphore, #tpu.memory_space<semaphore_mem>>) src(%arg12 : memref<6272xf32, #tpu.memory_space<vmem>>) dst(%dma_wait3A_41 : memref<6272xf32, #tpu.memory_space<vmem_shared>>)
      tpu.yield
    }) : () -> ()
    %run_scoped3A_8 = arith.constant 2 : i32
    "tpu.region"() ({
      %run_scoped3A_27 = tpu.sem_alloc : memref<!tpu.dma_semaphore, #tpu.memory_space<semaphore_mem>>
      %dma_start3A = arith.constant 0 : i32
      %dma_start3A_28 = tpu.memref_slice %arg14[%run_scoped3A_8, %dma_start3A] : memref<3x100352xf32, #tpu.memory_space<vmem_shared>> -> memref<1x100352xf32, #tpu.memory_space<vmem_shared>>
      %dma_start3A_29 = tpu.memref_squeeze %dma_start3A_28 : memref<1x100352xf32, #tpu.memory_space<vmem_shared>> -> memref<100352xf32, #tpu.memory_space<vmem_shared>>
      %dma_start3A_30 = tpu.memref_slice %dma_start3A_29[%mul3A_2] : memref<100352xf32, #tpu.memory_space<vmem_shared>> -> memref<6272xf32, #tpu.memory_space<vmem_shared>>
      %dma_start3A_31 = arith.constant 0 : i32
      %dma_start3A_32 = tpu.memref_slice %arg14[%run_scoped3A_8, %dma_start3A_31] : memref<3x100352xf32, #tpu.memory_space<vmem_shared>> -> memref<1x100352xf32, #tpu.memory_space<vmem_shared>>
      %dma_start3A_33 = tpu.memref_squeeze %dma_start3A_32 : memref<1x100352xf32, #tpu.memory_space<vmem_shared>> -> memref<100352xf32, #tpu.memory_space<vmem_shared>>
      %dma_start3A_34 = tpu.memref_slice %dma_start3A_33[%mul3A_2] : memref<100352xf32, #tpu.memory_space<vmem_shared>> -> memref<6272xf32, #tpu.memory_space<vmem_shared>>
      tpu.enqueue_dma source(%arg12 : memref<6272xf32, #tpu.memory_space<vmem>>) target(%dma_start3A_34 : memref<6272xf32, #tpu.memory_space<vmem_shared>>) target_semaphore(%run_scoped3A_27 : memref<!tpu.dma_semaphore, #tpu.memory_space<semaphore_mem>>)
      %dma_wait3A = arith.constant 0 : i32
      %dma_wait3A_35 = tpu.memref_slice %arg14[%run_scoped3A_8, %dma_wait3A] : memref<3x100352xf32, #tpu.memory_space<vmem_shared>> -> memref<1x100352xf32, #tpu.memory_space<vmem_shared>>
      %dma_wait3A_36 = tpu.memref_squeeze %dma_wait3A_35 : memref<1x100352xf32, #tpu.memory_space<vmem_shared>> -> memref<100352xf32, #tpu.memory_space<vmem_shared>>
      %dma_wait3A_37 = tpu.memref_slice %dma_wait3A_36[%mul3A_2] : memref<100352xf32, #tpu.memory_space<vmem_shared>> -> memref<6272xf32, #tpu.memory_space<vmem_shared>>
      %dma_wait3A_38 = arith.constant 0 : i32
      %dma_wait3A_39 = tpu.memref_slice %arg14[%run_scoped3A_8, %dma_wait3A_38] : memref<3x100352xf32, #tpu.memory_space<vmem_shared>> -> memref<1x100352xf32, #tpu.memory_space<vmem_shared>>
      %dma_wait3A_40 = tpu.memref_squeeze %dma_wait3A_39 : memref<1x100352xf32, #tpu.memory_space<vmem_shared>> -> memref<100352xf32, #tpu.memory_space<vmem_shared>>
      %dma_wait3A_41 = tpu.memref_slice %dma_wait3A_40[%mul3A_2] : memref<100352xf32, #tpu.memory_space<vmem_shared>> -> memref<6272xf32, #tpu.memory_space<vmem_shared>>
      tpu.wait_dma2 semaphore(%run_scoped3A_27 : memref<!tpu.dma_semaphore, #tpu.memory_space<semaphore_mem>>) src(%arg12 : memref<6272xf32, #tpu.memory_space<vmem>>) dst(%dma_wait3A_41 : memref<6272xf32, #tpu.memory_space<vmem_shared>>)
      tpu.yield
    }) : () -> ()
    %run_scoped3A_9 = arith.constant 1 : i32
    "tpu.region"() ({
      %run_scoped3A_27 = tpu.sem_alloc : memref<!tpu.dma_semaphore, #tpu.memory_space<semaphore_mem>>
      %dma_start3A = arith.constant 0 : i32
      %dma_start3A_28 = tpu.memref_slice %arg4[%run_scoped3A_9, %dma_start3A] : memref<3x100352xf32, #tpu.memory_space<hbm>> -> memref<1x100352xf32, #tpu.memory_space<hbm>>
      %dma_start3A_29 = tpu.memref_squeeze %dma_start3A_28 : memref<1x100352xf32, #tpu.memory_space<hbm>> -> memref<100352xf32, #tpu.memory_space<hbm>>
      %dma_start3A_30 = tpu.memref_slice %dma_start3A_29[%mul3A_2] : memref<100352xf32, #tpu.memory_space<hbm>> -> memref<6272xf32, #tpu.memory_space<hbm>>
      %dma_start3A_31 = arith.constant 0 : i32
      %dma_start3A_32 = tpu.memref_slice %arg4[%run_scoped3A_9, %dma_start3A_31] : memref<3x100352xf32, #tpu.memory_space<hbm>> -> memref<1x100352xf32, #tpu.memory_space<hbm>>
      %dma_start3A_33 = tpu.memref_squeeze %dma_start3A_32 : memref<1x100352xf32, #tpu.memory_space<hbm>> -> memref<100352xf32, #tpu.memory_space<hbm>>
      %dma_start3A_34 = tpu.memref_slice %dma_start3A_33[%mul3A_2] : memref<100352xf32, #tpu.memory_space<hbm>> -> memref<6272xf32, #tpu.memory_space<hbm>>
      tpu.enqueue_dma source(%dma_start3A_34 : memref<6272xf32, #tpu.memory_space<hbm>>) target(%arg12 : memref<6272xf32, #tpu.memory_space<vmem>>) target_semaphore(%run_scoped3A_27 : memref<!tpu.dma_semaphore, #tpu.memory_space<semaphore_mem>>)
      %dma_wait3A = arith.constant 0 : i32
      %dma_wait3A_35 = tpu.memref_slice %arg4[%run_scoped3A_9, %dma_wait3A] : memref<3x100352xf32, #tpu.memory_space<hbm>> -> memref<1x100352xf32, #tpu.memory_space<hbm>>
      %dma_wait3A_36 = tpu.memref_squeeze %dma_wait3A_35 : memref<1x100352xf32, #tpu.memory_space<hbm>> -> memref<100352xf32, #tpu.memory_space<hbm>>
      %dma_wait3A_37 = tpu.memref_slice %dma_wait3A_36[%mul3A_2] : memref<100352xf32, #tpu.memory_space<hbm>> -> memref<6272xf32, #tpu.memory_space<hbm>>
      %dma_wait3A_38 = arith.constant 0 : i32
      %dma_wait3A_39 = tpu.memref_slice %arg4[%run_scoped3A_9, %dma_wait3A_38] : memref<3x100352xf32, #tpu.memory_space<hbm>> -> memref<1x100352xf32, #tpu.memory_space<hbm>>
      %dma_wait3A_40 = tpu.memref_squeeze %dma_wait3A_39 : memref<1x100352xf32, #tpu.memory_space<hbm>> -> memref<100352xf32, #tpu.memory_space<hbm>>
      %dma_wait3A_41 = tpu.memref_slice %dma_wait3A_40[%mul3A_2] : memref<100352xf32, #tpu.memory_space<hbm>> -> memref<6272xf32, #tpu.memory_space<hbm>>
      tpu.wait_dma2 semaphore(%run_scoped3A_27 : memref<!tpu.dma_semaphore, #tpu.memory_space<semaphore_mem>>) src(%dma_wait3A_41 : memref<6272xf32, #tpu.memory_space<hbm>>) dst(%arg12 : memref<6272xf32, #tpu.memory_space<vmem>>)
      tpu.yield
    }) : () -> ()
    %run_scoped3A_10 = arith.constant 1 : i32
    "tpu.region"() ({
      %run_scoped3A_27 = tpu.sem_alloc : memref<!tpu.dma_semaphore, #tpu.memory_space<semaphore_mem>>
      %dma_start3A = arith.constant 0 : i32
      %dma_start3A_28 = tpu.memref_slice %arg13[%run_scoped3A_10, %dma_start3A] : memref<3x100352xf32, #tpu.memory_space<vmem_shared>> -> memref<1x100352xf32, #tpu.memory_space<vmem_shared>>
      %dma_start3A_29 = tpu.memref_squeeze %dma_start3A_28 : memref<1x100352xf32, #tpu.memory_space<vmem_shared>> -> memref<100352xf32, #tpu.memory_space<vmem_shared>>
      %dma_start3A_30 = tpu.memref_slice %dma_start3A_29[%mul3A_2] : memref<100352xf32, #tpu.memory_space<vmem_shared>> -> memref<6272xf32, #tpu.memory_space<vmem_shared>>
      %dma_start3A_31 = arith.constant 0 : i32
      %dma_start3A_32 = tpu.memref_slice %arg13[%run_scoped3A_10, %dma_start3A_31] : memref<3x100352xf32, #tpu.memory_space<vmem_shared>> -> memref<1x100352xf32, #tpu.memory_space<vmem_shared>>
      %dma_start3A_33 = tpu.memref_squeeze %dma_start3A_32 : memref<1x100352xf32, #tpu.memory_space<vmem_shared>> -> memref<100352xf32, #tpu.memory_space<vmem_shared>>
      %dma_start3A_34 = tpu.memref_slice %dma_start3A_33[%mul3A_2] : memref<100352xf32, #tpu.memory_space<vmem_shared>> -> memref<6272xf32, #tpu.memory_space<vmem_shared>>
      tpu.enqueue_dma source(%arg12 : memref<6272xf32, #tpu.memory_space<vmem>>) target(%dma_start3A_34 : memref<6272xf32, #tpu.memory_space<vmem_shared>>) target_semaphore(%run_scoped3A_27 : memref<!tpu.dma_semaphore, #tpu.memory_space<semaphore_mem>>)
      %dma_wait3A = arith.constant 0 : i32
      %dma_wait3A_35 = tpu.memref_slice %arg13[%run_scoped3A_10, %dma_wait3A] : memref<3x100352xf32, #tpu.memory_space<vmem_shared>> -> memref<1x100352xf32, #tpu.memory_space<vmem_shared>>
      %dma_wait3A_36 = tpu.memref_squeeze %dma_wait3A_35 : memref<1x100352xf32, #tpu.memory_space<vmem_shared>> -> memref<100352xf32, #tpu.memory_space<vmem_shared>>
      %dma_wait3A_37 = tpu.memref_slice %dma_wait3A_36[%mul3A_2] : memref<100352xf32, #tpu.memory_space<vmem_shared>> -> memref<6272xf32, #tpu.memory_space<vmem_shared>>
      %dma_wait3A_38 = arith.constant 0 : i32
      %dma_wait3A_39 = tpu.memref_slice %arg13[%run_scoped3A_10, %dma_wait3A_38] : memref<3x100352xf32, #tpu.memory_space<vmem_shared>> -> memref<1x100352xf32, #tpu.memory_space<vmem_shared>>
      %dma_wait3A_40 = tpu.memref_squeeze %dma_wait3A_39 : memref<1x100352xf32, #tpu.memory_space<vmem_shared>> -> memref<100352xf32, #tpu.memory_space<vmem_shared>>
      %dma_wait3A_41 = tpu.memref_slice %dma_wait3A_40[%mul3A_2] : memref<100352xf32, #tpu.memory_space<vmem_shared>> -> memref<6272xf32, #tpu.memory_space<vmem_shared>>
      tpu.wait_dma2 semaphore(%run_scoped3A_27 : memref<!tpu.dma_semaphore, #tpu.memory_space<semaphore_mem>>) src(%arg12 : memref<6272xf32, #tpu.memory_space<vmem>>) dst(%dma_wait3A_41 : memref<6272xf32, #tpu.memory_space<vmem_shared>>)
      tpu.yield
    }) : () -> ()
    %run_scoped3A_11 = arith.constant 2 : i32
    "tpu.region"() ({
      %run_scoped3A_27 = tpu.sem_alloc : memref<!tpu.dma_semaphore, #tpu.memory_space<semaphore_mem>>
      %dma_start3A = arith.constant 0 : i32
      %dma_start3A_28 = tpu.memref_slice %arg4[%run_scoped3A_11, %dma_start3A] : memref<3x100352xf32, #tpu.memory_space<hbm>> -> memref<1x100352xf32, #tpu.memory_space<hbm>>
      %dma_start3A_29 = tpu.memref_squeeze %dma_start3A_28 : memref<1x100352xf32, #tpu.memory_space<hbm>> -> memref<100352xf32, #tpu.memory_space<hbm>>
      %dma_start3A_30 = tpu.memref_slice %dma_start3A_29[%mul3A_2] : memref<100352xf32, #tpu.memory_space<hbm>> -> memref<6272xf32, #tpu.memory_space<hbm>>
      %dma_start3A_31 = arith.constant 0 : i32
      %dma_start3A_32 = tpu.memref_slice %arg4[%run_scoped3A_11, %dma_start3A_31] : memref<3x100352xf32, #tpu.memory_space<hbm>> -> memref<1x100352xf32, #tpu.memory_space<hbm>>
      %dma_start3A_33 = tpu.memref_squeeze %dma_start3A_32 : memref<1x100352xf32, #tpu.memory_space<hbm>> -> memref<100352xf32, #tpu.memory_space<hbm>>
      %dma_start3A_34 = tpu.memref_slice %dma_start3A_33[%mul3A_2] : memref<100352xf32, #tpu.memory_space<hbm>> -> memref<6272xf32, #tpu.memory_space<hbm>>
      tpu.enqueue_dma source(%dma_start3A_34 : memref<6272xf32, #tpu.memory_space<hbm>>) target(%arg12 : memref<6272xf32, #tpu.memory_space<vmem>>) target_semaphore(%run_scoped3A_27 : memref<!tpu.dma_semaphore, #tpu.memory_space<semaphore_mem>>)
      %dma_wait3A = arith.constant 0 : i32
      %dma_wait3A_35 = tpu.memref_slice %arg4[%run_scoped3A_11, %dma_wait3A] : memref<3x100352xf32, #tpu.memory_space<hbm>> -> memref<1x100352xf32, #tpu.memory_space<hbm>>
      %dma_wait3A_36 = tpu.memref_squeeze %dma_wait3A_35 : memref<1x100352xf32, #tpu.memory_space<hbm>> -> memref<100352xf32, #tpu.memory_space<hbm>>
      %dma_wait3A_37 = tpu.memref_slice %dma_wait3A_36[%mul3A_2] : memref<100352xf32, #tpu.memory_space<hbm>> -> memref<6272xf32, #tpu.memory_space<hbm>>
      %dma_wait3A_38 = arith.constant 0 : i32
      %dma_wait3A_39 = tpu.memref_slice %arg4[%run_scoped3A_11, %dma_wait3A_38] : memref<3x100352xf32, #tpu.memory_space<hbm>> -> memref<1x100352xf32, #tpu.memory_space<hbm>>
      %dma_wait3A_40 = tpu.memref_squeeze %dma_wait3A_39 : memref<1x100352xf32, #tpu.memory_space<hbm>> -> memref<100352xf32, #tpu.memory_space<hbm>>
      %dma_wait3A_41 = tpu.memref_slice %dma_wait3A_40[%mul3A_2] : memref<100352xf32, #tpu.memory_space<hbm>> -> memref<6272xf32, #tpu.memory_space<hbm>>
      tpu.wait_dma2 semaphore(%run_scoped3A_27 : memref<!tpu.dma_semaphore, #tpu.memory_space<semaphore_mem>>) src(%dma_wait3A_41 : memref<6272xf32, #tpu.memory_space<hbm>>) dst(%arg12 : memref<6272xf32, #tpu.memory_space<vmem>>)
      tpu.yield
    }) : () -> ()
    %run_scoped3A_12 = arith.constant 2 : i32
    "tpu.region"() ({
      %run_scoped3A_27 = tpu.sem_alloc : memref<!tpu.dma_semaphore, #tpu.memory_space<semaphore_mem>>
      %dma_start3A = arith.constant 0 : i32
      %dma_start3A_28 = tpu.memref_slice %arg13[%run_scoped3A_12, %dma_start3A] : memref<3x100352xf32, #tpu.memory_space<vmem_shared>> -> memref<1x100352xf32, #tpu.memory_space<vmem_shared>>
      %dma_start3A_29 = tpu.memref_squeeze %dma_start3A_28 : memref<1x100352xf32, #tpu.memory_space<vmem_shared>> -> memref<100352xf32, #tpu.memory_space<vmem_shared>>
      %dma_start3A_30 = tpu.memref_slice %dma_start3A_29[%mul3A_2] : memref<100352xf32, #tpu.memory_space<vmem_shared>> -> memref<6272xf32, #tpu.memory_space<vmem_shared>>
      %dma_start3A_31 = arith.constant 0 : i32
      %dma_start3A_32 = tpu.memref_slice %arg13[%run_scoped3A_12, %dma_start3A_31] : memref<3x100352xf32, #tpu.memory_space<vmem_shared>> -> memref<1x100352xf32, #tpu.memory_space<vmem_shared>>
      %dma_start3A_33 = tpu.memref_squeeze %dma_start3A_32 : memref<1x100352xf32, #tpu.memory_space<vmem_shared>> -> memref<100352xf32, #tpu.memory_space<vmem_shared>>
      %dma_start3A_34 = tpu.memref_slice %dma_start3A_33[%mul3A_2] : memref<100352xf32, #tpu.memory_space<vmem_shared>> -> memref<6272xf32, #tpu.memory_space<vmem_shared>>
      tpu.enqueue_dma source(%arg12 : memref<6272xf32, #tpu.memory_space<vmem>>) target(%dma_start3A_34 : memref<6272xf32, #tpu.memory_space<vmem_shared>>) target_semaphore(%run_scoped3A_27 : memref<!tpu.dma_semaphore, #tpu.memory_space<semaphore_mem>>)
      %dma_wait3A = arith.constant 0 : i32
      %dma_wait3A_35 = tpu.memref_slice %arg13[%run_scoped3A_12, %dma_wait3A] : memref<3x100352xf32, #tpu.memory_space<vmem_shared>> -> memref<1x100352xf32, #tpu.memory_space<vmem_shared>>
      %dma_wait3A_36 = tpu.memref_squeeze %dma_wait3A_35 : memref<1x100352xf32, #tpu.memory_space<vmem_shared>> -> memref<100352xf32, #tpu.memory_space<vmem_shared>>
      %dma_wait3A_37 = tpu.memref_slice %dma_wait3A_36[%mul3A_2] : memref<100352xf32, #tpu.memory_space<vmem_shared>> -> memref<6272xf32, #tpu.memory_space<vmem_shared>>
      %dma_wait3A_38 = arith.constant 0 : i32
      %dma_wait3A_39 = tpu.memref_slice %arg13[%run_scoped3A_12, %dma_wait3A_38] : memref<3x100352xf32, #tpu.memory_space<vmem_shared>> -> memref<1x100352xf32, #tpu.memory_space<vmem_shared>>
      %dma_wait3A_40 = tpu.memref_squeeze %dma_wait3A_39 : memref<1x100352xf32, #tpu.memory_space<vmem_shared>> -> memref<100352xf32, #tpu.memory_space<vmem_shared>>
      %dma_wait3A_41 = tpu.memref_slice %dma_wait3A_40[%mul3A_2] : memref<100352xf32, #tpu.memory_space<vmem_shared>> -> memref<6272xf32, #tpu.memory_space<vmem_shared>>
      tpu.wait_dma2 semaphore(%run_scoped3A_27 : memref<!tpu.dma_semaphore, #tpu.memory_space<semaphore_mem>>) src(%arg12 : memref<6272xf32, #tpu.memory_space<vmem>>) dst(%dma_wait3A_41 : memref<6272xf32, #tpu.memory_space<vmem_shared>>)
      tpu.yield
    }) : () -> ()
    %barrier3A = arith.constant 0 : index
    tpu.barrier barrier_id(%barrier3A)
    %scan3A_13 = arith.constant 0 : i32
    %scan3A_14 = arith.constant 49 : i32
    %scan3A_15 = arith.addi %scan3A_13, %scan3A_14 : i32
    %scan3A_16 = arith.constant 1 : i32
    scf.for %scan3A_27 = %scan3A_13 to %scan3A_15 step %scan3A_16  : i32 {
      %mul3A_28 = arith.constant 1 : i32
      %mul3A_29 = arith.muli %scan3A_27, %mul3A_28 : i32
      %add3A_30 = arith.constant 0 : i32
      %add3A_31 = arith.addi %add3A_30, %mul3A_29 : i32
      %mul3A_32 = arith.constant 2 : i32
      %mul3A_33 = arith.muli %add3A_31, %mul3A_32 : i32
      %add3A_34 = arith.constant 0 : i32
      %add3A_35 = arith.addi %mul3A_33, %add3A_34 : i32
      %ge3A = arith.constant 1 : i32
      %ge3A_36 = arith.cmpi sge, %add3A_35, %ge3A : i32
      %sub3A = arith.constant 1 : i32
      %sub3A_37 = arith.subi %add3A_35, %sub3A : i32
      %mul3A_38 = arith.constant 32 : i32
      %mul3A_39 = arith.muli %sub3A_37, %mul3A_38 : i32
      %add3A_40 = arith.addi %add3A, %mul3A_39 : i32
      %lt3A_41 = arith.constant 3125 : i32
      %lt3A_42 = arith.cmpi slt, %add3A_40, %lt3A_41 : i32
      %and3A = arith.andi %ge3A_36, %lt3A_42 : i1
      %convert_element_type3A_43 = arith.extui %and3A : i1 to i32
      %cond3A_44 = arith.constant 0 : i32
      %cond3A_45 = arith.cmpi ne, %convert_element_type3A_43, %cond3A_44 : i32
      scf.if %cond3A_45 {
        %dma_wait3A = arith.constant 0 : i32
        %dma_wait3A_79 = arith.constant 0 : i32
        %dma_wait3A_80 = arith.constant 0 : i32
        %dma_wait3A_81 = arith.constant 0 : i32
        %dma_wait3A_82 = tpu.memref_slice %arg11[%dma_wait3A_80, %dma_wait3A_81] : memref<3x2048xf32, #tpu.memory_space<vmem>> -> memref<1x2048xf32, #tpu.memory_space<vmem>>
        %dma_wait3A_83 = tpu.memref_squeeze %dma_wait3A_82 : memref<1x2048xf32, #tpu.memory_space<vmem>> -> memref<2048xf32, #tpu.memory_space<vmem>>
        %dma_wait3A_84 = arith.constant 0 : i32
        %dma_wait3A_85 = tpu.memref_slice %arg7[%dma_wait3A_79, %dma_wait3A_84] : memref<1x2048xi32, #tpu.memory_space<vmem>> -> memref<1x2048xi32, #tpu.memory_space<vmem>>
        %dma_wait3A_86 = tpu.memref_squeeze %dma_wait3A_85 : memref<1x2048xi32, #tpu.memory_space<vmem>> -> memref<2048xi32, #tpu.memory_space<vmem>>
        %dma_wait3A_87 = arith.constant 0 : i32
        %dma_wait3A_88 = tpu.memref_slice %arg4[%dma_wait3A, %dma_wait3A_87] : memref<3x100352xf32, #tpu.memory_space<hbm>> -> memref<1x100352xf32, #tpu.memory_space<hbm>>
        %dma_wait3A_89 = tpu.memref_squeeze %dma_wait3A_88 : memref<1x100352xf32, #tpu.memory_space<hbm>> -> memref<100352xf32, #tpu.memory_space<hbm>>
        %dma_wait3A_90 = arith.constant 0 : i32
        %dma_wait3A_91 = tpu.memref_slice %dma_wait3A_89[%dma_wait3A_90] : memref<100352xf32, #tpu.memory_space<hbm>> -> memref<100352xf32, #tpu.memory_space<hbm>>
        tpu.wait_indirect_dma semaphore(%arg16 : memref<!tpu.dma_semaphore, #tpu.memory_space<semaphore_mem>>) src(%dma_wait3A_91 : memref<100352xf32, #tpu.memory_space<hbm>>) dst(%dma_wait3A_83 : memref<2048xf32, #tpu.memory_space<vmem>>)
        %run_scoped3A_92 = arith.constant 1 : i32
        %run_scoped3A_93 = arith.constant 0 : i32
        %run_scoped3A_94 = arith.constant 1 : i32
        "tpu.region"() ({
          %run_scoped3A_107 = tpu.sem_alloc : memref<!tpu.dma_semaphore, #tpu.memory_space<semaphore_mem>>
          %dma_start3A = arith.constant 0 : i32
          %dma_start3A_108 = tpu.memref_slice %arg11[%run_scoped3A_94, %dma_start3A] : memref<3x2048xf32, #tpu.memory_space<vmem>> -> memref<1x2048xf32, #tpu.memory_space<vmem>>
          %dma_start3A_109 = tpu.memref_squeeze %dma_start3A_108 : memref<1x2048xf32, #tpu.memory_space<vmem>> -> memref<2048xf32, #tpu.memory_space<vmem>>
          %dma_start3A_110 = arith.constant 0 : i32
          %dma_start3A_111 = tpu.memref_slice %arg7[%run_scoped3A_93, %dma_start3A_110] : memref<1x2048xi32, #tpu.memory_space<vmem>> -> memref<1x2048xi32, #tpu.memory_space<vmem>>
          %dma_start3A_112 = tpu.memref_squeeze %dma_start3A_111 : memref<1x2048xi32, #tpu.memory_space<vmem>> -> memref<2048xi32, #tpu.memory_space<vmem>>
          %dma_start3A_113 = arith.constant 0 : i32
          %dma_start3A_114 = tpu.memref_slice %arg13[%run_scoped3A_92, %dma_start3A_113] : memref<3x100352xf32, #tpu.memory_space<vmem_shared>> -> memref<1x100352xf32, #tpu.memory_space<vmem_shared>>
          %dma_start3A_115 = tpu.memref_squeeze %dma_start3A_114 : memref<1x100352xf32, #tpu.memory_space<vmem_shared>> -> memref<100352xf32, #tpu.memory_space<vmem_shared>>
          %dma_start3A_116 = arith.constant 0 : i32
          %dma_start3A_117 = tpu.memref_slice %dma_start3A_115[%dma_start3A_116] : memref<100352xf32, #tpu.memory_space<vmem_shared>> -> memref<100352xf32, #tpu.memory_space<vmem_shared>>
          tpu.enqueue_indirect_dma source(%dma_start3A_117 : memref<100352xf32, #tpu.memory_space<vmem_shared>>) target(%dma_start3A_109 : memref<2048xf32, #tpu.memory_space<vmem>>) offsets(%dma_start3A_112 : memref<2048xi32, #tpu.memory_space<vmem>>) semaphore(%run_scoped3A_107 : memref<!tpu.dma_semaphore, #tpu.memory_space<semaphore_mem>>)
          %dma_wait3A_118 = arith.constant 0 : i32
          %dma_wait3A_119 = tpu.memref_slice %arg11[%run_scoped3A_94, %dma_wait3A_118] : memref<3x2048xf32, #tpu.memory_space<vmem>> -> memref<1x2048xf32, #tpu.memory_space<vmem>>
          %dma_wait3A_120 = tpu.memref_squeeze %dma_wait3A_119 : memref<1x2048xf32, #tpu.memory_space<vmem>> -> memref<2048xf32, #tpu.memory_space<vmem>>
          %dma_wait3A_121 = arith.constant 0 : i32
          %dma_wait3A_122 = tpu.memref_slice %arg7[%run_scoped3A_93, %dma_wait3A_121] : memref<1x2048xi32, #tpu.memory_space<vmem>> -> memref<1x2048xi32, #tpu.memory_space<vmem>>
          %dma_wait3A_123 = tpu.memref_squeeze %dma_wait3A_122 : memref<1x2048xi32, #tpu.memory_space<vmem>> -> memref<2048xi32, #tpu.memory_space<vmem>>
          %dma_wait3A_124 = arith.constant 0 : i32
          %dma_wait3A_125 = tpu.memref_slice %arg13[%run_scoped3A_92, %dma_wait3A_124] : memref<3x100352xf32, #tpu.memory_space<vmem_shared>> -> memref<1x100352xf32, #tpu.memory_space<vmem_shared>>
          %dma_wait3A_126 = tpu.memref_squeeze %dma_wait3A_125 : memref<1x100352xf32, #tpu.memory_space<vmem_shared>> -> memref<100352xf32, #tpu.memory_space<vmem_shared>>
          %dma_wait3A_127 = arith.constant 0 : i32
          %dma_wait3A_128 = tpu.memref_slice %dma_wait3A_126[%dma_wait3A_127] : memref<100352xf32, #tpu.memory_space<vmem_shared>> -> memref<100352xf32, #tpu.memory_space<vmem_shared>>
          tpu.wait_indirect_dma semaphore(%run_scoped3A_107 : memref<!tpu.dma_semaphore, #tpu.memory_space<semaphore_mem>>) src(%dma_wait3A_128 : memref<100352xf32, #tpu.memory_space<vmem_shared>>) dst(%dma_wait3A_120 : memref<2048xf32, #tpu.memory_space<vmem>>)
          tpu.yield
        }) : () -> ()
        %run_scoped3A_95 = arith.constant 2 : i32
        %run_scoped3A_96 = arith.constant 0 : i32
        %run_scoped3A_97 = arith.constant 2 : i32
        "tpu.region"() ({
          %run_scoped3A_107 = tpu.sem_alloc : memref<!tpu.dma_semaphore, #tpu.memory_space<semaphore_mem>>
          %dma_start3A = arith.constant 0 : i32
          %dma_start3A_108 = tpu.memref_slice %arg11[%run_scoped3A_97, %dma_start3A] : memref<3x2048xf32, #tpu.memory_space<vmem>> -> memref<1x2048xf32, #tpu.memory_space<vmem>>
          %dma_start3A_109 = tpu.memref_squeeze %dma_start3A_108 : memref<1x2048xf32, #tpu.memory_space<vmem>> -> memref<2048xf32, #tpu.memory_space<vmem>>
          %dma_start3A_110 = arith.constant 0 : i32
          %dma_start3A_111 = tpu.memref_slice %arg7[%run_scoped3A_96, %dma_start3A_110] : memref<1x2048xi32, #tpu.memory_space<vmem>> -> memref<1x2048xi32, #tpu.memory_space<vmem>>
          %dma_start3A_112 = tpu.memref_squeeze %dma_start3A_111 : memref<1x2048xi32, #tpu.memory_space<vmem>> -> memref<2048xi32, #tpu.memory_space<vmem>>
          %dma_start3A_113 = arith.constant 0 : i32
          %dma_start3A_114 = tpu.memref_slice %arg13[%run_scoped3A_95, %dma_start3A_113] : memref<3x100352xf32, #tpu.memory_space<vmem_shared>> -> memref<1x100352xf32, #tpu.memory_space<vmem_shared>>
          %dma_start3A_115 = tpu.memref_squeeze %dma_start3A_114 : memref<1x100352xf32, #tpu.memory_space<vmem_shared>> -> memref<100352xf32, #tpu.memory_space<vmem_shared>>
          %dma_start3A_116 = arith.constant 0 : i32
          %dma_start3A_117 = tpu.memref_slice %dma_start3A_115[%dma_start3A_116] : memref<100352xf32, #tpu.memory_space<vmem_shared>> -> memref<100352xf32, #tpu.memory_space<vmem_shared>>
          tpu.enqueue_indirect_dma source(%dma_start3A_117 : memref<100352xf32, #tpu.memory_space<vmem_shared>>) target(%dma_start3A_109 : memref<2048xf32, #tpu.memory_space<vmem>>) offsets(%dma_start3A_112 : memref<2048xi32, #tpu.memory_space<vmem>>) semaphore(%run_scoped3A_107 : memref<!tpu.dma_semaphore, #tpu.memory_space<semaphore_mem>>)
          %dma_wait3A_118 = arith.constant 0 : i32
          %dma_wait3A_119 = tpu.memref_slice %arg11[%run_scoped3A_97, %dma_wait3A_118] : memref<3x2048xf32, #tpu.memory_space<vmem>> -> memref<1x2048xf32, #tpu.memory_space<vmem>>
          %dma_wait3A_120 = tpu.memref_squeeze %dma_wait3A_119 : memref<1x2048xf32, #tpu.memory_space<vmem>> -> memref<2048xf32, #tpu.memory_space<vmem>>
          %dma_wait3A_121 = arith.constant 0 : i32
          %dma_wait3A_122 = tpu.memref_slice %arg7[%run_scoped3A_96, %dma_wait3A_121] : memref<1x2048xi32, #tpu.memory_space<vmem>> -> memref<1x2048xi32, #tpu.memory_space<vmem>>
          %dma_wait3A_123 = tpu.memref_squeeze %dma_wait3A_122 : memref<1x2048xi32, #tpu.memory_space<vmem>> -> memref<2048xi32, #tpu.memory_space<vmem>>
          %dma_wait3A_124 = arith.constant 0 : i32
          %dma_wait3A_125 = tpu.memref_slice %arg13[%run_scoped3A_95, %dma_wait3A_124] : memref<3x100352xf32, #tpu.memory_space<vmem_shared>> -> memref<1x100352xf32, #tpu.memory_space<vmem_shared>>
          %dma_wait3A_126 = tpu.memref_squeeze %dma_wait3A_125 : memref<1x100352xf32, #tpu.memory_space<vmem_shared>> -> memref<100352xf32, #tpu.memory_space<vmem_shared>>
          %dma_wait3A_127 = arith.constant 0 : i32
          %dma_wait3A_128 = tpu.memref_slice %dma_wait3A_126[%dma_wait3A_127] : memref<100352xf32, #tpu.memory_space<vmem_shared>> -> memref<100352xf32, #tpu.memory_space<vmem_shared>>
          tpu.wait_indirect_dma semaphore(%run_scoped3A_107 : memref<!tpu.dma_semaphore, #tpu.memory_space<semaphore_mem>>) src(%dma_wait3A_128 : memref<100352xf32, #tpu.memory_space<vmem_shared>>) dst(%dma_wait3A_120 : memref<2048xf32, #tpu.memory_space<vmem>>)
          tpu.yield
        }) : () -> ()
        %run_scoped3A_98 = arith.constant 0 : i32
        %run_scoped3A_99 = arith.constant 0 : i32
        %run_scoped3A_100 = arith.constant 0 : i32
        "tpu.region"() ({
          %run_scoped3A_107 = tpu.sem_alloc : memref<!tpu.dma_semaphore, #tpu.memory_space<semaphore_mem>>
          %dma_start3A = arith.constant 0 : i32
          %dma_start3A_108 = tpu.memref_slice %arg11[%run_scoped3A_98, %dma_start3A] : memref<3x2048xf32, #tpu.memory_space<vmem>> -> memref<1x2048xf32, #tpu.memory_space<vmem>>
          %dma_start3A_109 = tpu.memref_squeeze %dma_start3A_108 : memref<1x2048xf32, #tpu.memory_space<vmem>> -> memref<2048xf32, #tpu.memory_space<vmem>>
          %dma_start3A_110 = arith.constant 0 : i32
          %dma_start3A_111 = tpu.memref_slice %arg9[%run_scoped3A_100, %dma_start3A_110] : memref<1x2048xi32, #tpu.memory_space<vmem>> -> memref<1x2048xi32, #tpu.memory_space<vmem>>
          %dma_start3A_112 = tpu.memref_squeeze %dma_start3A_111 : memref<1x2048xi32, #tpu.memory_space<vmem>> -> memref<2048xi32, #tpu.memory_space<vmem>>
          %dma_start3A_113 = arith.constant 0 : i32
          %dma_start3A_114 = tpu.memref_slice %arg14[%run_scoped3A_99, %dma_start3A_113] : memref<3x100352xf32, #tpu.memory_space<vmem_shared>> -> memref<1x100352xf32, #tpu.memory_space<vmem_shared>>
          %dma_start3A_115 = tpu.memref_squeeze %dma_start3A_114 : memref<1x100352xf32, #tpu.memory_space<vmem_shared>> -> memref<100352xf32, #tpu.memory_space<vmem_shared>>
          %dma_start3A_116 = arith.constant 0 : i32
          %dma_start3A_117 = tpu.memref_slice %dma_start3A_115[%dma_start3A_116] : memref<100352xf32, #tpu.memory_space<vmem_shared>> -> memref<100352xf32, #tpu.memory_space<vmem_shared>>
          tpu.enqueue_indirect_dma source(%dma_start3A_109 : memref<2048xf32, #tpu.memory_space<vmem>>) target(%dma_start3A_117 : memref<100352xf32, #tpu.memory_space<vmem_shared>>) offsets(%dma_start3A_112 : memref<2048xi32, #tpu.memory_space<vmem>>) semaphore(%run_scoped3A_107 : memref<!tpu.dma_semaphore, #tpu.memory_space<semaphore_mem>>) {add = true}
          %dma_wait3A_118 = arith.constant 0 : i32
          %dma_wait3A_119 = tpu.memref_slice %arg11[%run_scoped3A_98, %dma_wait3A_118] : memref<3x2048xf32, #tpu.memory_space<vmem>> -> memref<1x2048xf32, #tpu.memory_space<vmem>>
          %dma_wait3A_120 = tpu.memref_squeeze %dma_wait3A_119 : memref<1x2048xf32, #tpu.memory_space<vmem>> -> memref<2048xf32, #tpu.memory_space<vmem>>
          %dma_wait3A_121 = arith.constant 0 : i32
          %dma_wait3A_122 = tpu.memref_slice %arg9[%run_scoped3A_100, %dma_wait3A_121] : memref<1x2048xi32, #tpu.memory_space<vmem>> -> memref<1x2048xi32, #tpu.memory_space<vmem>>
          %dma_wait3A_123 = tpu.memref_squeeze %dma_wait3A_122 : memref<1x2048xi32, #tpu.memory_space<vmem>> -> memref<2048xi32, #tpu.memory_space<vmem>>
          %dma_wait3A_124 = arith.constant 0 : i32
          %dma_wait3A_125 = tpu.memref_slice %arg14[%run_scoped3A_99, %dma_wait3A_124] : memref<3x100352xf32, #tpu.memory_space<vmem_shared>> -> memref<1x100352xf32, #tpu.memory_space<vmem_shared>>
          %dma_wait3A_126 = tpu.memref_squeeze %dma_wait3A_125 : memref<1x100352xf32, #tpu.memory_space<vmem_shared>> -> memref<100352xf32, #tpu.memory_space<vmem_shared>>
          %dma_wait3A_127 = arith.constant 0 : i32
          %dma_wait3A_128 = tpu.memref_slice %dma_wait3A_126[%dma_wait3A_127] : memref<100352xf32, #tpu.memory_space<vmem_shared>> -> memref<100352xf32, #tpu.memory_space<vmem_shared>>
          tpu.wait_indirect_dma semaphore(%run_scoped3A_107 : memref<!tpu.dma_semaphore, #tpu.memory_space<semaphore_mem>>) src(%dma_wait3A_120 : memref<2048xf32, #tpu.memory_space<vmem>>) dst(%dma_wait3A_128 : memref<100352xf32, #tpu.memory_space<vmem_shared>>)
          tpu.yield
        }) : () -> ()
        %run_scoped3A_101 = arith.constant 1 : i32
        %run_scoped3A_102 = arith.constant 1 : i32
        %run_scoped3A_103 = arith.constant 0 : i32
        "tpu.region"() ({
          %run_scoped3A_107 = tpu.sem_alloc : memref<!tpu.dma_semaphore, #tpu.memory_space<semaphore_mem>>
          %dma_start3A = arith.constant 0 : i32
          %dma_start3A_108 = tpu.memref_slice %arg11[%run_scoped3A_101, %dma_start3A] : memref<3x2048xf32, #tpu.memory_space<vmem>> -> memref<1x2048xf32, #tpu.memory_space<vmem>>
          %dma_start3A_109 = tpu.memref_squeeze %dma_start3A_108 : memref<1x2048xf32, #tpu.memory_space<vmem>> -> memref<2048xf32, #tpu.memory_space<vmem>>
          %dma_start3A_110 = arith.constant 0 : i32
          %dma_start3A_111 = tpu.memref_slice %arg9[%run_scoped3A_103, %dma_start3A_110] : memref<1x2048xi32, #tpu.memory_space<vmem>> -> memref<1x2048xi32, #tpu.memory_space<vmem>>
          %dma_start3A_112 = tpu.memref_squeeze %dma_start3A_111 : memref<1x2048xi32, #tpu.memory_space<vmem>> -> memref<2048xi32, #tpu.memory_space<vmem>>
          %dma_start3A_113 = arith.constant 0 : i32
          %dma_start3A_114 = tpu.memref_slice %arg14[%run_scoped3A_102, %dma_start3A_113] : memref<3x100352xf32, #tpu.memory_space<vmem_shared>> -> memref<1x100352xf32, #tpu.memory_space<vmem_shared>>
          %dma_start3A_115 = tpu.memref_squeeze %dma_start3A_114 : memref<1x100352xf32, #tpu.memory_space<vmem_shared>> -> memref<100352xf32, #tpu.memory_space<vmem_shared>>
          %dma_start3A_116 = arith.constant 0 : i32
          %dma_start3A_117 = tpu.memref_slice %dma_start3A_115[%dma_start3A_116] : memref<100352xf32, #tpu.memory_space<vmem_shared>> -> memref<100352xf32, #tpu.memory_space<vmem_shared>>
          tpu.enqueue_indirect_dma source(%dma_start3A_109 : memref<2048xf32, #tpu.memory_space<vmem>>) target(%dma_start3A_117 : memref<100352xf32, #tpu.memory_space<vmem_shared>>) offsets(%dma_start3A_112 : memref<2048xi32, #tpu.memory_space<vmem>>) semaphore(%run_scoped3A_107 : memref<!tpu.dma_semaphore, #tpu.memory_space<semaphore_mem>>) {add = true}
          %dma_wait3A_118 = arith.constant 0 : i32
          %dma_wait3A_119 = tpu.memref_slice %arg11[%run_scoped3A_101, %dma_wait3A_118] : memref<3x2048xf32, #tpu.memory_space<vmem>> -> memref<1x2048xf32, #tpu.memory_space<vmem>>
          %dma_wait3A_120 = tpu.memref_squeeze %dma_wait3A_119 : memref<1x2048xf32, #tpu.memory_space<vmem>> -> memref<2048xf32, #tpu.memory_space<vmem>>
          %dma_wait3A_121 = arith.constant 0 : i32
          %dma_wait3A_122 = tpu.memref_slice %arg9[%run_scoped3A_103, %dma_wait3A_121] : memref<1x2048xi32, #tpu.memory_space<vmem>> -> memref<1x2048xi32, #tpu.memory_space<vmem>>
          %dma_wait3A_123 = tpu.memref_squeeze %dma_wait3A_122 : memref<1x2048xi32, #tpu.memory_space<vmem>> -> memref<2048xi32, #tpu.memory_space<vmem>>
          %dma_wait3A_124 = arith.constant 0 : i32
          %dma_wait3A_125 = tpu.memref_slice %arg14[%run_scoped3A_102, %dma_wait3A_124] : memref<3x100352xf32, #tpu.memory_space<vmem_shared>> -> memref<1x100352xf32, #tpu.memory_space<vmem_shared>>
          %dma_wait3A_126 = tpu.memref_squeeze %dma_wait3A_125 : memref<1x100352xf32, #tpu.memory_space<vmem_shared>> -> memref<100352xf32, #tpu.memory_space<vmem_shared>>
          %dma_wait3A_127 = arith.constant 0 : i32
          %dma_wait3A_128 = tpu.memref_slice %dma_wait3A_126[%dma_wait3A_127] : memref<100352xf32, #tpu.memory_space<vmem_shared>> -> memref<100352xf32, #tpu.memory_space<vmem_shared>>
          tpu.wait_indirect_dma semaphore(%run_scoped3A_107 : memref<!tpu.dma_semaphore, #tpu.memory_space<semaphore_mem>>) src(%dma_wait3A_120 : memref<2048xf32, #tpu.memory_space<vmem>>) dst(%dma_wait3A_128 : memref<100352xf32, #tpu.memory_space<vmem_shared>>)
          tpu.yield
        }) : () -> ()
        %run_scoped3A_104 = arith.constant 2 : i32
        %run_scoped3A_105 = arith.constant 2 : i32
        %run_scoped3A_106 = arith.constant 0 : i32
        "tpu.region"() ({
          %run_scoped3A_107 = tpu.sem_alloc : memref<!tpu.dma_semaphore, #tpu.memory_space<semaphore_mem>>
          %dma_start3A = arith.constant 0 : i32
          %dma_start3A_108 = tpu.memref_slice %arg11[%run_scoped3A_104, %dma_start3A] : memref<3x2048xf32, #tpu.memory_space<vmem>> -> memref<1x2048xf32, #tpu.memory_space<vmem>>
          %dma_start3A_109 = tpu.memref_squeeze %dma_start3A_108 : memref<1x2048xf32, #tpu.memory_space<vmem>> -> memref<2048xf32, #tpu.memory_space<vmem>>
          %dma_start3A_110 = arith.constant 0 : i32
          %dma_start3A_111 = tpu.memref_slice %arg9[%run_scoped3A_106, %dma_start3A_110] : memref<1x2048xi32, #tpu.memory_space<vmem>> -> memref<1x2048xi32, #tpu.memory_space<vmem>>
          %dma_start3A_112 = tpu.memref_squeeze %dma_start3A_111 : memref<1x2048xi32, #tpu.memory_space<vmem>> -> memref<2048xi32, #tpu.memory_space<vmem>>
          %dma_start3A_113 = arith.constant 0 : i32
          %dma_start3A_114 = tpu.memref_slice %arg14[%run_scoped3A_105, %dma_start3A_113] : memref<3x100352xf32, #tpu.memory_space<vmem_shared>> -> memref<1x100352xf32, #tpu.memory_space<vmem_shared>>
          %dma_start3A_115 = tpu.memref_squeeze %dma_start3A_114 : memref<1x100352xf32, #tpu.memory_space<vmem_shared>> -> memref<100352xf32, #tpu.memory_space<vmem_shared>>
          %dma_start3A_116 = arith.constant 0 : i32
          %dma_start3A_117 = tpu.memref_slice %dma_start3A_115[%dma_start3A_116] : memref<100352xf32, #tpu.memory_space<vmem_shared>> -> memref<100352xf32, #tpu.memory_space<vmem_shared>>
          tpu.enqueue_indirect_dma source(%dma_start3A_109 : memref<2048xf32, #tpu.memory_space<vmem>>) target(%dma_start3A_117 : memref<100352xf32, #tpu.memory_space<vmem_shared>>) offsets(%dma_start3A_112 : memref<2048xi32, #tpu.memory_space<vmem>>) semaphore(%run_scoped3A_107 : memref<!tpu.dma_semaphore, #tpu.memory_space<semaphore_mem>>) {add = true}
          %dma_wait3A_118 = arith.constant 0 : i32
          %dma_wait3A_119 = tpu.memref_slice %arg11[%run_scoped3A_104, %dma_wait3A_118] : memref<3x2048xf32, #tpu.memory_space<vmem>> -> memref<1x2048xf32, #tpu.memory_space<vmem>>
          %dma_wait3A_120 = tpu.memref_squeeze %dma_wait3A_119 : memref<1x2048xf32, #tpu.memory_space<vmem>> -> memref<2048xf32, #tpu.memory_space<vmem>>
          %dma_wait3A_121 = arith.constant 0 : i32
          %dma_wait3A_122 = tpu.memref_slice %arg9[%run_scoped3A_106, %dma_wait3A_121] : memref<1x2048xi32, #tpu.memory_space<vmem>> -> memref<1x2048xi32, #tpu.memory_space<vmem>>
          %dma_wait3A_123 = tpu.memref_squeeze %dma_wait3A_122 : memref<1x2048xi32, #tpu.memory_space<vmem>> -> memref<2048xi32, #tpu.memory_space<vmem>>
          %dma_wait3A_124 = arith.constant 0 : i32
          %dma_wait3A_125 = tpu.memref_slice %arg14[%run_scoped3A_105, %dma_wait3A_124] : memref<3x100352xf32, #tpu.memory_space<vmem_shared>> -> memref<1x100352xf32, #tpu.memory_space<vmem_shared>>
          %dma_wait3A_126 = tpu.memref_squeeze %dma_wait3A_125 : memref<1x100352xf32, #tpu.memory_space<vmem_shared>> -> memref<100352xf32, #tpu.memory_space<vmem_shared>>
          %dma_wait3A_127 = arith.constant 0 : i32
          %dma_wait3A_128 = tpu.memref_slice %dma_wait3A_126[%dma_wait3A_127] : memref<100352xf32, #tpu.memory_space<vmem_shared>> -> memref<100352xf32, #tpu.memory_space<vmem_shared>>
          tpu.wait_indirect_dma semaphore(%run_scoped3A_107 : memref<!tpu.dma_semaphore, #tpu.memory_space<semaphore_mem>>) src(%dma_wait3A_120 : memref<2048xf32, #tpu.memory_space<vmem>>) dst(%dma_wait3A_128 : memref<100352xf32, #tpu.memory_space<vmem_shared>>)
          tpu.yield
        }) : () -> ()
      } else {
      }
      %mul3A_46 = arith.constant 32 : i32
      %mul3A_47 = arith.muli %add3A_35, %mul3A_46 : i32
      %add3A_48 = arith.addi %add3A, %mul3A_47 : i32
      %lt3A_49 = arith.constant 3125 : i32
      %lt3A_50 = arith.cmpi slt, %add3A_48, %lt3A_49 : i32
      %convert_element_type3A_51 = arith.extui %lt3A_50 : i1 to i32
      %cond3A_52 = arith.constant 0 : i32
      %cond3A_53 = arith.cmpi ne, %convert_element_type3A_51, %cond3A_52 : i32
      scf.if %cond3A_53 {
        "tpu.region"() ({
          %run_scoped3A_92 = tpu.sem_alloc : memref<!tpu.dma_semaphore, #tpu.memory_space<semaphore_mem>>
          %dma_start3A_93 = arith.constant 0 : i32
          %dma_start3A_94 = tpu.memref_slice %arg2[%add3A_48, %dma_start3A_93] : memref<3125x2048xi32, #tpu.memory_space<hbm>> -> memref<1x2048xi32, #tpu.memory_space<hbm>>
          %dma_start3A_95 = arith.constant 0 : i32
          %dma_start3A_96 = tpu.memref_slice %arg2[%add3A_48, %dma_start3A_95] : memref<3125x2048xi32, #tpu.memory_space<hbm>> -> memref<1x2048xi32, #tpu.memory_space<hbm>>
          tpu.enqueue_dma source(%dma_start3A_96 : memref<1x2048xi32, #tpu.memory_space<hbm>>) target(%arg6 : memref<1x2048xi32, #tpu.memory_space<vmem>>) target_semaphore(%run_scoped3A_92 : memref<!tpu.dma_semaphore, #tpu.memory_space<semaphore_mem>>)
          %dma_wait3A = arith.constant 0 : i32
          %dma_wait3A_97 = tpu.memref_slice %arg2[%add3A_48, %dma_wait3A] : memref<3125x2048xi32, #tpu.memory_space<hbm>> -> memref<1x2048xi32, #tpu.memory_space<hbm>>
          %dma_wait3A_98 = arith.constant 0 : i32
          %dma_wait3A_99 = tpu.memref_slice %arg2[%add3A_48, %dma_wait3A_98] : memref<3125x2048xi32, #tpu.memory_space<hbm>> -> memref<1x2048xi32, #tpu.memory_space<hbm>>
          tpu.wait_dma2 semaphore(%run_scoped3A_92 : memref<!tpu.dma_semaphore, #tpu.memory_space<semaphore_mem>>) src(%dma_wait3A_99 : memref<1x2048xi32, #tpu.memory_space<hbm>>) dst(%arg6 : memref<1x2048xi32, #tpu.memory_space<vmem>>)
          tpu.yield
        }) : () -> ()
        "tpu.region"() ({
          %run_scoped3A_92 = tpu.sem_alloc : memref<!tpu.dma_semaphore, #tpu.memory_space<semaphore_mem>>
          %dma_start3A_93 = arith.constant 0 : i32
          %dma_start3A_94 = tpu.memref_slice %arg3[%add3A_48, %dma_start3A_93] : memref<3125x2048xi32, #tpu.memory_space<hbm>> -> memref<1x2048xi32, #tpu.memory_space<hbm>>
          %dma_start3A_95 = arith.constant 0 : i32
          %dma_start3A_96 = tpu.memref_slice %arg3[%add3A_48, %dma_start3A_95] : memref<3125x2048xi32, #tpu.memory_space<hbm>> -> memref<1x2048xi32, #tpu.memory_space<hbm>>
          tpu.enqueue_dma source(%dma_start3A_96 : memref<1x2048xi32, #tpu.memory_space<hbm>>) target(%arg8 : memref<1x2048xi32, #tpu.memory_space<vmem>>) target_semaphore(%run_scoped3A_92 : memref<!tpu.dma_semaphore, #tpu.memory_space<semaphore_mem>>)
          %dma_wait3A = arith.constant 0 : i32
          %dma_wait3A_97 = tpu.memref_slice %arg3[%add3A_48, %dma_wait3A] : memref<3125x2048xi32, #tpu.memory_space<hbm>> -> memref<1x2048xi32, #tpu.memory_space<hbm>>
          %dma_wait3A_98 = arith.constant 0 : i32
          %dma_wait3A_99 = tpu.memref_slice %arg3[%add3A_48, %dma_wait3A_98] : memref<3125x2048xi32, #tpu.memory_space<hbm>> -> memref<1x2048xi32, #tpu.memory_space<hbm>>
          tpu.wait_dma2 semaphore(%run_scoped3A_92 : memref<!tpu.dma_semaphore, #tpu.memory_space<semaphore_mem>>) src(%dma_wait3A_99 : memref<1x2048xi32, #tpu.memory_space<hbm>>) dst(%arg8 : memref<1x2048xi32, #tpu.memory_space<vmem>>)
          tpu.yield
        }) : () -> ()
        %dma_start3A = arith.constant 0 : i32
        %dma_start3A_79 = arith.constant 0 : i32
        %dma_start3A_80 = arith.constant 0 : i32
        %dma_start3A_81 = arith.constant 0 : i32
        %dma_start3A_82 = tpu.memref_slice %arg10[%dma_start3A_80, %dma_start3A_81] : memref<3x2048xf32, #tpu.memory_space<vmem>> -> memref<1x2048xf32, #tpu.memory_space<vmem>>
        %dma_start3A_83 = tpu.memref_squeeze %dma_start3A_82 : memref<1x2048xf32, #tpu.memory_space<vmem>> -> memref<2048xf32, #tpu.memory_space<vmem>>
        %dma_start3A_84 = arith.constant 0 : i32
        %dma_start3A_85 = tpu.memref_slice %arg6[%dma_start3A_79, %dma_start3A_84] : memref<1x2048xi32, #tpu.memory_space<vmem>> -> memref<1x2048xi32, #tpu.memory_space<vmem>>
        %dma_start3A_86 = tpu.memref_squeeze %dma_start3A_85 : memref<1x2048xi32, #tpu.memory_space<vmem>> -> memref<2048xi32, #tpu.memory_space<vmem>>
        %dma_start3A_87 = arith.constant 0 : i32
        %dma_start3A_88 = tpu.memref_slice %arg4[%dma_start3A, %dma_start3A_87] : memref<3x100352xf32, #tpu.memory_space<hbm>> -> memref<1x100352xf32, #tpu.memory_space<hbm>>
        %dma_start3A_89 = tpu.memref_squeeze %dma_start3A_88 : memref<1x100352xf32, #tpu.memory_space<hbm>> -> memref<100352xf32, #tpu.memory_space<hbm>>
        %dma_start3A_90 = arith.constant 0 : i32
        %dma_start3A_91 = tpu.memref_slice %dma_start3A_89[%dma_start3A_90] : memref<100352xf32, #tpu.memory_space<hbm>> -> memref<100352xf32, #tpu.memory_space<hbm>>
        tpu.enqueue_indirect_dma source(%dma_start3A_91 : memref<100352xf32, #tpu.memory_space<hbm>>) target(%dma_start3A_83 : memref<2048xf32, #tpu.memory_space<vmem>>) offsets(%dma_start3A_86 : memref<2048xi32, #tpu.memory_space<vmem>>) semaphore(%arg15 : memref<!tpu.dma_semaphore, #tpu.memory_space<semaphore_mem>>)
      } else {
      }
      %mul3A_54 = arith.constant 2 : i32
      %mul3A_55 = arith.muli %add3A_31, %mul3A_54 : i32
      %add3A_56 = arith.constant 1 : i32
      %add3A_57 = arith.addi %mul3A_55, %add3A_56 : i32
      %ge3A_58 = arith.constant 1 : i32
      %ge3A_59 = arith.cmpi sge, %add3A_57, %ge3A_58 : i32
      %sub3A_60 = arith.constant 1 : i32
      %sub3A_61 = arith.subi %add3A_57, %sub3A_60 : i32
      %mul3A_62 = arith.constant 32 : i32
      %mul3A_63 = arith.muli %sub3A_61, %mul3A_62 : i32
      %add3A_64 = arith.addi %add3A, %mul3A_63 : i32
      %lt3A_65 = arith.constant 3125 : i32
      %lt3A_66 = arith.cmpi slt, %add3A_64, %lt3A_65 : i32
      %and3A_67 = arith.andi %ge3A_59, %lt3A_66 : i1
      %convert_element_type3A_68 = arith.extui %and3A_67 : i1 to i32
      %cond3A_69 = arith.constant 0 : i32
      %cond3A_70 = arith.cmpi ne, %convert_element_type3A_68, %cond3A_69 : i32
      scf.if %cond3A_70 {
        %dma_wait3A = arith.constant 0 : i32
        %dma_wait3A_79 = arith.constant 0 : i32
        %dma_wait3A_80 = arith.constant 0 : i32
        %dma_wait3A_81 = arith.constant 0 : i32
        %dma_wait3A_82 = tpu.memref_slice %arg10[%dma_wait3A_80, %dma_wait3A_81] : memref<3x2048xf32, #tpu.memory_space<vmem>> -> memref<1x2048xf32, #tpu.memory_space<vmem>>
        %dma_wait3A_83 = tpu.memref_squeeze %dma_wait3A_82 : memref<1x2048xf32, #tpu.memory_space<vmem>> -> memref<2048xf32, #tpu.memory_space<vmem>>
        %dma_wait3A_84 = arith.constant 0 : i32
        %dma_wait3A_85 = tpu.memref_slice %arg6[%dma_wait3A_79, %dma_wait3A_84] : memref<1x2048xi32, #tpu.memory_space<vmem>> -> memref<1x2048xi32, #tpu.memory_space<vmem>>
        %dma_wait3A_86 = tpu.memref_squeeze %dma_wait3A_85 : memref<1x2048xi32, #tpu.memory_space<vmem>> -> memref<2048xi32, #tpu.memory_space<vmem>>
        %dma_wait3A_87 = arith.constant 0 : i32
        %dma_wait3A_88 = tpu.memref_slice %arg4[%dma_wait3A, %dma_wait3A_87] : memref<3x100352xf32, #tpu.memory_space<hbm>> -> memref<1x100352xf32, #tpu.memory_space<hbm>>
        %dma_wait3A_89 = tpu.memref_squeeze %dma_wait3A_88 : memref<1x100352xf32, #tpu.memory_space<hbm>> -> memref<100352xf32, #tpu.memory_space<hbm>>
        %dma_wait3A_90 = arith.constant 0 : i32
        %dma_wait3A_91 = tpu.memref_slice %dma_wait3A_89[%dma_wait3A_90] : memref<100352xf32, #tpu.memory_space<hbm>> -> memref<100352xf32, #tpu.memory_space<hbm>>
        tpu.wait_indirect_dma semaphore(%arg15 : memref<!tpu.dma_semaphore, #tpu.memory_space<semaphore_mem>>) src(%dma_wait3A_91 : memref<100352xf32, #tpu.memory_space<hbm>>) dst(%dma_wait3A_83 : memref<2048xf32, #tpu.memory_space<vmem>>)
        %run_scoped3A_92 = arith.constant 1 : i32
        %run_scoped3A_93 = arith.constant 0 : i32
        %run_scoped3A_94 = arith.constant 1 : i32
        "tpu.region"() ({
          %run_scoped3A_107 = tpu.sem_alloc : memref<!tpu.dma_semaphore, #tpu.memory_space<semaphore_mem>>
          %dma_start3A = arith.constant 0 : i32
          %dma_start3A_108 = tpu.memref_slice %arg10[%run_scoped3A_94, %dma_start3A] : memref<3x2048xf32, #tpu.memory_space<vmem>> -> memref<1x2048xf32, #tpu.memory_space<vmem>>
          %dma_start3A_109 = tpu.memref_squeeze %dma_start3A_108 : memref<1x2048xf32, #tpu.memory_space<vmem>> -> memref<2048xf32, #tpu.memory_space<vmem>>
          %dma_start3A_110 = arith.constant 0 : i32
          %dma_start3A_111 = tpu.memref_slice %arg6[%run_scoped3A_93, %dma_start3A_110] : memref<1x2048xi32, #tpu.memory_space<vmem>> -> memref<1x2048xi32, #tpu.memory_space<vmem>>
          %dma_start3A_112 = tpu.memref_squeeze %dma_start3A_111 : memref<1x2048xi32, #tpu.memory_space<vmem>> -> memref<2048xi32, #tpu.memory_space<vmem>>
          %dma_start3A_113 = arith.constant 0 : i32
          %dma_start3A_114 = tpu.memref_slice %arg13[%run_scoped3A_92, %dma_start3A_113] : memref<3x100352xf32, #tpu.memory_space<vmem_shared>> -> memref<1x100352xf32, #tpu.memory_space<vmem_shared>>
          %dma_start3A_115 = tpu.memref_squeeze %dma_start3A_114 : memref<1x100352xf32, #tpu.memory_space<vmem_shared>> -> memref<100352xf32, #tpu.memory_space<vmem_shared>>
          %dma_start3A_116 = arith.constant 0 : i32
          %dma_start3A_117 = tpu.memref_slice %dma_start3A_115[%dma_start3A_116] : memref<100352xf32, #tpu.memory_space<vmem_shared>> -> memref<100352xf32, #tpu.memory_space<vmem_shared>>
          tpu.enqueue_indirect_dma source(%dma_start3A_117 : memref<100352xf32, #tpu.memory_space<vmem_shared>>) target(%dma_start3A_109 : memref<2048xf32, #tpu.memory_space<vmem>>) offsets(%dma_start3A_112 : memref<2048xi32, #tpu.memory_space<vmem>>) semaphore(%run_scoped3A_107 : memref<!tpu.dma_semaphore, #tpu.memory_space<semaphore_mem>>)
          %dma_wait3A_118 = arith.constant 0 : i32
          %dma_wait3A_119 = tpu.memref_slice %arg10[%run_scoped3A_94, %dma_wait3A_118] : memref<3x2048xf32, #tpu.memory_space<vmem>> -> memref<1x2048xf32, #tpu.memory_space<vmem>>
          %dma_wait3A_120 = tpu.memref_squeeze %dma_wait3A_119 : memref<1x2048xf32, #tpu.memory_space<vmem>> -> memref<2048xf32, #tpu.memory_space<vmem>>
          %dma_wait3A_121 = arith.constant 0 : i32
          %dma_wait3A_122 = tpu.memref_slice %arg6[%run_scoped3A_93, %dma_wait3A_121] : memref<1x2048xi32, #tpu.memory_space<vmem>> -> memref<1x2048xi32, #tpu.memory_space<vmem>>
          %dma_wait3A_123 = tpu.memref_squeeze %dma_wait3A_122 : memref<1x2048xi32, #tpu.memory_space<vmem>> -> memref<2048xi32, #tpu.memory_space<vmem>>
          %dma_wait3A_124 = arith.constant 0 : i32
          %dma_wait3A_125 = tpu.memref_slice %arg13[%run_scoped3A_92, %dma_wait3A_124] : memref<3x100352xf32, #tpu.memory_space<vmem_shared>> -> memref<1x100352xf32, #tpu.memory_space<vmem_shared>>
          %dma_wait3A_126 = tpu.memref_squeeze %dma_wait3A_125 : memref<1x100352xf32, #tpu.memory_space<vmem_shared>> -> memref<100352xf32, #tpu.memory_space<vmem_shared>>
          %dma_wait3A_127 = arith.constant 0 : i32
          %dma_wait3A_128 = tpu.memref_slice %dma_wait3A_126[%dma_wait3A_127] : memref<100352xf32, #tpu.memory_space<vmem_shared>> -> memref<100352xf32, #tpu.memory_space<vmem_shared>>
          tpu.wait_indirect_dma semaphore(%run_scoped3A_107 : memref<!tpu.dma_semaphore, #tpu.memory_space<semaphore_mem>>) src(%dma_wait3A_128 : memref<100352xf32, #tpu.memory_space<vmem_shared>>) dst(%dma_wait3A_120 : memref<2048xf32, #tpu.memory_space<vmem>>)
          tpu.yield
        }) : () -> ()
        %run_scoped3A_95 = arith.constant 2 : i32
        %run_scoped3A_96 = arith.constant 0 : i32
        %run_scoped3A_97 = arith.constant 2 : i32
        "tpu.region"() ({
          %run_scoped3A_107 = tpu.sem_alloc : memref<!tpu.dma_semaphore, #tpu.memory_space<semaphore_mem>>
          %dma_start3A = arith.constant 0 : i32
          %dma_start3A_108 = tpu.memref_slice %arg10[%run_scoped3A_97, %dma_start3A] : memref<3x2048xf32, #tpu.memory_space<vmem>> -> memref<1x2048xf32, #tpu.memory_space<vmem>>
          %dma_start3A_109 = tpu.memref_squeeze %dma_start3A_108 : memref<1x2048xf32, #tpu.memory_space<vmem>> -> memref<2048xf32, #tpu.memory_space<vmem>>
          %dma_start3A_110 = arith.constant 0 : i32
          %dma_start3A_111 = tpu.memref_slice %arg6[%run_scoped3A_96, %dma_start3A_110] : memref<1x2048xi32, #tpu.memory_space<vmem>> -> memref<1x2048xi32, #tpu.memory_space<vmem>>
          %dma_start3A_112 = tpu.memref_squeeze %dma_start3A_111 : memref<1x2048xi32, #tpu.memory_space<vmem>> -> memref<2048xi32, #tpu.memory_space<vmem>>
          %dma_start3A_113 = arith.constant 0 : i32
          %dma_start3A_114 = tpu.memref_slice %arg13[%run_scoped3A_95, %dma_start3A_113] : memref<3x100352xf32, #tpu.memory_space<vmem_shared>> -> memref<1x100352xf32, #tpu.memory_space<vmem_shared>>
          %dma_start3A_115 = tpu.memref_squeeze %dma_start3A_114 : memref<1x100352xf32, #tpu.memory_space<vmem_shared>> -> memref<100352xf32, #tpu.memory_space<vmem_shared>>
          %dma_start3A_116 = arith.constant 0 : i32
          %dma_start3A_117 = tpu.memref_slice %dma_start3A_115[%dma_start3A_116] : memref<100352xf32, #tpu.memory_space<vmem_shared>> -> memref<100352xf32, #tpu.memory_space<vmem_shared>>
          tpu.enqueue_indirect_dma source(%dma_start3A_117 : memref<100352xf32, #tpu.memory_space<vmem_shared>>) target(%dma_start3A_109 : memref<2048xf32, #tpu.memory_space<vmem>>) offsets(%dma_start3A_112 : memref<2048xi32, #tpu.memory_space<vmem>>) semaphore(%run_scoped3A_107 : memref<!tpu.dma_semaphore, #tpu.memory_space<semaphore_mem>>)
          %dma_wait3A_118 = arith.constant 0 : i32
          %dma_wait3A_119 = tpu.memref_slice %arg10[%run_scoped3A_97, %dma_wait3A_118] : memref<3x2048xf32, #tpu.memory_space<vmem>> -> memref<1x2048xf32, #tpu.memory_space<vmem>>
          %dma_wait3A_120 = tpu.memref_squeeze %dma_wait3A_119 : memref<1x2048xf32, #tpu.memory_space<vmem>> -> memref<2048xf32, #tpu.memory_space<vmem>>
          %dma_wait3A_121 = arith.constant 0 : i32
          %dma_wait3A_122 = tpu.memref_slice %arg6[%run_scoped3A_96, %dma_wait3A_121] : memref<1x2048xi32, #tpu.memory_space<vmem>> -> memref<1x2048xi32, #tpu.memory_space<vmem>>
          %dma_wait3A_123 = tpu.memref_squeeze %dma_wait3A_122 : memref<1x2048xi32, #tpu.memory_space<vmem>> -> memref<2048xi32, #tpu.memory_space<vmem>>
          %dma_wait3A_124 = arith.constant 0 : i32
          %dma_wait3A_125 = tpu.memref_slice %arg13[%run_scoped3A_95, %dma_wait3A_124] : memref<3x100352xf32, #tpu.memory_space<vmem_shared>> -> memref<1x100352xf32, #tpu.memory_space<vmem_shared>>
          %dma_wait3A_126 = tpu.memref_squeeze %dma_wait3A_125 : memref<1x100352xf32, #tpu.memory_space<vmem_shared>> -> memref<100352xf32, #tpu.memory_space<vmem_shared>>
          %dma_wait3A_127 = arith.constant 0 : i32
          %dma_wait3A_128 = tpu.memref_slice %dma_wait3A_126[%dma_wait3A_127] : memref<100352xf32, #tpu.memory_space<vmem_shared>> -> memref<100352xf32, #tpu.memory_space<vmem_shared>>
          tpu.wait_indirect_dma semaphore(%run_scoped3A_107 : memref<!tpu.dma_semaphore, #tpu.memory_space<semaphore_mem>>) src(%dma_wait3A_128 : memref<100352xf32, #tpu.memory_space<vmem_shared>>) dst(%dma_wait3A_120 : memref<2048xf32, #tpu.memory_space<vmem>>)
          tpu.yield
        }) : () -> ()
        %run_scoped3A_98 = arith.constant 0 : i32
        %run_scoped3A_99 = arith.constant 0 : i32
        %run_scoped3A_100 = arith.constant 0 : i32
        "tpu.region"() ({
          %run_scoped3A_107 = tpu.sem_alloc : memref<!tpu.dma_semaphore, #tpu.memory_space<semaphore_mem>>
          %dma_start3A = arith.constant 0 : i32
          %dma_start3A_108 = tpu.memref_slice %arg10[%run_scoped3A_98, %dma_start3A] : memref<3x2048xf32, #tpu.memory_space<vmem>> -> memref<1x2048xf32, #tpu.memory_space<vmem>>
          %dma_start3A_109 = tpu.memref_squeeze %dma_start3A_108 : memref<1x2048xf32, #tpu.memory_space<vmem>> -> memref<2048xf32, #tpu.memory_space<vmem>>
          %dma_start3A_110 = arith.constant 0 : i32
          %dma_start3A_111 = tpu.memref_slice %arg8[%run_scoped3A_100, %dma_start3A_110] : memref<1x2048xi32, #tpu.memory_space<vmem>> -> memref<1x2048xi32, #tpu.memory_space<vmem>>
          %dma_start3A_112 = tpu.memref_squeeze %dma_start3A_111 : memref<1x2048xi32, #tpu.memory_space<vmem>> -> memref<2048xi32, #tpu.memory_space<vmem>>
          %dma_start3A_113 = arith.constant 0 : i32
          %dma_start3A_114 = tpu.memref_slice %arg14[%run_scoped3A_99, %dma_start3A_113] : memref<3x100352xf32, #tpu.memory_space<vmem_shared>> -> memref<1x100352xf32, #tpu.memory_space<vmem_shared>>
          %dma_start3A_115 = tpu.memref_squeeze %dma_start3A_114 : memref<1x100352xf32, #tpu.memory_space<vmem_shared>> -> memref<100352xf32, #tpu.memory_space<vmem_shared>>
          %dma_start3A_116 = arith.constant 0 : i32
          %dma_start3A_117 = tpu.memref_slice %dma_start3A_115[%dma_start3A_116] : memref<100352xf32, #tpu.memory_space<vmem_shared>> -> memref<100352xf32, #tpu.memory_space<vmem_shared>>
          tpu.enqueue_indirect_dma source(%dma_start3A_109 : memref<2048xf32, #tpu.memory_space<vmem>>) target(%dma_start3A_117 : memref<100352xf32, #tpu.memory_space<vmem_shared>>) offsets(%dma_start3A_112 : memref<2048xi32, #tpu.memory_space<vmem>>) semaphore(%run_scoped3A_107 : memref<!tpu.dma_semaphore, #tpu.memory_space<semaphore_mem>>) {add = true}
          %dma_wait3A_118 = arith.constant 0 : i32
          %dma_wait3A_119 = tpu.memref_slice %arg10[%run_scoped3A_98, %dma_wait3A_118] : memref<3x2048xf32, #tpu.memory_space<vmem>> -> memref<1x2048xf32, #tpu.memory_space<vmem>>
          %dma_wait3A_120 = tpu.memref_squeeze %dma_wait3A_119 : memref<1x2048xf32, #tpu.memory_space<vmem>> -> memref<2048xf32, #tpu.memory_space<vmem>>
          %dma_wait3A_121 = arith.constant 0 : i32
          %dma_wait3A_122 = tpu.memref_slice %arg8[%run_scoped3A_100, %dma_wait3A_121] : memref<1x2048xi32, #tpu.memory_space<vmem>> -> memref<1x2048xi32, #tpu.memory_space<vmem>>
          %dma_wait3A_123 = tpu.memref_squeeze %dma_wait3A_122 : memref<1x2048xi32, #tpu.memory_space<vmem>> -> memref<2048xi32, #tpu.memory_space<vmem>>
          %dma_wait3A_124 = arith.constant 0 : i32
          %dma_wait3A_125 = tpu.memref_slice %arg14[%run_scoped3A_99, %dma_wait3A_124] : memref<3x100352xf32, #tpu.memory_space<vmem_shared>> -> memref<1x100352xf32, #tpu.memory_space<vmem_shared>>
          %dma_wait3A_126 = tpu.memref_squeeze %dma_wait3A_125 : memref<1x100352xf32, #tpu.memory_space<vmem_shared>> -> memref<100352xf32, #tpu.memory_space<vmem_shared>>
          %dma_wait3A_127 = arith.constant 0 : i32
          %dma_wait3A_128 = tpu.memref_slice %dma_wait3A_126[%dma_wait3A_127] : memref<100352xf32, #tpu.memory_space<vmem_shared>> -> memref<100352xf32, #tpu.memory_space<vmem_shared>>
          tpu.wait_indirect_dma semaphore(%run_scoped3A_107 : memref<!tpu.dma_semaphore, #tpu.memory_space<semaphore_mem>>) src(%dma_wait3A_120 : memref<2048xf32, #tpu.memory_space<vmem>>) dst(%dma_wait3A_128 : memref<100352xf32, #tpu.memory_space<vmem_shared>>)
          tpu.yield
        }) : () -> ()
        %run_scoped3A_101 = arith.constant 1 : i32
        %run_scoped3A_102 = arith.constant 1 : i32
        %run_scoped3A_103 = arith.constant 0 : i32
        "tpu.region"() ({
          %run_scoped3A_107 = tpu.sem_alloc : memref<!tpu.dma_semaphore, #tpu.memory_space<semaphore_mem>>
          %dma_start3A = arith.constant 0 : i32
          %dma_start3A_108 = tpu.memref_slice %arg10[%run_scoped3A_101, %dma_start3A] : memref<3x2048xf32, #tpu.memory_space<vmem>> -> memref<1x2048xf32, #tpu.memory_space<vmem>>
          %dma_start3A_109 = tpu.memref_squeeze %dma_start3A_108 : memref<1x2048xf32, #tpu.memory_space<vmem>> -> memref<2048xf32, #tpu.memory_space<vmem>>
          %dma_start3A_110 = arith.constant 0 : i32
          %dma_start3A_111 = tpu.memref_slice %arg8[%run_scoped3A_103, %dma_start3A_110] : memref<1x2048xi32, #tpu.memory_space<vmem>> -> memref<1x2048xi32, #tpu.memory_space<vmem>>
          %dma_start3A_112 = tpu.memref_squeeze %dma_start3A_111 : memref<1x2048xi32, #tpu.memory_space<vmem>> -> memref<2048xi32, #tpu.memory_space<vmem>>
          %dma_start3A_113 = arith.constant 0 : i32
          %dma_start3A_114 = tpu.memref_slice %arg14[%run_scoped3A_102, %dma_start3A_113] : memref<3x100352xf32, #tpu.memory_space<vmem_shared>> -> memref<1x100352xf32, #tpu.memory_space<vmem_shared>>
          %dma_start3A_115 = tpu.memref_squeeze %dma_start3A_114 : memref<1x100352xf32, #tpu.memory_space<vmem_shared>> -> memref<100352xf32, #tpu.memory_space<vmem_shared>>
          %dma_start3A_116 = arith.constant 0 : i32
          %dma_start3A_117 = tpu.memref_slice %dma_start3A_115[%dma_start3A_116] : memref<100352xf32, #tpu.memory_space<vmem_shared>> -> memref<100352xf32, #tpu.memory_space<vmem_shared>>
          tpu.enqueue_indirect_dma source(%dma_start3A_109 : memref<2048xf32, #tpu.memory_space<vmem>>) target(%dma_start3A_117 : memref<100352xf32, #tpu.memory_space<vmem_shared>>) offsets(%dma_start3A_112 : memref<2048xi32, #tpu.memory_space<vmem>>) semaphore(%run_scoped3A_107 : memref<!tpu.dma_semaphore, #tpu.memory_space<semaphore_mem>>) {add = true}
          %dma_wait3A_118 = arith.constant 0 : i32
          %dma_wait3A_119 = tpu.memref_slice %arg10[%run_scoped3A_101, %dma_wait3A_118] : memref<3x2048xf32, #tpu.memory_space<vmem>> -> memref<1x2048xf32, #tpu.memory_space<vmem>>
          %dma_wait3A_120 = tpu.memref_squeeze %dma_wait3A_119 : memref<1x2048xf32, #tpu.memory_space<vmem>> -> memref<2048xf32, #tpu.memory_space<vmem>>
          %dma_wait3A_121 = arith.constant 0 : i32
          %dma_wait3A_122 = tpu.memref_slice %arg8[%run_scoped3A_103, %dma_wait3A_121] : memref<1x2048xi32, #tpu.memory_space<vmem>> -> memref<1x2048xi32, #tpu.memory_space<vmem>>
          %dma_wait3A_123 = tpu.memref_squeeze %dma_wait3A_122 : memref<1x2048xi32, #tpu.memory_space<vmem>> -> memref<2048xi32, #tpu.memory_space<vmem>>
          %dma_wait3A_124 = arith.constant 0 : i32
          %dma_wait3A_125 = tpu.memref_slice %arg14[%run_scoped3A_102, %dma_wait3A_124] : memref<3x100352xf32, #tpu.memory_space<vmem_shared>> -> memref<1x100352xf32, #tpu.memory_space<vmem_shared>>
          %dma_wait3A_126 = tpu.memref_squeeze %dma_wait3A_125 : memref<1x100352xf32, #tpu.memory_space<vmem_shared>> -> memref<100352xf32, #tpu.memory_space<vmem_shared>>
          %dma_wait3A_127 = arith.constant 0 : i32
          %dma_wait3A_128 = tpu.memref_slice %dma_wait3A_126[%dma_wait3A_127] : memref<100352xf32, #tpu.memory_space<vmem_shared>> -> memref<100352xf32, #tpu.memory_space<vmem_shared>>
          tpu.wait_indirect_dma semaphore(%run_scoped3A_107 : memref<!tpu.dma_semaphore, #tpu.memory_space<semaphore_mem>>) src(%dma_wait3A_120 : memref<2048xf32, #tpu.memory_space<vmem>>) dst(%dma_wait3A_128 : memref<100352xf32, #tpu.memory_space<vmem_shared>>)
          tpu.yield
        }) : () -> ()
        %run_scoped3A_104 = arith.constant 2 : i32
        %run_scoped3A_105 = arith.constant 2 : i32
        %run_scoped3A_106 = arith.constant 0 : i32
        "tpu.region"() ({
          %run_scoped3A_107 = tpu.sem_alloc : memref<!tpu.dma_semaphore, #tpu.memory_space<semaphore_mem>>
          %dma_start3A = arith.constant 0 : i32
          %dma_start3A_108 = tpu.memref_slice %arg10[%run_scoped3A_104, %dma_start3A] : memref<3x2048xf32, #tpu.memory_space<vmem>> -> memref<1x2048xf32, #tpu.memory_space<vmem>>
          %dma_start3A_109 = tpu.memref_squeeze %dma_start3A_108 : memref<1x2048xf32, #tpu.memory_space<vmem>> -> memref<2048xf32, #tpu.memory_space<vmem>>
          %dma_start3A_110 = arith.constant 0 : i32
          %dma_start3A_111 = tpu.memref_slice %arg8[%run_scoped3A_106, %dma_start3A_110] : memref<1x2048xi32, #tpu.memory_space<vmem>> -> memref<1x2048xi32, #tpu.memory_space<vmem>>
          %dma_start3A_112 = tpu.memref_squeeze %dma_start3A_111 : memref<1x2048xi32, #tpu.memory_space<vmem>> -> memref<2048xi32, #tpu.memory_space<vmem>>
          %dma_start3A_113 = arith.constant 0 : i32
          %dma_start3A_114 = tpu.memref_slice %arg14[%run_scoped3A_105, %dma_start3A_113] : memref<3x100352xf32, #tpu.memory_space<vmem_shared>> -> memref<1x100352xf32, #tpu.memory_space<vmem_shared>>
          %dma_start3A_115 = tpu.memref_squeeze %dma_start3A_114 : memref<1x100352xf32, #tpu.memory_space<vmem_shared>> -> memref<100352xf32, #tpu.memory_space<vmem_shared>>
          %dma_start3A_116 = arith.constant 0 : i32
          %dma_start3A_117 = tpu.memref_slice %dma_start3A_115[%dma_start3A_116] : memref<100352xf32, #tpu.memory_space<vmem_shared>> -> memref<100352xf32, #tpu.memory_space<vmem_shared>>
          tpu.enqueue_indirect_dma source(%dma_start3A_109 : memref<2048xf32, #tpu.memory_space<vmem>>) target(%dma_start3A_117 : memref<100352xf32, #tpu.memory_space<vmem_shared>>) offsets(%dma_start3A_112 : memref<2048xi32, #tpu.memory_space<vmem>>) semaphore(%run_scoped3A_107 : memref<!tpu.dma_semaphore, #tpu.memory_space<semaphore_mem>>) {add = true}
          %dma_wait3A_118 = arith.constant 0 : i32
          %dma_wait3A_119 = tpu.memref_slice %arg10[%run_scoped3A_104, %dma_wait3A_118] : memref<3x2048xf32, #tpu.memory_space<vmem>> -> memref<1x2048xf32, #tpu.memory_space<vmem>>
          %dma_wait3A_120 = tpu.memref_squeeze %dma_wait3A_119 : memref<1x2048xf32, #tpu.memory_space<vmem>> -> memref<2048xf32, #tpu.memory_space<vmem>>
          %dma_wait3A_121 = arith.constant 0 : i32
          %dma_wait3A_122 = tpu.memref_slice %arg8[%run_scoped3A_106, %dma_wait3A_121] : memref<1x2048xi32, #tpu.memory_space<vmem>> -> memref<1x2048xi32, #tpu.memory_space<vmem>>
          %dma_wait3A_123 = tpu.memref_squeeze %dma_wait3A_122 : memref<1x2048xi32, #tpu.memory_space<vmem>> -> memref<2048xi32, #tpu.memory_space<vmem>>
          %dma_wait3A_124 = arith.constant 0 : i32
          %dma_wait3A_125 = tpu.memref_slice %arg14[%run_scoped3A_105, %dma_wait3A_124] : memref<3x100352xf32, #tpu.memory_space<vmem_shared>> -> memref<1x100352xf32, #tpu.memory_space<vmem_shared>>
          %dma_wait3A_126 = tpu.memref_squeeze %dma_wait3A_125 : memref<1x100352xf32, #tpu.memory_space<vmem_shared>> -> memref<100352xf32, #tpu.memory_space<vmem_shared>>
          %dma_wait3A_127 = arith.constant 0 : i32
          %dma_wait3A_128 = tpu.memref_slice %dma_wait3A_126[%dma_wait3A_127] : memref<100352xf32, #tpu.memory_space<vmem_shared>> -> memref<100352xf32, #tpu.memory_space<vmem_shared>>
          tpu.wait_indirect_dma semaphore(%run_scoped3A_107 : memref<!tpu.dma_semaphore, #tpu.memory_space<semaphore_mem>>) src(%dma_wait3A_120 : memref<2048xf32, #tpu.memory_space<vmem>>) dst(%dma_wait3A_128 : memref<100352xf32, #tpu.memory_space<vmem_shared>>)
          tpu.yield
        }) : () -> ()
      } else {
      }
      %mul3A_71 = arith.constant 32 : i32
      %mul3A_72 = arith.muli %add3A_57, %mul3A_71 : i32
      %add3A_73 = arith.addi %add3A, %mul3A_72 : i32
      %lt3A_74 = arith.constant 3125 : i32
      %lt3A_75 = arith.cmpi slt, %add3A_73, %lt3A_74 : i32
      %convert_element_type3A_76 = arith.extui %lt3A_75 : i1 to i32
      %cond3A_77 = arith.constant 0 : i32
      %cond3A_78 = arith.cmpi ne, %convert_element_type3A_76, %cond3A_77 : i32
      scf.if %cond3A_78 {
        "tpu.region"() ({
          %run_scoped3A_92 = tpu.sem_alloc : memref<!tpu.dma_semaphore, #tpu.memory_space<semaphore_mem>>
          %dma_start3A_93 = arith.constant 0 : i32
          %dma_start3A_94 = tpu.memref_slice %arg2[%add3A_73, %dma_start3A_93] : memref<3125x2048xi32, #tpu.memory_space<hbm>> -> memref<1x2048xi32, #tpu.memory_space<hbm>>
          %dma_start3A_95 = arith.constant 0 : i32
          %dma_start3A_96 = tpu.memref_slice %arg2[%add3A_73, %dma_start3A_95] : memref<3125x2048xi32, #tpu.memory_space<hbm>> -> memref<1x2048xi32, #tpu.memory_space<hbm>>
          tpu.enqueue_dma source(%dma_start3A_96 : memref<1x2048xi32, #tpu.memory_space<hbm>>) target(%arg7 : memref<1x2048xi32, #tpu.memory_space<vmem>>) target_semaphore(%run_scoped3A_92 : memref<!tpu.dma_semaphore, #tpu.memory_space<semaphore_mem>>)
          %dma_wait3A = arith.constant 0 : i32
          %dma_wait3A_97 = tpu.memref_slice %arg2[%add3A_73, %dma_wait3A] : memref<3125x2048xi32, #tpu.memory_space<hbm>> -> memref<1x2048xi32, #tpu.memory_space<hbm>>
          %dma_wait3A_98 = arith.constant 0 : i32
          %dma_wait3A_99 = tpu.memref_slice %arg2[%add3A_73, %dma_wait3A_98] : memref<3125x2048xi32, #tpu.memory_space<hbm>> -> memref<1x2048xi32, #tpu.memory_space<hbm>>
          tpu.wait_dma2 semaphore(%run_scoped3A_92 : memref<!tpu.dma_semaphore, #tpu.memory_space<semaphore_mem>>) src(%dma_wait3A_99 : memref<1x2048xi32, #tpu.memory_space<hbm>>) dst(%arg7 : memref<1x2048xi32, #tpu.memory_space<vmem>>)
          tpu.yield
        }) : () -> ()
        "tpu.region"() ({
          %run_scoped3A_92 = tpu.sem_alloc : memref<!tpu.dma_semaphore, #tpu.memory_space<semaphore_mem>>
          %dma_start3A_93 = arith.constant 0 : i32
          %dma_start3A_94 = tpu.memref_slice %arg3[%add3A_73, %dma_start3A_93] : memref<3125x2048xi32, #tpu.memory_space<hbm>> -> memref<1x2048xi32, #tpu.memory_space<hbm>>
          %dma_start3A_95 = arith.constant 0 : i32
          %dma_start3A_96 = tpu.memref_slice %arg3[%add3A_73, %dma_start3A_95] : memref<3125x2048xi32, #tpu.memory_space<hbm>> -> memref<1x2048xi32, #tpu.memory_space<hbm>>
          tpu.enqueue_dma source(%dma_start3A_96 : memref<1x2048xi32, #tpu.memory_space<hbm>>) target(%arg9 : memref<1x2048xi32, #tpu.memory_space<vmem>>) target_semaphore(%run_scoped3A_92 : memref<!tpu.dma_semaphore, #tpu.memory_space<semaphore_mem>>)
          %dma_wait3A = arith.constant 0 : i32
          %dma_wait3A_97 = tpu.memref_slice %arg3[%add3A_73, %dma_wait3A] : memref<3125x2048xi32, #tpu.memory_space<hbm>> -> memref<1x2048xi32, #tpu.memory_space<hbm>>
          %dma_wait3A_98 = arith.constant 0 : i32
          %dma_wait3A_99 = tpu.memref_slice %arg3[%add3A_73, %dma_wait3A_98] : memref<3125x2048xi32, #tpu.memory_space<hbm>> -> memref<1x2048xi32, #tpu.memory_space<hbm>>
          tpu.wait_dma2 semaphore(%run_scoped3A_92 : memref<!tpu.dma_semaphore, #tpu.memory_space<semaphore_mem>>) src(%dma_wait3A_99 : memref<1x2048xi32, #tpu.memory_space<hbm>>) dst(%arg9 : memref<1x2048xi32, #tpu.memory_space<vmem>>)
          tpu.yield
        }) : () -> ()
        %dma_start3A = arith.constant 0 : i32
        %dma_start3A_79 = arith.constant 0 : i32
        %dma_start3A_80 = arith.constant 0 : i32
        %dma_start3A_81 = arith.constant 0 : i32
        %dma_start3A_82 = tpu.memref_slice %arg11[%dma_start3A_80, %dma_start3A_81] : memref<3x2048xf32, #tpu.memory_space<vmem>> -> memref<1x2048xf32, #tpu.memory_space<vmem>>
        %dma_start3A_83 = tpu.memref_squeeze %dma_start3A_82 : memref<1x2048xf32, #tpu.memory_space<vmem>> -> memref<2048xf32, #tpu.memory_space<vmem>>
        %dma_start3A_84 = arith.constant 0 : i32
        %dma_start3A_85 = tpu.memref_slice %arg7[%dma_start3A_79, %dma_start3A_84] : memref<1x2048xi32, #tpu.memory_space<vmem>> -> memref<1x2048xi32, #tpu.memory_space<vmem>>
        %dma_start3A_86 = tpu.memref_squeeze %dma_start3A_85 : memref<1x2048xi32, #tpu.memory_space<vmem>> -> memref<2048xi32, #tpu.memory_space<vmem>>
        %dma_start3A_87 = arith.constant 0 : i32
        %dma_start3A_88 = tpu.memref_slice %arg4[%dma_start3A, %dma_start3A_87] : memref<3x100352xf32, #tpu.memory_space<hbm>> -> memref<1x100352xf32, #tpu.memory_space<hbm>>
        %dma_start3A_89 = tpu.memref_squeeze %dma_start3A_88 : memref<1x100352xf32, #tpu.memory_space<hbm>> -> memref<100352xf32, #tpu.memory_space<hbm>>
        %dma_start3A_90 = arith.constant 0 : i32
        %dma_start3A_91 = tpu.memref_slice %dma_start3A_89[%dma_start3A_90] : memref<100352xf32, #tpu.memory_space<hbm>> -> memref<100352xf32, #tpu.memory_space<hbm>>
        tpu.enqueue_indirect_dma source(%dma_start3A_91 : memref<100352xf32, #tpu.memory_space<hbm>>) target(%dma_start3A_83 : memref<2048xf32, #tpu.memory_space<vmem>>) offsets(%dma_start3A_86 : memref<2048xi32, #tpu.memory_space<vmem>>) semaphore(%arg16 : memref<!tpu.dma_semaphore, #tpu.memory_space<semaphore_mem>>)
      } else {
      }
    }
    %scan3A_17 = arith.constant 49 : i32
    %lt3A = arith.constant 21 : i32
    %lt3A_18 = arith.cmpi slt, %add3A, %lt3A : i32
    %convert_element_type3A = arith.extui %lt3A_18 : i1 to i32
    %cond3A = arith.constant 0 : i32
    %cond3A_19 = arith.cmpi ne, %convert_element_type3A, %cond3A : i32
    scf.if %cond3A_19 {
      %dma_wait3A = arith.constant 0 : i32
      %dma_wait3A_27 = arith.constant 0 : i32
      %dma_wait3A_28 = arith.constant 0 : i32
      %dma_wait3A_29 = arith.constant 0 : i32
      %dma_wait3A_30 = tpu.memref_slice %arg11[%dma_wait3A_28, %dma_wait3A_29] : memref<3x2048xf32, #tpu.memory_space<vmem>> -> memref<1x2048xf32, #tpu.memory_space<vmem>>
      %dma_wait3A_31 = tpu.memref_squeeze %dma_wait3A_30 : memref<1x2048xf32, #tpu.memory_space<vmem>> -> memref<2048xf32, #tpu.memory_space<vmem>>
      %dma_wait3A_32 = arith.constant 0 : i32
      %dma_wait3A_33 = tpu.memref_slice %arg7[%dma_wait3A_27, %dma_wait3A_32] : memref<1x2048xi32, #tpu.memory_space<vmem>> -> memref<1x2048xi32, #tpu.memory_space<vmem>>
      %dma_wait3A_34 = tpu.memref_squeeze %dma_wait3A_33 : memref<1x2048xi32, #tpu.memory_space<vmem>> -> memref<2048xi32, #tpu.memory_space<vmem>>
      %dma_wait3A_35 = arith.constant 0 : i32
      %dma_wait3A_36 = tpu.memref_slice %arg4[%dma_wait3A, %dma_wait3A_35] : memref<3x100352xf32, #tpu.memory_space<hbm>> -> memref<1x100352xf32, #tpu.memory_space<hbm>>
      %dma_wait3A_37 = tpu.memref_squeeze %dma_wait3A_36 : memref<1x100352xf32, #tpu.memory_space<hbm>> -> memref<100352xf32, #tpu.memory_space<hbm>>
      %dma_wait3A_38 = arith.constant 0 : i32
      %dma_wait3A_39 = tpu.memref_slice %dma_wait3A_37[%dma_wait3A_38] : memref<100352xf32, #tpu.memory_space<hbm>> -> memref<100352xf32, #tpu.memory_space<hbm>>
      tpu.wait_indirect_dma semaphore(%arg16 : memref<!tpu.dma_semaphore, #tpu.memory_space<semaphore_mem>>) src(%dma_wait3A_39 : memref<100352xf32, #tpu.memory_space<hbm>>) dst(%dma_wait3A_31 : memref<2048xf32, #tpu.memory_space<vmem>>)
      %run_scoped3A_40 = arith.constant 1 : i32
      %run_scoped3A_41 = arith.constant 0 : i32
      %run_scoped3A_42 = arith.constant 1 : i32
      "tpu.region"() ({
        %run_scoped3A_55 = tpu.sem_alloc : memref<!tpu.dma_semaphore, #tpu.memory_space<semaphore_mem>>
        %dma_start3A = arith.constant 0 : i32
        %dma_start3A_56 = tpu.memref_slice %arg11[%run_scoped3A_42, %dma_start3A] : memref<3x2048xf32, #tpu.memory_space<vmem>> -> memref<1x2048xf32, #tpu.memory_space<vmem>>
        %dma_start3A_57 = tpu.memref_squeeze %dma_start3A_56 : memref<1x2048xf32, #tpu.memory_space<vmem>> -> memref<2048xf32, #tpu.memory_space<vmem>>
        %dma_start3A_58 = arith.constant 0 : i32
        %dma_start3A_59 = tpu.memref_slice %arg7[%run_scoped3A_41, %dma_start3A_58] : memref<1x2048xi32, #tpu.memory_space<vmem>> -> memref<1x2048xi32, #tpu.memory_space<vmem>>
        %dma_start3A_60 = tpu.memref_squeeze %dma_start3A_59 : memref<1x2048xi32, #tpu.memory_space<vmem>> -> memref<2048xi32, #tpu.memory_space<vmem>>
        %dma_start3A_61 = arith.constant 0 : i32
        %dma_start3A_62 = tpu.memref_slice %arg13[%run_scoped3A_40, %dma_start3A_61] : memref<3x100352xf32, #tpu.memory_space<vmem_shared>> -> memref<1x100352xf32, #tpu.memory_space<vmem_shared>>
        %dma_start3A_63 = tpu.memref_squeeze %dma_start3A_62 : memref<1x100352xf32, #tpu.memory_space<vmem_shared>> -> memref<100352xf32, #tpu.memory_space<vmem_shared>>
        %dma_start3A_64 = arith.constant 0 : i32
        %dma_start3A_65 = tpu.memref_slice %dma_start3A_63[%dma_start3A_64] : memref<100352xf32, #tpu.memory_space<vmem_shared>> -> memref<100352xf32, #tpu.memory_space<vmem_shared>>
        tpu.enqueue_indirect_dma source(%dma_start3A_65 : memref<100352xf32, #tpu.memory_space<vmem_shared>>) target(%dma_start3A_57 : memref<2048xf32, #tpu.memory_space<vmem>>) offsets(%dma_start3A_60 : memref<2048xi32, #tpu.memory_space<vmem>>) semaphore(%run_scoped3A_55 : memref<!tpu.dma_semaphore, #tpu.memory_space<semaphore_mem>>)
        %dma_wait3A_66 = arith.constant 0 : i32
        %dma_wait3A_67 = tpu.memref_slice %arg11[%run_scoped3A_42, %dma_wait3A_66] : memref<3x2048xf32, #tpu.memory_space<vmem>> -> memref<1x2048xf32, #tpu.memory_space<vmem>>
        %dma_wait3A_68 = tpu.memref_squeeze %dma_wait3A_67 : memref<1x2048xf32, #tpu.memory_space<vmem>> -> memref<2048xf32, #tpu.memory_space<vmem>>
        %dma_wait3A_69 = arith.constant 0 : i32
        %dma_wait3A_70 = tpu.memref_slice %arg7[%run_scoped3A_41, %dma_wait3A_69] : memref<1x2048xi32, #tpu.memory_space<vmem>> -> memref<1x2048xi32, #tpu.memory_space<vmem>>
        %dma_wait3A_71 = tpu.memref_squeeze %dma_wait3A_70 : memref<1x2048xi32, #tpu.memory_space<vmem>> -> memref<2048xi32, #tpu.memory_space<vmem>>
        %dma_wait3A_72 = arith.constant 0 : i32
        %dma_wait3A_73 = tpu.memref_slice %arg13[%run_scoped3A_40, %dma_wait3A_72] : memref<3x100352xf32, #tpu.memory_space<vmem_shared>> -> memref<1x100352xf32, #tpu.memory_space<vmem_shared>>
        %dma_wait3A_74 = tpu.memref_squeeze %dma_wait3A_73 : memref<1x100352xf32, #tpu.memory_space<vmem_shared>> -> memref<100352xf32, #tpu.memory_space<vmem_shared>>
        %dma_wait3A_75 = arith.constant 0 : i32
        %dma_wait3A_76 = tpu.memref_slice %dma_wait3A_74[%dma_wait3A_75] : memref<100352xf32, #tpu.memory_space<vmem_shared>> -> memref<100352xf32, #tpu.memory_space<vmem_shared>>
        tpu.wait_indirect_dma semaphore(%run_scoped3A_55 : memref<!tpu.dma_semaphore, #tpu.memory_space<semaphore_mem>>) src(%dma_wait3A_76 : memref<100352xf32, #tpu.memory_space<vmem_shared>>) dst(%dma_wait3A_68 : memref<2048xf32, #tpu.memory_space<vmem>>)
        tpu.yield
      }) : () -> ()
      %run_scoped3A_43 = arith.constant 2 : i32
      %run_scoped3A_44 = arith.constant 0 : i32
      %run_scoped3A_45 = arith.constant 2 : i32
      "tpu.region"() ({
        %run_scoped3A_55 = tpu.sem_alloc : memref<!tpu.dma_semaphore, #tpu.memory_space<semaphore_mem>>
        %dma_start3A = arith.constant 0 : i32
        %dma_start3A_56 = tpu.memref_slice %arg11[%run_scoped3A_45, %dma_start3A] : memref<3x2048xf32, #tpu.memory_space<vmem>> -> memref<1x2048xf32, #tpu.memory_space<vmem>>
        %dma_start3A_57 = tpu.memref_squeeze %dma_start3A_56 : memref<1x2048xf32, #tpu.memory_space<vmem>> -> memref<2048xf32, #tpu.memory_space<vmem>>
        %dma_start3A_58 = arith.constant 0 : i32
        %dma_start3A_59 = tpu.memref_slice %arg7[%run_scoped3A_44, %dma_start3A_58] : memref<1x2048xi32, #tpu.memory_space<vmem>> -> memref<1x2048xi32, #tpu.memory_space<vmem>>
        %dma_start3A_60 = tpu.memref_squeeze %dma_start3A_59 : memref<1x2048xi32, #tpu.memory_space<vmem>> -> memref<2048xi32, #tpu.memory_space<vmem>>
        %dma_start3A_61 = arith.constant 0 : i32
        %dma_start3A_62 = tpu.memref_slice %arg13[%run_scoped3A_43, %dma_start3A_61] : memref<3x100352xf32, #tpu.memory_space<vmem_shared>> -> memref<1x100352xf32, #tpu.memory_space<vmem_shared>>
        %dma_start3A_63 = tpu.memref_squeeze %dma_start3A_62 : memref<1x100352xf32, #tpu.memory_space<vmem_shared>> -> memref<100352xf32, #tpu.memory_space<vmem_shared>>
        %dma_start3A_64 = arith.constant 0 : i32
        %dma_start3A_65 = tpu.memref_slice %dma_start3A_63[%dma_start3A_64] : memref<100352xf32, #tpu.memory_space<vmem_shared>> -> memref<100352xf32, #tpu.memory_space<vmem_shared>>
        tpu.enqueue_indirect_dma source(%dma_start3A_65 : memref<100352xf32, #tpu.memory_space<vmem_shared>>) target(%dma_start3A_57 : memref<2048xf32, #tpu.memory_space<vmem>>) offsets(%dma_start3A_60 : memref<2048xi32, #tpu.memory_space<vmem>>) semaphore(%run_scoped3A_55 : memref<!tpu.dma_semaphore, #tpu.memory_space<semaphore_mem>>)
        %dma_wait3A_66 = arith.constant 0 : i32
        %dma_wait3A_67 = tpu.memref_slice %arg11[%run_scoped3A_45, %dma_wait3A_66] : memref<3x2048xf32, #tpu.memory_space<vmem>> -> memref<1x2048xf32, #tpu.memory_space<vmem>>
        %dma_wait3A_68 = tpu.memref_squeeze %dma_wait3A_67 : memref<1x2048xf32, #tpu.memory_space<vmem>> -> memref<2048xf32, #tpu.memory_space<vmem>>
        %dma_wait3A_69 = arith.constant 0 : i32
        %dma_wait3A_70 = tpu.memref_slice %arg7[%run_scoped3A_44, %dma_wait3A_69] : memref<1x2048xi32, #tpu.memory_space<vmem>> -> memref<1x2048xi32, #tpu.memory_space<vmem>>
        %dma_wait3A_71 = tpu.memref_squeeze %dma_wait3A_70 : memref<1x2048xi32, #tpu.memory_space<vmem>> -> memref<2048xi32, #tpu.memory_space<vmem>>
        %dma_wait3A_72 = arith.constant 0 : i32
        %dma_wait3A_73 = tpu.memref_slice %arg13[%run_scoped3A_43, %dma_wait3A_72] : memref<3x100352xf32, #tpu.memory_space<vmem_shared>> -> memref<1x100352xf32, #tpu.memory_space<vmem_shared>>
        %dma_wait3A_74 = tpu.memref_squeeze %dma_wait3A_73 : memref<1x100352xf32, #tpu.memory_space<vmem_shared>> -> memref<100352xf32, #tpu.memory_space<vmem_shared>>
        %dma_wait3A_75 = arith.constant 0 : i32
        %dma_wait3A_76 = tpu.memref_slice %dma_wait3A_74[%dma_wait3A_75] : memref<100352xf32, #tpu.memory_space<vmem_shared>> -> memref<100352xf32, #tpu.memory_space<vmem_shared>>
        tpu.wait_indirect_dma semaphore(%run_scoped3A_55 : memref<!tpu.dma_semaphore, #tpu.memory_space<semaphore_mem>>) src(%dma_wait3A_76 : memref<100352xf32, #tpu.memory_space<vmem_shared>>) dst(%dma_wait3A_68 : memref<2048xf32, #tpu.memory_space<vmem>>)
        tpu.yield
      }) : () -> ()
      %run_scoped3A_46 = arith.constant 0 : i32
      %run_scoped3A_47 = arith.constant 0 : i32
      %run_scoped3A_48 = arith.constant 0 : i32
      "tpu.region"() ({
        %run_scoped3A_55 = tpu.sem_alloc : memref<!tpu.dma_semaphore, #tpu.memory_space<semaphore_mem>>
        %dma_start3A = arith.constant 0 : i32
        %dma_start3A_56 = tpu.memref_slice %arg11[%run_scoped3A_46, %dma_start3A] : memref<3x2048xf32, #tpu.memory_space<vmem>> -> memref<1x2048xf32, #tpu.memory_space<vmem>>
        %dma_start3A_57 = tpu.memref_squeeze %dma_start3A_56 : memref<1x2048xf32, #tpu.memory_space<vmem>> -> memref<2048xf32, #tpu.memory_space<vmem>>
        %dma_start3A_58 = arith.constant 0 : i32
        %dma_start3A_59 = tpu.memref_slice %arg9[%run_scoped3A_48, %dma_start3A_58] : memref<1x2048xi32, #tpu.memory_space<vmem>> -> memref<1x2048xi32, #tpu.memory_space<vmem>>
        %dma_start3A_60 = tpu.memref_squeeze %dma_start3A_59 : memref<1x2048xi32, #tpu.memory_space<vmem>> -> memref<2048xi32, #tpu.memory_space<vmem>>
        %dma_start3A_61 = arith.constant 0 : i32
        %dma_start3A_62 = tpu.memref_slice %arg14[%run_scoped3A_47, %dma_start3A_61] : memref<3x100352xf32, #tpu.memory_space<vmem_shared>> -> memref<1x100352xf32, #tpu.memory_space<vmem_shared>>
        %dma_start3A_63 = tpu.memref_squeeze %dma_start3A_62 : memref<1x100352xf32, #tpu.memory_space<vmem_shared>> -> memref<100352xf32, #tpu.memory_space<vmem_shared>>
        %dma_start3A_64 = arith.constant 0 : i32
        %dma_start3A_65 = tpu.memref_slice %dma_start3A_63[%dma_start3A_64] : memref<100352xf32, #tpu.memory_space<vmem_shared>> -> memref<100352xf32, #tpu.memory_space<vmem_shared>>
        tpu.enqueue_indirect_dma source(%dma_start3A_57 : memref<2048xf32, #tpu.memory_space<vmem>>) target(%dma_start3A_65 : memref<100352xf32, #tpu.memory_space<vmem_shared>>) offsets(%dma_start3A_60 : memref<2048xi32, #tpu.memory_space<vmem>>) semaphore(%run_scoped3A_55 : memref<!tpu.dma_semaphore, #tpu.memory_space<semaphore_mem>>) {add = true}
        %dma_wait3A_66 = arith.constant 0 : i32
        %dma_wait3A_67 = tpu.memref_slice %arg11[%run_scoped3A_46, %dma_wait3A_66] : memref<3x2048xf32, #tpu.memory_space<vmem>> -> memref<1x2048xf32, #tpu.memory_space<vmem>>
        %dma_wait3A_68 = tpu.memref_squeeze %dma_wait3A_67 : memref<1x2048xf32, #tpu.memory_space<vmem>> -> memref<2048xf32, #tpu.memory_space<vmem>>
        %dma_wait3A_69 = arith.constant 0 : i32
        %dma_wait3A_70 = tpu.memref_slice %arg9[%run_scoped3A_48, %dma_wait3A_69] : memref<1x2048xi32, #tpu.memory_space<vmem>> -> memref<1x2048xi32, #tpu.memory_space<vmem>>
        %dma_wait3A_71 = tpu.memref_squeeze %dma_wait3A_70 : memref<1x2048xi32, #tpu.memory_space<vmem>> -> memref<2048xi32, #tpu.memory_space<vmem>>
        %dma_wait3A_72 = arith.constant 0 : i32
        %dma_wait3A_73 = tpu.memref_slice %arg14[%run_scoped3A_47, %dma_wait3A_72] : memref<3x100352xf32, #tpu.memory_space<vmem_shared>> -> memref<1x100352xf32, #tpu.memory_space<vmem_shared>>
        %dma_wait3A_74 = tpu.memref_squeeze %dma_wait3A_73 : memref<1x100352xf32, #tpu.memory_space<vmem_shared>> -> memref<100352xf32, #tpu.memory_space<vmem_shared>>
        %dma_wait3A_75 = arith.constant 0 : i32
        %dma_wait3A_76 = tpu.memref_slice %dma_wait3A_74[%dma_wait3A_75] : memref<100352xf32, #tpu.memory_space<vmem_shared>> -> memref<100352xf32, #tpu.memory_space<vmem_shared>>
        tpu.wait_indirect_dma semaphore(%run_scoped3A_55 : memref<!tpu.dma_semaphore, #tpu.memory_space<semaphore_mem>>) src(%dma_wait3A_68 : memref<2048xf32, #tpu.memory_space<vmem>>) dst(%dma_wait3A_76 : memref<100352xf32, #tpu.memory_space<vmem_shared>>)
        tpu.yield
      }) : () -> ()
      %run_scoped3A_49 = arith.constant 1 : i32
      %run_scoped3A_50 = arith.constant 1 : i32
      %run_scoped3A_51 = arith.constant 0 : i32
      "tpu.region"() ({
        %run_scoped3A_55 = tpu.sem_alloc : memref<!tpu.dma_semaphore, #tpu.memory_space<semaphore_mem>>
        %dma_start3A = arith.constant 0 : i32
        %dma_start3A_56 = tpu.memref_slice %arg11[%run_scoped3A_49, %dma_start3A] : memref<3x2048xf32, #tpu.memory_space<vmem>> -> memref<1x2048xf32, #tpu.memory_space<vmem>>
        %dma_start3A_57 = tpu.memref_squeeze %dma_start3A_56 : memref<1x2048xf32, #tpu.memory_space<vmem>> -> memref<2048xf32, #tpu.memory_space<vmem>>
        %dma_start3A_58 = arith.constant 0 : i32
        %dma_start3A_59 = tpu.memref_slice %arg9[%run_scoped3A_51, %dma_start3A_58] : memref<1x2048xi32, #tpu.memory_space<vmem>> -> memref<1x2048xi32, #tpu.memory_space<vmem>>
        %dma_start3A_60 = tpu.memref_squeeze %dma_start3A_59 : memref<1x2048xi32, #tpu.memory_space<vmem>> -> memref<2048xi32, #tpu.memory_space<vmem>>
        %dma_start3A_61 = arith.constant 0 : i32
        %dma_start3A_62 = tpu.memref_slice %arg14[%run_scoped3A_50, %dma_start3A_61] : memref<3x100352xf32, #tpu.memory_space<vmem_shared>> -> memref<1x100352xf32, #tpu.memory_space<vmem_shared>>
        %dma_start3A_63 = tpu.memref_squeeze %dma_start3A_62 : memref<1x100352xf32, #tpu.memory_space<vmem_shared>> -> memref<100352xf32, #tpu.memory_space<vmem_shared>>
        %dma_start3A_64 = arith.constant 0 : i32
        %dma_start3A_65 = tpu.memref_slice %dma_start3A_63[%dma_start3A_64] : memref<100352xf32, #tpu.memory_space<vmem_shared>> -> memref<100352xf32, #tpu.memory_space<vmem_shared>>
        tpu.enqueue_indirect_dma source(%dma_start3A_57 : memref<2048xf32, #tpu.memory_space<vmem>>) target(%dma_start3A_65 : memref<100352xf32, #tpu.memory_space<vmem_shared>>) offsets(%dma_start3A_60 : memref<2048xi32, #tpu.memory_space<vmem>>) semaphore(%run_scoped3A_55 : memref<!tpu.dma_semaphore, #tpu.memory_space<semaphore_mem>>) {add = true}
        %dma_wait3A_66 = arith.constant 0 : i32
        %dma_wait3A_67 = tpu.memref_slice %arg11[%run_scoped3A_49, %dma_wait3A_66] : memref<3x2048xf32, #tpu.memory_space<vmem>> -> memref<1x2048xf32, #tpu.memory_space<vmem>>
        %dma_wait3A_68 = tpu.memref_squeeze %dma_wait3A_67 : memref<1x2048xf32, #tpu.memory_space<vmem>> -> memref<2048xf32, #tpu.memory_space<vmem>>
        %dma_wait3A_69 = arith.constant 0 : i32
        %dma_wait3A_70 = tpu.memref_slice %arg9[%run_scoped3A_51, %dma_wait3A_69] : memref<1x2048xi32, #tpu.memory_space<vmem>> -> memref<1x2048xi32, #tpu.memory_space<vmem>>
        %dma_wait3A_71 = tpu.memref_squeeze %dma_wait3A_70 : memref<1x2048xi32, #tpu.memory_space<vmem>> -> memref<2048xi32, #tpu.memory_space<vmem>>
        %dma_wait3A_72 = arith.constant 0 : i32
        %dma_wait3A_73 = tpu.memref_slice %arg14[%run_scoped3A_50, %dma_wait3A_72] : memref<3x100352xf32, #tpu.memory_space<vmem_shared>> -> memref<1x100352xf32, #tpu.memory_space<vmem_shared>>
        %dma_wait3A_74 = tpu.memref_squeeze %dma_wait3A_73 : memref<1x100352xf32, #tpu.memory_space<vmem_shared>> -> memref<100352xf32, #tpu.memory_space<vmem_shared>>
        %dma_wait3A_75 = arith.constant 0 : i32
        %dma_wait3A_76 = tpu.memref_slice %dma_wait3A_74[%dma_wait3A_75] : memref<100352xf32, #tpu.memory_space<vmem_shared>> -> memref<100352xf32, #tpu.memory_space<vmem_shared>>
        tpu.wait_indirect_dma semaphore(%run_scoped3A_55 : memref<!tpu.dma_semaphore, #tpu.memory_space<semaphore_mem>>) src(%dma_wait3A_68 : memref<2048xf32, #tpu.memory_space<vmem>>) dst(%dma_wait3A_76 : memref<100352xf32, #tpu.memory_space<vmem_shared>>)
        tpu.yield
      }) : () -> ()
      %run_scoped3A_52 = arith.constant 2 : i32
      %run_scoped3A_53 = arith.constant 2 : i32
      %run_scoped3A_54 = arith.constant 0 : i32
      "tpu.region"() ({
        %run_scoped3A_55 = tpu.sem_alloc : memref<!tpu.dma_semaphore, #tpu.memory_space<semaphore_mem>>
        %dma_start3A = arith.constant 0 : i32
        %dma_start3A_56 = tpu.memref_slice %arg11[%run_scoped3A_52, %dma_start3A] : memref<3x2048xf32, #tpu.memory_space<vmem>> -> memref<1x2048xf32, #tpu.memory_space<vmem>>
        %dma_start3A_57 = tpu.memref_squeeze %dma_start3A_56 : memref<1x2048xf32, #tpu.memory_space<vmem>> -> memref<2048xf32, #tpu.memory_space<vmem>>
        %dma_start3A_58 = arith.constant 0 : i32
        %dma_start3A_59 = tpu.memref_slice %arg9[%run_scoped3A_54, %dma_start3A_58] : memref<1x2048xi32, #tpu.memory_space<vmem>> -> memref<1x2048xi32, #tpu.memory_space<vmem>>
        %dma_start3A_60 = tpu.memref_squeeze %dma_start3A_59 : memref<1x2048xi32, #tpu.memory_space<vmem>> -> memref<2048xi32, #tpu.memory_space<vmem>>
        %dma_start3A_61 = arith.constant 0 : i32
        %dma_start3A_62 = tpu.memref_slice %arg14[%run_scoped3A_53, %dma_start3A_61] : memref<3x100352xf32, #tpu.memory_space<vmem_shared>> -> memref<1x100352xf32, #tpu.memory_space<vmem_shared>>
        %dma_start3A_63 = tpu.memref_squeeze %dma_start3A_62 : memref<1x100352xf32, #tpu.memory_space<vmem_shared>> -> memref<100352xf32, #tpu.memory_space<vmem_shared>>
        %dma_start3A_64 = arith.constant 0 : i32
        %dma_start3A_65 = tpu.memref_slice %dma_start3A_63[%dma_start3A_64] : memref<100352xf32, #tpu.memory_space<vmem_shared>> -> memref<100352xf32, #tpu.memory_space<vmem_shared>>
        tpu.enqueue_indirect_dma source(%dma_start3A_57 : memref<2048xf32, #tpu.memory_space<vmem>>) target(%dma_start3A_65 : memref<100352xf32, #tpu.memory_space<vmem_shared>>) offsets(%dma_start3A_60 : memref<2048xi32, #tpu.memory_space<vmem>>) semaphore(%run_scoped3A_55 : memref<!tpu.dma_semaphore, #tpu.memory_space<semaphore_mem>>) {add = true}
        %dma_wait3A_66 = arith.constant 0 : i32
        %dma_wait3A_67 = tpu.memref_slice %arg11[%run_scoped3A_52, %dma_wait3A_66] : memref<3x2048xf32, #tpu.memory_space<vmem>> -> memref<1x2048xf32, #tpu.memory_space<vmem>>
        %dma_wait3A_68 = tpu.memref_squeeze %dma_wait3A_67 : memref<1x2048xf32, #tpu.memory_space<vmem>> -> memref<2048xf32, #tpu.memory_space<vmem>>
        %dma_wait3A_69 = arith.constant 0 : i32
        %dma_wait3A_70 = tpu.memref_slice %arg9[%run_scoped3A_54, %dma_wait3A_69] : memref<1x2048xi32, #tpu.memory_space<vmem>> -> memref<1x2048xi32, #tpu.memory_space<vmem>>
        %dma_wait3A_71 = tpu.memref_squeeze %dma_wait3A_70 : memref<1x2048xi32, #tpu.memory_space<vmem>> -> memref<2048xi32, #tpu.memory_space<vmem>>
        %dma_wait3A_72 = arith.constant 0 : i32
        %dma_wait3A_73 = tpu.memref_slice %arg14[%run_scoped3A_53, %dma_wait3A_72] : memref<3x100352xf32, #tpu.memory_space<vmem_shared>> -> memref<1x100352xf32, #tpu.memory_space<vmem_shared>>
        %dma_wait3A_74 = tpu.memref_squeeze %dma_wait3A_73 : memref<1x100352xf32, #tpu.memory_space<vmem_shared>> -> memref<100352xf32, #tpu.memory_space<vmem_shared>>
        %dma_wait3A_75 = arith.constant 0 : i32
        %dma_wait3A_76 = tpu.memref_slice %dma_wait3A_74[%dma_wait3A_75] : memref<100352xf32, #tpu.memory_space<vmem_shared>> -> memref<100352xf32, #tpu.memory_space<vmem_shared>>
        tpu.wait_indirect_dma semaphore(%run_scoped3A_55 : memref<!tpu.dma_semaphore, #tpu.memory_space<semaphore_mem>>) src(%dma_wait3A_68 : memref<2048xf32, #tpu.memory_space<vmem>>) dst(%dma_wait3A_76 : memref<100352xf32, #tpu.memory_space<vmem_shared>>)
        tpu.yield
      }) : () -> ()
    } else {
    }
    %barrier3A_20 = arith.constant 0 : index
    tpu.barrier barrier_id(%barrier3A_20)
    %run_scoped3A_21 = arith.constant 0 : i32
    "tpu.region"() ({
      %run_scoped3A_27 = tpu.sem_alloc : memref<!tpu.dma_semaphore, #tpu.memory_space<semaphore_mem>>
      %dma_start3A = arith.constant 0 : i32
      %dma_start3A_28 = tpu.memref_slice %arg14[%run_scoped3A_21, %dma_start3A] : memref<3x100352xf32, #tpu.memory_space<vmem_shared>> -> memref<1x100352xf32, #tpu.memory_space<vmem_shared>>
      %dma_start3A_29 = tpu.memref_squeeze %dma_start3A_28 : memref<1x100352xf32, #tpu.memory_space<vmem_shared>> -> memref<100352xf32, #tpu.memory_space<vmem_shared>>
      %dma_start3A_30 = tpu.memref_slice %dma_start3A_29[%mul3A_2] : memref<100352xf32, #tpu.memory_space<vmem_shared>> -> memref<6272xf32, #tpu.memory_space<vmem_shared>>
      %dma_start3A_31 = arith.constant 0 : i32
      %dma_start3A_32 = tpu.memref_slice %arg14[%run_scoped3A_21, %dma_start3A_31] : memref<3x100352xf32, #tpu.memory_space<vmem_shared>> -> memref<1x100352xf32, #tpu.memory_space<vmem_shared>>
      %dma_start3A_33 = tpu.memref_squeeze %dma_start3A_32 : memref<1x100352xf32, #tpu.memory_space<vmem_shared>> -> memref<100352xf32, #tpu.memory_space<vmem_shared>>
      %dma_start3A_34 = tpu.memref_slice %dma_start3A_33[%mul3A_2] : memref<100352xf32, #tpu.memory_space<vmem_shared>> -> memref<6272xf32, #tpu.memory_space<vmem_shared>>
      tpu.enqueue_dma source(%dma_start3A_34 : memref<6272xf32, #tpu.memory_space<vmem_shared>>) target(%arg12 : memref<6272xf32, #tpu.memory_space<vmem>>) target_semaphore(%run_scoped3A_27 : memref<!tpu.dma_semaphore, #tpu.memory_space<semaphore_mem>>)
      %dma_wait3A = arith.constant 0 : i32
      %dma_wait3A_35 = tpu.memref_slice %arg14[%run_scoped3A_21, %dma_wait3A] : memref<3x100352xf32, #tpu.memory_space<vmem_shared>> -> memref<1x100352xf32, #tpu.memory_space<vmem_shared>>
      %dma_wait3A_36 = tpu.memref_squeeze %dma_wait3A_35 : memref<1x100352xf32, #tpu.memory_space<vmem_shared>> -> memref<100352xf32, #tpu.memory_space<vmem_shared>>
      %dma_wait3A_37 = tpu.memref_slice %dma_wait3A_36[%mul3A_2] : memref<100352xf32, #tpu.memory_space<vmem_shared>> -> memref<6272xf32, #tpu.memory_space<vmem_shared>>
      %dma_wait3A_38 = arith.constant 0 : i32
      %dma_wait3A_39 = tpu.memref_slice %arg14[%run_scoped3A_21, %dma_wait3A_38] : memref<3x100352xf32, #tpu.memory_space<vmem_shared>> -> memref<1x100352xf32, #tpu.memory_space<vmem_shared>>
      %dma_wait3A_40 = tpu.memref_squeeze %dma_wait3A_39 : memref<1x100352xf32, #tpu.memory_space<vmem_shared>> -> memref<100352xf32, #tpu.memory_space<vmem_shared>>
      %dma_wait3A_41 = tpu.memref_slice %dma_wait3A_40[%mul3A_2] : memref<100352xf32, #tpu.memory_space<vmem_shared>> -> memref<6272xf32, #tpu.memory_space<vmem_shared>>
      tpu.wait_dma2 semaphore(%run_scoped3A_27 : memref<!tpu.dma_semaphore, #tpu.memory_space<semaphore_mem>>) src(%dma_wait3A_41 : memref<6272xf32, #tpu.memory_space<vmem_shared>>) dst(%arg12 : memref<6272xf32, #tpu.memory_space<vmem>>)
      tpu.yield
    }) : () -> ()
    %run_scoped3A_22 = arith.constant 0 : i32
    "tpu.region"() ({
      %run_scoped3A_27 = tpu.sem_alloc : memref<!tpu.dma_semaphore, #tpu.memory_space<semaphore_mem>>
      %dma_start3A = arith.constant 0 : i32
      %dma_start3A_28 = arith.constant 0 : i32
      %dma_start3A_29 = tpu.memref_slice %arg5[%arg0, %dma_start3A, %dma_start3A_28] : memref<2x3x100352xf32, #tpu.memory_space<hbm>> -> memref<1x3x100352xf32, #tpu.memory_space<hbm>>
      %dma_start3A_30 = tpu.memref_squeeze %dma_start3A_29 : memref<1x3x100352xf32, #tpu.memory_space<hbm>> -> memref<3x100352xf32, #tpu.memory_space<hbm>>
      %dma_start3A_31 = arith.constant 0 : i32
      %dma_start3A_32 = tpu.memref_slice %dma_start3A_30[%run_scoped3A_22, %dma_start3A_31] : memref<3x100352xf32, #tpu.memory_space<hbm>> -> memref<1x100352xf32, #tpu.memory_space<hbm>>
      %dma_start3A_33 = tpu.memref_squeeze %dma_start3A_32 : memref<1x100352xf32, #tpu.memory_space<hbm>> -> memref<100352xf32, #tpu.memory_space<hbm>>
      %dma_start3A_34 = tpu.memref_slice %dma_start3A_33[%mul3A_2] : memref<100352xf32, #tpu.memory_space<hbm>> -> memref<6272xf32, #tpu.memory_space<hbm>>
      %dma_start3A_35 = arith.constant 0 : i32
      %dma_start3A_36 = arith.constant 0 : i32
      %dma_start3A_37 = tpu.memref_slice %arg5[%arg0, %dma_start3A_35, %dma_start3A_36] : memref<2x3x100352xf32, #tpu.memory_space<hbm>> -> memref<1x3x100352xf32, #tpu.memory_space<hbm>>
      %dma_start3A_38 = tpu.memref_squeeze %dma_start3A_37 : memref<1x3x100352xf32, #tpu.memory_space<hbm>> -> memref<3x100352xf32, #tpu.memory_space<hbm>>
      %dma_start3A_39 = arith.constant 0 : i32
      %dma_start3A_40 = tpu.memref_slice %dma_start3A_38[%run_scoped3A_22, %dma_start3A_39] : memref<3x100352xf32, #tpu.memory_space<hbm>> -> memref<1x100352xf32, #tpu.memory_space<hbm>>
      %dma_start3A_41 = tpu.memref_squeeze %dma_start3A_40 : memref<1x100352xf32, #tpu.memory_space<hbm>> -> memref<100352xf32, #tpu.memory_space<hbm>>
      %dma_start3A_42 = tpu.memref_slice %dma_start3A_41[%mul3A_2] : memref<100352xf32, #tpu.memory_space<hbm>> -> memref<6272xf32, #tpu.memory_space<hbm>>
      tpu.enqueue_dma source(%arg12 : memref<6272xf32, #tpu.memory_space<vmem>>) target(%dma_start3A_42 : memref<6272xf32, #tpu.memory_space<hbm>>) target_semaphore(%run_scoped3A_27 : memref<!tpu.dma_semaphore, #tpu.memory_space<semaphore_mem>>)
      %dma_wait3A = arith.constant 0 : i32
      %dma_wait3A_43 = arith.constant 0 : i32
      %dma_wait3A_44 = tpu.memref_slice %arg5[%arg0, %dma_wait3A, %dma_wait3A_43] : memref<2x3x100352xf32, #tpu.memory_space<hbm>> -> memref<1x3x100352xf32, #tpu.memory_space<hbm>>
      %dma_wait3A_45 = tpu.memref_squeeze %dma_wait3A_44 : memref<1x3x100352xf32, #tpu.memory_space<hbm>> -> memref<3x100352xf32, #tpu.memory_space<hbm>>
      %dma_wait3A_46 = arith.constant 0 : i32
      %dma_wait3A_47 = tpu.memref_slice %dma_wait3A_45[%run_scoped3A_22, %dma_wait3A_46] : memref<3x100352xf32, #tpu.memory_space<hbm>> -> memref<1x100352xf32, #tpu.memory_space<hbm>>
      %dma_wait3A_48 = tpu.memref_squeeze %dma_wait3A_47 : memref<1x100352xf32, #tpu.memory_space<hbm>> -> memref<100352xf32, #tpu.memory_space<hbm>>
      %dma_wait3A_49 = tpu.memref_slice %dma_wait3A_48[%mul3A_2] : memref<100352xf32, #tpu.memory_space<hbm>> -> memref<6272xf32, #tpu.memory_space<hbm>>
      %dma_wait3A_50 = arith.constant 0 : i32
      %dma_wait3A_51 = arith.constant 0 : i32
      %dma_wait3A_52 = tpu.memref_slice %arg5[%arg0, %dma_wait3A_50, %dma_wait3A_51] : memref<2x3x100352xf32, #tpu.memory_space<hbm>> -> memref<1x3x100352xf32, #tpu.memory_space<hbm>>
      %dma_wait3A_53 = tpu.memref_squeeze %dma_wait3A_52 : memref<1x3x100352xf32, #tpu.memory_space<hbm>> -> memref<3x100352xf32, #tpu.memory_space<hbm>>
      %dma_wait3A_54 = arith.constant 0 : i32
      %dma_wait3A_55 = tpu.memref_slice %dma_wait3A_53[%run_scoped3A_22, %dma_wait3A_54] : memref<3x100352xf32, #tpu.memory_space<hbm>> -> memref<1x100352xf32, #tpu.memory_space<hbm>>
      %dma_wait3A_56 = tpu.memref_squeeze %dma_wait3A_55 : memref<1x100352xf32, #tpu.memory_space<hbm>> -> memref<100352xf32, #tpu.memory_space<hbm>>
      %dma_wait3A_57 = tpu.memref_slice %dma_wait3A_56[%mul3A_2] : memref<100352xf32, #tpu.memory_space<hbm>> -> memref<6272xf32, #tpu.memory_space<hbm>>
      tpu.wait_dma2 semaphore(%run_scoped3A_27 : memref<!tpu.dma_semaphore, #tpu.memory_space<semaphore_mem>>) src(%arg12 : memref<6272xf32, #tpu.memory_space<vmem>>) dst(%dma_wait3A_57 : memref<6272xf32, #tpu.memory_space<hbm>>)
      tpu.yield
    }) : () -> ()
    %run_scoped3A_23 = arith.constant 1 : i32
    "tpu.region"() ({
      %run_scoped3A_27 = tpu.sem_alloc : memref<!tpu.dma_semaphore, #tpu.memory_space<semaphore_mem>>
      %dma_start3A = arith.constant 0 : i32
      %dma_start3A_28 = tpu.memref_slice %arg14[%run_scoped3A_23, %dma_start3A] : memref<3x100352xf32, #tpu.memory_space<vmem_shared>> -> memref<1x100352xf32, #tpu.memory_space<vmem_shared>>
      %dma_start3A_29 = tpu.memref_squeeze %dma_start3A_28 : memref<1x100352xf32, #tpu.memory_space<vmem_shared>> -> memref<100352xf32, #tpu.memory_space<vmem_shared>>
      %dma_start3A_30 = tpu.memref_slice %dma_start3A_29[%mul3A_2] : memref<100352xf32, #tpu.memory_space<vmem_shared>> -> memref<6272xf32, #tpu.memory_space<vmem_shared>>
      %dma_start3A_31 = arith.constant 0 : i32
      %dma_start3A_32 = tpu.memref_slice %arg14[%run_scoped3A_23, %dma_start3A_31] : memref<3x100352xf32, #tpu.memory_space<vmem_shared>> -> memref<1x100352xf32, #tpu.memory_space<vmem_shared>>
      %dma_start3A_33 = tpu.memref_squeeze %dma_start3A_32 : memref<1x100352xf32, #tpu.memory_space<vmem_shared>> -> memref<100352xf32, #tpu.memory_space<vmem_shared>>
      %dma_start3A_34 = tpu.memref_slice %dma_start3A_33[%mul3A_2] : memref<100352xf32, #tpu.memory_space<vmem_shared>> -> memref<6272xf32, #tpu.memory_space<vmem_shared>>
      tpu.enqueue_dma source(%dma_start3A_34 : memref<6272xf32, #tpu.memory_space<vmem_shared>>) target(%arg12 : memref<6272xf32, #tpu.memory_space<vmem>>) target_semaphore(%run_scoped3A_27 : memref<!tpu.dma_semaphore, #tpu.memory_space<semaphore_mem>>)
      %dma_wait3A = arith.constant 0 : i32
      %dma_wait3A_35 = tpu.memref_slice %arg14[%run_scoped3A_23, %dma_wait3A] : memref<3x100352xf32, #tpu.memory_space<vmem_shared>> -> memref<1x100352xf32, #tpu.memory_space<vmem_shared>>
      %dma_wait3A_36 = tpu.memref_squeeze %dma_wait3A_35 : memref<1x100352xf32, #tpu.memory_space<vmem_shared>> -> memref<100352xf32, #tpu.memory_space<vmem_shared>>
      %dma_wait3A_37 = tpu.memref_slice %dma_wait3A_36[%mul3A_2] : memref<100352xf32, #tpu.memory_space<vmem_shared>> -> memref<6272xf32, #tpu.memory_space<vmem_shared>>
      %dma_wait3A_38 = arith.constant 0 : i32
      %dma_wait3A_39 = tpu.memref_slice %arg14[%run_scoped3A_23, %dma_wait3A_38] : memref<3x100352xf32, #tpu.memory_space<vmem_shared>> -> memref<1x100352xf32, #tpu.memory_space<vmem_shared>>
      %dma_wait3A_40 = tpu.memref_squeeze %dma_wait3A_39 : memref<1x100352xf32, #tpu.memory_space<vmem_shared>> -> memref<100352xf32, #tpu.memory_space<vmem_shared>>
      %dma_wait3A_41 = tpu.memref_slice %dma_wait3A_40[%mul3A_2] : memref<100352xf32, #tpu.memory_space<vmem_shared>> -> memref<6272xf32, #tpu.memory_space<vmem_shared>>
      tpu.wait_dma2 semaphore(%run_scoped3A_27 : memref<!tpu.dma_semaphore, #tpu.memory_space<semaphore_mem>>) src(%dma_wait3A_41 : memref<6272xf32, #tpu.memory_space<vmem_shared>>) dst(%arg12 : memref<6272xf32, #tpu.memory_space<vmem>>)
      tpu.yield
    }) : () -> ()
    %run_scoped3A_24 = arith.constant 1 : i32
    "tpu.region"() ({
      %run_scoped3A_27 = tpu.sem_alloc : memref<!tpu.dma_semaphore, #tpu.memory_space<semaphore_mem>>
      %dma_start3A = arith.constant 0 : i32
      %dma_start3A_28 = arith.constant 0 : i32
      %dma_start3A_29 = tpu.memref_slice %arg5[%arg0, %dma_start3A, %dma_start3A_28] : memref<2x3x100352xf32, #tpu.memory_space<hbm>> -> memref<1x3x100352xf32, #tpu.memory_space<hbm>>
      %dma_start3A_30 = tpu.memref_squeeze %dma_start3A_29 : memref<1x3x100352xf32, #tpu.memory_space<hbm>> -> memref<3x100352xf32, #tpu.memory_space<hbm>>
      %dma_start3A_31 = arith.constant 0 : i32
      %dma_start3A_32 = tpu.memref_slice %dma_start3A_30[%run_scoped3A_24, %dma_start3A_31] : memref<3x100352xf32, #tpu.memory_space<hbm>> -> memref<1x100352xf32, #tpu.memory_space<hbm>>
      %dma_start3A_33 = tpu.memref_squeeze %dma_start3A_32 : memref<1x100352xf32, #tpu.memory_space<hbm>> -> memref<100352xf32, #tpu.memory_space<hbm>>
      %dma_start3A_34 = tpu.memref_slice %dma_start3A_33[%mul3A_2] : memref<100352xf32, #tpu.memory_space<hbm>> -> memref<6272xf32, #tpu.memory_space<hbm>>
      %dma_start3A_35 = arith.constant 0 : i32
      %dma_start3A_36 = arith.constant 0 : i32
      %dma_start3A_37 = tpu.memref_slice %arg5[%arg0, %dma_start3A_35, %dma_start3A_36] : memref<2x3x100352xf32, #tpu.memory_space<hbm>> -> memref<1x3x100352xf32, #tpu.memory_space<hbm>>
      %dma_start3A_38 = tpu.memref_squeeze %dma_start3A_37 : memref<1x3x100352xf32, #tpu.memory_space<hbm>> -> memref<3x100352xf32, #tpu.memory_space<hbm>>
      %dma_start3A_39 = arith.constant 0 : i32
      %dma_start3A_40 = tpu.memref_slice %dma_start3A_38[%run_scoped3A_24, %dma_start3A_39] : memref<3x100352xf32, #tpu.memory_space<hbm>> -> memref<1x100352xf32, #tpu.memory_space<hbm>>
      %dma_start3A_41 = tpu.memref_squeeze %dma_start3A_40 : memref<1x100352xf32, #tpu.memory_space<hbm>> -> memref<100352xf32, #tpu.memory_space<hbm>>
      %dma_start3A_42 = tpu.memref_slice %dma_start3A_41[%mul3A_2] : memref<100352xf32, #tpu.memory_space<hbm>> -> memref<6272xf32, #tpu.memory_space<hbm>>
      tpu.enqueue_dma source(%arg12 : memref<6272xf32, #tpu.memory_space<vmem>>) target(%dma_start3A_42 : memref<6272xf32, #tpu.memory_space<hbm>>) target_semaphore(%run_scoped3A_27 : memref<!tpu.dma_semaphore, #tpu.memory_space<semaphore_mem>>)
      %dma_wait3A = arith.constant 0 : i32
      %dma_wait3A_43 = arith.constant 0 : i32
      %dma_wait3A_44 = tpu.memref_slice %arg5[%arg0, %dma_wait3A, %dma_wait3A_43] : memref<2x3x100352xf32, #tpu.memory_space<hbm>> -> memref<1x3x100352xf32, #tpu.memory_space<hbm>>
      %dma_wait3A_45 = tpu.memref_squeeze %dma_wait3A_44 : memref<1x3x100352xf32, #tpu.memory_space<hbm>> -> memref<3x100352xf32, #tpu.memory_space<hbm>>
      %dma_wait3A_46 = arith.constant 0 : i32
      %dma_wait3A_47 = tpu.memref_slice %dma_wait3A_45[%run_scoped3A_24, %dma_wait3A_46] : memref<3x100352xf32, #tpu.memory_space<hbm>> -> memref<1x100352xf32, #tpu.memory_space<hbm>>
      %dma_wait3A_48 = tpu.memref_squeeze %dma_wait3A_47 : memref<1x100352xf32, #tpu.memory_space<hbm>> -> memref<100352xf32, #tpu.memory_space<hbm>>
      %dma_wait3A_49 = tpu.memref_slice %dma_wait3A_48[%mul3A_2] : memref<100352xf32, #tpu.memory_space<hbm>> -> memref<6272xf32, #tpu.memory_space<hbm>>
      %dma_wait3A_50 = arith.constant 0 : i32
      %dma_wait3A_51 = arith.constant 0 : i32
      %dma_wait3A_52 = tpu.memref_slice %arg5[%arg0, %dma_wait3A_50, %dma_wait3A_51] : memref<2x3x100352xf32, #tpu.memory_space<hbm>> -> memref<1x3x100352xf32, #tpu.memory_space<hbm>>
      %dma_wait3A_53 = tpu.memref_squeeze %dma_wait3A_52 : memref<1x3x100352xf32, #tpu.memory_space<hbm>> -> memref<3x100352xf32, #tpu.memory_space<hbm>>
      %dma_wait3A_54 = arith.constant 0 : i32
      %dma_wait3A_55 = tpu.memref_slice %dma_wait3A_53[%run_scoped3A_24, %dma_wait3A_54] : memref<3x100352xf32, #tpu.memory_space<hbm>> -> memref<1x100352xf32, #tpu.memory_space<hbm>>
      %dma_wait3A_56 = tpu.memref_squeeze %dma_wait3A_55 : memref<1x100352xf32, #tpu.memory_space<hbm>> -> memref<100352xf32, #tpu.memory_space<hbm>>
      %dma_wait3A_57 = tpu.memref_slice %dma_wait3A_56[%mul3A_2] : memref<100352xf32, #tpu.memory_space<hbm>> -> memref<6272xf32, #tpu.memory_space<hbm>>
      tpu.wait_dma2 semaphore(%run_scoped3A_27 : memref<!tpu.dma_semaphore, #tpu.memory_space<semaphore_mem>>) src(%arg12 : memref<6272xf32, #tpu.memory_space<vmem>>) dst(%dma_wait3A_57 : memref<6272xf32, #tpu.memory_space<hbm>>)
      tpu.yield
    }) : () -> ()
    %run_scoped3A_25 = arith.constant 2 : i32
    "tpu.region"() ({
      %run_scoped3A_27 = tpu.sem_alloc : memref<!tpu.dma_semaphore, #tpu.memory_space<semaphore_mem>>
      %dma_start3A = arith.constant 0 : i32
      %dma_start3A_28 = tpu.memref_slice %arg14[%run_scoped3A_25, %dma_start3A] : memref<3x100352xf32, #tpu.memory_space<vmem_shared>> -> memref<1x100352xf32, #tpu.memory_space<vmem_shared>>
      %dma_start3A_29 = tpu.memref_squeeze %dma_start3A_28 : memref<1x100352xf32, #tpu.memory_space<vmem_shared>> -> memref<100352xf32, #tpu.memory_space<vmem_shared>>
      %dma_start3A_30 = tpu.memref_slice %dma_start3A_29[%mul3A_2] : memref<100352xf32, #tpu.memory_space<vmem_shared>> -> memref<6272xf32, #tpu.memory_space<vmem_shared>>
      %dma_start3A_31 = arith.constant 0 : i32
      %dma_start3A_32 = tpu.memref_slice %arg14[%run_scoped3A_25, %dma_start3A_31] : memref<3x100352xf32, #tpu.memory_space<vmem_shared>> -> memref<1x100352xf32, #tpu.memory_space<vmem_shared>>
      %dma_start3A_33 = tpu.memref_squeeze %dma_start3A_32 : memref<1x100352xf32, #tpu.memory_space<vmem_shared>> -> memref<100352xf32, #tpu.memory_space<vmem_shared>>
      %dma_start3A_34 = tpu.memref_slice %dma_start3A_33[%mul3A_2] : memref<100352xf32, #tpu.memory_space<vmem_shared>> -> memref<6272xf32, #tpu.memory_space<vmem_shared>>
      tpu.enqueue_dma source(%dma_start3A_34 : memref<6272xf32, #tpu.memory_space<vmem_shared>>) target(%arg12 : memref<6272xf32, #tpu.memory_space<vmem>>) target_semaphore(%run_scoped3A_27 : memref<!tpu.dma_semaphore, #tpu.memory_space<semaphore_mem>>)
      %dma_wait3A = arith.constant 0 : i32
      %dma_wait3A_35 = tpu.memref_slice %arg14[%run_scoped3A_25, %dma_wait3A] : memref<3x100352xf32, #tpu.memory_space<vmem_shared>> -> memref<1x100352xf32, #tpu.memory_space<vmem_shared>>
      %dma_wait3A_36 = tpu.memref_squeeze %dma_wait3A_35 : memref<1x100352xf32, #tpu.memory_space<vmem_shared>> -> memref<100352xf32, #tpu.memory_space<vmem_shared>>
      %dma_wait3A_37 = tpu.memref_slice %dma_wait3A_36[%mul3A_2] : memref<100352xf32, #tpu.memory_space<vmem_shared>> -> memref<6272xf32, #tpu.memory_space<vmem_shared>>
      %dma_wait3A_38 = arith.constant 0 : i32
      %dma_wait3A_39 = tpu.memref_slice %arg14[%run_scoped3A_25, %dma_wait3A_38] : memref<3x100352xf32, #tpu.memory_space<vmem_shared>> -> memref<1x100352xf32, #tpu.memory_space<vmem_shared>>
      %dma_wait3A_40 = tpu.memref_squeeze %dma_wait3A_39 : memref<1x100352xf32, #tpu.memory_space<vmem_shared>> -> memref<100352xf32, #tpu.memory_space<vmem_shared>>
      %dma_wait3A_41 = tpu.memref_slice %dma_wait3A_40[%mul3A_2] : memref<100352xf32, #tpu.memory_space<vmem_shared>> -> memref<6272xf32, #tpu.memory_space<vmem_shared>>
      tpu.wait_dma2 semaphore(%run_scoped3A_27 : memref<!tpu.dma_semaphore, #tpu.memory_space<semaphore_mem>>) src(%dma_wait3A_41 : memref<6272xf32, #tpu.memory_space<vmem_shared>>) dst(%arg12 : memref<6272xf32, #tpu.memory_space<vmem>>)
      tpu.yield
    }) : () -> ()
    %run_scoped3A_26 = arith.constant 2 : i32
    "tpu.region"() ({
      %run_scoped3A_27 = tpu.sem_alloc : memref<!tpu.dma_semaphore, #tpu.memory_space<semaphore_mem>>
      %dma_start3A = arith.constant 0 : i32
      %dma_start3A_28 = arith.constant 0 : i32
      %dma_start3A_29 = tpu.memref_slice %arg5[%arg0, %dma_start3A, %dma_start3A_28] : memref<2x3x100352xf32, #tpu.memory_space<hbm>> -> memref<1x3x100352xf32, #tpu.memory_space<hbm>>
      %dma_start3A_30 = tpu.memref_squeeze %dma_start3A_29 : memref<1x3x100352xf32, #tpu.memory_space<hbm>> -> memref<3x100352xf32, #tpu.memory_space<hbm>>
      %dma_start3A_31 = arith.constant 0 : i32
      %dma_start3A_32 = tpu.memref_slice %dma_start3A_30[%run_scoped3A_26, %dma_start3A_31] : memref<3x100352xf32, #tpu.memory_space<hbm>> -> memref<1x100352xf32, #tpu.memory_space<hbm>>
      %dma_start3A_33 = tpu.memref_squeeze %dma_start3A_32 : memref<1x100352xf32, #tpu.memory_space<hbm>> -> memref<100352xf32, #tpu.memory_space<hbm>>
      %dma_start3A_34 = tpu.memref_slice %dma_start3A_33[%mul3A_2] : memref<100352xf32, #tpu.memory_space<hbm>> -> memref<6272xf32, #tpu.memory_space<hbm>>
      %dma_start3A_35 = arith.constant 0 : i32
      %dma_start3A_36 = arith.constant 0 : i32
      %dma_start3A_37 = tpu.memref_slice %arg5[%arg0, %dma_start3A_35, %dma_start3A_36] : memref<2x3x100352xf32, #tpu.memory_space<hbm>> -> memref<1x3x100352xf32, #tpu.memory_space<hbm>>
      %dma_start3A_38 = tpu.memref_squeeze %dma_start3A_37 : memref<1x3x100352xf32, #tpu.memory_space<hbm>> -> memref<3x100352xf32, #tpu.memory_space<hbm>>
      %dma_start3A_39 = arith.constant 0 : i32
      %dma_start3A_40 = tpu.memref_slice %dma_start3A_38[%run_scoped3A_26, %dma_start3A_39] : memref<3x100352xf32, #tpu.memory_space<hbm>> -> memref<1x100352xf32, #tpu.memory_space<hbm>>
      %dma_start3A_41 = tpu.memref_squeeze %dma_start3A_40 : memref<1x100352xf32, #tpu.memory_space<hbm>> -> memref<100352xf32, #tpu.memory_space<hbm>>
      %dma_start3A_42 = tpu.memref_slice %dma_start3A_41[%mul3A_2] : memref<100352xf32, #tpu.memory_space<hbm>> -> memref<6272xf32, #tpu.memory_space<hbm>>
      tpu.enqueue_dma source(%arg12 : memref<6272xf32, #tpu.memory_space<vmem>>) target(%dma_start3A_42 : memref<6272xf32, #tpu.memory_space<hbm>>) target_semaphore(%run_scoped3A_27 : memref<!tpu.dma_semaphore, #tpu.memory_space<semaphore_mem>>)
      %dma_wait3A = arith.constant 0 : i32
      %dma_wait3A_43 = arith.constant 0 : i32
      %dma_wait3A_44 = tpu.memref_slice %arg5[%arg0, %dma_wait3A, %dma_wait3A_43] : memref<2x3x100352xf32, #tpu.memory_space<hbm>> -> memref<1x3x100352xf32, #tpu.memory_space<hbm>>
      %dma_wait3A_45 = tpu.memref_squeeze %dma_wait3A_44 : memref<1x3x100352xf32, #tpu.memory_space<hbm>> -> memref<3x100352xf32, #tpu.memory_space<hbm>>
      %dma_wait3A_46 = arith.constant 0 : i32
      %dma_wait3A_47 = tpu.memref_slice %dma_wait3A_45[%run_scoped3A_26, %dma_wait3A_46] : memref<3x100352xf32, #tpu.memory_space<hbm>> -> memref<1x100352xf32, #tpu.memory_space<hbm>>
      %dma_wait3A_48 = tpu.memref_squeeze %dma_wait3A_47 : memref<1x100352xf32, #tpu.memory_space<hbm>> -> memref<100352xf32, #tpu.memory_space<hbm>>
      %dma_wait3A_49 = tpu.memref_slice %dma_wait3A_48[%mul3A_2] : memref<100352xf32, #tpu.memory_space<hbm>> -> memref<6272xf32, #tpu.memory_space<hbm>>
      %dma_wait3A_50 = arith.constant 0 : i32
      %dma_wait3A_51 = arith.constant 0 : i32
      %dma_wait3A_52 = tpu.memref_slice %arg5[%arg0, %dma_wait3A_50, %dma_wait3A_51] : memref<2x3x100352xf32, #tpu.memory_space<hbm>> -> memref<1x3x100352xf32, #tpu.memory_space<hbm>>
      %dma_wait3A_53 = tpu.memref_squeeze %dma_wait3A_52 : memref<1x3x100352xf32, #tpu.memory_space<hbm>> -> memref<3x100352xf32, #tpu.memory_space<hbm>>
      %dma_wait3A_54 = arith.constant 0 : i32
      %dma_wait3A_55 = tpu.memref_slice %dma_wait3A_53[%run_scoped3A_26, %dma_wait3A_54] : memref<3x100352xf32, #tpu.memory_space<hbm>> -> memref<1x100352xf32, #tpu.memory_space<hbm>>
      %dma_wait3A_56 = tpu.memref_squeeze %dma_wait3A_55 : memref<1x100352xf32, #tpu.memory_space<hbm>> -> memref<100352xf32, #tpu.memory_space<hbm>>
      %dma_wait3A_57 = tpu.memref_slice %dma_wait3A_56[%mul3A_2] : memref<100352xf32, #tpu.memory_space<hbm>> -> memref<6272xf32, #tpu.memory_space<hbm>>
      tpu.wait_dma2 semaphore(%run_scoped3A_27 : memref<!tpu.dma_semaphore, #tpu.memory_space<semaphore_mem>>) src(%arg12 : memref<6272xf32, #tpu.memory_space<vmem>>) dst(%dma_wait3A_57 : memref<6272xf32, #tpu.memory_space<hbm>>)
      tpu.yield
    }) : () -> ()
    return
  }
}

#map = affine_map<(d0, d1) -> (0, 0)>
module attributes {stable_mosaic.version = 14 : i64} {
  func.func @_sc_degrees(%arg0: i32, %arg1: i32, %arg2: memref<3125x2048xi32, #tpu.memory_space<hbm>>, %arg3: memref<3125x2048xi32, #tpu.memory_space<hbm>>, %arg4: memref<2x100352xf32, #tpu.memory_space<hbm>>, %arg5: memref<2x100352xf32, #tpu.memory_space<hbm>>, %arg6: memref<1x2048xi32, #tpu.memory_space<vmem>>, %arg7: memref<1x2048xi32, #tpu.memory_space<vmem>>, %arg8: memref<2048xf32, #tpu.memory_space<vmem>>, %arg9: memref<6272xf32, #tpu.memory_space<vmem>>, %arg10: memref<100352xf32, #tpu.memory_space<vmem_shared>>, %arg11: memref<100352xf32, #tpu.memory_space<vmem_shared>>) attributes {dimension_semantics = [#tpu.dimension_semantics<core_parallel>, #tpu.dimension_semantics<subcore_parallel>], iteration_bounds = array<i64: 2, 16>, scalar_prefetch = 0 : i64, scratch_operands = 6 : i64, tpu.core_type = #tpu.core_type<sc_vector_subcore>, window_params = [{transform_indices = #map}, {transform_indices = #map}, {transform_indices = #map}, {transform_indices = #map}]} {
    %mul3A = arith.constant 16 : i32
    %mul3A_0 = arith.muli %arg0, %mul3A : i32
    %add3A = arith.addi %mul3A_0, %arg1 : i32
    %scan3A = arith.constant 0 : i32
    %scan3A_1 = arith.constant 128 : i32
    %scan3A_2 = arith.addi %scan3A, %scan3A_1 : i32
    %scan3A_3 = arith.constant 1 : i32
    scf.for %scan3A_18 = %scan3A to %scan3A_2 step %scan3A_3  : i32 {
      %mul3A_19 = arith.constant 16 : i32
      %mul3A_20 = arith.muli %scan3A_18, %mul3A_19 : i32
      %add3A_21 = arith.constant 0 : i32
      %add3A_22 = arith.addi %add3A_21, %mul3A_20 : i32
      %broadcast_in_dim3A = arith.constant 1.000000e+00 : f32
      %broadcast_in_dim3A_23 = vector.broadcast %broadcast_in_dim3A : f32 to vector<16xf32>
      %swap3A = arith.index_cast %add3A_22 : i32 to index
      %swap3A_24 = tpu.vector_load %arg8[%swap3A] {strides = array<i32>} : memref<2048xf32, #tpu.memory_space<vmem>>, vector<16xf32>,
      %swap3A_25 = vector.shape_cast %swap3A_24 : vector<16xf32> to vector<16xf32>
      %swap3A_26 = vector.shape_cast %broadcast_in_dim3A_23 : vector<16xf32> to vector<16xf32>
      tpu.vector_store %arg8[%swap3A], %swap3A_26 {strides = array<i32>} : memref<2048xf32, #tpu.memory_space<vmem>>, vector<16xf32>,
    }
    %scan3A_4 = arith.constant 128 : i32
    %scan3A_5 = arith.constant 0 : i32
    %scan3A_6 = arith.constant 392 : i32
    %scan3A_7 = arith.addi %scan3A_5, %scan3A_6 : i32
    %scan3A_8 = arith.constant 1 : i32
    scf.for %scan3A_18 = %scan3A_5 to %scan3A_7 step %scan3A_8  : i32 {
      %mul3A_19 = arith.constant 16 : i32
      %mul3A_20 = arith.muli %scan3A_18, %mul3A_19 : i32
      %add3A_21 = arith.constant 0 : i32
      %add3A_22 = arith.addi %add3A_21, %mul3A_20 : i32
      %broadcast_in_dim3A = arith.constant 0.000000e+00 : f32
      %broadcast_in_dim3A_23 = vector.broadcast %broadcast_in_dim3A : f32 to vector<16xf32>
      %swap3A = arith.index_cast %add3A_22 : i32 to index
      %swap3A_24 = tpu.vector_load %arg9[%swap3A] {strides = array<i32>} : memref<6272xf32, #tpu.memory_space<vmem>>, vector<16xf32>,
      %swap3A_25 = vector.shape_cast %swap3A_24 : vector<16xf32> to vector<16xf32>
      %swap3A_26 = vector.shape_cast %broadcast_in_dim3A_23 : vector<16xf32> to vector<16xf32>
      tpu.vector_store %arg9[%swap3A], %swap3A_26 {strides = array<i32>} : memref<6272xf32, #tpu.memory_space<vmem>>, vector<16xf32>,
    }
    %scan3A_9 = arith.constant 392 : i32
    %mul3A_10 = arith.constant 6272 : i32
    %mul3A_11 = arith.muli %arg1, %mul3A_10 : i32
    "tpu.region"() ({
      %run_scoped3A = tpu.sem_alloc : memref<!tpu.dma_semaphore, #tpu.memory_space<semaphore_mem>>
      %dma_start3A = tpu.memref_slice %arg10[%mul3A_11] : memref<100352xf32, #tpu.memory_space<vmem_shared>> -> memref<6272xf32, #tpu.memory_space<vmem_shared>>
      %dma_start3A_18 = tpu.memref_slice %arg10[%mul3A_11] : memref<100352xf32, #tpu.memory_space<vmem_shared>> -> memref<6272xf32, #tpu.memory_space<vmem_shared>>
      tpu.enqueue_dma source(%arg9 : memref<6272xf32, #tpu.memory_space<vmem>>) target(%dma_start3A_18 : memref<6272xf32, #tpu.memory_space<vmem_shared>>) target_semaphore(%run_scoped3A : memref<!tpu.dma_semaphore, #tpu.memory_space<semaphore_mem>>)
      %dma_wait3A = tpu.memref_slice %arg10[%mul3A_11] : memref<100352xf32, #tpu.memory_space<vmem_shared>> -> memref<6272xf32, #tpu.memory_space<vmem_shared>>
      %dma_wait3A_19 = tpu.memref_slice %arg10[%mul3A_11] : memref<100352xf32, #tpu.memory_space<vmem_shared>> -> memref<6272xf32, #tpu.memory_space<vmem_shared>>
      tpu.wait_dma2 semaphore(%run_scoped3A : memref<!tpu.dma_semaphore, #tpu.memory_space<semaphore_mem>>) src(%arg9 : memref<6272xf32, #tpu.memory_space<vmem>>) dst(%dma_wait3A_19 : memref<6272xf32, #tpu.memory_space<vmem_shared>>)
      tpu.yield
    }) : () -> ()
    "tpu.region"() ({
      %run_scoped3A = tpu.sem_alloc : memref<!tpu.dma_semaphore, #tpu.memory_space<semaphore_mem>>
      %dma_start3A = tpu.memref_slice %arg11[%mul3A_11] : memref<100352xf32, #tpu.memory_space<vmem_shared>> -> memref<6272xf32, #tpu.memory_space<vmem_shared>>
      %dma_start3A_18 = tpu.memref_slice %arg11[%mul3A_11] : memref<100352xf32, #tpu.memory_space<vmem_shared>> -> memref<6272xf32, #tpu.memory_space<vmem_shared>>
      tpu.enqueue_dma source(%arg9 : memref<6272xf32, #tpu.memory_space<vmem>>) target(%dma_start3A_18 : memref<6272xf32, #tpu.memory_space<vmem_shared>>) target_semaphore(%run_scoped3A : memref<!tpu.dma_semaphore, #tpu.memory_space<semaphore_mem>>)
      %dma_wait3A = tpu.memref_slice %arg11[%mul3A_11] : memref<100352xf32, #tpu.memory_space<vmem_shared>> -> memref<6272xf32, #tpu.memory_space<vmem_shared>>
      %dma_wait3A_19 = tpu.memref_slice %arg11[%mul3A_11] : memref<100352xf32, #tpu.memory_space<vmem_shared>> -> memref<6272xf32, #tpu.memory_space<vmem_shared>>
      tpu.wait_dma2 semaphore(%run_scoped3A : memref<!tpu.dma_semaphore, #tpu.memory_space<semaphore_mem>>) src(%arg9 : memref<6272xf32, #tpu.memory_space<vmem>>) dst(%dma_wait3A_19 : memref<6272xf32, #tpu.memory_space<vmem_shared>>)
      tpu.yield
    }) : () -> ()
    %barrier3A = arith.constant 0 : index
    tpu.barrier barrier_id(%barrier3A)
    %scan3A_12 = arith.constant 0 : i32
    %scan3A_13 = arith.constant 98 : i32
    %scan3A_14 = arith.addi %scan3A_12, %scan3A_13 : i32
    %scan3A_15 = arith.constant 1 : i32
    scf.for %scan3A_18 = %scan3A_12 to %scan3A_14 step %scan3A_15  : i32 {
      %mul3A_19 = arith.constant 1 : i32
      %mul3A_20 = arith.muli %scan3A_18, %mul3A_19 : i32
      %add3A_21 = arith.constant 0 : i32
      %add3A_22 = arith.addi %add3A_21, %mul3A_20 : i32
      %mul3A_23 = arith.constant 32 : i32
      %mul3A_24 = arith.muli %add3A_22, %mul3A_23 : i32
      %add3A_25 = arith.addi %add3A, %mul3A_24 : i32
      %lt3A = arith.constant 3125 : i32
      %lt3A_26 = arith.cmpi slt, %add3A_25, %lt3A : i32
      %convert_element_type3A = arith.extui %lt3A_26 : i1 to i32
      %cond3A = arith.constant 0 : i32
      %cond3A_27 = arith.cmpi ne, %convert_element_type3A, %cond3A : i32
      scf.if %cond3A_27 {
        "tpu.region"() ({
          %run_scoped3A_29 = tpu.sem_alloc : memref<!tpu.dma_semaphore, #tpu.memory_space<semaphore_mem>>
          %dma_start3A = arith.constant 0 : i32
          %dma_start3A_30 = tpu.memref_slice %arg2[%add3A_25, %dma_start3A] : memref<3125x2048xi32, #tpu.memory_space<hbm>> -> memref<1x2048xi32, #tpu.memory_space<hbm>>
          %dma_start3A_31 = arith.constant 0 : i32
          %dma_start3A_32 = tpu.memref_slice %arg2[%add3A_25, %dma_start3A_31] : memref<3125x2048xi32, #tpu.memory_space<hbm>> -> memref<1x2048xi32, #tpu.memory_space<hbm>>
          tpu.enqueue_dma source(%dma_start3A_32 : memref<1x2048xi32, #tpu.memory_space<hbm>>) target(%arg6 : memref<1x2048xi32, #tpu.memory_space<vmem>>) target_semaphore(%run_scoped3A_29 : memref<!tpu.dma_semaphore, #tpu.memory_space<semaphore_mem>>)
          %dma_wait3A = arith.constant 0 : i32
          %dma_wait3A_33 = tpu.memref_slice %arg2[%add3A_25, %dma_wait3A] : memref<3125x2048xi32, #tpu.memory_space<hbm>> -> memref<1x2048xi32, #tpu.memory_space<hbm>>
          %dma_wait3A_34 = arith.constant 0 : i32
          %dma_wait3A_35 = tpu.memref_slice %arg2[%add3A_25, %dma_wait3A_34] : memref<3125x2048xi32, #tpu.memory_space<hbm>> -> memref<1x2048xi32, #tpu.memory_space<hbm>>
          tpu.wait_dma2 semaphore(%run_scoped3A_29 : memref<!tpu.dma_semaphore, #tpu.memory_space<semaphore_mem>>) src(%dma_wait3A_35 : memref<1x2048xi32, #tpu.memory_space<hbm>>) dst(%arg6 : memref<1x2048xi32, #tpu.memory_space<vmem>>)
          tpu.yield
        }) : () -> ()
        "tpu.region"() ({
          %run_scoped3A_29 = tpu.sem_alloc : memref<!tpu.dma_semaphore, #tpu.memory_space<semaphore_mem>>
          %dma_start3A = arith.constant 0 : i32
          %dma_start3A_30 = tpu.memref_slice %arg3[%add3A_25, %dma_start3A] : memref<3125x2048xi32, #tpu.memory_space<hbm>> -> memref<1x2048xi32, #tpu.memory_space<hbm>>
          %dma_start3A_31 = arith.constant 0 : i32
          %dma_start3A_32 = tpu.memref_slice %arg3[%add3A_25, %dma_start3A_31] : memref<3125x2048xi32, #tpu.memory_space<hbm>> -> memref<1x2048xi32, #tpu.memory_space<hbm>>
          tpu.enqueue_dma source(%dma_start3A_32 : memref<1x2048xi32, #tpu.memory_space<hbm>>) target(%arg7 : memref<1x2048xi32, #tpu.memory_space<vmem>>) target_semaphore(%run_scoped3A_29 : memref<!tpu.dma_semaphore, #tpu.memory_space<semaphore_mem>>)
          %dma_wait3A = arith.constant 0 : i32
          %dma_wait3A_33 = tpu.memref_slice %arg3[%add3A_25, %dma_wait3A] : memref<3125x2048xi32, #tpu.memory_space<hbm>> -> memref<1x2048xi32, #tpu.memory_space<hbm>>
          %dma_wait3A_34 = arith.constant 0 : i32
          %dma_wait3A_35 = tpu.memref_slice %arg3[%add3A_25, %dma_wait3A_34] : memref<3125x2048xi32, #tpu.memory_space<hbm>> -> memref<1x2048xi32, #tpu.memory_space<hbm>>
          tpu.wait_dma2 semaphore(%run_scoped3A_29 : memref<!tpu.dma_semaphore, #tpu.memory_space<semaphore_mem>>) src(%dma_wait3A_35 : memref<1x2048xi32, #tpu.memory_space<hbm>>) dst(%arg7 : memref<1x2048xi32, #tpu.memory_space<vmem>>)
          tpu.yield
        }) : () -> ()
        %run_scoped3A = arith.constant 0 : i32
        "tpu.region"() ({
          %run_scoped3A_29 = tpu.sem_alloc : memref<!tpu.dma_semaphore, #tpu.memory_space<semaphore_mem>>
          %dma_start3A = arith.constant 0 : i32
          %dma_start3A_30 = tpu.memref_slice %arg6[%run_scoped3A, %dma_start3A] : memref<1x2048xi32, #tpu.memory_space<vmem>> -> memref<1x2048xi32, #tpu.memory_space<vmem>>
          %dma_start3A_31 = tpu.memref_squeeze %dma_start3A_30 : memref<1x2048xi32, #tpu.memory_space<vmem>> -> memref<2048xi32, #tpu.memory_space<vmem>>
          %dma_start3A_32 = arith.constant 0 : i32
          %dma_start3A_33 = tpu.memref_slice %arg10[%dma_start3A_32] : memref<100352xf32, #tpu.memory_space<vmem_shared>> -> memref<100352xf32, #tpu.memory_space<vmem_shared>>
          tpu.enqueue_indirect_dma source(%arg8 : memref<2048xf32, #tpu.memory_space<vmem>>) target(%dma_start3A_33 : memref<100352xf32, #tpu.memory_space<vmem_shared>>) offsets(%dma_start3A_31 : memref<2048xi32, #tpu.memory_space<vmem>>) semaphore(%run_scoped3A_29 : memref<!tpu.dma_semaphore, #tpu.memory_space<semaphore_mem>>) {add = true}
          %dma_wait3A = arith.constant 0 : i32
          %dma_wait3A_34 = tpu.memref_slice %arg6[%run_scoped3A, %dma_wait3A] : memref<1x2048xi32, #tpu.memory_space<vmem>> -> memref<1x2048xi32, #tpu.memory_space<vmem>>
          %dma_wait3A_35 = tpu.memref_squeeze %dma_wait3A_34 : memref<1x2048xi32, #tpu.memory_space<vmem>> -> memref<2048xi32, #tpu.memory_space<vmem>>
          %dma_wait3A_36 = arith.constant 0 : i32
          %dma_wait3A_37 = tpu.memref_slice %arg10[%dma_wait3A_36] : memref<100352xf32, #tpu.memory_space<vmem_shared>> -> memref<100352xf32, #tpu.memory_space<vmem_shared>>
          tpu.wait_indirect_dma semaphore(%run_scoped3A_29 : memref<!tpu.dma_semaphore, #tpu.memory_space<semaphore_mem>>) src(%arg8 : memref<2048xf32, #tpu.memory_space<vmem>>) dst(%dma_wait3A_37 : memref<100352xf32, #tpu.memory_space<vmem_shared>>)
          tpu.yield
        }) : () -> ()
        %run_scoped3A_28 = arith.constant 0 : i32
        "tpu.region"() ({
          %run_scoped3A_29 = tpu.sem_alloc : memref<!tpu.dma_semaphore, #tpu.memory_space<semaphore_mem>>
          %dma_start3A = arith.constant 0 : i32
          %dma_start3A_30 = tpu.memref_slice %arg7[%run_scoped3A_28, %dma_start3A] : memref<1x2048xi32, #tpu.memory_space<vmem>> -> memref<1x2048xi32, #tpu.memory_space<vmem>>
          %dma_start3A_31 = tpu.memref_squeeze %dma_start3A_30 : memref<1x2048xi32, #tpu.memory_space<vmem>> -> memref<2048xi32, #tpu.memory_space<vmem>>
          %dma_start3A_32 = arith.constant 0 : i32
          %dma_start3A_33 = tpu.memref_slice %arg11[%dma_start3A_32] : memref<100352xf32, #tpu.memory_space<vmem_shared>> -> memref<100352xf32, #tpu.memory_space<vmem_shared>>
          tpu.enqueue_indirect_dma source(%arg8 : memref<2048xf32, #tpu.memory_space<vmem>>) target(%dma_start3A_33 : memref<100352xf32, #tpu.memory_space<vmem_shared>>) offsets(%dma_start3A_31 : memref<2048xi32, #tpu.memory_space<vmem>>) semaphore(%run_scoped3A_29 : memref<!tpu.dma_semaphore, #tpu.memory_space<semaphore_mem>>) {add = true}
          %dma_wait3A = arith.constant 0 : i32
          %dma_wait3A_34 = tpu.memref_slice %arg7[%run_scoped3A_28, %dma_wait3A] : memref<1x2048xi32, #tpu.memory_space<vmem>> -> memref<1x2048xi32, #tpu.memory_space<vmem>>
          %dma_wait3A_35 = tpu.memref_squeeze %dma_wait3A_34 : memref<1x2048xi32, #tpu.memory_space<vmem>> -> memref<2048xi32, #tpu.memory_space<vmem>>
          %dma_wait3A_36 = arith.constant 0 : i32
          %dma_wait3A_37 = tpu.memref_slice %arg11[%dma_wait3A_36] : memref<100352xf32, #tpu.memory_space<vmem_shared>> -> memref<100352xf32, #tpu.memory_space<vmem_shared>>
          tpu.wait_indirect_dma semaphore(%run_scoped3A_29 : memref<!tpu.dma_semaphore, #tpu.memory_space<semaphore_mem>>) src(%arg8 : memref<2048xf32, #tpu.memory_space<vmem>>) dst(%dma_wait3A_37 : memref<100352xf32, #tpu.memory_space<vmem_shared>>)
          tpu.yield
        }) : () -> ()
      } else {
      }
    }
    %scan3A_16 = arith.constant 98 : i32
    %barrier3A_17 = arith.constant 0 : index
    tpu.barrier barrier_id(%barrier3A_17)
    "tpu.region"() ({
      %run_scoped3A = tpu.sem_alloc : memref<!tpu.dma_semaphore, #tpu.memory_space<semaphore_mem>>
      %dma_start3A = tpu.memref_slice %arg10[%mul3A_11] : memref<100352xf32, #tpu.memory_space<vmem_shared>> -> memref<6272xf32, #tpu.memory_space<vmem_shared>>
      %dma_start3A_18 = tpu.memref_slice %arg10[%mul3A_11] : memref<100352xf32, #tpu.memory_space<vmem_shared>> -> memref<6272xf32, #tpu.memory_space<vmem_shared>>
      tpu.enqueue_dma source(%dma_start3A_18 : memref<6272xf32, #tpu.memory_space<vmem_shared>>) target(%arg9 : memref<6272xf32, #tpu.memory_space<vmem>>) target_semaphore(%run_scoped3A : memref<!tpu.dma_semaphore, #tpu.memory_space<semaphore_mem>>)
      %dma_wait3A = tpu.memref_slice %arg10[%mul3A_11] : memref<100352xf32, #tpu.memory_space<vmem_shared>> -> memref<6272xf32, #tpu.memory_space<vmem_shared>>
      %dma_wait3A_19 = tpu.memref_slice %arg10[%mul3A_11] : memref<100352xf32, #tpu.memory_space<vmem_shared>> -> memref<6272xf32, #tpu.memory_space<vmem_shared>>
      tpu.wait_dma2 semaphore(%run_scoped3A : memref<!tpu.dma_semaphore, #tpu.memory_space<semaphore_mem>>) src(%dma_wait3A_19 : memref<6272xf32, #tpu.memory_space<vmem_shared>>) dst(%arg9 : memref<6272xf32, #tpu.memory_space<vmem>>)
      tpu.yield
    }) : () -> ()
    "tpu.region"() ({
      %run_scoped3A = tpu.sem_alloc : memref<!tpu.dma_semaphore, #tpu.memory_space<semaphore_mem>>
      %dma_start3A = arith.constant 0 : i32
      %dma_start3A_18 = tpu.memref_slice %arg4[%arg0, %dma_start3A] : memref<2x100352xf32, #tpu.memory_space<hbm>> -> memref<1x100352xf32, #tpu.memory_space<hbm>>
      %dma_start3A_19 = tpu.memref_squeeze %dma_start3A_18 : memref<1x100352xf32, #tpu.memory_space<hbm>> -> memref<100352xf32, #tpu.memory_space<hbm>>
      %dma_start3A_20 = tpu.memref_slice %dma_start3A_19[%mul3A_11] : memref<100352xf32, #tpu.memory_space<hbm>> -> memref<6272xf32, #tpu.memory_space<hbm>>
      %dma_start3A_21 = arith.constant 0 : i32
      %dma_start3A_22 = tpu.memref_slice %arg4[%arg0, %dma_start3A_21] : memref<2x100352xf32, #tpu.memory_space<hbm>> -> memref<1x100352xf32, #tpu.memory_space<hbm>>
      %dma_start3A_23 = tpu.memref_squeeze %dma_start3A_22 : memref<1x100352xf32, #tpu.memory_space<hbm>> -> memref<100352xf32, #tpu.memory_space<hbm>>
      %dma_start3A_24 = tpu.memref_slice %dma_start3A_23[%mul3A_11] : memref<100352xf32, #tpu.memory_space<hbm>> -> memref<6272xf32, #tpu.memory_space<hbm>>
      tpu.enqueue_dma source(%arg9 : memref<6272xf32, #tpu.memory_space<vmem>>) target(%dma_start3A_24 : memref<6272xf32, #tpu.memory_space<hbm>>) target_semaphore(%run_scoped3A : memref<!tpu.dma_semaphore, #tpu.memory_space<semaphore_mem>>)
      %dma_wait3A = arith.constant 0 : i32
      %dma_wait3A_25 = tpu.memref_slice %arg4[%arg0, %dma_wait3A] : memref<2x100352xf32, #tpu.memory_space<hbm>> -> memref<1x100352xf32, #tpu.memory_space<hbm>>
      %dma_wait3A_26 = tpu.memref_squeeze %dma_wait3A_25 : memref<1x100352xf32, #tpu.memory_space<hbm>> -> memref<100352xf32, #tpu.memory_space<hbm>>
      %dma_wait3A_27 = tpu.memref_slice %dma_wait3A_26[%mul3A_11] : memref<100352xf32, #tpu.memory_space<hbm>> -> memref<6272xf32, #tpu.memory_space<hbm>>
      %dma_wait3A_28 = arith.constant 0 : i32
      %dma_wait3A_29 = tpu.memref_slice %arg4[%arg0, %dma_wait3A_28] : memref<2x100352xf32, #tpu.memory_space<hbm>> -> memref<1x100352xf32, #tpu.memory_space<hbm>>
      %dma_wait3A_30 = tpu.memref_squeeze %dma_wait3A_29 : memref<1x100352xf32, #tpu.memory_space<hbm>> -> memref<100352xf32, #tpu.memory_space<hbm>>
      %dma_wait3A_31 = tpu.memref_slice %dma_wait3A_30[%mul3A_11] : memref<100352xf32, #tpu.memory_space<hbm>> -> memref<6272xf32, #tpu.memory_space<hbm>>
      tpu.wait_dma2 semaphore(%run_scoped3A : memref<!tpu.dma_semaphore, #tpu.memory_space<semaphore_mem>>) src(%arg9 : memref<6272xf32, #tpu.memory_space<vmem>>) dst(%dma_wait3A_31 : memref<6272xf32, #tpu.memory_space<hbm>>)
      tpu.yield
    }) : () -> ()
    "tpu.region"() ({
      %run_scoped3A = tpu.sem_alloc : memref<!tpu.dma_semaphore, #tpu.memory_space<semaphore_mem>>
      %dma_start3A = tpu.memref_slice %arg11[%mul3A_11] : memref<100352xf32, #tpu.memory_space<vmem_shared>> -> memref<6272xf32, #tpu.memory_space<vmem_shared>>
      %dma_start3A_18 = tpu.memref_slice %arg11[%mul3A_11] : memref<100352xf32, #tpu.memory_space<vmem_shared>> -> memref<6272xf32, #tpu.memory_space<vmem_shared>>
      tpu.enqueue_dma source(%dma_start3A_18 : memref<6272xf32, #tpu.memory_space<vmem_shared>>) target(%arg9 : memref<6272xf32, #tpu.memory_space<vmem>>) target_semaphore(%run_scoped3A : memref<!tpu.dma_semaphore, #tpu.memory_space<semaphore_mem>>)
      %dma_wait3A = tpu.memref_slice %arg11[%mul3A_11] : memref<100352xf32, #tpu.memory_space<vmem_shared>> -> memref<6272xf32, #tpu.memory_space<vmem_shared>>
      %dma_wait3A_19 = tpu.memref_slice %arg11[%mul3A_11] : memref<100352xf32, #tpu.memory_space<vmem_shared>> -> memref<6272xf32, #tpu.memory_space<vmem_shared>>
      tpu.wait_dma2 semaphore(%run_scoped3A : memref<!tpu.dma_semaphore, #tpu.memory_space<semaphore_mem>>) src(%dma_wait3A_19 : memref<6272xf32, #tpu.memory_space<vmem_shared>>) dst(%arg9 : memref<6272xf32, #tpu.memory_space<vmem>>)
      tpu.yield
    }) : () -> ()
    "tpu.region"() ({
      %run_scoped3A = tpu.sem_alloc : memref<!tpu.dma_semaphore, #tpu.memory_space<semaphore_mem>>
      %dma_start3A = arith.constant 0 : i32
      %dma_start3A_18 = tpu.memref_slice %arg5[%arg0, %dma_start3A] : memref<2x100352xf32, #tpu.memory_space<hbm>> -> memref<1x100352xf32, #tpu.memory_space<hbm>>
      %dma_start3A_19 = tpu.memref_squeeze %dma_start3A_18 : memref<1x100352xf32, #tpu.memory_space<hbm>> -> memref<100352xf32, #tpu.memory_space<hbm>>
      %dma_start3A_20 = tpu.memref_slice %dma_start3A_19[%mul3A_11] : memref<100352xf32, #tpu.memory_space<hbm>> -> memref<6272xf32, #tpu.memory_space<hbm>>
      %dma_start3A_21 = arith.constant 0 : i32
      %dma_start3A_22 = tpu.memref_slice %arg5[%arg0, %dma_start3A_21] : memref<2x100352xf32, #tpu.memory_space<hbm>> -> memref<1x100352xf32, #tpu.memory_space<hbm>>
      %dma_start3A_23 = tpu.memref_squeeze %dma_start3A_22 : memref<1x100352xf32, #tpu.memory_space<hbm>> -> memref<100352xf32, #tpu.memory_space<hbm>>
      %dma_start3A_24 = tpu.memref_slice %dma_start3A_23[%mul3A_11] : memref<100352xf32, #tpu.memory_space<hbm>> -> memref<6272xf32, #tpu.memory_space<hbm>>
      tpu.enqueue_dma source(%arg9 : memref<6272xf32, #tpu.memory_space<vmem>>) target(%dma_start3A_24 : memref<6272xf32, #tpu.memory_space<hbm>>) target_semaphore(%run_scoped3A : memref<!tpu.dma_semaphore, #tpu.memory_space<semaphore_mem>>)
      %dma_wait3A = arith.constant 0 : i32
      %dma_wait3A_25 = tpu.memref_slice %arg5[%arg0, %dma_wait3A] : memref<2x100352xf32, #tpu.memory_space<hbm>> -> memref<1x100352xf32, #tpu.memory_space<hbm>>
      %dma_wait3A_26 = tpu.memref_squeeze %dma_wait3A_25 : memref<1x100352xf32, #tpu.memory_space<hbm>> -> memref<100352xf32, #tpu.memory_space<hbm>>
      %dma_wait3A_27 = tpu.memref_slice %dma_wait3A_26[%mul3A_11] : memref<100352xf32, #tpu.memory_space<hbm>> -> memref<6272xf32, #tpu.memory_space<hbm>>
      %dma_wait3A_28 = arith.constant 0 : i32
      %dma_wait3A_29 = tpu.memref_slice %arg5[%arg0, %dma_wait3A_28] : memref<2x100352xf32, #tpu.memory_space<hbm>> -> memref<1x100352xf32, #tpu.memory_space<hbm>>
      %dma_wait3A_30 = tpu.memref_squeeze %dma_wait3A_29 : memref<1x100352xf32, #tpu.memory_space<hbm>> -> memref<100352xf32, #tpu.memory_space<hbm>>
      %dma_wait3A_31 = tpu.memref_slice %dma_wait3A_30[%mul3A_11] : memref<100352xf32, #tpu.memory_space<hbm>> -> memref<6272xf32, #tpu.memory_space<hbm>>
      tpu.wait_dma2 semaphore(%run_scoped3A : memref<!tpu.dma_semaphore, #tpu.memory_space<semaphore_mem>>) src(%arg9 : memref<6272xf32, #tpu.memory_space<vmem>>) dst(%dma_wait3A_31 : memref<6272xf32, #tpu.memory_space<hbm>>)
      tpu.yield
    }) : () -> ()
    return
  }
}

#map = affine_map<(d0, d1) -> (0, 0)>
#map1 = affine_map<(d0, d1) -> (0, 0, 0)>
module attributes {stable_mosaic.version = 14 : i64} {
  func.func @_msg(%arg0: i32, %arg1: i32, %arg2: memref<3125x2048xi32, #tpu.memory_space<hbm>>, %arg3: memref<3125x2048xi32, #tpu.memory_space<hbm>>, %arg4: memref<4x100352xf32, #tpu.memory_space<hbm>>, %arg5: memref<2x4x100352xf32, #tpu.memory_space<hbm>>, %arg6: memref<1x2048xi32, #tpu.memory_space<vmem>>, %arg7: memref<1x2048xi32, #tpu.memory_space<vmem>>, %arg8: memref<1x2048xi32, #tpu.memory_space<vmem>>, %arg9: memref<1x2048xi32, #tpu.memory_space<vmem>>, %arg10: memref<4x2048xf32, #tpu.memory_space<vmem>>, %arg11: memref<4x2048xf32, #tpu.memory_space<vmem>>, %arg12: memref<6272xf32, #tpu.memory_space<vmem>>, %arg13: memref<4x100352xf32, #tpu.memory_space<vmem_shared>>, %arg14: memref<4x100352xf32, #tpu.memory_space<vmem_shared>>, %arg15: memref<!tpu.dma_semaphore, #tpu.memory_space<semaphore_mem>>, %arg16: memref<!tpu.dma_semaphore, #tpu.memory_space<semaphore_mem>>) attributes {dimension_semantics = [#tpu.dimension_semantics<core_parallel>, #tpu.dimension_semantics<subcore_parallel>], iteration_bounds = array<i64: 2, 16>, scalar_prefetch = 0 : i64, scratch_operands = 11 : i64, tpu.core_type = #tpu.core_type<sc_vector_subcore>, window_params = [{transform_indices = #map}, {transform_indices = #map}, {transform_indices = #map}, {transform_indices = #map1}]} {
    %mul3A = arith.constant 16 : i32
    %mul3A_0 = arith.muli %arg0, %mul3A : i32
    %add3A = arith.addi %mul3A_0, %arg1 : i32
    %mul3A_1 = arith.constant 6272 : i32
    %mul3A_2 = arith.muli %arg1, %mul3A_1 : i32
    %scan3A = arith.constant 0 : i32
    %scan3A_3 = arith.constant 392 : i32
    %scan3A_4 = arith.addi %scan3A, %scan3A_3 : i32
    %scan3A_5 = arith.constant 1 : i32
    scf.for %scan3A_30 = %scan3A to %scan3A_4 step %scan3A_5  : i32 {
      %mul3A_31 = arith.constant 16 : i32
      %mul3A_32 = arith.muli %scan3A_30, %mul3A_31 : i32
      %add3A_33 = arith.constant 0 : i32
      %add3A_34 = arith.addi %add3A_33, %mul3A_32 : i32
      %broadcast_in_dim3A = arith.constant 0.000000e+00 : f32
      %broadcast_in_dim3A_35 = vector.broadcast %broadcast_in_dim3A : f32 to vector<16xf32>
      %swap3A = arith.index_cast %add3A_34 : i32 to index
      %swap3A_36 = tpu.vector_load %arg12[%swap3A] {strides = array<i32>} : memref<6272xf32, #tpu.memory_space<vmem>>, vector<16xf32>,
      %swap3A_37 = vector.shape_cast %swap3A_36 : vector<16xf32> to vector<16xf32>
      %swap3A_38 = vector.shape_cast %broadcast_in_dim3A_35 : vector<16xf32> to vector<16xf32>
      tpu.vector_store %arg12[%swap3A], %swap3A_38 {strides = array<i32>} : memref<6272xf32, #tpu.memory_space<vmem>>, vector<16xf32>,
    }
    %scan3A_6 = arith.constant 392 : i32
    %run_scoped3A = arith.constant 0 : i32
    "tpu.region"() ({
      %run_scoped3A_30 = tpu.sem_alloc : memref<!tpu.dma_semaphore, #tpu.memory_space<semaphore_mem>>
      %dma_start3A = arith.constant 0 : i32
      %dma_start3A_31 = tpu.memref_slice %arg14[%run_scoped3A, %dma_start3A] : memref<4x100352xf32, #tpu.memory_space<vmem_shared>> -> memref<1x100352xf32, #tpu.memory_space<vmem_shared>>
      %dma_start3A_32 = tpu.memref_squeeze %dma_start3A_31 : memref<1x100352xf32, #tpu.memory_space<vmem_shared>> -> memref<100352xf32, #tpu.memory_space<vmem_shared>>
      %dma_start3A_33 = tpu.memref_slice %dma_start3A_32[%mul3A_2] : memref<100352xf32, #tpu.memory_space<vmem_shared>> -> memref<6272xf32, #tpu.memory_space<vmem_shared>>
      %dma_start3A_34 = arith.constant 0 : i32
      %dma_start3A_35 = tpu.memref_slice %arg14[%run_scoped3A, %dma_start3A_34] : memref<4x100352xf32, #tpu.memory_space<vmem_shared>> -> memref<1x100352xf32, #tpu.memory_space<vmem_shared>>
      %dma_start3A_36 = tpu.memref_squeeze %dma_start3A_35 : memref<1x100352xf32, #tpu.memory_space<vmem_shared>> -> memref<100352xf32, #tpu.memory_space<vmem_shared>>
      %dma_start3A_37 = tpu.memref_slice %dma_start3A_36[%mul3A_2] : memref<100352xf32, #tpu.memory_space<vmem_shared>> -> memref<6272xf32, #tpu.memory_space<vmem_shared>>
      tpu.enqueue_dma source(%arg12 : memref<6272xf32, #tpu.memory_space<vmem>>) target(%dma_start3A_37 : memref<6272xf32, #tpu.memory_space<vmem_shared>>) target_semaphore(%run_scoped3A_30 : memref<!tpu.dma_semaphore, #tpu.memory_space<semaphore_mem>>)
      %dma_wait3A = arith.constant 0 : i32
      %dma_wait3A_38 = tpu.memref_slice %arg14[%run_scoped3A, %dma_wait3A] : memref<4x100352xf32, #tpu.memory_space<vmem_shared>> -> memref<1x100352xf32, #tpu.memory_space<vmem_shared>>
      %dma_wait3A_39 = tpu.memref_squeeze %dma_wait3A_38 : memref<1x100352xf32, #tpu.memory_space<vmem_shared>> -> memref<100352xf32, #tpu.memory_space<vmem_shared>>
      %dma_wait3A_40 = tpu.memref_slice %dma_wait3A_39[%mul3A_2] : memref<100352xf32, #tpu.memory_space<vmem_shared>> -> memref<6272xf32, #tpu.memory_space<vmem_shared>>
      %dma_wait3A_41 = arith.constant 0 : i32
      %dma_wait3A_42 = tpu.memref_slice %arg14[%run_scoped3A, %dma_wait3A_41] : memref<4x100352xf32, #tpu.memory_space<vmem_shared>> -> memref<1x100352xf32, #tpu.memory_space<vmem_shared>>
      %dma_wait3A_43 = tpu.memref_squeeze %dma_wait3A_42 : memref<1x100352xf32, #tpu.memory_space<vmem_shared>> -> memref<100352xf32, #tpu.memory_space<vmem_shared>>
      %dma_wait3A_44 = tpu.memref_slice %dma_wait3A_43[%mul3A_2] : memref<100352xf32, #tpu.memory_space<vmem_shared>> -> memref<6272xf32, #tpu.memory_space<vmem_shared>>
      tpu.wait_dma2 semaphore(%run_scoped3A_30 : memref<!tpu.dma_semaphore, #tpu.memory_space<semaphore_mem>>) src(%arg12 : memref<6272xf32, #tpu.memory_space<vmem>>) dst(%dma_wait3A_44 : memref<6272xf32, #tpu.memory_space<vmem_shared>>)
      tpu.yield
    }) : () -> ()
    %run_scoped3A_7 = arith.constant 1 : i32
    "tpu.region"() ({
      %run_scoped3A_30 = tpu.sem_alloc : memref<!tpu.dma_semaphore, #tpu.memory_space<semaphore_mem>>
      %dma_start3A = arith.constant 0 : i32
      %dma_start3A_31 = tpu.memref_slice %arg14[%run_scoped3A_7, %dma_start3A] : memref<4x100352xf32, #tpu.memory_space<vmem_shared>> -> memref<1x100352xf32, #tpu.memory_space<vmem_shared>>
      %dma_start3A_32 = tpu.memref_squeeze %dma_start3A_31 : memref<1x100352xf32, #tpu.memory_space<vmem_shared>> -> memref<100352xf32, #tpu.memory_space<vmem_shared>>
      %dma_start3A_33 = tpu.memref_slice %dma_start3A_32[%mul3A_2] : memref<100352xf32, #tpu.memory_space<vmem_shared>> -> memref<6272xf32, #tpu.memory_space<vmem_shared>>
      %dma_start3A_34 = arith.constant 0 : i32
      %dma_start3A_35 = tpu.memref_slice %arg14[%run_scoped3A_7, %dma_start3A_34] : memref<4x100352xf32, #tpu.memory_space<vmem_shared>> -> memref<1x100352xf32, #tpu.memory_space<vmem_shared>>
      %dma_start3A_36 = tpu.memref_squeeze %dma_start3A_35 : memref<1x100352xf32, #tpu.memory_space<vmem_shared>> -> memref<100352xf32, #tpu.memory_space<vmem_shared>>
      %dma_start3A_37 = tpu.memref_slice %dma_start3A_36[%mul3A_2] : memref<100352xf32, #tpu.memory_space<vmem_shared>> -> memref<6272xf32, #tpu.memory_space<vmem_shared>>
      tpu.enqueue_dma source(%arg12 : memref<6272xf32, #tpu.memory_space<vmem>>) target(%dma_start3A_37 : memref<6272xf32, #tpu.memory_space<vmem_shared>>) target_semaphore(%run_scoped3A_30 : memref<!tpu.dma_semaphore, #tpu.memory_space<semaphore_mem>>)
      %dma_wait3A = arith.constant 0 : i32
      %dma_wait3A_38 = tpu.memref_slice %arg14[%run_scoped3A_7, %dma_wait3A] : memref<4x100352xf32, #tpu.memory_space<vmem_shared>> -> memref<1x100352xf32, #tpu.memory_space<vmem_shared>>
      %dma_wait3A_39 = tpu.memref_squeeze %dma_wait3A_38 : memref<1x100352xf32, #tpu.memory_space<vmem_shared>> -> memref<100352xf32, #tpu.memory_space<vmem_shared>>
      %dma_wait3A_40 = tpu.memref_slice %dma_wait3A_39[%mul3A_2] : memref<100352xf32, #tpu.memory_space<vmem_shared>> -> memref<6272xf32, #tpu.memory_space<vmem_shared>>
      %dma_wait3A_41 = arith.constant 0 : i32
      %dma_wait3A_42 = tpu.memref_slice %arg14[%run_scoped3A_7, %dma_wait3A_41] : memref<4x100352xf32, #tpu.memory_space<vmem_shared>> -> memref<1x100352xf32, #tpu.memory_space<vmem_shared>>
      %dma_wait3A_43 = tpu.memref_squeeze %dma_wait3A_42 : memref<1x100352xf32, #tpu.memory_space<vmem_shared>> -> memref<100352xf32, #tpu.memory_space<vmem_shared>>
      %dma_wait3A_44 = tpu.memref_slice %dma_wait3A_43[%mul3A_2] : memref<100352xf32, #tpu.memory_space<vmem_shared>> -> memref<6272xf32, #tpu.memory_space<vmem_shared>>
      tpu.wait_dma2 semaphore(%run_scoped3A_30 : memref<!tpu.dma_semaphore, #tpu.memory_space<semaphore_mem>>) src(%arg12 : memref<6272xf32, #tpu.memory_space<vmem>>) dst(%dma_wait3A_44 : memref<6272xf32, #tpu.memory_space<vmem_shared>>)
      tpu.yield
    }) : () -> ()
    %run_scoped3A_8 = arith.constant 2 : i32
    "tpu.region"() ({
      %run_scoped3A_30 = tpu.sem_alloc : memref<!tpu.dma_semaphore, #tpu.memory_space<semaphore_mem>>
      %dma_start3A = arith.constant 0 : i32
      %dma_start3A_31 = tpu.memref_slice %arg14[%run_scoped3A_8, %dma_start3A] : memref<4x100352xf32, #tpu.memory_space<vmem_shared>> -> memref<1x100352xf32, #tpu.memory_space<vmem_shared>>
      %dma_start3A_32 = tpu.memref_squeeze %dma_start3A_31 : memref<1x100352xf32, #tpu.memory_space<vmem_shared>> -> memref<100352xf32, #tpu.memory_space<vmem_shared>>
      %dma_start3A_33 = tpu.memref_slice %dma_start3A_32[%mul3A_2] : memref<100352xf32, #tpu.memory_space<vmem_shared>> -> memref<6272xf32, #tpu.memory_space<vmem_shared>>
      %dma_start3A_34 = arith.constant 0 : i32
      %dma_start3A_35 = tpu.memref_slice %arg14[%run_scoped3A_8, %dma_start3A_34] : memref<4x100352xf32, #tpu.memory_space<vmem_shared>> -> memref<1x100352xf32, #tpu.memory_space<vmem_shared>>
      %dma_start3A_36 = tpu.memref_squeeze %dma_start3A_35 : memref<1x100352xf32, #tpu.memory_space<vmem_shared>> -> memref<100352xf32, #tpu.memory_space<vmem_shared>>
      %dma_start3A_37 = tpu.memref_slice %dma_start3A_36[%mul3A_2] : memref<100352xf32, #tpu.memory_space<vmem_shared>> -> memref<6272xf32, #tpu.memory_space<vmem_shared>>
      tpu.enqueue_dma source(%arg12 : memref<6272xf32, #tpu.memory_space<vmem>>) target(%dma_start3A_37 : memref<6272xf32, #tpu.memory_space<vmem_shared>>) target_semaphore(%run_scoped3A_30 : memref<!tpu.dma_semaphore, #tpu.memory_space<semaphore_mem>>)
      %dma_wait3A = arith.constant 0 : i32
      %dma_wait3A_38 = tpu.memref_slice %arg14[%run_scoped3A_8, %dma_wait3A] : memref<4x100352xf32, #tpu.memory_space<vmem_shared>> -> memref<1x100352xf32, #tpu.memory_space<vmem_shared>>
      %dma_wait3A_39 = tpu.memref_squeeze %dma_wait3A_38 : memref<1x100352xf32, #tpu.memory_space<vmem_shared>> -> memref<100352xf32, #tpu.memory_space<vmem_shared>>
      %dma_wait3A_40 = tpu.memref_slice %dma_wait3A_39[%mul3A_2] : memref<100352xf32, #tpu.memory_space<vmem_shared>> -> memref<6272xf32, #tpu.memory_space<vmem_shared>>
      %dma_wait3A_41 = arith.constant 0 : i32
      %dma_wait3A_42 = tpu.memref_slice %arg14[%run_scoped3A_8, %dma_wait3A_41] : memref<4x100352xf32, #tpu.memory_space<vmem_shared>> -> memref<1x100352xf32, #tpu.memory_space<vmem_shared>>
      %dma_wait3A_43 = tpu.memref_squeeze %dma_wait3A_42 : memref<1x100352xf32, #tpu.memory_space<vmem_shared>> -> memref<100352xf32, #tpu.memory_space<vmem_shared>>
      %dma_wait3A_44 = tpu.memref_slice %dma_wait3A_43[%mul3A_2] : memref<100352xf32, #tpu.memory_space<vmem_shared>> -> memref<6272xf32, #tpu.memory_space<vmem_shared>>
      tpu.wait_dma2 semaphore(%run_scoped3A_30 : memref<!tpu.dma_semaphore, #tpu.memory_space<semaphore_mem>>) src(%arg12 : memref<6272xf32, #tpu.memory_space<vmem>>) dst(%dma_wait3A_44 : memref<6272xf32, #tpu.memory_space<vmem_shared>>)
      tpu.yield
    }) : () -> ()
    %run_scoped3A_9 = arith.constant 3 : i32
    "tpu.region"() ({
      %run_scoped3A_30 = tpu.sem_alloc : memref<!tpu.dma_semaphore, #tpu.memory_space<semaphore_mem>>
      %dma_start3A = arith.constant 0 : i32
      %dma_start3A_31 = tpu.memref_slice %arg14[%run_scoped3A_9, %dma_start3A] : memref<4x100352xf32, #tpu.memory_space<vmem_shared>> -> memref<1x100352xf32, #tpu.memory_space<vmem_shared>>
      %dma_start3A_32 = tpu.memref_squeeze %dma_start3A_31 : memref<1x100352xf32, #tpu.memory_space<vmem_shared>> -> memref<100352xf32, #tpu.memory_space<vmem_shared>>
      %dma_start3A_33 = tpu.memref_slice %dma_start3A_32[%mul3A_2] : memref<100352xf32, #tpu.memory_space<vmem_shared>> -> memref<6272xf32, #tpu.memory_space<vmem_shared>>
      %dma_start3A_34 = arith.constant 0 : i32
      %dma_start3A_35 = tpu.memref_slice %arg14[%run_scoped3A_9, %dma_start3A_34] : memref<4x100352xf32, #tpu.memory_space<vmem_shared>> -> memref<1x100352xf32, #tpu.memory_space<vmem_shared>>
      %dma_start3A_36 = tpu.memref_squeeze %dma_start3A_35 : memref<1x100352xf32, #tpu.memory_space<vmem_shared>> -> memref<100352xf32, #tpu.memory_space<vmem_shared>>
      %dma_start3A_37 = tpu.memref_slice %dma_start3A_36[%mul3A_2] : memref<100352xf32, #tpu.memory_space<vmem_shared>> -> memref<6272xf32, #tpu.memory_space<vmem_shared>>
      tpu.enqueue_dma source(%arg12 : memref<6272xf32, #tpu.memory_space<vmem>>) target(%dma_start3A_37 : memref<6272xf32, #tpu.memory_space<vmem_shared>>) target_semaphore(%run_scoped3A_30 : memref<!tpu.dma_semaphore, #tpu.memory_space<semaphore_mem>>)
      %dma_wait3A = arith.constant 0 : i32
      %dma_wait3A_38 = tpu.memref_slice %arg14[%run_scoped3A_9, %dma_wait3A] : memref<4x100352xf32, #tpu.memory_space<vmem_shared>> -> memref<1x100352xf32, #tpu.memory_space<vmem_shared>>
      %dma_wait3A_39 = tpu.memref_squeeze %dma_wait3A_38 : memref<1x100352xf32, #tpu.memory_space<vmem_shared>> -> memref<100352xf32, #tpu.memory_space<vmem_shared>>
      %dma_wait3A_40 = tpu.memref_slice %dma_wait3A_39[%mul3A_2] : memref<100352xf32, #tpu.memory_space<vmem_shared>> -> memref<6272xf32, #tpu.memory_space<vmem_shared>>
      %dma_wait3A_41 = arith.constant 0 : i32
      %dma_wait3A_42 = tpu.memref_slice %arg14[%run_scoped3A_9, %dma_wait3A_41] : memref<4x100352xf32, #tpu.memory_space<vmem_shared>> -> memref<1x100352xf32, #tpu.memory_space<vmem_shared>>
      %dma_wait3A_43 = tpu.memref_squeeze %dma_wait3A_42 : memref<1x100352xf32, #tpu.memory_space<vmem_shared>> -> memref<100352xf32, #tpu.memory_space<vmem_shared>>
      %dma_wait3A_44 = tpu.memref_slice %dma_wait3A_43[%mul3A_2] : memref<100352xf32, #tpu.memory_space<vmem_shared>> -> memref<6272xf32, #tpu.memory_space<vmem_shared>>
      tpu.wait_dma2 semaphore(%run_scoped3A_30 : memref<!tpu.dma_semaphore, #tpu.memory_space<semaphore_mem>>) src(%arg12 : memref<6272xf32, #tpu.memory_space<vmem>>) dst(%dma_wait3A_44 : memref<6272xf32, #tpu.memory_space<vmem_shared>>)
      tpu.yield
    }) : () -> ()
    %run_scoped3A_10 = arith.constant 2 : i32
    "tpu.region"() ({
      %run_scoped3A_30 = tpu.sem_alloc : memref<!tpu.dma_semaphore, #tpu.memory_space<semaphore_mem>>
      %dma_start3A = arith.constant 0 : i32
      %dma_start3A_31 = tpu.memref_slice %arg4[%run_scoped3A_10, %dma_start3A] : memref<4x100352xf32, #tpu.memory_space<hbm>> -> memref<1x100352xf32, #tpu.memory_space<hbm>>
      %dma_start3A_32 = tpu.memref_squeeze %dma_start3A_31 : memref<1x100352xf32, #tpu.memory_space<hbm>> -> memref<100352xf32, #tpu.memory_space<hbm>>
      %dma_start3A_33 = tpu.memref_slice %dma_start3A_32[%mul3A_2] : memref<100352xf32, #tpu.memory_space<hbm>> -> memref<6272xf32, #tpu.memory_space<hbm>>
      %dma_start3A_34 = arith.constant 0 : i32
      %dma_start3A_35 = tpu.memref_slice %arg4[%run_scoped3A_10, %dma_start3A_34] : memref<4x100352xf32, #tpu.memory_space<hbm>> -> memref<1x100352xf32, #tpu.memory_space<hbm>>
      %dma_start3A_36 = tpu.memref_squeeze %dma_start3A_35 : memref<1x100352xf32, #tpu.memory_space<hbm>> -> memref<100352xf32, #tpu.memory_space<hbm>>
      %dma_start3A_37 = tpu.memref_slice %dma_start3A_36[%mul3A_2] : memref<100352xf32, #tpu.memory_space<hbm>> -> memref<6272xf32, #tpu.memory_space<hbm>>
      tpu.enqueue_dma source(%dma_start3A_37 : memref<6272xf32, #tpu.memory_space<hbm>>) target(%arg12 : memref<6272xf32, #tpu.memory_space<vmem>>) target_semaphore(%run_scoped3A_30 : memref<!tpu.dma_semaphore, #tpu.memory_space<semaphore_mem>>)
      %dma_wait3A = arith.constant 0 : i32
      %dma_wait3A_38 = tpu.memref_slice %arg4[%run_scoped3A_10, %dma_wait3A] : memref<4x100352xf32, #tpu.memory_space<hbm>> -> memref<1x100352xf32, #tpu.memory_space<hbm>>
      %dma_wait3A_39 = tpu.memref_squeeze %dma_wait3A_38 : memref<1x100352xf32, #tpu.memory_space<hbm>> -> memref<100352xf32, #tpu.memory_space<hbm>>
      %dma_wait3A_40 = tpu.memref_slice %dma_wait3A_39[%mul3A_2] : memref<100352xf32, #tpu.memory_space<hbm>> -> memref<6272xf32, #tpu.memory_space<hbm>>
      %dma_wait3A_41 = arith.constant 0 : i32
      %dma_wait3A_42 = tpu.memref_slice %arg4[%run_scoped3A_10, %dma_wait3A_41] : memref<4x100352xf32, #tpu.memory_space<hbm>> -> memref<1x100352xf32, #tpu.memory_space<hbm>>
      %dma_wait3A_43 = tpu.memref_squeeze %dma_wait3A_42 : memref<1x100352xf32, #tpu.memory_space<hbm>> -> memref<100352xf32, #tpu.memory_space<hbm>>
      %dma_wait3A_44 = tpu.memref_slice %dma_wait3A_43[%mul3A_2] : memref<100352xf32, #tpu.memory_space<hbm>> -> memref<6272xf32, #tpu.memory_space<hbm>>
      tpu.wait_dma2 semaphore(%run_scoped3A_30 : memref<!tpu.dma_semaphore, #tpu.memory_space<semaphore_mem>>) src(%dma_wait3A_44 : memref<6272xf32, #tpu.memory_space<hbm>>) dst(%arg12 : memref<6272xf32, #tpu.memory_space<vmem>>)
      tpu.yield
    }) : () -> ()
    %run_scoped3A_11 = arith.constant 2 : i32
    "tpu.region"() ({
      %run_scoped3A_30 = tpu.sem_alloc : memref<!tpu.dma_semaphore, #tpu.memory_space<semaphore_mem>>
      %dma_start3A = arith.constant 0 : i32
      %dma_start3A_31 = tpu.memref_slice %arg13[%run_scoped3A_11, %dma_start3A] : memref<4x100352xf32, #tpu.memory_space<vmem_shared>> -> memref<1x100352xf32, #tpu.memory_space<vmem_shared>>
      %dma_start3A_32 = tpu.memref_squeeze %dma_start3A_31 : memref<1x100352xf32, #tpu.memory_space<vmem_shared>> -> memref<100352xf32, #tpu.memory_space<vmem_shared>>
      %dma_start3A_33 = tpu.memref_slice %dma_start3A_32[%mul3A_2] : memref<100352xf32, #tpu.memory_space<vmem_shared>> -> memref<6272xf32, #tpu.memory_space<vmem_shared>>
      %dma_start3A_34 = arith.constant 0 : i32
      %dma_start3A_35 = tpu.memref_slice %arg13[%run_scoped3A_11, %dma_start3A_34] : memref<4x100352xf32, #tpu.memory_space<vmem_shared>> -> memref<1x100352xf32, #tpu.memory_space<vmem_shared>>
      %dma_start3A_36 = tpu.memref_squeeze %dma_start3A_35 : memref<1x100352xf32, #tpu.memory_space<vmem_shared>> -> memref<100352xf32, #tpu.memory_space<vmem_shared>>
      %dma_start3A_37 = tpu.memref_slice %dma_start3A_36[%mul3A_2] : memref<100352xf32, #tpu.memory_space<vmem_shared>> -> memref<6272xf32, #tpu.memory_space<vmem_shared>>
      tpu.enqueue_dma source(%arg12 : memref<6272xf32, #tpu.memory_space<vmem>>) target(%dma_start3A_37 : memref<6272xf32, #tpu.memory_space<vmem_shared>>) target_semaphore(%run_scoped3A_30 : memref<!tpu.dma_semaphore, #tpu.memory_space<semaphore_mem>>)
      %dma_wait3A = arith.constant 0 : i32
      %dma_wait3A_38 = tpu.memref_slice %arg13[%run_scoped3A_11, %dma_wait3A] : memref<4x100352xf32, #tpu.memory_space<vmem_shared>> -> memref<1x100352xf32, #tpu.memory_space<vmem_shared>>
      %dma_wait3A_39 = tpu.memref_squeeze %dma_wait3A_38 : memref<1x100352xf32, #tpu.memory_space<vmem_shared>> -> memref<100352xf32, #tpu.memory_space<vmem_shared>>
      %dma_wait3A_40 = tpu.memref_slice %dma_wait3A_39[%mul3A_2] : memref<100352xf32, #tpu.memory_space<vmem_shared>> -> memref<6272xf32, #tpu.memory_space<vmem_shared>>
      %dma_wait3A_41 = arith.constant 0 : i32
      %dma_wait3A_42 = tpu.memref_slice %arg13[%run_scoped3A_11, %dma_wait3A_41] : memref<4x100352xf32, #tpu.memory_space<vmem_shared>> -> memref<1x100352xf32, #tpu.memory_space<vmem_shared>>
      %dma_wait3A_43 = tpu.memref_squeeze %dma_wait3A_42 : memref<1x100352xf32, #tpu.memory_space<vmem_shared>> -> memref<100352xf32, #tpu.memory_space<vmem_shared>>
      %dma_wait3A_44 = tpu.memref_slice %dma_wait3A_43[%mul3A_2] : memref<100352xf32, #tpu.memory_space<vmem_shared>> -> memref<6272xf32, #tpu.memory_space<vmem_shared>>
      tpu.wait_dma2 semaphore(%run_scoped3A_30 : memref<!tpu.dma_semaphore, #tpu.memory_space<semaphore_mem>>) src(%arg12 : memref<6272xf32, #tpu.memory_space<vmem>>) dst(%dma_wait3A_44 : memref<6272xf32, #tpu.memory_space<vmem_shared>>)
      tpu.yield
    }) : () -> ()
    %run_scoped3A_12 = arith.constant 3 : i32
    "tpu.region"() ({
      %run_scoped3A_30 = tpu.sem_alloc : memref<!tpu.dma_semaphore, #tpu.memory_space<semaphore_mem>>
      %dma_start3A = arith.constant 0 : i32
      %dma_start3A_31 = tpu.memref_slice %arg4[%run_scoped3A_12, %dma_start3A] : memref<4x100352xf32, #tpu.memory_space<hbm>> -> memref<1x100352xf32, #tpu.memory_space<hbm>>
      %dma_start3A_32 = tpu.memref_squeeze %dma_start3A_31 : memref<1x100352xf32, #tpu.memory_space<hbm>> -> memref<100352xf32, #tpu.memory_space<hbm>>
      %dma_start3A_33 = tpu.memref_slice %dma_start3A_32[%mul3A_2] : memref<100352xf32, #tpu.memory_space<hbm>> -> memref<6272xf32, #tpu.memory_space<hbm>>
      %dma_start3A_34 = arith.constant 0 : i32
      %dma_start3A_35 = tpu.memref_slice %arg4[%run_scoped3A_12, %dma_start3A_34] : memref<4x100352xf32, #tpu.memory_space<hbm>> -> memref<1x100352xf32, #tpu.memory_space<hbm>>
      %dma_start3A_36 = tpu.memref_squeeze %dma_start3A_35 : memref<1x100352xf32, #tpu.memory_space<hbm>> -> memref<100352xf32, #tpu.memory_space<hbm>>
      %dma_start3A_37 = tpu.memref_slice %dma_start3A_36[%mul3A_2] : memref<100352xf32, #tpu.memory_space<hbm>> -> memref<6272xf32, #tpu.memory_space<hbm>>
      tpu.enqueue_dma source(%dma_start3A_37 : memref<6272xf32, #tpu.memory_space<hbm>>) target(%arg12 : memref<6272xf32, #tpu.memory_space<vmem>>) target_semaphore(%run_scoped3A_30 : memref<!tpu.dma_semaphore, #tpu.memory_space<semaphore_mem>>)
      %dma_wait3A = arith.constant 0 : i32
      %dma_wait3A_38 = tpu.memref_slice %arg4[%run_scoped3A_12, %dma_wait3A] : memref<4x100352xf32, #tpu.memory_space<hbm>> -> memref<1x100352xf32, #tpu.memory_space<hbm>>
      %dma_wait3A_39 = tpu.memref_squeeze %dma_wait3A_38 : memref<1x100352xf32, #tpu.memory_space<hbm>> -> memref<100352xf32, #tpu.memory_space<hbm>>
      %dma_wait3A_40 = tpu.memref_slice %dma_wait3A_39[%mul3A_2] : memref<100352xf32, #tpu.memory_space<hbm>> -> memref<6272xf32, #tpu.memory_space<hbm>>
      %dma_wait3A_41 = arith.constant 0 : i32
      %dma_wait3A_42 = tpu.memref_slice %arg4[%run_scoped3A_12, %dma_wait3A_41] : memref<4x100352xf32, #tpu.memory_space<hbm>> -> memref<1x100352xf32, #tpu.memory_space<hbm>>
      %dma_wait3A_43 = tpu.memref_squeeze %dma_wait3A_42 : memref<1x100352xf32, #tpu.memory_space<hbm>> -> memref<100352xf32, #tpu.memory_space<hbm>>
      %dma_wait3A_44 = tpu.memref_slice %dma_wait3A_43[%mul3A_2] : memref<100352xf32, #tpu.memory_space<hbm>> -> memref<6272xf32, #tpu.memory_space<hbm>>
      tpu.wait_dma2 semaphore(%run_scoped3A_30 : memref<!tpu.dma_semaphore, #tpu.memory_space<semaphore_mem>>) src(%dma_wait3A_44 : memref<6272xf32, #tpu.memory_space<hbm>>) dst(%arg12 : memref<6272xf32, #tpu.memory_space<vmem>>)
      tpu.yield
    }) : () -> ()
    %run_scoped3A_13 = arith.constant 3 : i32
    "tpu.region"() ({
      %run_scoped3A_30 = tpu.sem_alloc : memref<!tpu.dma_semaphore, #tpu.memory_space<semaphore_mem>>
      %dma_start3A = arith.constant 0 : i32
      %dma_start3A_31 = tpu.memref_slice %arg13[%run_scoped3A_13, %dma_start3A] : memref<4x100352xf32, #tpu.memory_space<vmem_shared>> -> memref<1x100352xf32, #tpu.memory_space<vmem_shared>>
      %dma_start3A_32 = tpu.memref_squeeze %dma_start3A_31 : memref<1x100352xf32, #tpu.memory_space<vmem_shared>> -> memref<100352xf32, #tpu.memory_space<vmem_shared>>
      %dma_start3A_33 = tpu.memref_slice %dma_start3A_32[%mul3A_2] : memref<100352xf32, #tpu.memory_space<vmem_shared>> -> memref<6272xf32, #tpu.memory_space<vmem_shared>>
      %dma_start3A_34 = arith.constant 0 : i32
      %dma_start3A_35 = tpu.memref_slice %arg13[%run_scoped3A_13, %dma_start3A_34] : memref<4x100352xf32, #tpu.memory_space<vmem_shared>> -> memref<1x100352xf32, #tpu.memory_space<vmem_shared>>
      %dma_start3A_36 = tpu.memref_squeeze %dma_start3A_35 : memref<1x100352xf32, #tpu.memory_space<vmem_shared>> -> memref<100352xf32, #tpu.memory_space<vmem_shared>>
      %dma_start3A_37 = tpu.memref_slice %dma_start3A_36[%mul3A_2] : memref<100352xf32, #tpu.memory_space<vmem_shared>> -> memref<6272xf32, #tpu.memory_space<vmem_shared>>
      tpu.enqueue_dma source(%arg12 : memref<6272xf32, #tpu.memory_space<vmem>>) target(%dma_start3A_37 : memref<6272xf32, #tpu.memory_space<vmem_shared>>) target_semaphore(%run_scoped3A_30 : memref<!tpu.dma_semaphore, #tpu.memory_space<semaphore_mem>>)
      %dma_wait3A = arith.constant 0 : i32
      %dma_wait3A_38 = tpu.memref_slice %arg13[%run_scoped3A_13, %dma_wait3A] : memref<4x100352xf32, #tpu.memory_space<vmem_shared>> -> memref<1x100352xf32, #tpu.memory_space<vmem_shared>>
      %dma_wait3A_39 = tpu.memref_squeeze %dma_wait3A_38 : memref<1x100352xf32, #tpu.memory_space<vmem_shared>> -> memref<100352xf32, #tpu.memory_space<vmem_shared>>
      %dma_wait3A_40 = tpu.memref_slice %dma_wait3A_39[%mul3A_2] : memref<100352xf32, #tpu.memory_space<vmem_shared>> -> memref<6272xf32, #tpu.memory_space<vmem_shared>>
      %dma_wait3A_41 = arith.constant 0 : i32
      %dma_wait3A_42 = tpu.memref_slice %arg13[%run_scoped3A_13, %dma_wait3A_41] : memref<4x100352xf32, #tpu.memory_space<vmem_shared>> -> memref<1x100352xf32, #tpu.memory_space<vmem_shared>>
      %dma_wait3A_43 = tpu.memref_squeeze %dma_wait3A_42 : memref<1x100352xf32, #tpu.memory_space<vmem_shared>> -> memref<100352xf32, #tpu.memory_space<vmem_shared>>
      %dma_wait3A_44 = tpu.memref_slice %dma_wait3A_43[%mul3A_2] : memref<100352xf32, #tpu.memory_space<vmem_shared>> -> memref<6272xf32, #tpu.memory_space<vmem_shared>>
      tpu.wait_dma2 semaphore(%run_scoped3A_30 : memref<!tpu.dma_semaphore, #tpu.memory_space<semaphore_mem>>) src(%arg12 : memref<6272xf32, #tpu.memory_space<vmem>>) dst(%dma_wait3A_44 : memref<6272xf32, #tpu.memory_space<vmem_shared>>)
      tpu.yield
    }) : () -> ()
    %barrier3A = arith.constant 0 : index
    tpu.barrier barrier_id(%barrier3A)
    %scan3A_14 = arith.constant 0 : i32
    %scan3A_15 = arith.constant 49 : i32
    %scan3A_16 = arith.addi %scan3A_14, %scan3A_15 : i32
    %scan3A_17 = arith.constant 1 : i32
    scf.for %scan3A_30 = %scan3A_14 to %scan3A_16 step %scan3A_17  : i32 {
      %mul3A_31 = arith.constant 1 : i32
      %mul3A_32 = arith.muli %scan3A_30, %mul3A_31 : i32
      %add3A_33 = arith.constant 0 : i32
      %add3A_34 = arith.addi %add3A_33, %mul3A_32 : i32
      %mul3A_35 = arith.constant 2 : i32
      %mul3A_36 = arith.muli %add3A_34, %mul3A_35 : i32
      %add3A_37 = arith.constant 0 : i32
      %add3A_38 = arith.addi %mul3A_36, %add3A_37 : i32
      %ge3A = arith.constant 1 : i32
      %ge3A_39 = arith.cmpi sge, %add3A_38, %ge3A : i32
      %sub3A = arith.constant 1 : i32
      %sub3A_40 = arith.subi %add3A_38, %sub3A : i32
      %mul3A_41 = arith.constant 32 : i32
      %mul3A_42 = arith.muli %sub3A_40, %mul3A_41 : i32
      %add3A_43 = arith.addi %add3A, %mul3A_42 : i32
      %lt3A_44 = arith.constant 3125 : i32
      %lt3A_45 = arith.cmpi slt, %add3A_43, %lt3A_44 : i32
      %and3A = arith.andi %ge3A_39, %lt3A_45 : i1
      %convert_element_type3A_46 = arith.extui %and3A : i1 to i32
      %cond3A_47 = arith.constant 0 : i32
      %cond3A_48 = arith.cmpi ne, %convert_element_type3A_46, %cond3A_47 : i32
      scf.if %cond3A_48 {
        %dma_wait3A = arith.constant 0 : i32
        %dma_wait3A_82 = arith.constant 0 : i32
        %dma_wait3A_83 = arith.constant 0 : i32
        %dma_wait3A_84 = arith.constant 0 : i32
        %dma_wait3A_85 = tpu.memref_slice %arg11[%dma_wait3A_83, %dma_wait3A_84] : memref<4x2048xf32, #tpu.memory_space<vmem>> -> memref<1x2048xf32, #tpu.memory_space<vmem>>
        %dma_wait3A_86 = tpu.memref_squeeze %dma_wait3A_85 : memref<1x2048xf32, #tpu.memory_space<vmem>> -> memref<2048xf32, #tpu.memory_space<vmem>>
        %dma_wait3A_87 = arith.constant 0 : i32
        %dma_wait3A_88 = tpu.memref_slice %arg7[%dma_wait3A_82, %dma_wait3A_87] : memref<1x2048xi32, #tpu.memory_space<vmem>> -> memref<1x2048xi32, #tpu.memory_space<vmem>>
        %dma_wait3A_89 = tpu.memref_squeeze %dma_wait3A_88 : memref<1x2048xi32, #tpu.memory_space<vmem>> -> memref<2048xi32, #tpu.memory_space<vmem>>
        %dma_wait3A_90 = arith.constant 0 : i32
        %dma_wait3A_91 = tpu.memref_slice %arg4[%dma_wait3A, %dma_wait3A_90] : memref<4x100352xf32, #tpu.memory_space<hbm>> -> memref<1x100352xf32, #tpu.memory_space<hbm>>
        %dma_wait3A_92 = tpu.memref_squeeze %dma_wait3A_91 : memref<1x100352xf32, #tpu.memory_space<hbm>> -> memref<100352xf32, #tpu.memory_space<hbm>>
        %dma_wait3A_93 = arith.constant 0 : i32
        %dma_wait3A_94 = tpu.memref_slice %dma_wait3A_92[%dma_wait3A_93] : memref<100352xf32, #tpu.memory_space<hbm>> -> memref<100352xf32, #tpu.memory_space<hbm>>
        tpu.wait_indirect_dma semaphore(%arg16 : memref<!tpu.dma_semaphore, #tpu.memory_space<semaphore_mem>>) src(%dma_wait3A_94 : memref<100352xf32, #tpu.memory_space<hbm>>) dst(%dma_wait3A_86 : memref<2048xf32, #tpu.memory_space<vmem>>)
        %dma_wait3A_95 = arith.constant 1 : i32
        %dma_wait3A_96 = arith.constant 0 : i32
        %dma_wait3A_97 = arith.constant 1 : i32
        %dma_wait3A_98 = arith.constant 0 : i32
        %dma_wait3A_99 = tpu.memref_slice %arg11[%dma_wait3A_97, %dma_wait3A_98] : memref<4x2048xf32, #tpu.memory_space<vmem>> -> memref<1x2048xf32, #tpu.memory_space<vmem>>
        %dma_wait3A_100 = tpu.memref_squeeze %dma_wait3A_99 : memref<1x2048xf32, #tpu.memory_space<vmem>> -> memref<2048xf32, #tpu.memory_space<vmem>>
        %dma_wait3A_101 = arith.constant 0 : i32
        %dma_wait3A_102 = tpu.memref_slice %arg7[%dma_wait3A_96, %dma_wait3A_101] : memref<1x2048xi32, #tpu.memory_space<vmem>> -> memref<1x2048xi32, #tpu.memory_space<vmem>>
        %dma_wait3A_103 = tpu.memref_squeeze %dma_wait3A_102 : memref<1x2048xi32, #tpu.memory_space<vmem>> -> memref<2048xi32, #tpu.memory_space<vmem>>
        %dma_wait3A_104 = arith.constant 0 : i32
        %dma_wait3A_105 = tpu.memref_slice %arg4[%dma_wait3A_95, %dma_wait3A_104] : memref<4x100352xf32, #tpu.memory_space<hbm>> -> memref<1x100352xf32, #tpu.memory_space<hbm>>
        %dma_wait3A_106 = tpu.memref_squeeze %dma_wait3A_105 : memref<1x100352xf32, #tpu.memory_space<hbm>> -> memref<100352xf32, #tpu.memory_space<hbm>>
        %dma_wait3A_107 = arith.constant 0 : i32
        %dma_wait3A_108 = tpu.memref_slice %dma_wait3A_106[%dma_wait3A_107] : memref<100352xf32, #tpu.memory_space<hbm>> -> memref<100352xf32, #tpu.memory_space<hbm>>
        tpu.wait_indirect_dma semaphore(%arg16 : memref<!tpu.dma_semaphore, #tpu.memory_space<semaphore_mem>>) src(%dma_wait3A_108 : memref<100352xf32, #tpu.memory_space<hbm>>) dst(%dma_wait3A_100 : memref<2048xf32, #tpu.memory_space<vmem>>)
        %run_scoped3A_109 = arith.constant 2 : i32
        %run_scoped3A_110 = arith.constant 0 : i32
        %run_scoped3A_111 = arith.constant 2 : i32
        "tpu.region"() ({
          %run_scoped3A_127 = tpu.sem_alloc : memref<!tpu.dma_semaphore, #tpu.memory_space<semaphore_mem>>
          %dma_start3A = arith.constant 0 : i32
          %dma_start3A_128 = tpu.memref_slice %arg11[%run_scoped3A_111, %dma_start3A] : memref<4x2048xf32, #tpu.memory_space<vmem>> -> memref<1x2048xf32, #tpu.memory_space<vmem>>
          %dma_start3A_129 = tpu.memref_squeeze %dma_start3A_128 : memref<1x2048xf32, #tpu.memory_space<vmem>> -> memref<2048xf32, #tpu.memory_space<vmem>>
          %dma_start3A_130 = arith.constant 0 : i32
          %dma_start3A_131 = tpu.memref_slice %arg7[%run_scoped3A_110, %dma_start3A_130] : memref<1x2048xi32, #tpu.memory_space<vmem>> -> memref<1x2048xi32, #tpu.memory_space<vmem>>
          %dma_start3A_132 = tpu.memref_squeeze %dma_start3A_131 : memref<1x2048xi32, #tpu.memory_space<vmem>> -> memref<2048xi32, #tpu.memory_space<vmem>>
          %dma_start3A_133 = arith.constant 0 : i32
          %dma_start3A_134 = tpu.memref_slice %arg13[%run_scoped3A_109, %dma_start3A_133] : memref<4x100352xf32, #tpu.memory_space<vmem_shared>> -> memref<1x100352xf32, #tpu.memory_space<vmem_shared>>
          %dma_start3A_135 = tpu.memref_squeeze %dma_start3A_134 : memref<1x100352xf32, #tpu.memory_space<vmem_shared>> -> memref<100352xf32, #tpu.memory_space<vmem_shared>>
          %dma_start3A_136 = arith.constant 0 : i32
          %dma_start3A_137 = tpu.memref_slice %dma_start3A_135[%dma_start3A_136] : memref<100352xf32, #tpu.memory_space<vmem_shared>> -> memref<100352xf32, #tpu.memory_space<vmem_shared>>
          tpu.enqueue_indirect_dma source(%dma_start3A_137 : memref<100352xf32, #tpu.memory_space<vmem_shared>>) target(%dma_start3A_129 : memref<2048xf32, #tpu.memory_space<vmem>>) offsets(%dma_start3A_132 : memref<2048xi32, #tpu.memory_space<vmem>>) semaphore(%run_scoped3A_127 : memref<!tpu.dma_semaphore, #tpu.memory_space<semaphore_mem>>)
          %dma_wait3A_138 = arith.constant 0 : i32
          %dma_wait3A_139 = tpu.memref_slice %arg11[%run_scoped3A_111, %dma_wait3A_138] : memref<4x2048xf32, #tpu.memory_space<vmem>> -> memref<1x2048xf32, #tpu.memory_space<vmem>>
          %dma_wait3A_140 = tpu.memref_squeeze %dma_wait3A_139 : memref<1x2048xf32, #tpu.memory_space<vmem>> -> memref<2048xf32, #tpu.memory_space<vmem>>
          %dma_wait3A_141 = arith.constant 0 : i32
          %dma_wait3A_142 = tpu.memref_slice %arg7[%run_scoped3A_110, %dma_wait3A_141] : memref<1x2048xi32, #tpu.memory_space<vmem>> -> memref<1x2048xi32, #tpu.memory_space<vmem>>
          %dma_wait3A_143 = tpu.memref_squeeze %dma_wait3A_142 : memref<1x2048xi32, #tpu.memory_space<vmem>> -> memref<2048xi32, #tpu.memory_space<vmem>>
          %dma_wait3A_144 = arith.constant 0 : i32
          %dma_wait3A_145 = tpu.memref_slice %arg13[%run_scoped3A_109, %dma_wait3A_144] : memref<4x100352xf32, #tpu.memory_space<vmem_shared>> -> memref<1x100352xf32, #tpu.memory_space<vmem_shared>>
          %dma_wait3A_146 = tpu.memref_squeeze %dma_wait3A_145 : memref<1x100352xf32, #tpu.memory_space<vmem_shared>> -> memref<100352xf32, #tpu.memory_space<vmem_shared>>
          %dma_wait3A_147 = arith.constant 0 : i32
          %dma_wait3A_148 = tpu.memref_slice %dma_wait3A_146[%dma_wait3A_147] : memref<100352xf32, #tpu.memory_space<vmem_shared>> -> memref<100352xf32, #tpu.memory_space<vmem_shared>>
          tpu.wait_indirect_dma semaphore(%run_scoped3A_127 : memref<!tpu.dma_semaphore, #tpu.memory_space<semaphore_mem>>) src(%dma_wait3A_148 : memref<100352xf32, #tpu.memory_space<vmem_shared>>) dst(%dma_wait3A_140 : memref<2048xf32, #tpu.memory_space<vmem>>)
          tpu.yield
        }) : () -> ()
        %run_scoped3A_112 = arith.constant 3 : i32
        %run_scoped3A_113 = arith.constant 0 : i32
        %run_scoped3A_114 = arith.constant 3 : i32
        "tpu.region"() ({
          %run_scoped3A_127 = tpu.sem_alloc : memref<!tpu.dma_semaphore, #tpu.memory_space<semaphore_mem>>
          %dma_start3A = arith.constant 0 : i32
          %dma_start3A_128 = tpu.memref_slice %arg11[%run_scoped3A_114, %dma_start3A] : memref<4x2048xf32, #tpu.memory_space<vmem>> -> memref<1x2048xf32, #tpu.memory_space<vmem>>
          %dma_start3A_129 = tpu.memref_squeeze %dma_start3A_128 : memref<1x2048xf32, #tpu.memory_space<vmem>> -> memref<2048xf32, #tpu.memory_space<vmem>>
          %dma_start3A_130 = arith.constant 0 : i32
          %dma_start3A_131 = tpu.memref_slice %arg7[%run_scoped3A_113, %dma_start3A_130] : memref<1x2048xi32, #tpu.memory_space<vmem>> -> memref<1x2048xi32, #tpu.memory_space<vmem>>
          %dma_start3A_132 = tpu.memref_squeeze %dma_start3A_131 : memref<1x2048xi32, #tpu.memory_space<vmem>> -> memref<2048xi32, #tpu.memory_space<vmem>>
          %dma_start3A_133 = arith.constant 0 : i32
          %dma_start3A_134 = tpu.memref_slice %arg13[%run_scoped3A_112, %dma_start3A_133] : memref<4x100352xf32, #tpu.memory_space<vmem_shared>> -> memref<1x100352xf32, #tpu.memory_space<vmem_shared>>
          %dma_start3A_135 = tpu.memref_squeeze %dma_start3A_134 : memref<1x100352xf32, #tpu.memory_space<vmem_shared>> -> memref<100352xf32, #tpu.memory_space<vmem_shared>>
          %dma_start3A_136 = arith.constant 0 : i32
          %dma_start3A_137 = tpu.memref_slice %dma_start3A_135[%dma_start3A_136] : memref<100352xf32, #tpu.memory_space<vmem_shared>> -> memref<100352xf32, #tpu.memory_space<vmem_shared>>
          tpu.enqueue_indirect_dma source(%dma_start3A_137 : memref<100352xf32, #tpu.memory_space<vmem_shared>>) target(%dma_start3A_129 : memref<2048xf32, #tpu.memory_space<vmem>>) offsets(%dma_start3A_132 : memref<2048xi32, #tpu.memory_space<vmem>>) semaphore(%run_scoped3A_127 : memref<!tpu.dma_semaphore, #tpu.memory_space<semaphore_mem>>)
          %dma_wait3A_138 = arith.constant 0 : i32
          %dma_wait3A_139 = tpu.memref_slice %arg11[%run_scoped3A_114, %dma_wait3A_138] : memref<4x2048xf32, #tpu.memory_space<vmem>> -> memref<1x2048xf32, #tpu.memory_space<vmem>>
          %dma_wait3A_140 = tpu.memref_squeeze %dma_wait3A_139 : memref<1x2048xf32, #tpu.memory_space<vmem>> -> memref<2048xf32, #tpu.memory_space<vmem>>
          %dma_wait3A_141 = arith.constant 0 : i32
          %dma_wait3A_142 = tpu.memref_slice %arg7[%run_scoped3A_113, %dma_wait3A_141] : memref<1x2048xi32, #tpu.memory_space<vmem>> -> memref<1x2048xi32, #tpu.memory_space<vmem>>
          %dma_wait3A_143 = tpu.memref_squeeze %dma_wait3A_142 : memref<1x2048xi32, #tpu.memory_space<vmem>> -> memref<2048xi32, #tpu.memory_space<vmem>>
          %dma_wait3A_144 = arith.constant 0 : i32
          %dma_wait3A_145 = tpu.memref_slice %arg13[%run_scoped3A_112, %dma_wait3A_144] : memref<4x100352xf32, #tpu.memory_space<vmem_shared>> -> memref<1x100352xf32, #tpu.memory_space<vmem_shared>>
          %dma_wait3A_146 = tpu.memref_squeeze %dma_wait3A_145 : memref<1x100352xf32, #tpu.memory_space<vmem_shared>> -> memref<100352xf32, #tpu.memory_space<vmem_shared>>
          %dma_wait3A_147 = arith.constant 0 : i32
          %dma_wait3A_148 = tpu.memref_slice %dma_wait3A_146[%dma_wait3A_147] : memref<100352xf32, #tpu.memory_space<vmem_shared>> -> memref<100352xf32, #tpu.memory_space<vmem_shared>>
          tpu.wait_indirect_dma semaphore(%run_scoped3A_127 : memref<!tpu.dma_semaphore, #tpu.memory_space<semaphore_mem>>) src(%dma_wait3A_148 : memref<100352xf32, #tpu.memory_space<vmem_shared>>) dst(%dma_wait3A_140 : memref<2048xf32, #tpu.memory_space<vmem>>)
          tpu.yield
        }) : () -> ()
        %run_scoped3A_115 = arith.constant 0 : i32
        %run_scoped3A_116 = arith.constant 0 : i32
        %run_scoped3A_117 = arith.constant 0 : i32
        "tpu.region"() ({
          %run_scoped3A_127 = tpu.sem_alloc : memref<!tpu.dma_semaphore, #tpu.memory_space<semaphore_mem>>
          %dma_start3A = arith.constant 0 : i32
          %dma_start3A_128 = tpu.memref_slice %arg11[%run_scoped3A_115, %dma_start3A] : memref<4x2048xf32, #tpu.memory_space<vmem>> -> memref<1x2048xf32, #tpu.memory_space<vmem>>
          %dma_start3A_129 = tpu.memref_squeeze %dma_start3A_128 : memref<1x2048xf32, #tpu.memory_space<vmem>> -> memref<2048xf32, #tpu.memory_space<vmem>>
          %dma_start3A_130 = arith.constant 0 : i32
          %dma_start3A_131 = tpu.memref_slice %arg9[%run_scoped3A_117, %dma_start3A_130] : memref<1x2048xi32, #tpu.memory_space<vmem>> -> memref<1x2048xi32, #tpu.memory_space<vmem>>
          %dma_start3A_132 = tpu.memref_squeeze %dma_start3A_131 : memref<1x2048xi32, #tpu.memory_space<vmem>> -> memref<2048xi32, #tpu.memory_space<vmem>>
          %dma_start3A_133 = arith.constant 0 : i32
          %dma_start3A_134 = tpu.memref_slice %arg14[%run_scoped3A_116, %dma_start3A_133] : memref<4x100352xf32, #tpu.memory_space<vmem_shared>> -> memref<1x100352xf32, #tpu.memory_space<vmem_shared>>
          %dma_start3A_135 = tpu.memref_squeeze %dma_start3A_134 : memref<1x100352xf32, #tpu.memory_space<vmem_shared>> -> memref<100352xf32, #tpu.memory_space<vmem_shared>>
          %dma_start3A_136 = arith.constant 0 : i32
          %dma_start3A_137 = tpu.memref_slice %dma_start3A_135[%dma_start3A_136] : memref<100352xf32, #tpu.memory_space<vmem_shared>> -> memref<100352xf32, #tpu.memory_space<vmem_shared>>
          tpu.enqueue_indirect_dma source(%dma_start3A_129 : memref<2048xf32, #tpu.memory_space<vmem>>) target(%dma_start3A_137 : memref<100352xf32, #tpu.memory_space<vmem_shared>>) offsets(%dma_start3A_132 : memref<2048xi32, #tpu.memory_space<vmem>>) semaphore(%run_scoped3A_127 : memref<!tpu.dma_semaphore, #tpu.memory_space<semaphore_mem>>) {add = true}
          %dma_wait3A_138 = arith.constant 0 : i32
          %dma_wait3A_139 = tpu.memref_slice %arg11[%run_scoped3A_115, %dma_wait3A_138] : memref<4x2048xf32, #tpu.memory_space<vmem>> -> memref<1x2048xf32, #tpu.memory_space<vmem>>
          %dma_wait3A_140 = tpu.memref_squeeze %dma_wait3A_139 : memref<1x2048xf32, #tpu.memory_space<vmem>> -> memref<2048xf32, #tpu.memory_space<vmem>>
          %dma_wait3A_141 = arith.constant 0 : i32
          %dma_wait3A_142 = tpu.memref_slice %arg9[%run_scoped3A_117, %dma_wait3A_141] : memref<1x2048xi32, #tpu.memory_space<vmem>> -> memref<1x2048xi32, #tpu.memory_space<vmem>>
          %dma_wait3A_143 = tpu.memref_squeeze %dma_wait3A_142 : memref<1x2048xi32, #tpu.memory_space<vmem>> -> memref<2048xi32, #tpu.memory_space<vmem>>
          %dma_wait3A_144 = arith.constant 0 : i32
          %dma_wait3A_145 = tpu.memref_slice %arg14[%run_scoped3A_116, %dma_wait3A_144] : memref<4x100352xf32, #tpu.memory_space<vmem_shared>> -> memref<1x100352xf32, #tpu.memory_space<vmem_shared>>
          %dma_wait3A_146 = tpu.memref_squeeze %dma_wait3A_145 : memref<1x100352xf32, #tpu.memory_space<vmem_shared>> -> memref<100352xf32, #tpu.memory_space<vmem_shared>>
          %dma_wait3A_147 = arith.constant 0 : i32
          %dma_wait3A_148 = tpu.memref_slice %dma_wait3A_146[%dma_wait3A_147] : memref<100352xf32, #tpu.memory_space<vmem_shared>> -> memref<100352xf32, #tpu.memory_space<vmem_shared>>
          tpu.wait_indirect_dma semaphore(%run_scoped3A_127 : memref<!tpu.dma_semaphore, #tpu.memory_space<semaphore_mem>>) src(%dma_wait3A_140 : memref<2048xf32, #tpu.memory_space<vmem>>) dst(%dma_wait3A_148 : memref<100352xf32, #tpu.memory_space<vmem_shared>>)
          tpu.yield
        }) : () -> ()
        %run_scoped3A_118 = arith.constant 1 : i32
        %run_scoped3A_119 = arith.constant 1 : i32
        %run_scoped3A_120 = arith.constant 0 : i32
        "tpu.region"() ({
          %run_scoped3A_127 = tpu.sem_alloc : memref<!tpu.dma_semaphore, #tpu.memory_space<semaphore_mem>>
          %dma_start3A = arith.constant 0 : i32
          %dma_start3A_128 = tpu.memref_slice %arg11[%run_scoped3A_118, %dma_start3A] : memref<4x2048xf32, #tpu.memory_space<vmem>> -> memref<1x2048xf32, #tpu.memory_space<vmem>>
          %dma_start3A_129 = tpu.memref_squeeze %dma_start3A_128 : memref<1x2048xf32, #tpu.memory_space<vmem>> -> memref<2048xf32, #tpu.memory_space<vmem>>
          %dma_start3A_130 = arith.constant 0 : i32
          %dma_start3A_131 = tpu.memref_slice %arg9[%run_scoped3A_120, %dma_start3A_130] : memref<1x2048xi32, #tpu.memory_space<vmem>> -> memref<1x2048xi32, #tpu.memory_space<vmem>>
          %dma_start3A_132 = tpu.memref_squeeze %dma_start3A_131 : memref<1x2048xi32, #tpu.memory_space<vmem>> -> memref<2048xi32, #tpu.memory_space<vmem>>
          %dma_start3A_133 = arith.constant 0 : i32
          %dma_start3A_134 = tpu.memref_slice %arg14[%run_scoped3A_119, %dma_start3A_133] : memref<4x100352xf32, #tpu.memory_space<vmem_shared>> -> memref<1x100352xf32, #tpu.memory_space<vmem_shared>>
          %dma_start3A_135 = tpu.memref_squeeze %dma_start3A_134 : memref<1x100352xf32, #tpu.memory_space<vmem_shared>> -> memref<100352xf32, #tpu.memory_space<vmem_shared>>
          %dma_start3A_136 = arith.constant 0 : i32
          %dma_start3A_137 = tpu.memref_slice %dma_start3A_135[%dma_start3A_136] : memref<100352xf32, #tpu.memory_space<vmem_shared>> -> memref<100352xf32, #tpu.memory_space<vmem_shared>>
          tpu.enqueue_indirect_dma source(%dma_start3A_129 : memref<2048xf32, #tpu.memory_space<vmem>>) target(%dma_start3A_137 : memref<100352xf32, #tpu.memory_space<vmem_shared>>) offsets(%dma_start3A_132 : memref<2048xi32, #tpu.memory_space<vmem>>) semaphore(%run_scoped3A_127 : memref<!tpu.dma_semaphore, #tpu.memory_space<semaphore_mem>>) {add = true}
          %dma_wait3A_138 = arith.constant 0 : i32
          %dma_wait3A_139 = tpu.memref_slice %arg11[%run_scoped3A_118, %dma_wait3A_138] : memref<4x2048xf32, #tpu.memory_space<vmem>> -> memref<1x2048xf32, #tpu.memory_space<vmem>>
          %dma_wait3A_140 = tpu.memref_squeeze %dma_wait3A_139 : memref<1x2048xf32, #tpu.memory_space<vmem>> -> memref<2048xf32, #tpu.memory_space<vmem>>
          %dma_wait3A_141 = arith.constant 0 : i32
          %dma_wait3A_142 = tpu.memref_slice %arg9[%run_scoped3A_120, %dma_wait3A_141] : memref<1x2048xi32, #tpu.memory_space<vmem>> -> memref<1x2048xi32, #tpu.memory_space<vmem>>
          %dma_wait3A_143 = tpu.memref_squeeze %dma_wait3A_142 : memref<1x2048xi32, #tpu.memory_space<vmem>> -> memref<2048xi32, #tpu.memory_space<vmem>>
          %dma_wait3A_144 = arith.constant 0 : i32
          %dma_wait3A_145 = tpu.memref_slice %arg14[%run_scoped3A_119, %dma_wait3A_144] : memref<4x100352xf32, #tpu.memory_space<vmem_shared>> -> memref<1x100352xf32, #tpu.memory_space<vmem_shared>>
          %dma_wait3A_146 = tpu.memref_squeeze %dma_wait3A_145 : memref<1x100352xf32, #tpu.memory_space<vmem_shared>> -> memref<100352xf32, #tpu.memory_space<vmem_shared>>
          %dma_wait3A_147 = arith.constant 0 : i32
          %dma_wait3A_148 = tpu.memref_slice %dma_wait3A_146[%dma_wait3A_147] : memref<100352xf32, #tpu.memory_space<vmem_shared>> -> memref<100352xf32, #tpu.memory_space<vmem_shared>>
          tpu.wait_indirect_dma semaphore(%run_scoped3A_127 : memref<!tpu.dma_semaphore, #tpu.memory_space<semaphore_mem>>) src(%dma_wait3A_140 : memref<2048xf32, #tpu.memory_space<vmem>>) dst(%dma_wait3A_148 : memref<100352xf32, #tpu.memory_space<vmem_shared>>)
          tpu.yield
        }) : () -> ()
        %run_scoped3A_121 = arith.constant 2 : i32
        %run_scoped3A_122 = arith.constant 2 : i32
        %run_scoped3A_123 = arith.constant 0 : i32
        "tpu.region"() ({
          %run_scoped3A_127 = tpu.sem_alloc : memref<!tpu.dma_semaphore, #tpu.memory_space<semaphore_mem>>
          %dma_start3A = arith.constant 0 : i32
          %dma_start3A_128 = tpu.memref_slice %arg11[%run_scoped3A_121, %dma_start3A] : memref<4x2048xf32, #tpu.memory_space<vmem>> -> memref<1x2048xf32, #tpu.memory_space<vmem>>
          %dma_start3A_129 = tpu.memref_squeeze %dma_start3A_128 : memref<1x2048xf32, #tpu.memory_space<vmem>> -> memref<2048xf32, #tpu.memory_space<vmem>>
          %dma_start3A_130 = arith.constant 0 : i32
          %dma_start3A_131 = tpu.memref_slice %arg9[%run_scoped3A_123, %dma_start3A_130] : memref<1x2048xi32, #tpu.memory_space<vmem>> -> memref<1x2048xi32, #tpu.memory_space<vmem>>
          %dma_start3A_132 = tpu.memref_squeeze %dma_start3A_131 : memref<1x2048xi32, #tpu.memory_space<vmem>> -> memref<2048xi32, #tpu.memory_space<vmem>>
          %dma_start3A_133 = arith.constant 0 : i32
          %dma_start3A_134 = tpu.memref_slice %arg14[%run_scoped3A_122, %dma_start3A_133] : memref<4x100352xf32, #tpu.memory_space<vmem_shared>> -> memref<1x100352xf32, #tpu.memory_space<vmem_shared>>
          %dma_start3A_135 = tpu.memref_squeeze %dma_start3A_134 : memref<1x100352xf32, #tpu.memory_space<vmem_shared>> -> memref<100352xf32, #tpu.memory_space<vmem_shared>>
          %dma_start3A_136 = arith.constant 0 : i32
          %dma_start3A_137 = tpu.memref_slice %dma_start3A_135[%dma_start3A_136] : memref<100352xf32, #tpu.memory_space<vmem_shared>> -> memref<100352xf32, #tpu.memory_space<vmem_shared>>
          tpu.enqueue_indirect_dma source(%dma_start3A_129 : memref<2048xf32, #tpu.memory_space<vmem>>) target(%dma_start3A_137 : memref<100352xf32, #tpu.memory_space<vmem_shared>>) offsets(%dma_start3A_132 : memref<2048xi32, #tpu.memory_space<vmem>>) semaphore(%run_scoped3A_127 : memref<!tpu.dma_semaphore, #tpu.memory_space<semaphore_mem>>) {add = true}
          %dma_wait3A_138 = arith.constant 0 : i32
          %dma_wait3A_139 = tpu.memref_slice %arg11[%run_scoped3A_121, %dma_wait3A_138] : memref<4x2048xf32, #tpu.memory_space<vmem>> -> memref<1x2048xf32, #tpu.memory_space<vmem>>
          %dma_wait3A_140 = tpu.memref_squeeze %dma_wait3A_139 : memref<1x2048xf32, #tpu.memory_space<vmem>> -> memref<2048xf32, #tpu.memory_space<vmem>>
          %dma_wait3A_141 = arith.constant 0 : i32
          %dma_wait3A_142 = tpu.memref_slice %arg9[%run_scoped3A_123, %dma_wait3A_141] : memref<1x2048xi32, #tpu.memory_space<vmem>> -> memref<1x2048xi32, #tpu.memory_space<vmem>>
          %dma_wait3A_143 = tpu.memref_squeeze %dma_wait3A_142 : memref<1x2048xi32, #tpu.memory_space<vmem>> -> memref<2048xi32, #tpu.memory_space<vmem>>
          %dma_wait3A_144 = arith.constant 0 : i32
          %dma_wait3A_145 = tpu.memref_slice %arg14[%run_scoped3A_122, %dma_wait3A_144] : memref<4x100352xf32, #tpu.memory_space<vmem_shared>> -> memref<1x100352xf32, #tpu.memory_space<vmem_shared>>
          %dma_wait3A_146 = tpu.memref_squeeze %dma_wait3A_145 : memref<1x100352xf32, #tpu.memory_space<vmem_shared>> -> memref<100352xf32, #tpu.memory_space<vmem_shared>>
          %dma_wait3A_147 = arith.constant 0 : i32
          %dma_wait3A_148 = tpu.memref_slice %dma_wait3A_146[%dma_wait3A_147] : memref<100352xf32, #tpu.memory_space<vmem_shared>> -> memref<100352xf32, #tpu.memory_space<vmem_shared>>
          tpu.wait_indirect_dma semaphore(%run_scoped3A_127 : memref<!tpu.dma_semaphore, #tpu.memory_space<semaphore_mem>>) src(%dma_wait3A_140 : memref<2048xf32, #tpu.memory_space<vmem>>) dst(%dma_wait3A_148 : memref<100352xf32, #tpu.memory_space<vmem_shared>>)
          tpu.yield
        }) : () -> ()
        %run_scoped3A_124 = arith.constant 3 : i32
        %run_scoped3A_125 = arith.constant 3 : i32
        %run_scoped3A_126 = arith.constant 0 : i32
        "tpu.region"() ({
          %run_scoped3A_127 = tpu.sem_alloc : memref<!tpu.dma_semaphore, #tpu.memory_space<semaphore_mem>>
          %dma_start3A = arith.constant 0 : i32
          %dma_start3A_128 = tpu.memref_slice %arg11[%run_scoped3A_124, %dma_start3A] : memref<4x2048xf32, #tpu.memory_space<vmem>> -> memref<1x2048xf32, #tpu.memory_space<vmem>>
          %dma_start3A_129 = tpu.memref_squeeze %dma_start3A_128 : memref<1x2048xf32, #tpu.memory_space<vmem>> -> memref<2048xf32, #tpu.memory_space<vmem>>
          %dma_start3A_130 = arith.constant 0 : i32
          %dma_start3A_131 = tpu.memref_slice %arg9[%run_scoped3A_126, %dma_start3A_130] : memref<1x2048xi32, #tpu.memory_space<vmem>> -> memref<1x2048xi32, #tpu.memory_space<vmem>>
          %dma_start3A_132 = tpu.memref_squeeze %dma_start3A_131 : memref<1x2048xi32, #tpu.memory_space<vmem>> -> memref<2048xi32, #tpu.memory_space<vmem>>
          %dma_start3A_133 = arith.constant 0 : i32
          %dma_start3A_134 = tpu.memref_slice %arg14[%run_scoped3A_125, %dma_start3A_133] : memref<4x100352xf32, #tpu.memory_space<vmem_shared>> -> memref<1x100352xf32, #tpu.memory_space<vmem_shared>>
          %dma_start3A_135 = tpu.memref_squeeze %dma_start3A_134 : memref<1x100352xf32, #tpu.memory_space<vmem_shared>> -> memref<100352xf32, #tpu.memory_space<vmem_shared>>
          %dma_start3A_136 = arith.constant 0 : i32
          %dma_start3A_137 = tpu.memref_slice %dma_start3A_135[%dma_start3A_136] : memref<100352xf32, #tpu.memory_space<vmem_shared>> -> memref<100352xf32, #tpu.memory_space<vmem_shared>>
          tpu.enqueue_indirect_dma source(%dma_start3A_129 : memref<2048xf32, #tpu.memory_space<vmem>>) target(%dma_start3A_137 : memref<100352xf32, #tpu.memory_space<vmem_shared>>) offsets(%dma_start3A_132 : memref<2048xi32, #tpu.memory_space<vmem>>) semaphore(%run_scoped3A_127 : memref<!tpu.dma_semaphore, #tpu.memory_space<semaphore_mem>>) {add = true}
          %dma_wait3A_138 = arith.constant 0 : i32
          %dma_wait3A_139 = tpu.memref_slice %arg11[%run_scoped3A_124, %dma_wait3A_138] : memref<4x2048xf32, #tpu.memory_space<vmem>> -> memref<1x2048xf32, #tpu.memory_space<vmem>>
          %dma_wait3A_140 = tpu.memref_squeeze %dma_wait3A_139 : memref<1x2048xf32, #tpu.memory_space<vmem>> -> memref<2048xf32, #tpu.memory_space<vmem>>
          %dma_wait3A_141 = arith.constant 0 : i32
          %dma_wait3A_142 = tpu.memref_slice %arg9[%run_scoped3A_126, %dma_wait3A_141] : memref<1x2048xi32, #tpu.memory_space<vmem>> -> memref<1x2048xi32, #tpu.memory_space<vmem>>
          %dma_wait3A_143 = tpu.memref_squeeze %dma_wait3A_142 : memref<1x2048xi32, #tpu.memory_space<vmem>> -> memref<2048xi32, #tpu.memory_space<vmem>>
          %dma_wait3A_144 = arith.constant 0 : i32
          %dma_wait3A_145 = tpu.memref_slice %arg14[%run_scoped3A_125, %dma_wait3A_144] : memref<4x100352xf32, #tpu.memory_space<vmem_shared>> -> memref<1x100352xf32, #tpu.memory_space<vmem_shared>>
          %dma_wait3A_146 = tpu.memref_squeeze %dma_wait3A_145 : memref<1x100352xf32, #tpu.memory_space<vmem_shared>> -> memref<100352xf32, #tpu.memory_space<vmem_shared>>
          %dma_wait3A_147 = arith.constant 0 : i32
          %dma_wait3A_148 = tpu.memref_slice %dma_wait3A_146[%dma_wait3A_147] : memref<100352xf32, #tpu.memory_space<vmem_shared>> -> memref<100352xf32, #tpu.memory_space<vmem_shared>>
          tpu.wait_indirect_dma semaphore(%run_scoped3A_127 : memref<!tpu.dma_semaphore, #tpu.memory_space<semaphore_mem>>) src(%dma_wait3A_140 : memref<2048xf32, #tpu.memory_space<vmem>>) dst(%dma_wait3A_148 : memref<100352xf32, #tpu.memory_space<vmem_shared>>)
          tpu.yield
        }) : () -> ()
      } else {
      }
      %mul3A_49 = arith.constant 32 : i32
      %mul3A_50 = arith.muli %add3A_38, %mul3A_49 : i32
      %add3A_51 = arith.addi %add3A, %mul3A_50 : i32
      %lt3A_52 = arith.constant 3125 : i32
      %lt3A_53 = arith.cmpi slt, %add3A_51, %lt3A_52 : i32
      %convert_element_type3A_54 = arith.extui %lt3A_53 : i1 to i32
      %cond3A_55 = arith.constant 0 : i32
      %cond3A_56 = arith.cmpi ne, %convert_element_type3A_54, %cond3A_55 : i32
      scf.if %cond3A_56 {
        "tpu.region"() ({
          %run_scoped3A_109 = tpu.sem_alloc : memref<!tpu.dma_semaphore, #tpu.memory_space<semaphore_mem>>
          %dma_start3A_110 = arith.constant 0 : i32
          %dma_start3A_111 = tpu.memref_slice %arg2[%add3A_51, %dma_start3A_110] : memref<3125x2048xi32, #tpu.memory_space<hbm>> -> memref<1x2048xi32, #tpu.memory_space<hbm>>
          %dma_start3A_112 = arith.constant 0 : i32
          %dma_start3A_113 = tpu.memref_slice %arg2[%add3A_51, %dma_start3A_112] : memref<3125x2048xi32, #tpu.memory_space<hbm>> -> memref<1x2048xi32, #tpu.memory_space<hbm>>
          tpu.enqueue_dma source(%dma_start3A_113 : memref<1x2048xi32, #tpu.memory_space<hbm>>) target(%arg6 : memref<1x2048xi32, #tpu.memory_space<vmem>>) target_semaphore(%run_scoped3A_109 : memref<!tpu.dma_semaphore, #tpu.memory_space<semaphore_mem>>)
          %dma_wait3A = arith.constant 0 : i32
          %dma_wait3A_114 = tpu.memref_slice %arg2[%add3A_51, %dma_wait3A] : memref<3125x2048xi32, #tpu.memory_space<hbm>> -> memref<1x2048xi32, #tpu.memory_space<hbm>>
          %dma_wait3A_115 = arith.constant 0 : i32
          %dma_wait3A_116 = tpu.memref_slice %arg2[%add3A_51, %dma_wait3A_115] : memref<3125x2048xi32, #tpu.memory_space<hbm>> -> memref<1x2048xi32, #tpu.memory_space<hbm>>
          tpu.wait_dma2 semaphore(%run_scoped3A_109 : memref<!tpu.dma_semaphore, #tpu.memory_space<semaphore_mem>>) src(%dma_wait3A_116 : memref<1x2048xi32, #tpu.memory_space<hbm>>) dst(%arg6 : memref<1x2048xi32, #tpu.memory_space<vmem>>)
          tpu.yield
        }) : () -> ()
        "tpu.region"() ({
          %run_scoped3A_109 = tpu.sem_alloc : memref<!tpu.dma_semaphore, #tpu.memory_space<semaphore_mem>>
          %dma_start3A_110 = arith.constant 0 : i32
          %dma_start3A_111 = tpu.memref_slice %arg3[%add3A_51, %dma_start3A_110] : memref<3125x2048xi32, #tpu.memory_space<hbm>> -> memref<1x2048xi32, #tpu.memory_space<hbm>>
          %dma_start3A_112 = arith.constant 0 : i32
          %dma_start3A_113 = tpu.memref_slice %arg3[%add3A_51, %dma_start3A_112] : memref<3125x2048xi32, #tpu.memory_space<hbm>> -> memref<1x2048xi32, #tpu.memory_space<hbm>>
          tpu.enqueue_dma source(%dma_start3A_113 : memref<1x2048xi32, #tpu.memory_space<hbm>>) target(%arg8 : memref<1x2048xi32, #tpu.memory_space<vmem>>) target_semaphore(%run_scoped3A_109 : memref<!tpu.dma_semaphore, #tpu.memory_space<semaphore_mem>>)
          %dma_wait3A = arith.constant 0 : i32
          %dma_wait3A_114 = tpu.memref_slice %arg3[%add3A_51, %dma_wait3A] : memref<3125x2048xi32, #tpu.memory_space<hbm>> -> memref<1x2048xi32, #tpu.memory_space<hbm>>
          %dma_wait3A_115 = arith.constant 0 : i32
          %dma_wait3A_116 = tpu.memref_slice %arg3[%add3A_51, %dma_wait3A_115] : memref<3125x2048xi32, #tpu.memory_space<hbm>> -> memref<1x2048xi32, #tpu.memory_space<hbm>>
          tpu.wait_dma2 semaphore(%run_scoped3A_109 : memref<!tpu.dma_semaphore, #tpu.memory_space<semaphore_mem>>) src(%dma_wait3A_116 : memref<1x2048xi32, #tpu.memory_space<hbm>>) dst(%arg8 : memref<1x2048xi32, #tpu.memory_space<vmem>>)
          tpu.yield
        }) : () -> ()
        %dma_start3A = arith.constant 0 : i32
        %dma_start3A_82 = arith.constant 0 : i32
        %dma_start3A_83 = arith.constant 0 : i32
        %dma_start3A_84 = arith.constant 0 : i32
        %dma_start3A_85 = tpu.memref_slice %arg10[%dma_start3A_83, %dma_start3A_84] : memref<4x2048xf32, #tpu.memory_space<vmem>> -> memref<1x2048xf32, #tpu.memory_space<vmem>>
        %dma_start3A_86 = tpu.memref_squeeze %dma_start3A_85 : memref<1x2048xf32, #tpu.memory_space<vmem>> -> memref<2048xf32, #tpu.memory_space<vmem>>
        %dma_start3A_87 = arith.constant 0 : i32
        %dma_start3A_88 = tpu.memref_slice %arg6[%dma_start3A_82, %dma_start3A_87] : memref<1x2048xi32, #tpu.memory_space<vmem>> -> memref<1x2048xi32, #tpu.memory_space<vmem>>
        %dma_start3A_89 = tpu.memref_squeeze %dma_start3A_88 : memref<1x2048xi32, #tpu.memory_space<vmem>> -> memref<2048xi32, #tpu.memory_space<vmem>>
        %dma_start3A_90 = arith.constant 0 : i32
        %dma_start3A_91 = tpu.memref_slice %arg4[%dma_start3A, %dma_start3A_90] : memref<4x100352xf32, #tpu.memory_space<hbm>> -> memref<1x100352xf32, #tpu.memory_space<hbm>>
        %dma_start3A_92 = tpu.memref_squeeze %dma_start3A_91 : memref<1x100352xf32, #tpu.memory_space<hbm>> -> memref<100352xf32, #tpu.memory_space<hbm>>
        %dma_start3A_93 = arith.constant 0 : i32
        %dma_start3A_94 = tpu.memref_slice %dma_start3A_92[%dma_start3A_93] : memref<100352xf32, #tpu.memory_space<hbm>> -> memref<100352xf32, #tpu.memory_space<hbm>>
        tpu.enqueue_indirect_dma source(%dma_start3A_94 : memref<100352xf32, #tpu.memory_space<hbm>>) target(%dma_start3A_86 : memref<2048xf32, #tpu.memory_space<vmem>>) offsets(%dma_start3A_89 : memref<2048xi32, #tpu.memory_space<vmem>>) semaphore(%arg15 : memref<!tpu.dma_semaphore, #tpu.memory_space<semaphore_mem>>)
        %dma_start3A_95 = arith.constant 1 : i32
        %dma_start3A_96 = arith.constant 0 : i32
        %dma_start3A_97 = arith.constant 1 : i32
        %dma_start3A_98 = arith.constant 0 : i32
        %dma_start3A_99 = tpu.memref_slice %arg10[%dma_start3A_97, %dma_start3A_98] : memref<4x2048xf32, #tpu.memory_space<vmem>> -> memref<1x2048xf32, #tpu.memory_space<vmem>>
        %dma_start3A_100 = tpu.memref_squeeze %dma_start3A_99 : memref<1x2048xf32, #tpu.memory_space<vmem>> -> memref<2048xf32, #tpu.memory_space<vmem>>
        %dma_start3A_101 = arith.constant 0 : i32
        %dma_start3A_102 = tpu.memref_slice %arg6[%dma_start3A_96, %dma_start3A_101] : memref<1x2048xi32, #tpu.memory_space<vmem>> -> memref<1x2048xi32, #tpu.memory_space<vmem>>
        %dma_start3A_103 = tpu.memref_squeeze %dma_start3A_102 : memref<1x2048xi32, #tpu.memory_space<vmem>> -> memref<2048xi32, #tpu.memory_space<vmem>>
        %dma_start3A_104 = arith.constant 0 : i32
        %dma_start3A_105 = tpu.memref_slice %arg4[%dma_start3A_95, %dma_start3A_104] : memref<4x100352xf32, #tpu.memory_space<hbm>> -> memref<1x100352xf32, #tpu.memory_space<hbm>>
        %dma_start3A_106 = tpu.memref_squeeze %dma_start3A_105 : memref<1x100352xf32, #tpu.memory_space<hbm>> -> memref<100352xf32, #tpu.memory_space<hbm>>
        %dma_start3A_107 = arith.constant 0 : i32
        %dma_start3A_108 = tpu.memref_slice %dma_start3A_106[%dma_start3A_107] : memref<100352xf32, #tpu.memory_space<hbm>> -> memref<100352xf32, #tpu.memory_space<hbm>>
        tpu.enqueue_indirect_dma source(%dma_start3A_108 : memref<100352xf32, #tpu.memory_space<hbm>>) target(%dma_start3A_100 : memref<2048xf32, #tpu.memory_space<vmem>>) offsets(%dma_start3A_103 : memref<2048xi32, #tpu.memory_space<vmem>>) semaphore(%arg15 : memref<!tpu.dma_semaphore, #tpu.memory_space<semaphore_mem>>)
      } else {
      }
      %mul3A_57 = arith.constant 2 : i32
      %mul3A_58 = arith.muli %add3A_34, %mul3A_57 : i32
      %add3A_59 = arith.constant 1 : i32
      %add3A_60 = arith.addi %mul3A_58, %add3A_59 : i32
      %ge3A_61 = arith.constant 1 : i32
      %ge3A_62 = arith.cmpi sge, %add3A_60, %ge3A_61 : i32
      %sub3A_63 = arith.constant 1 : i32
      %sub3A_64 = arith.subi %add3A_60, %sub3A_63 : i32
      %mul3A_65 = arith.constant 32 : i32
      %mul3A_66 = arith.muli %sub3A_64, %mul3A_65 : i32
      %add3A_67 = arith.addi %add3A, %mul3A_66 : i32
      %lt3A_68 = arith.constant 3125 : i32
      %lt3A_69 = arith.cmpi slt, %add3A_67, %lt3A_68 : i32
      %and3A_70 = arith.andi %ge3A_62, %lt3A_69 : i1
      %convert_element_type3A_71 = arith.extui %and3A_70 : i1 to i32
      %cond3A_72 = arith.constant 0 : i32
      %cond3A_73 = arith.cmpi ne, %convert_element_type3A_71, %cond3A_72 : i32
      scf.if %cond3A_73 {
        %dma_wait3A = arith.constant 0 : i32
        %dma_wait3A_82 = arith.constant 0 : i32
        %dma_wait3A_83 = arith.constant 0 : i32
        %dma_wait3A_84 = arith.constant 0 : i32
        %dma_wait3A_85 = tpu.memref_slice %arg10[%dma_wait3A_83, %dma_wait3A_84] : memref<4x2048xf32, #tpu.memory_space<vmem>> -> memref<1x2048xf32, #tpu.memory_space<vmem>>
        %dma_wait3A_86 = tpu.memref_squeeze %dma_wait3A_85 : memref<1x2048xf32, #tpu.memory_space<vmem>> -> memref<2048xf32, #tpu.memory_space<vmem>>
        %dma_wait3A_87 = arith.constant 0 : i32
        %dma_wait3A_88 = tpu.memref_slice %arg6[%dma_wait3A_82, %dma_wait3A_87] : memref<1x2048xi32, #tpu.memory_space<vmem>> -> memref<1x2048xi32, #tpu.memory_space<vmem>>
        %dma_wait3A_89 = tpu.memref_squeeze %dma_wait3A_88 : memref<1x2048xi32, #tpu.memory_space<vmem>> -> memref<2048xi32, #tpu.memory_space<vmem>>
        %dma_wait3A_90 = arith.constant 0 : i32
        %dma_wait3A_91 = tpu.memref_slice %arg4[%dma_wait3A, %dma_wait3A_90] : memref<4x100352xf32, #tpu.memory_space<hbm>> -> memref<1x100352xf32, #tpu.memory_space<hbm>>
        %dma_wait3A_92 = tpu.memref_squeeze %dma_wait3A_91 : memref<1x100352xf32, #tpu.memory_space<hbm>> -> memref<100352xf32, #tpu.memory_space<hbm>>
        %dma_wait3A_93 = arith.constant 0 : i32
        %dma_wait3A_94 = tpu.memref_slice %dma_wait3A_92[%dma_wait3A_93] : memref<100352xf32, #tpu.memory_space<hbm>> -> memref<100352xf32, #tpu.memory_space<hbm>>
        tpu.wait_indirect_dma semaphore(%arg15 : memref<!tpu.dma_semaphore, #tpu.memory_space<semaphore_mem>>) src(%dma_wait3A_94 : memref<100352xf32, #tpu.memory_space<hbm>>) dst(%dma_wait3A_86 : memref<2048xf32, #tpu.memory_space<vmem>>)
        %dma_wait3A_95 = arith.constant 1 : i32
        %dma_wait3A_96 = arith.constant 0 : i32
        %dma_wait3A_97 = arith.constant 1 : i32
        %dma_wait3A_98 = arith.constant 0 : i32
        %dma_wait3A_99 = tpu.memref_slice %arg10[%dma_wait3A_97, %dma_wait3A_98] : memref<4x2048xf32, #tpu.memory_space<vmem>> -> memref<1x2048xf32, #tpu.memory_space<vmem>>
        %dma_wait3A_100 = tpu.memref_squeeze %dma_wait3A_99 : memref<1x2048xf32, #tpu.memory_space<vmem>> -> memref<2048xf32, #tpu.memory_space<vmem>>
        %dma_wait3A_101 = arith.constant 0 : i32
        %dma_wait3A_102 = tpu.memref_slice %arg6[%dma_wait3A_96, %dma_wait3A_101] : memref<1x2048xi32, #tpu.memory_space<vmem>> -> memref<1x2048xi32, #tpu.memory_space<vmem>>
        %dma_wait3A_103 = tpu.memref_squeeze %dma_wait3A_102 : memref<1x2048xi32, #tpu.memory_space<vmem>> -> memref<2048xi32, #tpu.memory_space<vmem>>
        %dma_wait3A_104 = arith.constant 0 : i32
        %dma_wait3A_105 = tpu.memref_slice %arg4[%dma_wait3A_95, %dma_wait3A_104] : memref<4x100352xf32, #tpu.memory_space<hbm>> -> memref<1x100352xf32, #tpu.memory_space<hbm>>
        %dma_wait3A_106 = tpu.memref_squeeze %dma_wait3A_105 : memref<1x100352xf32, #tpu.memory_space<hbm>> -> memref<100352xf32, #tpu.memory_space<hbm>>
        %dma_wait3A_107 = arith.constant 0 : i32
        %dma_wait3A_108 = tpu.memref_slice %dma_wait3A_106[%dma_wait3A_107] : memref<100352xf32, #tpu.memory_space<hbm>> -> memref<100352xf32, #tpu.memory_space<hbm>>
        tpu.wait_indirect_dma semaphore(%arg15 : memref<!tpu.dma_semaphore, #tpu.memory_space<semaphore_mem>>) src(%dma_wait3A_108 : memref<100352xf32, #tpu.memory_space<hbm>>) dst(%dma_wait3A_100 : memref<2048xf32, #tpu.memory_space<vmem>>)
        %run_scoped3A_109 = arith.constant 2 : i32
        %run_scoped3A_110 = arith.constant 0 : i32
        %run_scoped3A_111 = arith.constant 2 : i32
        "tpu.region"() ({
          %run_scoped3A_127 = tpu.sem_alloc : memref<!tpu.dma_semaphore, #tpu.memory_space<semaphore_mem>>
          %dma_start3A = arith.constant 0 : i32
          %dma_start3A_128 = tpu.memref_slice %arg10[%run_scoped3A_111, %dma_start3A] : memref<4x2048xf32, #tpu.memory_space<vmem>> -> memref<1x2048xf32, #tpu.memory_space<vmem>>
          %dma_start3A_129 = tpu.memref_squeeze %dma_start3A_128 : memref<1x2048xf32, #tpu.memory_space<vmem>> -> memref<2048xf32, #tpu.memory_space<vmem>>
          %dma_start3A_130 = arith.constant 0 : i32
          %dma_start3A_131 = tpu.memref_slice %arg6[%run_scoped3A_110, %dma_start3A_130] : memref<1x2048xi32, #tpu.memory_space<vmem>> -> memref<1x2048xi32, #tpu.memory_space<vmem>>
          %dma_start3A_132 = tpu.memref_squeeze %dma_start3A_131 : memref<1x2048xi32, #tpu.memory_space<vmem>> -> memref<2048xi32, #tpu.memory_space<vmem>>
          %dma_start3A_133 = arith.constant 0 : i32
          %dma_start3A_134 = tpu.memref_slice %arg13[%run_scoped3A_109, %dma_start3A_133] : memref<4x100352xf32, #tpu.memory_space<vmem_shared>> -> memref<1x100352xf32, #tpu.memory_space<vmem_shared>>
          %dma_start3A_135 = tpu.memref_squeeze %dma_start3A_134 : memref<1x100352xf32, #tpu.memory_space<vmem_shared>> -> memref<100352xf32, #tpu.memory_space<vmem_shared>>
          %dma_start3A_136 = arith.constant 0 : i32
          %dma_start3A_137 = tpu.memref_slice %dma_start3A_135[%dma_start3A_136] : memref<100352xf32, #tpu.memory_space<vmem_shared>> -> memref<100352xf32, #tpu.memory_space<vmem_shared>>
          tpu.enqueue_indirect_dma source(%dma_start3A_137 : memref<100352xf32, #tpu.memory_space<vmem_shared>>) target(%dma_start3A_129 : memref<2048xf32, #tpu.memory_space<vmem>>) offsets(%dma_start3A_132 : memref<2048xi32, #tpu.memory_space<vmem>>) semaphore(%run_scoped3A_127 : memref<!tpu.dma_semaphore, #tpu.memory_space<semaphore_mem>>)
          %dma_wait3A_138 = arith.constant 0 : i32
          %dma_wait3A_139 = tpu.memref_slice %arg10[%run_scoped3A_111, %dma_wait3A_138] : memref<4x2048xf32, #tpu.memory_space<vmem>> -> memref<1x2048xf32, #tpu.memory_space<vmem>>
          %dma_wait3A_140 = tpu.memref_squeeze %dma_wait3A_139 : memref<1x2048xf32, #tpu.memory_space<vmem>> -> memref<2048xf32, #tpu.memory_space<vmem>>
          %dma_wait3A_141 = arith.constant 0 : i32
          %dma_wait3A_142 = tpu.memref_slice %arg6[%run_scoped3A_110, %dma_wait3A_141] : memref<1x2048xi32, #tpu.memory_space<vmem>> -> memref<1x2048xi32, #tpu.memory_space<vmem>>
          %dma_wait3A_143 = tpu.memref_squeeze %dma_wait3A_142 : memref<1x2048xi32, #tpu.memory_space<vmem>> -> memref<2048xi32, #tpu.memory_space<vmem>>
          %dma_wait3A_144 = arith.constant 0 : i32
          %dma_wait3A_145 = tpu.memref_slice %arg13[%run_scoped3A_109, %dma_wait3A_144] : memref<4x100352xf32, #tpu.memory_space<vmem_shared>> -> memref<1x100352xf32, #tpu.memory_space<vmem_shared>>
          %dma_wait3A_146 = tpu.memref_squeeze %dma_wait3A_145 : memref<1x100352xf32, #tpu.memory_space<vmem_shared>> -> memref<100352xf32, #tpu.memory_space<vmem_shared>>
          %dma_wait3A_147 = arith.constant 0 : i32
          %dma_wait3A_148 = tpu.memref_slice %dma_wait3A_146[%dma_wait3A_147] : memref<100352xf32, #tpu.memory_space<vmem_shared>> -> memref<100352xf32, #tpu.memory_space<vmem_shared>>
          tpu.wait_indirect_dma semaphore(%run_scoped3A_127 : memref<!tpu.dma_semaphore, #tpu.memory_space<semaphore_mem>>) src(%dma_wait3A_148 : memref<100352xf32, #tpu.memory_space<vmem_shared>>) dst(%dma_wait3A_140 : memref<2048xf32, #tpu.memory_space<vmem>>)
          tpu.yield
        }) : () -> ()
        %run_scoped3A_112 = arith.constant 3 : i32
        %run_scoped3A_113 = arith.constant 0 : i32
        %run_scoped3A_114 = arith.constant 3 : i32
        "tpu.region"() ({
          %run_scoped3A_127 = tpu.sem_alloc : memref<!tpu.dma_semaphore, #tpu.memory_space<semaphore_mem>>
          %dma_start3A = arith.constant 0 : i32
          %dma_start3A_128 = tpu.memref_slice %arg10[%run_scoped3A_114, %dma_start3A] : memref<4x2048xf32, #tpu.memory_space<vmem>> -> memref<1x2048xf32, #tpu.memory_space<vmem>>
          %dma_start3A_129 = tpu.memref_squeeze %dma_start3A_128 : memref<1x2048xf32, #tpu.memory_space<vmem>> -> memref<2048xf32, #tpu.memory_space<vmem>>
          %dma_start3A_130 = arith.constant 0 : i32
          %dma_start3A_131 = tpu.memref_slice %arg6[%run_scoped3A_113, %dma_start3A_130] : memref<1x2048xi32, #tpu.memory_space<vmem>> -> memref<1x2048xi32, #tpu.memory_space<vmem>>
          %dma_start3A_132 = tpu.memref_squeeze %dma_start3A_131 : memref<1x2048xi32, #tpu.memory_space<vmem>> -> memref<2048xi32, #tpu.memory_space<vmem>>
          %dma_start3A_133 = arith.constant 0 : i32
          %dma_start3A_134 = tpu.memref_slice %arg13[%run_scoped3A_112, %dma_start3A_133] : memref<4x100352xf32, #tpu.memory_space<vmem_shared>> -> memref<1x100352xf32, #tpu.memory_space<vmem_shared>>
          %dma_start3A_135 = tpu.memref_squeeze %dma_start3A_134 : memref<1x100352xf32, #tpu.memory_space<vmem_shared>> -> memref<100352xf32, #tpu.memory_space<vmem_shared>>
          %dma_start3A_136 = arith.constant 0 : i32
          %dma_start3A_137 = tpu.memref_slice %dma_start3A_135[%dma_start3A_136] : memref<100352xf32, #tpu.memory_space<vmem_shared>> -> memref<100352xf32, #tpu.memory_space<vmem_shared>>
          tpu.enqueue_indirect_dma source(%dma_start3A_137 : memref<100352xf32, #tpu.memory_space<vmem_shared>>) target(%dma_start3A_129 : memref<2048xf32, #tpu.memory_space<vmem>>) offsets(%dma_start3A_132 : memref<2048xi32, #tpu.memory_space<vmem>>) semaphore(%run_scoped3A_127 : memref<!tpu.dma_semaphore, #tpu.memory_space<semaphore_mem>>)
          %dma_wait3A_138 = arith.constant 0 : i32
          %dma_wait3A_139 = tpu.memref_slice %arg10[%run_scoped3A_114, %dma_wait3A_138] : memref<4x2048xf32, #tpu.memory_space<vmem>> -> memref<1x2048xf32, #tpu.memory_space<vmem>>
          %dma_wait3A_140 = tpu.memref_squeeze %dma_wait3A_139 : memref<1x2048xf32, #tpu.memory_space<vmem>> -> memref<2048xf32, #tpu.memory_space<vmem>>
          %dma_wait3A_141 = arith.constant 0 : i32
          %dma_wait3A_142 = tpu.memref_slice %arg6[%run_scoped3A_113, %dma_wait3A_141] : memref<1x2048xi32, #tpu.memory_space<vmem>> -> memref<1x2048xi32, #tpu.memory_space<vmem>>
          %dma_wait3A_143 = tpu.memref_squeeze %dma_wait3A_142 : memref<1x2048xi32, #tpu.memory_space<vmem>> -> memref<2048xi32, #tpu.memory_space<vmem>>
          %dma_wait3A_144 = arith.constant 0 : i32
          %dma_wait3A_145 = tpu.memref_slice %arg13[%run_scoped3A_112, %dma_wait3A_144] : memref<4x100352xf32, #tpu.memory_space<vmem_shared>> -> memref<1x100352xf32, #tpu.memory_space<vmem_shared>>
          %dma_wait3A_146 = tpu.memref_squeeze %dma_wait3A_145 : memref<1x100352xf32, #tpu.memory_space<vmem_shared>> -> memref<100352xf32, #tpu.memory_space<vmem_shared>>
          %dma_wait3A_147 = arith.constant 0 : i32
          %dma_wait3A_148 = tpu.memref_slice %dma_wait3A_146[%dma_wait3A_147] : memref<100352xf32, #tpu.memory_space<vmem_shared>> -> memref<100352xf32, #tpu.memory_space<vmem_shared>>
          tpu.wait_indirect_dma semaphore(%run_scoped3A_127 : memref<!tpu.dma_semaphore, #tpu.memory_space<semaphore_mem>>) src(%dma_wait3A_148 : memref<100352xf32, #tpu.memory_space<vmem_shared>>) dst(%dma_wait3A_140 : memref<2048xf32, #tpu.memory_space<vmem>>)
          tpu.yield
        }) : () -> ()
        %run_scoped3A_115 = arith.constant 0 : i32
        %run_scoped3A_116 = arith.constant 0 : i32
        %run_scoped3A_117 = arith.constant 0 : i32
        "tpu.region"() ({
          %run_scoped3A_127 = tpu.sem_alloc : memref<!tpu.dma_semaphore, #tpu.memory_space<semaphore_mem>>
          %dma_start3A = arith.constant 0 : i32
          %dma_start3A_128 = tpu.memref_slice %arg10[%run_scoped3A_115, %dma_start3A] : memref<4x2048xf32, #tpu.memory_space<vmem>> -> memref<1x2048xf32, #tpu.memory_space<vmem>>
          %dma_start3A_129 = tpu.memref_squeeze %dma_start3A_128 : memref<1x2048xf32, #tpu.memory_space<vmem>> -> memref<2048xf32, #tpu.memory_space<vmem>>
          %dma_start3A_130 = arith.constant 0 : i32
          %dma_start3A_131 = tpu.memref_slice %arg8[%run_scoped3A_117, %dma_start3A_130] : memref<1x2048xi32, #tpu.memory_space<vmem>> -> memref<1x2048xi32, #tpu.memory_space<vmem>>
          %dma_start3A_132 = tpu.memref_squeeze %dma_start3A_131 : memref<1x2048xi32, #tpu.memory_space<vmem>> -> memref<2048xi32, #tpu.memory_space<vmem>>
          %dma_start3A_133 = arith.constant 0 : i32
          %dma_start3A_134 = tpu.memref_slice %arg14[%run_scoped3A_116, %dma_start3A_133] : memref<4x100352xf32, #tpu.memory_space<vmem_shared>> -> memref<1x100352xf32, #tpu.memory_space<vmem_shared>>
          %dma_start3A_135 = tpu.memref_squeeze %dma_start3A_134 : memref<1x100352xf32, #tpu.memory_space<vmem_shared>> -> memref<100352xf32, #tpu.memory_space<vmem_shared>>
          %dma_start3A_136 = arith.constant 0 : i32
          %dma_start3A_137 = tpu.memref_slice %dma_start3A_135[%dma_start3A_136] : memref<100352xf32, #tpu.memory_space<vmem_shared>> -> memref<100352xf32, #tpu.memory_space<vmem_shared>>
          tpu.enqueue_indirect_dma source(%dma_start3A_129 : memref<2048xf32, #tpu.memory_space<vmem>>) target(%dma_start3A_137 : memref<100352xf32, #tpu.memory_space<vmem_shared>>) offsets(%dma_start3A_132 : memref<2048xi32, #tpu.memory_space<vmem>>) semaphore(%run_scoped3A_127 : memref<!tpu.dma_semaphore, #tpu.memory_space<semaphore_mem>>) {add = true}
          %dma_wait3A_138 = arith.constant 0 : i32
          %dma_wait3A_139 = tpu.memref_slice %arg10[%run_scoped3A_115, %dma_wait3A_138] : memref<4x2048xf32, #tpu.memory_space<vmem>> -> memref<1x2048xf32, #tpu.memory_space<vmem>>
          %dma_wait3A_140 = tpu.memref_squeeze %dma_wait3A_139 : memref<1x2048xf32, #tpu.memory_space<vmem>> -> memref<2048xf32, #tpu.memory_space<vmem>>
          %dma_wait3A_141 = arith.constant 0 : i32
          %dma_wait3A_142 = tpu.memref_slice %arg8[%run_scoped3A_117, %dma_wait3A_141] : memref<1x2048xi32, #tpu.memory_space<vmem>> -> memref<1x2048xi32, #tpu.memory_space<vmem>>
          %dma_wait3A_143 = tpu.memref_squeeze %dma_wait3A_142 : memref<1x2048xi32, #tpu.memory_space<vmem>> -> memref<2048xi32, #tpu.memory_space<vmem>>
          %dma_wait3A_144 = arith.constant 0 : i32
          %dma_wait3A_145 = tpu.memref_slice %arg14[%run_scoped3A_116, %dma_wait3A_144] : memref<4x100352xf32, #tpu.memory_space<vmem_shared>> -> memref<1x100352xf32, #tpu.memory_space<vmem_shared>>
          %dma_wait3A_146 = tpu.memref_squeeze %dma_wait3A_145 : memref<1x100352xf32, #tpu.memory_space<vmem_shared>> -> memref<100352xf32, #tpu.memory_space<vmem_shared>>
          %dma_wait3A_147 = arith.constant 0 : i32
          %dma_wait3A_148 = tpu.memref_slice %dma_wait3A_146[%dma_wait3A_147] : memref<100352xf32, #tpu.memory_space<vmem_shared>> -> memref<100352xf32, #tpu.memory_space<vmem_shared>>
          tpu.wait_indirect_dma semaphore(%run_scoped3A_127 : memref<!tpu.dma_semaphore, #tpu.memory_space<semaphore_mem>>) src(%dma_wait3A_140 : memref<2048xf32, #tpu.memory_space<vmem>>) dst(%dma_wait3A_148 : memref<100352xf32, #tpu.memory_space<vmem_shared>>)
          tpu.yield
        }) : () -> ()
        %run_scoped3A_118 = arith.constant 1 : i32
        %run_scoped3A_119 = arith.constant 1 : i32
        %run_scoped3A_120 = arith.constant 0 : i32
        "tpu.region"() ({
          %run_scoped3A_127 = tpu.sem_alloc : memref<!tpu.dma_semaphore, #tpu.memory_space<semaphore_mem>>
          %dma_start3A = arith.constant 0 : i32
          %dma_start3A_128 = tpu.memref_slice %arg10[%run_scoped3A_118, %dma_start3A] : memref<4x2048xf32, #tpu.memory_space<vmem>> -> memref<1x2048xf32, #tpu.memory_space<vmem>>
          %dma_start3A_129 = tpu.memref_squeeze %dma_start3A_128 : memref<1x2048xf32, #tpu.memory_space<vmem>> -> memref<2048xf32, #tpu.memory_space<vmem>>
          %dma_start3A_130 = arith.constant 0 : i32
          %dma_start3A_131 = tpu.memref_slice %arg8[%run_scoped3A_120, %dma_start3A_130] : memref<1x2048xi32, #tpu.memory_space<vmem>> -> memref<1x2048xi32, #tpu.memory_space<vmem>>
          %dma_start3A_132 = tpu.memref_squeeze %dma_start3A_131 : memref<1x2048xi32, #tpu.memory_space<vmem>> -> memref<2048xi32, #tpu.memory_space<vmem>>
          %dma_start3A_133 = arith.constant 0 : i32
          %dma_start3A_134 = tpu.memref_slice %arg14[%run_scoped3A_119, %dma_start3A_133] : memref<4x100352xf32, #tpu.memory_space<vmem_shared>> -> memref<1x100352xf32, #tpu.memory_space<vmem_shared>>
          %dma_start3A_135 = tpu.memref_squeeze %dma_start3A_134 : memref<1x100352xf32, #tpu.memory_space<vmem_shared>> -> memref<100352xf32, #tpu.memory_space<vmem_shared>>
          %dma_start3A_136 = arith.constant 0 : i32
          %dma_start3A_137 = tpu.memref_slice %dma_start3A_135[%dma_start3A_136] : memref<100352xf32, #tpu.memory_space<vmem_shared>> -> memref<100352xf32, #tpu.memory_space<vmem_shared>>
          tpu.enqueue_indirect_dma source(%dma_start3A_129 : memref<2048xf32, #tpu.memory_space<vmem>>) target(%dma_start3A_137 : memref<100352xf32, #tpu.memory_space<vmem_shared>>) offsets(%dma_start3A_132 : memref<2048xi32, #tpu.memory_space<vmem>>) semaphore(%run_scoped3A_127 : memref<!tpu.dma_semaphore, #tpu.memory_space<semaphore_mem>>) {add = true}
          %dma_wait3A_138 = arith.constant 0 : i32
          %dma_wait3A_139 = tpu.memref_slice %arg10[%run_scoped3A_118, %dma_wait3A_138] : memref<4x2048xf32, #tpu.memory_space<vmem>> -> memref<1x2048xf32, #tpu.memory_space<vmem>>
          %dma_wait3A_140 = tpu.memref_squeeze %dma_wait3A_139 : memref<1x2048xf32, #tpu.memory_space<vmem>> -> memref<2048xf32, #tpu.memory_space<vmem>>
          %dma_wait3A_141 = arith.constant 0 : i32
          %dma_wait3A_142 = tpu.memref_slice %arg8[%run_scoped3A_120, %dma_wait3A_141] : memref<1x2048xi32, #tpu.memory_space<vmem>> -> memref<1x2048xi32, #tpu.memory_space<vmem>>
          %dma_wait3A_143 = tpu.memref_squeeze %dma_wait3A_142 : memref<1x2048xi32, #tpu.memory_space<vmem>> -> memref<2048xi32, #tpu.memory_space<vmem>>
          %dma_wait3A_144 = arith.constant 0 : i32
          %dma_wait3A_145 = tpu.memref_slice %arg14[%run_scoped3A_119, %dma_wait3A_144] : memref<4x100352xf32, #tpu.memory_space<vmem_shared>> -> memref<1x100352xf32, #tpu.memory_space<vmem_shared>>
          %dma_wait3A_146 = tpu.memref_squeeze %dma_wait3A_145 : memref<1x100352xf32, #tpu.memory_space<vmem_shared>> -> memref<100352xf32, #tpu.memory_space<vmem_shared>>
          %dma_wait3A_147 = arith.constant 0 : i32
          %dma_wait3A_148 = tpu.memref_slice %dma_wait3A_146[%dma_wait3A_147] : memref<100352xf32, #tpu.memory_space<vmem_shared>> -> memref<100352xf32, #tpu.memory_space<vmem_shared>>
          tpu.wait_indirect_dma semaphore(%run_scoped3A_127 : memref<!tpu.dma_semaphore, #tpu.memory_space<semaphore_mem>>) src(%dma_wait3A_140 : memref<2048xf32, #tpu.memory_space<vmem>>) dst(%dma_wait3A_148 : memref<100352xf32, #tpu.memory_space<vmem_shared>>)
          tpu.yield
        }) : () -> ()
        %run_scoped3A_121 = arith.constant 2 : i32
        %run_scoped3A_122 = arith.constant 2 : i32
        %run_scoped3A_123 = arith.constant 0 : i32
        "tpu.region"() ({
          %run_scoped3A_127 = tpu.sem_alloc : memref<!tpu.dma_semaphore, #tpu.memory_space<semaphore_mem>>
          %dma_start3A = arith.constant 0 : i32
          %dma_start3A_128 = tpu.memref_slice %arg10[%run_scoped3A_121, %dma_start3A] : memref<4x2048xf32, #tpu.memory_space<vmem>> -> memref<1x2048xf32, #tpu.memory_space<vmem>>
          %dma_start3A_129 = tpu.memref_squeeze %dma_start3A_128 : memref<1x2048xf32, #tpu.memory_space<vmem>> -> memref<2048xf32, #tpu.memory_space<vmem>>
          %dma_start3A_130 = arith.constant 0 : i32
          %dma_start3A_131 = tpu.memref_slice %arg8[%run_scoped3A_123, %dma_start3A_130] : memref<1x2048xi32, #tpu.memory_space<vmem>> -> memref<1x2048xi32, #tpu.memory_space<vmem>>
          %dma_start3A_132 = tpu.memref_squeeze %dma_start3A_131 : memref<1x2048xi32, #tpu.memory_space<vmem>> -> memref<2048xi32, #tpu.memory_space<vmem>>
          %dma_start3A_133 = arith.constant 0 : i32
          %dma_start3A_134 = tpu.memref_slice %arg14[%run_scoped3A_122, %dma_start3A_133] : memref<4x100352xf32, #tpu.memory_space<vmem_shared>> -> memref<1x100352xf32, #tpu.memory_space<vmem_shared>>
          %dma_start3A_135 = tpu.memref_squeeze %dma_start3A_134 : memref<1x100352xf32, #tpu.memory_space<vmem_shared>> -> memref<100352xf32, #tpu.memory_space<vmem_shared>>
          %dma_start3A_136 = arith.constant 0 : i32
          %dma_start3A_137 = tpu.memref_slice %dma_start3A_135[%dma_start3A_136] : memref<100352xf32, #tpu.memory_space<vmem_shared>> -> memref<100352xf32, #tpu.memory_space<vmem_shared>>
          tpu.enqueue_indirect_dma source(%dma_start3A_129 : memref<2048xf32, #tpu.memory_space<vmem>>) target(%dma_start3A_137 : memref<100352xf32, #tpu.memory_space<vmem_shared>>) offsets(%dma_start3A_132 : memref<2048xi32, #tpu.memory_space<vmem>>) semaphore(%run_scoped3A_127 : memref<!tpu.dma_semaphore, #tpu.memory_space<semaphore_mem>>) {add = true}
          %dma_wait3A_138 = arith.constant 0 : i32
          %dma_wait3A_139 = tpu.memref_slice %arg10[%run_scoped3A_121, %dma_wait3A_138] : memref<4x2048xf32, #tpu.memory_space<vmem>> -> memref<1x2048xf32, #tpu.memory_space<vmem>>
          %dma_wait3A_140 = tpu.memref_squeeze %dma_wait3A_139 : memref<1x2048xf32, #tpu.memory_space<vmem>> -> memref<2048xf32, #tpu.memory_space<vmem>>
          %dma_wait3A_141 = arith.constant 0 : i32
          %dma_wait3A_142 = tpu.memref_slice %arg8[%run_scoped3A_123, %dma_wait3A_141] : memref<1x2048xi32, #tpu.memory_space<vmem>> -> memref<1x2048xi32, #tpu.memory_space<vmem>>
          %dma_wait3A_143 = tpu.memref_squeeze %dma_wait3A_142 : memref<1x2048xi32, #tpu.memory_space<vmem>> -> memref<2048xi32, #tpu.memory_space<vmem>>
          %dma_wait3A_144 = arith.constant 0 : i32
          %dma_wait3A_145 = tpu.memref_slice %arg14[%run_scoped3A_122, %dma_wait3A_144] : memref<4x100352xf32, #tpu.memory_space<vmem_shared>> -> memref<1x100352xf32, #tpu.memory_space<vmem_shared>>
          %dma_wait3A_146 = tpu.memref_squeeze %dma_wait3A_145 : memref<1x100352xf32, #tpu.memory_space<vmem_shared>> -> memref<100352xf32, #tpu.memory_space<vmem_shared>>
          %dma_wait3A_147 = arith.constant 0 : i32
          %dma_wait3A_148 = tpu.memref_slice %dma_wait3A_146[%dma_wait3A_147] : memref<100352xf32, #tpu.memory_space<vmem_shared>> -> memref<100352xf32, #tpu.memory_space<vmem_shared>>
          tpu.wait_indirect_dma semaphore(%run_scoped3A_127 : memref<!tpu.dma_semaphore, #tpu.memory_space<semaphore_mem>>) src(%dma_wait3A_140 : memref<2048xf32, #tpu.memory_space<vmem>>) dst(%dma_wait3A_148 : memref<100352xf32, #tpu.memory_space<vmem_shared>>)
          tpu.yield
        }) : () -> ()
        %run_scoped3A_124 = arith.constant 3 : i32
        %run_scoped3A_125 = arith.constant 3 : i32
        %run_scoped3A_126 = arith.constant 0 : i32
        "tpu.region"() ({
          %run_scoped3A_127 = tpu.sem_alloc : memref<!tpu.dma_semaphore, #tpu.memory_space<semaphore_mem>>
          %dma_start3A = arith.constant 0 : i32
          %dma_start3A_128 = tpu.memref_slice %arg10[%run_scoped3A_124, %dma_start3A] : memref<4x2048xf32, #tpu.memory_space<vmem>> -> memref<1x2048xf32, #tpu.memory_space<vmem>>
          %dma_start3A_129 = tpu.memref_squeeze %dma_start3A_128 : memref<1x2048xf32, #tpu.memory_space<vmem>> -> memref<2048xf32, #tpu.memory_space<vmem>>
          %dma_start3A_130 = arith.constant 0 : i32
          %dma_start3A_131 = tpu.memref_slice %arg8[%run_scoped3A_126, %dma_start3A_130] : memref<1x2048xi32, #tpu.memory_space<vmem>> -> memref<1x2048xi32, #tpu.memory_space<vmem>>
          %dma_start3A_132 = tpu.memref_squeeze %dma_start3A_131 : memref<1x2048xi32, #tpu.memory_space<vmem>> -> memref<2048xi32, #tpu.memory_space<vmem>>
          %dma_start3A_133 = arith.constant 0 : i32
          %dma_start3A_134 = tpu.memref_slice %arg14[%run_scoped3A_125, %dma_start3A_133] : memref<4x100352xf32, #tpu.memory_space<vmem_shared>> -> memref<1x100352xf32, #tpu.memory_space<vmem_shared>>
          %dma_start3A_135 = tpu.memref_squeeze %dma_start3A_134 : memref<1x100352xf32, #tpu.memory_space<vmem_shared>> -> memref<100352xf32, #tpu.memory_space<vmem_shared>>
          %dma_start3A_136 = arith.constant 0 : i32
          %dma_start3A_137 = tpu.memref_slice %dma_start3A_135[%dma_start3A_136] : memref<100352xf32, #tpu.memory_space<vmem_shared>> -> memref<100352xf32, #tpu.memory_space<vmem_shared>>
          tpu.enqueue_indirect_dma source(%dma_start3A_129 : memref<2048xf32, #tpu.memory_space<vmem>>) target(%dma_start3A_137 : memref<100352xf32, #tpu.memory_space<vmem_shared>>) offsets(%dma_start3A_132 : memref<2048xi32, #tpu.memory_space<vmem>>) semaphore(%run_scoped3A_127 : memref<!tpu.dma_semaphore, #tpu.memory_space<semaphore_mem>>) {add = true}
          %dma_wait3A_138 = arith.constant 0 : i32
          %dma_wait3A_139 = tpu.memref_slice %arg10[%run_scoped3A_124, %dma_wait3A_138] : memref<4x2048xf32, #tpu.memory_space<vmem>> -> memref<1x2048xf32, #tpu.memory_space<vmem>>
          %dma_wait3A_140 = tpu.memref_squeeze %dma_wait3A_139 : memref<1x2048xf32, #tpu.memory_space<vmem>> -> memref<2048xf32, #tpu.memory_space<vmem>>
          %dma_wait3A_141 = arith.constant 0 : i32
          %dma_wait3A_142 = tpu.memref_slice %arg8[%run_scoped3A_126, %dma_wait3A_141] : memref<1x2048xi32, #tpu.memory_space<vmem>> -> memref<1x2048xi32, #tpu.memory_space<vmem>>
          %dma_wait3A_143 = tpu.memref_squeeze %dma_wait3A_142 : memref<1x2048xi32, #tpu.memory_space<vmem>> -> memref<2048xi32, #tpu.memory_space<vmem>>
          %dma_wait3A_144 = arith.constant 0 : i32
          %dma_wait3A_145 = tpu.memref_slice %arg14[%run_scoped3A_125, %dma_wait3A_144] : memref<4x100352xf32, #tpu.memory_space<vmem_shared>> -> memref<1x100352xf32, #tpu.memory_space<vmem_shared>>
          %dma_wait3A_146 = tpu.memref_squeeze %dma_wait3A_145 : memref<1x100352xf32, #tpu.memory_space<vmem_shared>> -> memref<100352xf32, #tpu.memory_space<vmem_shared>>
          %dma_wait3A_147 = arith.constant 0 : i32
          %dma_wait3A_148 = tpu.memref_slice %dma_wait3A_146[%dma_wait3A_147] : memref<100352xf32, #tpu.memory_space<vmem_shared>> -> memref<100352xf32, #tpu.memory_space<vmem_shared>>
          tpu.wait_indirect_dma semaphore(%run_scoped3A_127 : memref<!tpu.dma_semaphore, #tpu.memory_space<semaphore_mem>>) src(%dma_wait3A_140 : memref<2048xf32, #tpu.memory_space<vmem>>) dst(%dma_wait3A_148 : memref<100352xf32, #tpu.memory_space<vmem_shared>>)
          tpu.yield
        }) : () -> ()
      } else {
      }
      %mul3A_74 = arith.constant 32 : i32
      %mul3A_75 = arith.muli %add3A_60, %mul3A_74 : i32
      %add3A_76 = arith.addi %add3A, %mul3A_75 : i32
      %lt3A_77 = arith.constant 3125 : i32
      %lt3A_78 = arith.cmpi slt, %add3A_76, %lt3A_77 : i32
      %convert_element_type3A_79 = arith.extui %lt3A_78 : i1 to i32
      %cond3A_80 = arith.constant 0 : i32
      %cond3A_81 = arith.cmpi ne, %convert_element_type3A_79, %cond3A_80 : i32
      scf.if %cond3A_81 {
        "tpu.region"() ({
          %run_scoped3A_109 = tpu.sem_alloc : memref<!tpu.dma_semaphore, #tpu.memory_space<semaphore_mem>>
          %dma_start3A_110 = arith.constant 0 : i32
          %dma_start3A_111 = tpu.memref_slice %arg2[%add3A_76, %dma_start3A_110] : memref<3125x2048xi32, #tpu.memory_space<hbm>> -> memref<1x2048xi32, #tpu.memory_space<hbm>>
          %dma_start3A_112 = arith.constant 0 : i32
          %dma_start3A_113 = tpu.memref_slice %arg2[%add3A_76, %dma_start3A_112] : memref<3125x2048xi32, #tpu.memory_space<hbm>> -> memref<1x2048xi32, #tpu.memory_space<hbm>>
          tpu.enqueue_dma source(%dma_start3A_113 : memref<1x2048xi32, #tpu.memory_space<hbm>>) target(%arg7 : memref<1x2048xi32, #tpu.memory_space<vmem>>) target_semaphore(%run_scoped3A_109 : memref<!tpu.dma_semaphore, #tpu.memory_space<semaphore_mem>>)
          %dma_wait3A = arith.constant 0 : i32
          %dma_wait3A_114 = tpu.memref_slice %arg2[%add3A_76, %dma_wait3A] : memref<3125x2048xi32, #tpu.memory_space<hbm>> -> memref<1x2048xi32, #tpu.memory_space<hbm>>
          %dma_wait3A_115 = arith.constant 0 : i32
          %dma_wait3A_116 = tpu.memref_slice %arg2[%add3A_76, %dma_wait3A_115] : memref<3125x2048xi32, #tpu.memory_space<hbm>> -> memref<1x2048xi32, #tpu.memory_space<hbm>>
          tpu.wait_dma2 semaphore(%run_scoped3A_109 : memref<!tpu.dma_semaphore, #tpu.memory_space<semaphore_mem>>) src(%dma_wait3A_116 : memref<1x2048xi32, #tpu.memory_space<hbm>>) dst(%arg7 : memref<1x2048xi32, #tpu.memory_space<vmem>>)
          tpu.yield
        }) : () -> ()
        "tpu.region"() ({
          %run_scoped3A_109 = tpu.sem_alloc : memref<!tpu.dma_semaphore, #tpu.memory_space<semaphore_mem>>
          %dma_start3A_110 = arith.constant 0 : i32
          %dma_start3A_111 = tpu.memref_slice %arg3[%add3A_76, %dma_start3A_110] : memref<3125x2048xi32, #tpu.memory_space<hbm>> -> memref<1x2048xi32, #tpu.memory_space<hbm>>
          %dma_start3A_112 = arith.constant 0 : i32
          %dma_start3A_113 = tpu.memref_slice %arg3[%add3A_76, %dma_start3A_112] : memref<3125x2048xi32, #tpu.memory_space<hbm>> -> memref<1x2048xi32, #tpu.memory_space<hbm>>
          tpu.enqueue_dma source(%dma_start3A_113 : memref<1x2048xi32, #tpu.memory_space<hbm>>) target(%arg9 : memref<1x2048xi32, #tpu.memory_space<vmem>>) target_semaphore(%run_scoped3A_109 : memref<!tpu.dma_semaphore, #tpu.memory_space<semaphore_mem>>)
          %dma_wait3A = arith.constant 0 : i32
          %dma_wait3A_114 = tpu.memref_slice %arg3[%add3A_76, %dma_wait3A] : memref<3125x2048xi32, #tpu.memory_space<hbm>> -> memref<1x2048xi32, #tpu.memory_space<hbm>>
          %dma_wait3A_115 = arith.constant 0 : i32
          %dma_wait3A_116 = tpu.memref_slice %arg3[%add3A_76, %dma_wait3A_115] : memref<3125x2048xi32, #tpu.memory_space<hbm>> -> memref<1x2048xi32, #tpu.memory_space<hbm>>
          tpu.wait_dma2 semaphore(%run_scoped3A_109 : memref<!tpu.dma_semaphore, #tpu.memory_space<semaphore_mem>>) src(%dma_wait3A_116 : memref<1x2048xi32, #tpu.memory_space<hbm>>) dst(%arg9 : memref<1x2048xi32, #tpu.memory_space<vmem>>)
          tpu.yield
        }) : () -> ()
        %dma_start3A = arith.constant 0 : i32
        %dma_start3A_82 = arith.constant 0 : i32
        %dma_start3A_83 = arith.constant 0 : i32
        %dma_start3A_84 = arith.constant 0 : i32
        %dma_start3A_85 = tpu.memref_slice %arg11[%dma_start3A_83, %dma_start3A_84] : memref<4x2048xf32, #tpu.memory_space<vmem>> -> memref<1x2048xf32, #tpu.memory_space<vmem>>
        %dma_start3A_86 = tpu.memref_squeeze %dma_start3A_85 : memref<1x2048xf32, #tpu.memory_space<vmem>> -> memref<2048xf32, #tpu.memory_space<vmem>>
        %dma_start3A_87 = arith.constant 0 : i32
        %dma_start3A_88 = tpu.memref_slice %arg7[%dma_start3A_82, %dma_start3A_87] : memref<1x2048xi32, #tpu.memory_space<vmem>> -> memref<1x2048xi32, #tpu.memory_space<vmem>>
        %dma_start3A_89 = tpu.memref_squeeze %dma_start3A_88 : memref<1x2048xi32, #tpu.memory_space<vmem>> -> memref<2048xi32, #tpu.memory_space<vmem>>
        %dma_start3A_90 = arith.constant 0 : i32
        %dma_start3A_91 = tpu.memref_slice %arg4[%dma_start3A, %dma_start3A_90] : memref<4x100352xf32, #tpu.memory_space<hbm>> -> memref<1x100352xf32, #tpu.memory_space<hbm>>
        %dma_start3A_92 = tpu.memref_squeeze %dma_start3A_91 : memref<1x100352xf32, #tpu.memory_space<hbm>> -> memref<100352xf32, #tpu.memory_space<hbm>>
        %dma_start3A_93 = arith.constant 0 : i32
        %dma_start3A_94 = tpu.memref_slice %dma_start3A_92[%dma_start3A_93] : memref<100352xf32, #tpu.memory_space<hbm>> -> memref<100352xf32, #tpu.memory_space<hbm>>
        tpu.enqueue_indirect_dma source(%dma_start3A_94 : memref<100352xf32, #tpu.memory_space<hbm>>) target(%dma_start3A_86 : memref<2048xf32, #tpu.memory_space<vmem>>) offsets(%dma_start3A_89 : memref<2048xi32, #tpu.memory_space<vmem>>) semaphore(%arg16 : memref<!tpu.dma_semaphore, #tpu.memory_space<semaphore_mem>>)
        %dma_start3A_95 = arith.constant 1 : i32
        %dma_start3A_96 = arith.constant 0 : i32
        %dma_start3A_97 = arith.constant 1 : i32
        %dma_start3A_98 = arith.constant 0 : i32
        %dma_start3A_99 = tpu.memref_slice %arg11[%dma_start3A_97, %dma_start3A_98] : memref<4x2048xf32, #tpu.memory_space<vmem>> -> memref<1x2048xf32, #tpu.memory_space<vmem>>
        %dma_start3A_100 = tpu.memref_squeeze %dma_start3A_99 : memref<1x2048xf32, #tpu.memory_space<vmem>> -> memref<2048xf32, #tpu.memory_space<vmem>>
        %dma_start3A_101 = arith.constant 0 : i32
        %dma_start3A_102 = tpu.memref_slice %arg7[%dma_start3A_96, %dma_start3A_101] : memref<1x2048xi32, #tpu.memory_space<vmem>> -> memref<1x2048xi32, #tpu.memory_space<vmem>>
        %dma_start3A_103 = tpu.memref_squeeze %dma_start3A_102 : memref<1x2048xi32, #tpu.memory_space<vmem>> -> memref<2048xi32, #tpu.memory_space<vmem>>
        %dma_start3A_104 = arith.constant 0 : i32
        %dma_start3A_105 = tpu.memref_slice %arg4[%dma_start3A_95, %dma_start3A_104] : memref<4x100352xf32, #tpu.memory_space<hbm>> -> memref<1x100352xf32, #tpu.memory_space<hbm>>
        %dma_start3A_106 = tpu.memref_squeeze %dma_start3A_105 : memref<1x100352xf32, #tpu.memory_space<hbm>> -> memref<100352xf32, #tpu.memory_space<hbm>>
        %dma_start3A_107 = arith.constant 0 : i32
        %dma_start3A_108 = tpu.memref_slice %dma_start3A_106[%dma_start3A_107] : memref<100352xf32, #tpu.memory_space<hbm>> -> memref<100352xf32, #tpu.memory_space<hbm>>
        tpu.enqueue_indirect_dma source(%dma_start3A_108 : memref<100352xf32, #tpu.memory_space<hbm>>) target(%dma_start3A_100 : memref<2048xf32, #tpu.memory_space<vmem>>) offsets(%dma_start3A_103 : memref<2048xi32, #tpu.memory_space<vmem>>) semaphore(%arg16 : memref<!tpu.dma_semaphore, #tpu.memory_space<semaphore_mem>>)
      } else {
      }
    }
    %scan3A_18 = arith.constant 49 : i32
    %lt3A = arith.constant 21 : i32
    %lt3A_19 = arith.cmpi slt, %add3A, %lt3A : i32
    %convert_element_type3A = arith.extui %lt3A_19 : i1 to i32
    %cond3A = arith.constant 0 : i32
    %cond3A_20 = arith.cmpi ne, %convert_element_type3A, %cond3A : i32
    scf.if %cond3A_20 {
      %dma_wait3A = arith.constant 0 : i32
      %dma_wait3A_30 = arith.constant 0 : i32
      %dma_wait3A_31 = arith.constant 0 : i32
      %dma_wait3A_32 = arith.constant 0 : i32
      %dma_wait3A_33 = tpu.memref_slice %arg11[%dma_wait3A_31, %dma_wait3A_32] : memref<4x2048xf32, #tpu.memory_space<vmem>> -> memref<1x2048xf32, #tpu.memory_space<vmem>>
      %dma_wait3A_34 = tpu.memref_squeeze %dma_wait3A_33 : memref<1x2048xf32, #tpu.memory_space<vmem>> -> memref<2048xf32, #tpu.memory_space<vmem>>
      %dma_wait3A_35 = arith.constant 0 : i32
      %dma_wait3A_36 = tpu.memref_slice %arg7[%dma_wait3A_30, %dma_wait3A_35] : memref<1x2048xi32, #tpu.memory_space<vmem>> -> memref<1x2048xi32, #tpu.memory_space<vmem>>
      %dma_wait3A_37 = tpu.memref_squeeze %dma_wait3A_36 : memref<1x2048xi32, #tpu.memory_space<vmem>> -> memref<2048xi32, #tpu.memory_space<vmem>>
      %dma_wait3A_38 = arith.constant 0 : i32
      %dma_wait3A_39 = tpu.memref_slice %arg4[%dma_wait3A, %dma_wait3A_38] : memref<4x100352xf32, #tpu.memory_space<hbm>> -> memref<1x100352xf32, #tpu.memory_space<hbm>>
      %dma_wait3A_40 = tpu.memref_squeeze %dma_wait3A_39 : memref<1x100352xf32, #tpu.memory_space<hbm>> -> memref<100352xf32, #tpu.memory_space<hbm>>
      %dma_wait3A_41 = arith.constant 0 : i32
      %dma_wait3A_42 = tpu.memref_slice %dma_wait3A_40[%dma_wait3A_41] : memref<100352xf32, #tpu.memory_space<hbm>> -> memref<100352xf32, #tpu.memory_space<hbm>>
      tpu.wait_indirect_dma semaphore(%arg16 : memref<!tpu.dma_semaphore, #tpu.memory_space<semaphore_mem>>) src(%dma_wait3A_42 : memref<100352xf32, #tpu.memory_space<hbm>>) dst(%dma_wait3A_34 : memref<2048xf32, #tpu.memory_space<vmem>>)
      %dma_wait3A_43 = arith.constant 1 : i32
      %dma_wait3A_44 = arith.constant 0 : i32
      %dma_wait3A_45 = arith.constant 1 : i32
      %dma_wait3A_46 = arith.constant 0 : i32
      %dma_wait3A_47 = tpu.memref_slice %arg11[%dma_wait3A_45, %dma_wait3A_46] : memref<4x2048xf32, #tpu.memory_space<vmem>> -> memref<1x2048xf32, #tpu.memory_space<vmem>>
      %dma_wait3A_48 = tpu.memref_squeeze %dma_wait3A_47 : memref<1x2048xf32, #tpu.memory_space<vmem>> -> memref<2048xf32, #tpu.memory_space<vmem>>
      %dma_wait3A_49 = arith.constant 0 : i32
      %dma_wait3A_50 = tpu.memref_slice %arg7[%dma_wait3A_44, %dma_wait3A_49] : memref<1x2048xi32, #tpu.memory_space<vmem>> -> memref<1x2048xi32, #tpu.memory_space<vmem>>
      %dma_wait3A_51 = tpu.memref_squeeze %dma_wait3A_50 : memref<1x2048xi32, #tpu.memory_space<vmem>> -> memref<2048xi32, #tpu.memory_space<vmem>>
      %dma_wait3A_52 = arith.constant 0 : i32
      %dma_wait3A_53 = tpu.memref_slice %arg4[%dma_wait3A_43, %dma_wait3A_52] : memref<4x100352xf32, #tpu.memory_space<hbm>> -> memref<1x100352xf32, #tpu.memory_space<hbm>>
      %dma_wait3A_54 = tpu.memref_squeeze %dma_wait3A_53 : memref<1x100352xf32, #tpu.memory_space<hbm>> -> memref<100352xf32, #tpu.memory_space<hbm>>
      %dma_wait3A_55 = arith.constant 0 : i32
      %dma_wait3A_56 = tpu.memref_slice %dma_wait3A_54[%dma_wait3A_55] : memref<100352xf32, #tpu.memory_space<hbm>> -> memref<100352xf32, #tpu.memory_space<hbm>>
      tpu.wait_indirect_dma semaphore(%arg16 : memref<!tpu.dma_semaphore, #tpu.memory_space<semaphore_mem>>) src(%dma_wait3A_56 : memref<100352xf32, #tpu.memory_space<hbm>>) dst(%dma_wait3A_48 : memref<2048xf32, #tpu.memory_space<vmem>>)
      %run_scoped3A_57 = arith.constant 2 : i32
      %run_scoped3A_58 = arith.constant 0 : i32
      %run_scoped3A_59 = arith.constant 2 : i32
      "tpu.region"() ({
        %run_scoped3A_75 = tpu.sem_alloc : memref<!tpu.dma_semaphore, #tpu.memory_space<semaphore_mem>>
        %dma_start3A = arith.constant 0 : i32
        %dma_start3A_76 = tpu.memref_slice %arg11[%run_scoped3A_59, %dma_start3A] : memref<4x2048xf32, #tpu.memory_space<vmem>> -> memref<1x2048xf32, #tpu.memory_space<vmem>>
        %dma_start3A_77 = tpu.memref_squeeze %dma_start3A_76 : memref<1x2048xf32, #tpu.memory_space<vmem>> -> memref<2048xf32, #tpu.memory_space<vmem>>
        %dma_start3A_78 = arith.constant 0 : i32
        %dma_start3A_79 = tpu.memref_slice %arg7[%run_scoped3A_58, %dma_start3A_78] : memref<1x2048xi32, #tpu.memory_space<vmem>> -> memref<1x2048xi32, #tpu.memory_space<vmem>>
        %dma_start3A_80 = tpu.memref_squeeze %dma_start3A_79 : memref<1x2048xi32, #tpu.memory_space<vmem>> -> memref<2048xi32, #tpu.memory_space<vmem>>
        %dma_start3A_81 = arith.constant 0 : i32
        %dma_start3A_82 = tpu.memref_slice %arg13[%run_scoped3A_57, %dma_start3A_81] : memref<4x100352xf32, #tpu.memory_space<vmem_shared>> -> memref<1x100352xf32, #tpu.memory_space<vmem_shared>>
        %dma_start3A_83 = tpu.memref_squeeze %dma_start3A_82 : memref<1x100352xf32, #tpu.memory_space<vmem_shared>> -> memref<100352xf32, #tpu.memory_space<vmem_shared>>
        %dma_start3A_84 = arith.constant 0 : i32
        %dma_start3A_85 = tpu.memref_slice %dma_start3A_83[%dma_start3A_84] : memref<100352xf32, #tpu.memory_space<vmem_shared>> -> memref<100352xf32, #tpu.memory_space<vmem_shared>>
        tpu.enqueue_indirect_dma source(%dma_start3A_85 : memref<100352xf32, #tpu.memory_space<vmem_shared>>) target(%dma_start3A_77 : memref<2048xf32, #tpu.memory_space<vmem>>) offsets(%dma_start3A_80 : memref<2048xi32, #tpu.memory_space<vmem>>) semaphore(%run_scoped3A_75 : memref<!tpu.dma_semaphore, #tpu.memory_space<semaphore_mem>>)
        %dma_wait3A_86 = arith.constant 0 : i32
        %dma_wait3A_87 = tpu.memref_slice %arg11[%run_scoped3A_59, %dma_wait3A_86] : memref<4x2048xf32, #tpu.memory_space<vmem>> -> memref<1x2048xf32, #tpu.memory_space<vmem>>
        %dma_wait3A_88 = tpu.memref_squeeze %dma_wait3A_87 : memref<1x2048xf32, #tpu.memory_space<vmem>> -> memref<2048xf32, #tpu.memory_space<vmem>>
        %dma_wait3A_89 = arith.constant 0 : i32
        %dma_wait3A_90 = tpu.memref_slice %arg7[%run_scoped3A_58, %dma_wait3A_89] : memref<1x2048xi32, #tpu.memory_space<vmem>> -> memref<1x2048xi32, #tpu.memory_space<vmem>>
        %dma_wait3A_91 = tpu.memref_squeeze %dma_wait3A_90 : memref<1x2048xi32, #tpu.memory_space<vmem>> -> memref<2048xi32, #tpu.memory_space<vmem>>
        %dma_wait3A_92 = arith.constant 0 : i32
        %dma_wait3A_93 = tpu.memref_slice %arg13[%run_scoped3A_57, %dma_wait3A_92] : memref<4x100352xf32, #tpu.memory_space<vmem_shared>> -> memref<1x100352xf32, #tpu.memory_space<vmem_shared>>
        %dma_wait3A_94 = tpu.memref_squeeze %dma_wait3A_93 : memref<1x100352xf32, #tpu.memory_space<vmem_shared>> -> memref<100352xf32, #tpu.memory_space<vmem_shared>>
        %dma_wait3A_95 = arith.constant 0 : i32
        %dma_wait3A_96 = tpu.memref_slice %dma_wait3A_94[%dma_wait3A_95] : memref<100352xf32, #tpu.memory_space<vmem_shared>> -> memref<100352xf32, #tpu.memory_space<vmem_shared>>
        tpu.wait_indirect_dma semaphore(%run_scoped3A_75 : memref<!tpu.dma_semaphore, #tpu.memory_space<semaphore_mem>>) src(%dma_wait3A_96 : memref<100352xf32, #tpu.memory_space<vmem_shared>>) dst(%dma_wait3A_88 : memref<2048xf32, #tpu.memory_space<vmem>>)
        tpu.yield
      }) : () -> ()
      %run_scoped3A_60 = arith.constant 3 : i32
      %run_scoped3A_61 = arith.constant 0 : i32
      %run_scoped3A_62 = arith.constant 3 : i32
      "tpu.region"() ({
        %run_scoped3A_75 = tpu.sem_alloc : memref<!tpu.dma_semaphore, #tpu.memory_space<semaphore_mem>>
        %dma_start3A = arith.constant 0 : i32
        %dma_start3A_76 = tpu.memref_slice %arg11[%run_scoped3A_62, %dma_start3A] : memref<4x2048xf32, #tpu.memory_space<vmem>> -> memref<1x2048xf32, #tpu.memory_space<vmem>>
        %dma_start3A_77 = tpu.memref_squeeze %dma_start3A_76 : memref<1x2048xf32, #tpu.memory_space<vmem>> -> memref<2048xf32, #tpu.memory_space<vmem>>
        %dma_start3A_78 = arith.constant 0 : i32
        %dma_start3A_79 = tpu.memref_slice %arg7[%run_scoped3A_61, %dma_start3A_78] : memref<1x2048xi32, #tpu.memory_space<vmem>> -> memref<1x2048xi32, #tpu.memory_space<vmem>>
        %dma_start3A_80 = tpu.memref_squeeze %dma_start3A_79 : memref<1x2048xi32, #tpu.memory_space<vmem>> -> memref<2048xi32, #tpu.memory_space<vmem>>
        %dma_start3A_81 = arith.constant 0 : i32
        %dma_start3A_82 = tpu.memref_slice %arg13[%run_scoped3A_60, %dma_start3A_81] : memref<4x100352xf32, #tpu.memory_space<vmem_shared>> -> memref<1x100352xf32, #tpu.memory_space<vmem_shared>>
        %dma_start3A_83 = tpu.memref_squeeze %dma_start3A_82 : memref<1x100352xf32, #tpu.memory_space<vmem_shared>> -> memref<100352xf32, #tpu.memory_space<vmem_shared>>
        %dma_start3A_84 = arith.constant 0 : i32
        %dma_start3A_85 = tpu.memref_slice %dma_start3A_83[%dma_start3A_84] : memref<100352xf32, #tpu.memory_space<vmem_shared>> -> memref<100352xf32, #tpu.memory_space<vmem_shared>>
        tpu.enqueue_indirect_dma source(%dma_start3A_85 : memref<100352xf32, #tpu.memory_space<vmem_shared>>) target(%dma_start3A_77 : memref<2048xf32, #tpu.memory_space<vmem>>) offsets(%dma_start3A_80 : memref<2048xi32, #tpu.memory_space<vmem>>) semaphore(%run_scoped3A_75 : memref<!tpu.dma_semaphore, #tpu.memory_space<semaphore_mem>>)
        %dma_wait3A_86 = arith.constant 0 : i32
        %dma_wait3A_87 = tpu.memref_slice %arg11[%run_scoped3A_62, %dma_wait3A_86] : memref<4x2048xf32, #tpu.memory_space<vmem>> -> memref<1x2048xf32, #tpu.memory_space<vmem>>
        %dma_wait3A_88 = tpu.memref_squeeze %dma_wait3A_87 : memref<1x2048xf32, #tpu.memory_space<vmem>> -> memref<2048xf32, #tpu.memory_space<vmem>>
        %dma_wait3A_89 = arith.constant 0 : i32
        %dma_wait3A_90 = tpu.memref_slice %arg7[%run_scoped3A_61, %dma_wait3A_89] : memref<1x2048xi32, #tpu.memory_space<vmem>> -> memref<1x2048xi32, #tpu.memory_space<vmem>>
        %dma_wait3A_91 = tpu.memref_squeeze %dma_wait3A_90 : memref<1x2048xi32, #tpu.memory_space<vmem>> -> memref<2048xi32, #tpu.memory_space<vmem>>
        %dma_wait3A_92 = arith.constant 0 : i32
        %dma_wait3A_93 = tpu.memref_slice %arg13[%run_scoped3A_60, %dma_wait3A_92] : memref<4x100352xf32, #tpu.memory_space<vmem_shared>> -> memref<1x100352xf32, #tpu.memory_space<vmem_shared>>
        %dma_wait3A_94 = tpu.memref_squeeze %dma_wait3A_93 : memref<1x100352xf32, #tpu.memory_space<vmem_shared>> -> memref<100352xf32, #tpu.memory_space<vmem_shared>>
        %dma_wait3A_95 = arith.constant 0 : i32
        %dma_wait3A_96 = tpu.memref_slice %dma_wait3A_94[%dma_wait3A_95] : memref<100352xf32, #tpu.memory_space<vmem_shared>> -> memref<100352xf32, #tpu.memory_space<vmem_shared>>
        tpu.wait_indirect_dma semaphore(%run_scoped3A_75 : memref<!tpu.dma_semaphore, #tpu.memory_space<semaphore_mem>>) src(%dma_wait3A_96 : memref<100352xf32, #tpu.memory_space<vmem_shared>>) dst(%dma_wait3A_88 : memref<2048xf32, #tpu.memory_space<vmem>>)
        tpu.yield
      }) : () -> ()
      %run_scoped3A_63 = arith.constant 0 : i32
      %run_scoped3A_64 = arith.constant 0 : i32
      %run_scoped3A_65 = arith.constant 0 : i32
      "tpu.region"() ({
        %run_scoped3A_75 = tpu.sem_alloc : memref<!tpu.dma_semaphore, #tpu.memory_space<semaphore_mem>>
        %dma_start3A = arith.constant 0 : i32
        %dma_start3A_76 = tpu.memref_slice %arg11[%run_scoped3A_63, %dma_start3A] : memref<4x2048xf32, #tpu.memory_space<vmem>> -> memref<1x2048xf32, #tpu.memory_space<vmem>>
        %dma_start3A_77 = tpu.memref_squeeze %dma_start3A_76 : memref<1x2048xf32, #tpu.memory_space<vmem>> -> memref<2048xf32, #tpu.memory_space<vmem>>
        %dma_start3A_78 = arith.constant 0 : i32
        %dma_start3A_79 = tpu.memref_slice %arg9[%run_scoped3A_65, %dma_start3A_78] : memref<1x2048xi32, #tpu.memory_space<vmem>> -> memref<1x2048xi32, #tpu.memory_space<vmem>>
        %dma_start3A_80 = tpu.memref_squeeze %dma_start3A_79 : memref<1x2048xi32, #tpu.memory_space<vmem>> -> memref<2048xi32, #tpu.memory_space<vmem>>
        %dma_start3A_81 = arith.constant 0 : i32
        %dma_start3A_82 = tpu.memref_slice %arg14[%run_scoped3A_64, %dma_start3A_81] : memref<4x100352xf32, #tpu.memory_space<vmem_shared>> -> memref<1x100352xf32, #tpu.memory_space<vmem_shared>>
        %dma_start3A_83 = tpu.memref_squeeze %dma_start3A_82 : memref<1x100352xf32, #tpu.memory_space<vmem_shared>> -> memref<100352xf32, #tpu.memory_space<vmem_shared>>
        %dma_start3A_84 = arith.constant 0 : i32
        %dma_start3A_85 = tpu.memref_slice %dma_start3A_83[%dma_start3A_84] : memref<100352xf32, #tpu.memory_space<vmem_shared>> -> memref<100352xf32, #tpu.memory_space<vmem_shared>>
        tpu.enqueue_indirect_dma source(%dma_start3A_77 : memref<2048xf32, #tpu.memory_space<vmem>>) target(%dma_start3A_85 : memref<100352xf32, #tpu.memory_space<vmem_shared>>) offsets(%dma_start3A_80 : memref<2048xi32, #tpu.memory_space<vmem>>) semaphore(%run_scoped3A_75 : memref<!tpu.dma_semaphore, #tpu.memory_space<semaphore_mem>>) {add = true}
        %dma_wait3A_86 = arith.constant 0 : i32
        %dma_wait3A_87 = tpu.memref_slice %arg11[%run_scoped3A_63, %dma_wait3A_86] : memref<4x2048xf32, #tpu.memory_space<vmem>> -> memref<1x2048xf32, #tpu.memory_space<vmem>>
        %dma_wait3A_88 = tpu.memref_squeeze %dma_wait3A_87 : memref<1x2048xf32, #tpu.memory_space<vmem>> -> memref<2048xf32, #tpu.memory_space<vmem>>
        %dma_wait3A_89 = arith.constant 0 : i32
        %dma_wait3A_90 = tpu.memref_slice %arg9[%run_scoped3A_65, %dma_wait3A_89] : memref<1x2048xi32, #tpu.memory_space<vmem>> -> memref<1x2048xi32, #tpu.memory_space<vmem>>
        %dma_wait3A_91 = tpu.memref_squeeze %dma_wait3A_90 : memref<1x2048xi32, #tpu.memory_space<vmem>> -> memref<2048xi32, #tpu.memory_space<vmem>>
        %dma_wait3A_92 = arith.constant 0 : i32
        %dma_wait3A_93 = tpu.memref_slice %arg14[%run_scoped3A_64, %dma_wait3A_92] : memref<4x100352xf32, #tpu.memory_space<vmem_shared>> -> memref<1x100352xf32, #tpu.memory_space<vmem_shared>>
        %dma_wait3A_94 = tpu.memref_squeeze %dma_wait3A_93 : memref<1x100352xf32, #tpu.memory_space<vmem_shared>> -> memref<100352xf32, #tpu.memory_space<vmem_shared>>
        %dma_wait3A_95 = arith.constant 0 : i32
        %dma_wait3A_96 = tpu.memref_slice %dma_wait3A_94[%dma_wait3A_95] : memref<100352xf32, #tpu.memory_space<vmem_shared>> -> memref<100352xf32, #tpu.memory_space<vmem_shared>>
        tpu.wait_indirect_dma semaphore(%run_scoped3A_75 : memref<!tpu.dma_semaphore, #tpu.memory_space<semaphore_mem>>) src(%dma_wait3A_88 : memref<2048xf32, #tpu.memory_space<vmem>>) dst(%dma_wait3A_96 : memref<100352xf32, #tpu.memory_space<vmem_shared>>)
        tpu.yield
      }) : () -> ()
      %run_scoped3A_66 = arith.constant 1 : i32
      %run_scoped3A_67 = arith.constant 1 : i32
      %run_scoped3A_68 = arith.constant 0 : i32
      "tpu.region"() ({
        %run_scoped3A_75 = tpu.sem_alloc : memref<!tpu.dma_semaphore, #tpu.memory_space<semaphore_mem>>
        %dma_start3A = arith.constant 0 : i32
        %dma_start3A_76 = tpu.memref_slice %arg11[%run_scoped3A_66, %dma_start3A] : memref<4x2048xf32, #tpu.memory_space<vmem>> -> memref<1x2048xf32, #tpu.memory_space<vmem>>
        %dma_start3A_77 = tpu.memref_squeeze %dma_start3A_76 : memref<1x2048xf32, #tpu.memory_space<vmem>> -> memref<2048xf32, #tpu.memory_space<vmem>>
        %dma_start3A_78 = arith.constant 0 : i32
        %dma_start3A_79 = tpu.memref_slice %arg9[%run_scoped3A_68, %dma_start3A_78] : memref<1x2048xi32, #tpu.memory_space<vmem>> -> memref<1x2048xi32, #tpu.memory_space<vmem>>
        %dma_start3A_80 = tpu.memref_squeeze %dma_start3A_79 : memref<1x2048xi32, #tpu.memory_space<vmem>> -> memref<2048xi32, #tpu.memory_space<vmem>>
        %dma_start3A_81 = arith.constant 0 : i32
        %dma_start3A_82 = tpu.memref_slice %arg14[%run_scoped3A_67, %dma_start3A_81] : memref<4x100352xf32, #tpu.memory_space<vmem_shared>> -> memref<1x100352xf32, #tpu.memory_space<vmem_shared>>
        %dma_start3A_83 = tpu.memref_squeeze %dma_start3A_82 : memref<1x100352xf32, #tpu.memory_space<vmem_shared>> -> memref<100352xf32, #tpu.memory_space<vmem_shared>>
        %dma_start3A_84 = arith.constant 0 : i32
        %dma_start3A_85 = tpu.memref_slice %dma_start3A_83[%dma_start3A_84] : memref<100352xf32, #tpu.memory_space<vmem_shared>> -> memref<100352xf32, #tpu.memory_space<vmem_shared>>
        tpu.enqueue_indirect_dma source(%dma_start3A_77 : memref<2048xf32, #tpu.memory_space<vmem>>) target(%dma_start3A_85 : memref<100352xf32, #tpu.memory_space<vmem_shared>>) offsets(%dma_start3A_80 : memref<2048xi32, #tpu.memory_space<vmem>>) semaphore(%run_scoped3A_75 : memref<!tpu.dma_semaphore, #tpu.memory_space<semaphore_mem>>) {add = true}
        %dma_wait3A_86 = arith.constant 0 : i32
        %dma_wait3A_87 = tpu.memref_slice %arg11[%run_scoped3A_66, %dma_wait3A_86] : memref<4x2048xf32, #tpu.memory_space<vmem>> -> memref<1x2048xf32, #tpu.memory_space<vmem>>
        %dma_wait3A_88 = tpu.memref_squeeze %dma_wait3A_87 : memref<1x2048xf32, #tpu.memory_space<vmem>> -> memref<2048xf32, #tpu.memory_space<vmem>>
        %dma_wait3A_89 = arith.constant 0 : i32
        %dma_wait3A_90 = tpu.memref_slice %arg9[%run_scoped3A_68, %dma_wait3A_89] : memref<1x2048xi32, #tpu.memory_space<vmem>> -> memref<1x2048xi32, #tpu.memory_space<vmem>>
        %dma_wait3A_91 = tpu.memref_squeeze %dma_wait3A_90 : memref<1x2048xi32, #tpu.memory_space<vmem>> -> memref<2048xi32, #tpu.memory_space<vmem>>
        %dma_wait3A_92 = arith.constant 0 : i32
        %dma_wait3A_93 = tpu.memref_slice %arg14[%run_scoped3A_67, %dma_wait3A_92] : memref<4x100352xf32, #tpu.memory_space<vmem_shared>> -> memref<1x100352xf32, #tpu.memory_space<vmem_shared>>
        %dma_wait3A_94 = tpu.memref_squeeze %dma_wait3A_93 : memref<1x100352xf32, #tpu.memory_space<vmem_shared>> -> memref<100352xf32, #tpu.memory_space<vmem_shared>>
        %dma_wait3A_95 = arith.constant 0 : i32
        %dma_wait3A_96 = tpu.memref_slice %dma_wait3A_94[%dma_wait3A_95] : memref<100352xf32, #tpu.memory_space<vmem_shared>> -> memref<100352xf32, #tpu.memory_space<vmem_shared>>
        tpu.wait_indirect_dma semaphore(%run_scoped3A_75 : memref<!tpu.dma_semaphore, #tpu.memory_space<semaphore_mem>>) src(%dma_wait3A_88 : memref<2048xf32, #tpu.memory_space<vmem>>) dst(%dma_wait3A_96 : memref<100352xf32, #tpu.memory_space<vmem_shared>>)
        tpu.yield
      }) : () -> ()
      %run_scoped3A_69 = arith.constant 2 : i32
      %run_scoped3A_70 = arith.constant 2 : i32
      %run_scoped3A_71 = arith.constant 0 : i32
      "tpu.region"() ({
        %run_scoped3A_75 = tpu.sem_alloc : memref<!tpu.dma_semaphore, #tpu.memory_space<semaphore_mem>>
        %dma_start3A = arith.constant 0 : i32
        %dma_start3A_76 = tpu.memref_slice %arg11[%run_scoped3A_69, %dma_start3A] : memref<4x2048xf32, #tpu.memory_space<vmem>> -> memref<1x2048xf32, #tpu.memory_space<vmem>>
        %dma_start3A_77 = tpu.memref_squeeze %dma_start3A_76 : memref<1x2048xf32, #tpu.memory_space<vmem>> -> memref<2048xf32, #tpu.memory_space<vmem>>
        %dma_start3A_78 = arith.constant 0 : i32
        %dma_start3A_79 = tpu.memref_slice %arg9[%run_scoped3A_71, %dma_start3A_78] : memref<1x2048xi32, #tpu.memory_space<vmem>> -> memref<1x2048xi32, #tpu.memory_space<vmem>>
        %dma_start3A_80 = tpu.memref_squeeze %dma_start3A_79 : memref<1x2048xi32, #tpu.memory_space<vmem>> -> memref<2048xi32, #tpu.memory_space<vmem>>
        %dma_start3A_81 = arith.constant 0 : i32
        %dma_start3A_82 = tpu.memref_slice %arg14[%run_scoped3A_70, %dma_start3A_81] : memref<4x100352xf32, #tpu.memory_space<vmem_shared>> -> memref<1x100352xf32, #tpu.memory_space<vmem_shared>>
        %dma_start3A_83 = tpu.memref_squeeze %dma_start3A_82 : memref<1x100352xf32, #tpu.memory_space<vmem_shared>> -> memref<100352xf32, #tpu.memory_space<vmem_shared>>
        %dma_start3A_84 = arith.constant 0 : i32
        %dma_start3A_85 = tpu.memref_slice %dma_start3A_83[%dma_start3A_84] : memref<100352xf32, #tpu.memory_space<vmem_shared>> -> memref<100352xf32, #tpu.memory_space<vmem_shared>>
        tpu.enqueue_indirect_dma source(%dma_start3A_77 : memref<2048xf32, #tpu.memory_space<vmem>>) target(%dma_start3A_85 : memref<100352xf32, #tpu.memory_space<vmem_shared>>) offsets(%dma_start3A_80 : memref<2048xi32, #tpu.memory_space<vmem>>) semaphore(%run_scoped3A_75 : memref<!tpu.dma_semaphore, #tpu.memory_space<semaphore_mem>>) {add = true}
        %dma_wait3A_86 = arith.constant 0 : i32
        %dma_wait3A_87 = tpu.memref_slice %arg11[%run_scoped3A_69, %dma_wait3A_86] : memref<4x2048xf32, #tpu.memory_space<vmem>> -> memref<1x2048xf32, #tpu.memory_space<vmem>>
        %dma_wait3A_88 = tpu.memref_squeeze %dma_wait3A_87 : memref<1x2048xf32, #tpu.memory_space<vmem>> -> memref<2048xf32, #tpu.memory_space<vmem>>
        %dma_wait3A_89 = arith.constant 0 : i32
        %dma_wait3A_90 = tpu.memref_slice %arg9[%run_scoped3A_71, %dma_wait3A_89] : memref<1x2048xi32, #tpu.memory_space<vmem>> -> memref<1x2048xi32, #tpu.memory_space<vmem>>
        %dma_wait3A_91 = tpu.memref_squeeze %dma_wait3A_90 : memref<1x2048xi32, #tpu.memory_space<vmem>> -> memref<2048xi32, #tpu.memory_space<vmem>>
        %dma_wait3A_92 = arith.constant 0 : i32
        %dma_wait3A_93 = tpu.memref_slice %arg14[%run_scoped3A_70, %dma_wait3A_92] : memref<4x100352xf32, #tpu.memory_space<vmem_shared>> -> memref<1x100352xf32, #tpu.memory_space<vmem_shared>>
        %dma_wait3A_94 = tpu.memref_squeeze %dma_wait3A_93 : memref<1x100352xf32, #tpu.memory_space<vmem_shared>> -> memref<100352xf32, #tpu.memory_space<vmem_shared>>
        %dma_wait3A_95 = arith.constant 0 : i32
        %dma_wait3A_96 = tpu.memref_slice %dma_wait3A_94[%dma_wait3A_95] : memref<100352xf32, #tpu.memory_space<vmem_shared>> -> memref<100352xf32, #tpu.memory_space<vmem_shared>>
        tpu.wait_indirect_dma semaphore(%run_scoped3A_75 : memref<!tpu.dma_semaphore, #tpu.memory_space<semaphore_mem>>) src(%dma_wait3A_88 : memref<2048xf32, #tpu.memory_space<vmem>>) dst(%dma_wait3A_96 : memref<100352xf32, #tpu.memory_space<vmem_shared>>)
        tpu.yield
      }) : () -> ()
      %run_scoped3A_72 = arith.constant 3 : i32
      %run_scoped3A_73 = arith.constant 3 : i32
      %run_scoped3A_74 = arith.constant 0 : i32
      "tpu.region"() ({
        %run_scoped3A_75 = tpu.sem_alloc : memref<!tpu.dma_semaphore, #tpu.memory_space<semaphore_mem>>
        %dma_start3A = arith.constant 0 : i32
        %dma_start3A_76 = tpu.memref_slice %arg11[%run_scoped3A_72, %dma_start3A] : memref<4x2048xf32, #tpu.memory_space<vmem>> -> memref<1x2048xf32, #tpu.memory_space<vmem>>
        %dma_start3A_77 = tpu.memref_squeeze %dma_start3A_76 : memref<1x2048xf32, #tpu.memory_space<vmem>> -> memref<2048xf32, #tpu.memory_space<vmem>>
        %dma_start3A_78 = arith.constant 0 : i32
        %dma_start3A_79 = tpu.memref_slice %arg9[%run_scoped3A_74, %dma_start3A_78] : memref<1x2048xi32, #tpu.memory_space<vmem>> -> memref<1x2048xi32, #tpu.memory_space<vmem>>
        %dma_start3A_80 = tpu.memref_squeeze %dma_start3A_79 : memref<1x2048xi32, #tpu.memory_space<vmem>> -> memref<2048xi32, #tpu.memory_space<vmem>>
        %dma_start3A_81 = arith.constant 0 : i32
        %dma_start3A_82 = tpu.memref_slice %arg14[%run_scoped3A_73, %dma_start3A_81] : memref<4x100352xf32, #tpu.memory_space<vmem_shared>> -> memref<1x100352xf32, #tpu.memory_space<vmem_shared>>
        %dma_start3A_83 = tpu.memref_squeeze %dma_start3A_82 : memref<1x100352xf32, #tpu.memory_space<vmem_shared>> -> memref<100352xf32, #tpu.memory_space<vmem_shared>>
        %dma_start3A_84 = arith.constant 0 : i32
        %dma_start3A_85 = tpu.memref_slice %dma_start3A_83[%dma_start3A_84] : memref<100352xf32, #tpu.memory_space<vmem_shared>> -> memref<100352xf32, #tpu.memory_space<vmem_shared>>
        tpu.enqueue_indirect_dma source(%dma_start3A_77 : memref<2048xf32, #tpu.memory_space<vmem>>) target(%dma_start3A_85 : memref<100352xf32, #tpu.memory_space<vmem_shared>>) offsets(%dma_start3A_80 : memref<2048xi32, #tpu.memory_space<vmem>>) semaphore(%run_scoped3A_75 : memref<!tpu.dma_semaphore, #tpu.memory_space<semaphore_mem>>) {add = true}
        %dma_wait3A_86 = arith.constant 0 : i32
        %dma_wait3A_87 = tpu.memref_slice %arg11[%run_scoped3A_72, %dma_wait3A_86] : memref<4x2048xf32, #tpu.memory_space<vmem>> -> memref<1x2048xf32, #tpu.memory_space<vmem>>
        %dma_wait3A_88 = tpu.memref_squeeze %dma_wait3A_87 : memref<1x2048xf32, #tpu.memory_space<vmem>> -> memref<2048xf32, #tpu.memory_space<vmem>>
        %dma_wait3A_89 = arith.constant 0 : i32
        %dma_wait3A_90 = tpu.memref_slice %arg9[%run_scoped3A_74, %dma_wait3A_89] : memref<1x2048xi32, #tpu.memory_space<vmem>> -> memref<1x2048xi32, #tpu.memory_space<vmem>>
        %dma_wait3A_91 = tpu.memref_squeeze %dma_wait3A_90 : memref<1x2048xi32, #tpu.memory_space<vmem>> -> memref<2048xi32, #tpu.memory_space<vmem>>
        %dma_wait3A_92 = arith.constant 0 : i32
        %dma_wait3A_93 = tpu.memref_slice %arg14[%run_scoped3A_73, %dma_wait3A_92] : memref<4x100352xf32, #tpu.memory_space<vmem_shared>> -> memref<1x100352xf32, #tpu.memory_space<vmem_shared>>
        %dma_wait3A_94 = tpu.memref_squeeze %dma_wait3A_93 : memref<1x100352xf32, #tpu.memory_space<vmem_shared>> -> memref<100352xf32, #tpu.memory_space<vmem_shared>>
        %dma_wait3A_95 = arith.constant 0 : i32
        %dma_wait3A_96 = tpu.memref_slice %dma_wait3A_94[%dma_wait3A_95] : memref<100352xf32, #tpu.memory_space<vmem_shared>> -> memref<100352xf32, #tpu.memory_space<vmem_shared>>
        tpu.wait_indirect_dma semaphore(%run_scoped3A_75 : memref<!tpu.dma_semaphore, #tpu.memory_space<semaphore_mem>>) src(%dma_wait3A_88 : memref<2048xf32, #tpu.memory_space<vmem>>) dst(%dma_wait3A_96 : memref<100352xf32, #tpu.memory_space<vmem_shared>>)
        tpu.yield
      }) : () -> ()
    } else {
    }
    %barrier3A_21 = arith.constant 0 : index
    tpu.barrier barrier_id(%barrier3A_21)
    %run_scoped3A_22 = arith.constant 0 : i32
    "tpu.region"() ({
      %run_scoped3A_30 = tpu.sem_alloc : memref<!tpu.dma_semaphore, #tpu.memory_space<semaphore_mem>>
      %dma_start3A = arith.constant 0 : i32
      %dma_start3A_31 = tpu.memref_slice %arg14[%run_scoped3A_22, %dma_start3A] : memref<4x100352xf32, #tpu.memory_space<vmem_shared>> -> memref<1x100352xf32, #tpu.memory_space<vmem_shared>>
      %dma_start3A_32 = tpu.memref_squeeze %dma_start3A_31 : memref<1x100352xf32, #tpu.memory_space<vmem_shared>> -> memref<100352xf32, #tpu.memory_space<vmem_shared>>
      %dma_start3A_33 = tpu.memref_slice %dma_start3A_32[%mul3A_2] : memref<100352xf32, #tpu.memory_space<vmem_shared>> -> memref<6272xf32, #tpu.memory_space<vmem_shared>>
      %dma_start3A_34 = arith.constant 0 : i32
      %dma_start3A_35 = tpu.memref_slice %arg14[%run_scoped3A_22, %dma_start3A_34] : memref<4x100352xf32, #tpu.memory_space<vmem_shared>> -> memref<1x100352xf32, #tpu.memory_space<vmem_shared>>
      %dma_start3A_36 = tpu.memref_squeeze %dma_start3A_35 : memref<1x100352xf32, #tpu.memory_space<vmem_shared>> -> memref<100352xf32, #tpu.memory_space<vmem_shared>>
      %dma_start3A_37 = tpu.memref_slice %dma_start3A_36[%mul3A_2] : memref<100352xf32, #tpu.memory_space<vmem_shared>> -> memref<6272xf32, #tpu.memory_space<vmem_shared>>
      tpu.enqueue_dma source(%dma_start3A_37 : memref<6272xf32, #tpu.memory_space<vmem_shared>>) target(%arg12 : memref<6272xf32, #tpu.memory_space<vmem>>) target_semaphore(%run_scoped3A_30 : memref<!tpu.dma_semaphore, #tpu.memory_space<semaphore_mem>>)
      %dma_wait3A = arith.constant 0 : i32
      %dma_wait3A_38 = tpu.memref_slice %arg14[%run_scoped3A_22, %dma_wait3A] : memref<4x100352xf32, #tpu.memory_space<vmem_shared>> -> memref<1x100352xf32, #tpu.memory_space<vmem_shared>>
      %dma_wait3A_39 = tpu.memref_squeeze %dma_wait3A_38 : memref<1x100352xf32, #tpu.memory_space<vmem_shared>> -> memref<100352xf32, #tpu.memory_space<vmem_shared>>
      %dma_wait3A_40 = tpu.memref_slice %dma_wait3A_39[%mul3A_2] : memref<100352xf32, #tpu.memory_space<vmem_shared>> -> memref<6272xf32, #tpu.memory_space<vmem_shared>>
      %dma_wait3A_41 = arith.constant 0 : i32
      %dma_wait3A_42 = tpu.memref_slice %arg14[%run_scoped3A_22, %dma_wait3A_41] : memref<4x100352xf32, #tpu.memory_space<vmem_shared>> -> memref<1x100352xf32, #tpu.memory_space<vmem_shared>>
      %dma_wait3A_43 = tpu.memref_squeeze %dma_wait3A_42 : memref<1x100352xf32, #tpu.memory_space<vmem_shared>> -> memref<100352xf32, #tpu.memory_space<vmem_shared>>
      %dma_wait3A_44 = tpu.memref_slice %dma_wait3A_43[%mul3A_2] : memref<100352xf32, #tpu.memory_space<vmem_shared>> -> memref<6272xf32, #tpu.memory_space<vmem_shared>>
      tpu.wait_dma2 semaphore(%run_scoped3A_30 : memref<!tpu.dma_semaphore, #tpu.memory_space<semaphore_mem>>) src(%dma_wait3A_44 : memref<6272xf32, #tpu.memory_space<vmem_shared>>) dst(%arg12 : memref<6272xf32, #tpu.memory_space<vmem>>)
      tpu.yield
    }) : () -> ()
    %run_scoped3A_23 = arith.constant 0 : i32
    "tpu.region"() ({
      %run_scoped3A_30 = tpu.sem_alloc : memref<!tpu.dma_semaphore, #tpu.memory_space<semaphore_mem>>
      %dma_start3A = arith.constant 0 : i32
      %dma_start3A_31 = arith.constant 0 : i32
      %dma_start3A_32 = tpu.memref_slice %arg5[%arg0, %dma_start3A, %dma_start3A_31] : memref<2x4x100352xf32, #tpu.memory_space<hbm>> -> memref<1x4x100352xf32, #tpu.memory_space<hbm>>
      %dma_start3A_33 = tpu.memref_squeeze %dma_start3A_32 : memref<1x4x100352xf32, #tpu.memory_space<hbm>> -> memref<4x100352xf32, #tpu.memory_space<hbm>>
      %dma_start3A_34 = arith.constant 0 : i32
      %dma_start3A_35 = tpu.memref_slice %dma_start3A_33[%run_scoped3A_23, %dma_start3A_34] : memref<4x100352xf32, #tpu.memory_space<hbm>> -> memref<1x100352xf32, #tpu.memory_space<hbm>>
      %dma_start3A_36 = tpu.memref_squeeze %dma_start3A_35 : memref<1x100352xf32, #tpu.memory_space<hbm>> -> memref<100352xf32, #tpu.memory_space<hbm>>
      %dma_start3A_37 = tpu.memref_slice %dma_start3A_36[%mul3A_2] : memref<100352xf32, #tpu.memory_space<hbm>> -> memref<6272xf32, #tpu.memory_space<hbm>>
      %dma_start3A_38 = arith.constant 0 : i32
      %dma_start3A_39 = arith.constant 0 : i32
      %dma_start3A_40 = tpu.memref_slice %arg5[%arg0, %dma_start3A_38, %dma_start3A_39] : memref<2x4x100352xf32, #tpu.memory_space<hbm>> -> memref<1x4x100352xf32, #tpu.memory_space<hbm>>
      %dma_start3A_41 = tpu.memref_squeeze %dma_start3A_40 : memref<1x4x100352xf32, #tpu.memory_space<hbm>> -> memref<4x100352xf32, #tpu.memory_space<hbm>>
      %dma_start3A_42 = arith.constant 0 : i32
      %dma_start3A_43 = tpu.memref_slice %dma_start3A_41[%run_scoped3A_23, %dma_start3A_42] : memref<4x100352xf32, #tpu.memory_space<hbm>> -> memref<1x100352xf32, #tpu.memory_space<hbm>>
      %dma_start3A_44 = tpu.memref_squeeze %dma_start3A_43 : memref<1x100352xf32, #tpu.memory_space<hbm>> -> memref<100352xf32, #tpu.memory_space<hbm>>
      %dma_start3A_45 = tpu.memref_slice %dma_start3A_44[%mul3A_2] : memref<100352xf32, #tpu.memory_space<hbm>> -> memref<6272xf32, #tpu.memory_space<hbm>>
      tpu.enqueue_dma source(%arg12 : memref<6272xf32, #tpu.memory_space<vmem>>) target(%dma_start3A_45 : memref<6272xf32, #tpu.memory_space<hbm>>) target_semaphore(%run_scoped3A_30 : memref<!tpu.dma_semaphore, #tpu.memory_space<semaphore_mem>>)
      %dma_wait3A = arith.constant 0 : i32
      %dma_wait3A_46 = arith.constant 0 : i32
      %dma_wait3A_47 = tpu.memref_slice %arg5[%arg0, %dma_wait3A, %dma_wait3A_46] : memref<2x4x100352xf32, #tpu.memory_space<hbm>> -> memref<1x4x100352xf32, #tpu.memory_space<hbm>>
      %dma_wait3A_48 = tpu.memref_squeeze %dma_wait3A_47 : memref<1x4x100352xf32, #tpu.memory_space<hbm>> -> memref<4x100352xf32, #tpu.memory_space<hbm>>
      %dma_wait3A_49 = arith.constant 0 : i32
      %dma_wait3A_50 = tpu.memref_slice %dma_wait3A_48[%run_scoped3A_23, %dma_wait3A_49] : memref<4x100352xf32, #tpu.memory_space<hbm>> -> memref<1x100352xf32, #tpu.memory_space<hbm>>
      %dma_wait3A_51 = tpu.memref_squeeze %dma_wait3A_50 : memref<1x100352xf32, #tpu.memory_space<hbm>> -> memref<100352xf32, #tpu.memory_space<hbm>>
      %dma_wait3A_52 = tpu.memref_slice %dma_wait3A_51[%mul3A_2] : memref<100352xf32, #tpu.memory_space<hbm>> -> memref<6272xf32, #tpu.memory_space<hbm>>
      %dma_wait3A_53 = arith.constant 0 : i32
      %dma_wait3A_54 = arith.constant 0 : i32
      %dma_wait3A_55 = tpu.memref_slice %arg5[%arg0, %dma_wait3A_53, %dma_wait3A_54] : memref<2x4x100352xf32, #tpu.memory_space<hbm>> -> memref<1x4x100352xf32, #tpu.memory_space<hbm>>
      %dma_wait3A_56 = tpu.memref_squeeze %dma_wait3A_55 : memref<1x4x100352xf32, #tpu.memory_space<hbm>> -> memref<4x100352xf32, #tpu.memory_space<hbm>>
      %dma_wait3A_57 = arith.constant 0 : i32
      %dma_wait3A_58 = tpu.memref_slice %dma_wait3A_56[%run_scoped3A_23, %dma_wait3A_57] : memref<4x100352xf32, #tpu.memory_space<hbm>> -> memref<1x100352xf32, #tpu.memory_space<hbm>>
      %dma_wait3A_59 = tpu.memref_squeeze %dma_wait3A_58 : memref<1x100352xf32, #tpu.memory_space<hbm>> -> memref<100352xf32, #tpu.memory_space<hbm>>
      %dma_wait3A_60 = tpu.memref_slice %dma_wait3A_59[%mul3A_2] : memref<100352xf32, #tpu.memory_space<hbm>> -> memref<6272xf32, #tpu.memory_space<hbm>>
      tpu.wait_dma2 semaphore(%run_scoped3A_30 : memref<!tpu.dma_semaphore, #tpu.memory_space<semaphore_mem>>) src(%arg12 : memref<6272xf32, #tpu.memory_space<vmem>>) dst(%dma_wait3A_60 : memref<6272xf32, #tpu.memory_space<hbm>>)
      tpu.yield
    }) : () -> ()
    %run_scoped3A_24 = arith.constant 1 : i32
    "tpu.region"() ({
      %run_scoped3A_30 = tpu.sem_alloc : memref<!tpu.dma_semaphore, #tpu.memory_space<semaphore_mem>>
      %dma_start3A = arith.constant 0 : i32
      %dma_start3A_31 = tpu.memref_slice %arg14[%run_scoped3A_24, %dma_start3A] : memref<4x100352xf32, #tpu.memory_space<vmem_shared>> -> memref<1x100352xf32, #tpu.memory_space<vmem_shared>>
      %dma_start3A_32 = tpu.memref_squeeze %dma_start3A_31 : memref<1x100352xf32, #tpu.memory_space<vmem_shared>> -> memref<100352xf32, #tpu.memory_space<vmem_shared>>
      %dma_start3A_33 = tpu.memref_slice %dma_start3A_32[%mul3A_2] : memref<100352xf32, #tpu.memory_space<vmem_shared>> -> memref<6272xf32, #tpu.memory_space<vmem_shared>>
      %dma_start3A_34 = arith.constant 0 : i32
      %dma_start3A_35 = tpu.memref_slice %arg14[%run_scoped3A_24, %dma_start3A_34] : memref<4x100352xf32, #tpu.memory_space<vmem_shared>> -> memref<1x100352xf32, #tpu.memory_space<vmem_shared>>
      %dma_start3A_36 = tpu.memref_squeeze %dma_start3A_35 : memref<1x100352xf32, #tpu.memory_space<vmem_shared>> -> memref<100352xf32, #tpu.memory_space<vmem_shared>>
      %dma_start3A_37 = tpu.memref_slice %dma_start3A_36[%mul3A_2] : memref<100352xf32, #tpu.memory_space<vmem_shared>> -> memref<6272xf32, #tpu.memory_space<vmem_shared>>
      tpu.enqueue_dma source(%dma_start3A_37 : memref<6272xf32, #tpu.memory_space<vmem_shared>>) target(%arg12 : memref<6272xf32, #tpu.memory_space<vmem>>) target_semaphore(%run_scoped3A_30 : memref<!tpu.dma_semaphore, #tpu.memory_space<semaphore_mem>>)
      %dma_wait3A = arith.constant 0 : i32
      %dma_wait3A_38 = tpu.memref_slice %arg14[%run_scoped3A_24, %dma_wait3A] : memref<4x100352xf32, #tpu.memory_space<vmem_shared>> -> memref<1x100352xf32, #tpu.memory_space<vmem_shared>>
      %dma_wait3A_39 = tpu.memref_squeeze %dma_wait3A_38 : memref<1x100352xf32, #tpu.memory_space<vmem_shared>> -> memref<100352xf32, #tpu.memory_space<vmem_shared>>
      %dma_wait3A_40 = tpu.memref_slice %dma_wait3A_39[%mul3A_2] : memref<100352xf32, #tpu.memory_space<vmem_shared>> -> memref<6272xf32, #tpu.memory_space<vmem_shared>>
      %dma_wait3A_41 = arith.constant 0 : i32
      %dma_wait3A_42 = tpu.memref_slice %arg14[%run_scoped3A_24, %dma_wait3A_41] : memref<4x100352xf32, #tpu.memory_space<vmem_shared>> -> memref<1x100352xf32, #tpu.memory_space<vmem_shared>>
      %dma_wait3A_43 = tpu.memref_squeeze %dma_wait3A_42 : memref<1x100352xf32, #tpu.memory_space<vmem_shared>> -> memref<100352xf32, #tpu.memory_space<vmem_shared>>
      %dma_wait3A_44 = tpu.memref_slice %dma_wait3A_43[%mul3A_2] : memref<100352xf32, #tpu.memory_space<vmem_shared>> -> memref<6272xf32, #tpu.memory_space<vmem_shared>>
      tpu.wait_dma2 semaphore(%run_scoped3A_30 : memref<!tpu.dma_semaphore, #tpu.memory_space<semaphore_mem>>) src(%dma_wait3A_44 : memref<6272xf32, #tpu.memory_space<vmem_shared>>) dst(%arg12 : memref<6272xf32, #tpu.memory_space<vmem>>)
      tpu.yield
    }) : () -> ()
    %run_scoped3A_25 = arith.constant 1 : i32
    "tpu.region"() ({
      %run_scoped3A_30 = tpu.sem_alloc : memref<!tpu.dma_semaphore, #tpu.memory_space<semaphore_mem>>
      %dma_start3A = arith.constant 0 : i32
      %dma_start3A_31 = arith.constant 0 : i32
      %dma_start3A_32 = tpu.memref_slice %arg5[%arg0, %dma_start3A, %dma_start3A_31] : memref<2x4x100352xf32, #tpu.memory_space<hbm>> -> memref<1x4x100352xf32, #tpu.memory_space<hbm>>
      %dma_start3A_33 = tpu.memref_squeeze %dma_start3A_32 : memref<1x4x100352xf32, #tpu.memory_space<hbm>> -> memref<4x100352xf32, #tpu.memory_space<hbm>>
      %dma_start3A_34 = arith.constant 0 : i32
      %dma_start3A_35 = tpu.memref_slice %dma_start3A_33[%run_scoped3A_25, %dma_start3A_34] : memref<4x100352xf32, #tpu.memory_space<hbm>> -> memref<1x100352xf32, #tpu.memory_space<hbm>>
      %dma_start3A_36 = tpu.memref_squeeze %dma_start3A_35 : memref<1x100352xf32, #tpu.memory_space<hbm>> -> memref<100352xf32, #tpu.memory_space<hbm>>
      %dma_start3A_37 = tpu.memref_slice %dma_start3A_36[%mul3A_2] : memref<100352xf32, #tpu.memory_space<hbm>> -> memref<6272xf32, #tpu.memory_space<hbm>>
      %dma_start3A_38 = arith.constant 0 : i32
      %dma_start3A_39 = arith.constant 0 : i32
      %dma_start3A_40 = tpu.memref_slice %arg5[%arg0, %dma_start3A_38, %dma_start3A_39] : memref<2x4x100352xf32, #tpu.memory_space<hbm>> -> memref<1x4x100352xf32, #tpu.memory_space<hbm>>
      %dma_start3A_41 = tpu.memref_squeeze %dma_start3A_40 : memref<1x4x100352xf32, #tpu.memory_space<hbm>> -> memref<4x100352xf32, #tpu.memory_space<hbm>>
      %dma_start3A_42 = arith.constant 0 : i32
      %dma_start3A_43 = tpu.memref_slice %dma_start3A_41[%run_scoped3A_25, %dma_start3A_42] : memref<4x100352xf32, #tpu.memory_space<hbm>> -> memref<1x100352xf32, #tpu.memory_space<hbm>>
      %dma_start3A_44 = tpu.memref_squeeze %dma_start3A_43 : memref<1x100352xf32, #tpu.memory_space<hbm>> -> memref<100352xf32, #tpu.memory_space<hbm>>
      %dma_start3A_45 = tpu.memref_slice %dma_start3A_44[%mul3A_2] : memref<100352xf32, #tpu.memory_space<hbm>> -> memref<6272xf32, #tpu.memory_space<hbm>>
      tpu.enqueue_dma source(%arg12 : memref<6272xf32, #tpu.memory_space<vmem>>) target(%dma_start3A_45 : memref<6272xf32, #tpu.memory_space<hbm>>) target_semaphore(%run_scoped3A_30 : memref<!tpu.dma_semaphore, #tpu.memory_space<semaphore_mem>>)
      %dma_wait3A = arith.constant 0 : i32
      %dma_wait3A_46 = arith.constant 0 : i32
      %dma_wait3A_47 = tpu.memref_slice %arg5[%arg0, %dma_wait3A, %dma_wait3A_46] : memref<2x4x100352xf32, #tpu.memory_space<hbm>> -> memref<1x4x100352xf32, #tpu.memory_space<hbm>>
      %dma_wait3A_48 = tpu.memref_squeeze %dma_wait3A_47 : memref<1x4x100352xf32, #tpu.memory_space<hbm>> -> memref<4x100352xf32, #tpu.memory_space<hbm>>
      %dma_wait3A_49 = arith.constant 0 : i32
      %dma_wait3A_50 = tpu.memref_slice %dma_wait3A_48[%run_scoped3A_25, %dma_wait3A_49] : memref<4x100352xf32, #tpu.memory_space<hbm>> -> memref<1x100352xf32, #tpu.memory_space<hbm>>
      %dma_wait3A_51 = tpu.memref_squeeze %dma_wait3A_50 : memref<1x100352xf32, #tpu.memory_space<hbm>> -> memref<100352xf32, #tpu.memory_space<hbm>>
      %dma_wait3A_52 = tpu.memref_slice %dma_wait3A_51[%mul3A_2] : memref<100352xf32, #tpu.memory_space<hbm>> -> memref<6272xf32, #tpu.memory_space<hbm>>
      %dma_wait3A_53 = arith.constant 0 : i32
      %dma_wait3A_54 = arith.constant 0 : i32
      %dma_wait3A_55 = tpu.memref_slice %arg5[%arg0, %dma_wait3A_53, %dma_wait3A_54] : memref<2x4x100352xf32, #tpu.memory_space<hbm>> -> memref<1x4x100352xf32, #tpu.memory_space<hbm>>
      %dma_wait3A_56 = tpu.memref_squeeze %dma_wait3A_55 : memref<1x4x100352xf32, #tpu.memory_space<hbm>> -> memref<4x100352xf32, #tpu.memory_space<hbm>>
      %dma_wait3A_57 = arith.constant 0 : i32
      %dma_wait3A_58 = tpu.memref_slice %dma_wait3A_56[%run_scoped3A_25, %dma_wait3A_57] : memref<4x100352xf32, #tpu.memory_space<hbm>> -> memref<1x100352xf32, #tpu.memory_space<hbm>>
      %dma_wait3A_59 = tpu.memref_squeeze %dma_wait3A_58 : memref<1x100352xf32, #tpu.memory_space<hbm>> -> memref<100352xf32, #tpu.memory_space<hbm>>
      %dma_wait3A_60 = tpu.memref_slice %dma_wait3A_59[%mul3A_2] : memref<100352xf32, #tpu.memory_space<hbm>> -> memref<6272xf32, #tpu.memory_space<hbm>>
      tpu.wait_dma2 semaphore(%run_scoped3A_30 : memref<!tpu.dma_semaphore, #tpu.memory_space<semaphore_mem>>) src(%arg12 : memref<6272xf32, #tpu.memory_space<vmem>>) dst(%dma_wait3A_60 : memref<6272xf32, #tpu.memory_space<hbm>>)
      tpu.yield
    }) : () -> ()
    %run_scoped3A_26 = arith.constant 2 : i32
    "tpu.region"() ({
      %run_scoped3A_30 = tpu.sem_alloc : memref<!tpu.dma_semaphore, #tpu.memory_space<semaphore_mem>>
      %dma_start3A = arith.constant 0 : i32
      %dma_start3A_31 = tpu.memref_slice %arg14[%run_scoped3A_26, %dma_start3A] : memref<4x100352xf32, #tpu.memory_space<vmem_shared>> -> memref<1x100352xf32, #tpu.memory_space<vmem_shared>>
      %dma_start3A_32 = tpu.memref_squeeze %dma_start3A_31 : memref<1x100352xf32, #tpu.memory_space<vmem_shared>> -> memref<100352xf32, #tpu.memory_space<vmem_shared>>
      %dma_start3A_33 = tpu.memref_slice %dma_start3A_32[%mul3A_2] : memref<100352xf32, #tpu.memory_space<vmem_shared>> -> memref<6272xf32, #tpu.memory_space<vmem_shared>>
      %dma_start3A_34 = arith.constant 0 : i32
      %dma_start3A_35 = tpu.memref_slice %arg14[%run_scoped3A_26, %dma_start3A_34] : memref<4x100352xf32, #tpu.memory_space<vmem_shared>> -> memref<1x100352xf32, #tpu.memory_space<vmem_shared>>
      %dma_start3A_36 = tpu.memref_squeeze %dma_start3A_35 : memref<1x100352xf32, #tpu.memory_space<vmem_shared>> -> memref<100352xf32, #tpu.memory_space<vmem_shared>>
      %dma_start3A_37 = tpu.memref_slice %dma_start3A_36[%mul3A_2] : memref<100352xf32, #tpu.memory_space<vmem_shared>> -> memref<6272xf32, #tpu.memory_space<vmem_shared>>
      tpu.enqueue_dma source(%dma_start3A_37 : memref<6272xf32, #tpu.memory_space<vmem_shared>>) target(%arg12 : memref<6272xf32, #tpu.memory_space<vmem>>) target_semaphore(%run_scoped3A_30 : memref<!tpu.dma_semaphore, #tpu.memory_space<semaphore_mem>>)
      %dma_wait3A = arith.constant 0 : i32
      %dma_wait3A_38 = tpu.memref_slice %arg14[%run_scoped3A_26, %dma_wait3A] : memref<4x100352xf32, #tpu.memory_space<vmem_shared>> -> memref<1x100352xf32, #tpu.memory_space<vmem_shared>>
      %dma_wait3A_39 = tpu.memref_squeeze %dma_wait3A_38 : memref<1x100352xf32, #tpu.memory_space<vmem_shared>> -> memref<100352xf32, #tpu.memory_space<vmem_shared>>
      %dma_wait3A_40 = tpu.memref_slice %dma_wait3A_39[%mul3A_2] : memref<100352xf32, #tpu.memory_space<vmem_shared>> -> memref<6272xf32, #tpu.memory_space<vmem_shared>>
      %dma_wait3A_41 = arith.constant 0 : i32
      %dma_wait3A_42 = tpu.memref_slice %arg14[%run_scoped3A_26, %dma_wait3A_41] : memref<4x100352xf32, #tpu.memory_space<vmem_shared>> -> memref<1x100352xf32, #tpu.memory_space<vmem_shared>>
      %dma_wait3A_43 = tpu.memref_squeeze %dma_wait3A_42 : memref<1x100352xf32, #tpu.memory_space<vmem_shared>> -> memref<100352xf32, #tpu.memory_space<vmem_shared>>
      %dma_wait3A_44 = tpu.memref_slice %dma_wait3A_43[%mul3A_2] : memref<100352xf32, #tpu.memory_space<vmem_shared>> -> memref<6272xf32, #tpu.memory_space<vmem_shared>>
      tpu.wait_dma2 semaphore(%run_scoped3A_30 : memref<!tpu.dma_semaphore, #tpu.memory_space<semaphore_mem>>) src(%dma_wait3A_44 : memref<6272xf32, #tpu.memory_space<vmem_shared>>) dst(%arg12 : memref<6272xf32, #tpu.memory_space<vmem>>)
      tpu.yield
    }) : () -> ()
    %run_scoped3A_27 = arith.constant 2 : i32
    "tpu.region"() ({
      %run_scoped3A_30 = tpu.sem_alloc : memref<!tpu.dma_semaphore, #tpu.memory_space<semaphore_mem>>
      %dma_start3A = arith.constant 0 : i32
      %dma_start3A_31 = arith.constant 0 : i32
      %dma_start3A_32 = tpu.memref_slice %arg5[%arg0, %dma_start3A, %dma_start3A_31] : memref<2x4x100352xf32, #tpu.memory_space<hbm>> -> memref<1x4x100352xf32, #tpu.memory_space<hbm>>
      %dma_start3A_33 = tpu.memref_squeeze %dma_start3A_32 : memref<1x4x100352xf32, #tpu.memory_space<hbm>> -> memref<4x100352xf32, #tpu.memory_space<hbm>>
      %dma_start3A_34 = arith.constant 0 : i32
      %dma_start3A_35 = tpu.memref_slice %dma_start3A_33[%run_scoped3A_27, %dma_start3A_34] : memref<4x100352xf32, #tpu.memory_space<hbm>> -> memref<1x100352xf32, #tpu.memory_space<hbm>>
      %dma_start3A_36 = tpu.memref_squeeze %dma_start3A_35 : memref<1x100352xf32, #tpu.memory_space<hbm>> -> memref<100352xf32, #tpu.memory_space<hbm>>
      %dma_start3A_37 = tpu.memref_slice %dma_start3A_36[%mul3A_2] : memref<100352xf32, #tpu.memory_space<hbm>> -> memref<6272xf32, #tpu.memory_space<hbm>>
      %dma_start3A_38 = arith.constant 0 : i32
      %dma_start3A_39 = arith.constant 0 : i32
      %dma_start3A_40 = tpu.memref_slice %arg5[%arg0, %dma_start3A_38, %dma_start3A_39] : memref<2x4x100352xf32, #tpu.memory_space<hbm>> -> memref<1x4x100352xf32, #tpu.memory_space<hbm>>
      %dma_start3A_41 = tpu.memref_squeeze %dma_start3A_40 : memref<1x4x100352xf32, #tpu.memory_space<hbm>> -> memref<4x100352xf32, #tpu.memory_space<hbm>>
      %dma_start3A_42 = arith.constant 0 : i32
      %dma_start3A_43 = tpu.memref_slice %dma_start3A_41[%run_scoped3A_27, %dma_start3A_42] : memref<4x100352xf32, #tpu.memory_space<hbm>> -> memref<1x100352xf32, #tpu.memory_space<hbm>>
      %dma_start3A_44 = tpu.memref_squeeze %dma_start3A_43 : memref<1x100352xf32, #tpu.memory_space<hbm>> -> memref<100352xf32, #tpu.memory_space<hbm>>
      %dma_start3A_45 = tpu.memref_slice %dma_start3A_44[%mul3A_2] : memref<100352xf32, #tpu.memory_space<hbm>> -> memref<6272xf32, #tpu.memory_space<hbm>>
      tpu.enqueue_dma source(%arg12 : memref<6272xf32, #tpu.memory_space<vmem>>) target(%dma_start3A_45 : memref<6272xf32, #tpu.memory_space<hbm>>) target_semaphore(%run_scoped3A_30 : memref<!tpu.dma_semaphore, #tpu.memory_space<semaphore_mem>>)
      %dma_wait3A = arith.constant 0 : i32
      %dma_wait3A_46 = arith.constant 0 : i32
      %dma_wait3A_47 = tpu.memref_slice %arg5[%arg0, %dma_wait3A, %dma_wait3A_46] : memref<2x4x100352xf32, #tpu.memory_space<hbm>> -> memref<1x4x100352xf32, #tpu.memory_space<hbm>>
      %dma_wait3A_48 = tpu.memref_squeeze %dma_wait3A_47 : memref<1x4x100352xf32, #tpu.memory_space<hbm>> -> memref<4x100352xf32, #tpu.memory_space<hbm>>
      %dma_wait3A_49 = arith.constant 0 : i32
      %dma_wait3A_50 = tpu.memref_slice %dma_wait3A_48[%run_scoped3A_27, %dma_wait3A_49] : memref<4x100352xf32, #tpu.memory_space<hbm>> -> memref<1x100352xf32, #tpu.memory_space<hbm>>
      %dma_wait3A_51 = tpu.memref_squeeze %dma_wait3A_50 : memref<1x100352xf32, #tpu.memory_space<hbm>> -> memref<100352xf32, #tpu.memory_space<hbm>>
      %dma_wait3A_52 = tpu.memref_slice %dma_wait3A_51[%mul3A_2] : memref<100352xf32, #tpu.memory_space<hbm>> -> memref<6272xf32, #tpu.memory_space<hbm>>
      %dma_wait3A_53 = arith.constant 0 : i32
      %dma_wait3A_54 = arith.constant 0 : i32
      %dma_wait3A_55 = tpu.memref_slice %arg5[%arg0, %dma_wait3A_53, %dma_wait3A_54] : memref<2x4x100352xf32, #tpu.memory_space<hbm>> -> memref<1x4x100352xf32, #tpu.memory_space<hbm>>
      %dma_wait3A_56 = tpu.memref_squeeze %dma_wait3A_55 : memref<1x4x100352xf32, #tpu.memory_space<hbm>> -> memref<4x100352xf32, #tpu.memory_space<hbm>>
      %dma_wait3A_57 = arith.constant 0 : i32
      %dma_wait3A_58 = tpu.memref_slice %dma_wait3A_56[%run_scoped3A_27, %dma_wait3A_57] : memref<4x100352xf32, #tpu.memory_space<hbm>> -> memref<1x100352xf32, #tpu.memory_space<hbm>>
      %dma_wait3A_59 = tpu.memref_squeeze %dma_wait3A_58 : memref<1x100352xf32, #tpu.memory_space<hbm>> -> memref<100352xf32, #tpu.memory_space<hbm>>
      %dma_wait3A_60 = tpu.memref_slice %dma_wait3A_59[%mul3A_2] : memref<100352xf32, #tpu.memory_space<hbm>> -> memref<6272xf32, #tpu.memory_space<hbm>>
      tpu.wait_dma2 semaphore(%run_scoped3A_30 : memref<!tpu.dma_semaphore, #tpu.memory_space<semaphore_mem>>) src(%arg12 : memref<6272xf32, #tpu.memory_space<vmem>>) dst(%dma_wait3A_60 : memref<6272xf32, #tpu.memory_space<hbm>>)
      tpu.yield
    }) : () -> ()
    %run_scoped3A_28 = arith.constant 3 : i32
    "tpu.region"() ({
      %run_scoped3A_30 = tpu.sem_alloc : memref<!tpu.dma_semaphore, #tpu.memory_space<semaphore_mem>>
      %dma_start3A = arith.constant 0 : i32
      %dma_start3A_31 = tpu.memref_slice %arg14[%run_scoped3A_28, %dma_start3A] : memref<4x100352xf32, #tpu.memory_space<vmem_shared>> -> memref<1x100352xf32, #tpu.memory_space<vmem_shared>>
      %dma_start3A_32 = tpu.memref_squeeze %dma_start3A_31 : memref<1x100352xf32, #tpu.memory_space<vmem_shared>> -> memref<100352xf32, #tpu.memory_space<vmem_shared>>
      %dma_start3A_33 = tpu.memref_slice %dma_start3A_32[%mul3A_2] : memref<100352xf32, #tpu.memory_space<vmem_shared>> -> memref<6272xf32, #tpu.memory_space<vmem_shared>>
      %dma_start3A_34 = arith.constant 0 : i32
      %dma_start3A_35 = tpu.memref_slice %arg14[%run_scoped3A_28, %dma_start3A_34] : memref<4x100352xf32, #tpu.memory_space<vmem_shared>> -> memref<1x100352xf32, #tpu.memory_space<vmem_shared>>
      %dma_start3A_36 = tpu.memref_squeeze %dma_start3A_35 : memref<1x100352xf32, #tpu.memory_space<vmem_shared>> -> memref<100352xf32, #tpu.memory_space<vmem_shared>>
      %dma_start3A_37 = tpu.memref_slice %dma_start3A_36[%mul3A_2] : memref<100352xf32, #tpu.memory_space<vmem_shared>> -> memref<6272xf32, #tpu.memory_space<vmem_shared>>
      tpu.enqueue_dma source(%dma_start3A_37 : memref<6272xf32, #tpu.memory_space<vmem_shared>>) target(%arg12 : memref<6272xf32, #tpu.memory_space<vmem>>) target_semaphore(%run_scoped3A_30 : memref<!tpu.dma_semaphore, #tpu.memory_space<semaphore_mem>>)
      %dma_wait3A = arith.constant 0 : i32
      %dma_wait3A_38 = tpu.memref_slice %arg14[%run_scoped3A_28, %dma_wait3A] : memref<4x100352xf32, #tpu.memory_space<vmem_shared>> -> memref<1x100352xf32, #tpu.memory_space<vmem_shared>>
      %dma_wait3A_39 = tpu.memref_squeeze %dma_wait3A_38 : memref<1x100352xf32, #tpu.memory_space<vmem_shared>> -> memref<100352xf32, #tpu.memory_space<vmem_shared>>
      %dma_wait3A_40 = tpu.memref_slice %dma_wait3A_39[%mul3A_2] : memref<100352xf32, #tpu.memory_space<vmem_shared>> -> memref<6272xf32, #tpu.memory_space<vmem_shared>>
      %dma_wait3A_41 = arith.constant 0 : i32
      %dma_wait3A_42 = tpu.memref_slice %arg14[%run_scoped3A_28, %dma_wait3A_41] : memref<4x100352xf32, #tpu.memory_space<vmem_shared>> -> memref<1x100352xf32, #tpu.memory_space<vmem_shared>>
      %dma_wait3A_43 = tpu.memref_squeeze %dma_wait3A_42 : memref<1x100352xf32, #tpu.memory_space<vmem_shared>> -> memref<100352xf32, #tpu.memory_space<vmem_shared>>
      %dma_wait3A_44 = tpu.memref_slice %dma_wait3A_43[%mul3A_2] : memref<100352xf32, #tpu.memory_space<vmem_shared>> -> memref<6272xf32, #tpu.memory_space<vmem_shared>>
      tpu.wait_dma2 semaphore(%run_scoped3A_30 : memref<!tpu.dma_semaphore, #tpu.memory_space<semaphore_mem>>) src(%dma_wait3A_44 : memref<6272xf32, #tpu.memory_space<vmem_shared>>) dst(%arg12 : memref<6272xf32, #tpu.memory_space<vmem>>)
      tpu.yield
    }) : () -> ()
    %run_scoped3A_29 = arith.constant 3 : i32
    "tpu.region"() ({
      %run_scoped3A_30 = tpu.sem_alloc : memref<!tpu.dma_semaphore, #tpu.memory_space<semaphore_mem>>
      %dma_start3A = arith.constant 0 : i32
      %dma_start3A_31 = arith.constant 0 : i32
      %dma_start3A_32 = tpu.memref_slice %arg5[%arg0, %dma_start3A, %dma_start3A_31] : memref<2x4x100352xf32, #tpu.memory_space<hbm>> -> memref<1x4x100352xf32, #tpu.memory_space<hbm>>
      %dma_start3A_33 = tpu.memref_squeeze %dma_start3A_32 : memref<1x4x100352xf32, #tpu.memory_space<hbm>> -> memref<4x100352xf32, #tpu.memory_space<hbm>>
      %dma_start3A_34 = arith.constant 0 : i32
      %dma_start3A_35 = tpu.memref_slice %dma_start3A_33[%run_scoped3A_29, %dma_start3A_34] : memref<4x100352xf32, #tpu.memory_space<hbm>> -> memref<1x100352xf32, #tpu.memory_space<hbm>>
      %dma_start3A_36 = tpu.memref_squeeze %dma_start3A_35 : memref<1x100352xf32, #tpu.memory_space<hbm>> -> memref<100352xf32, #tpu.memory_space<hbm>>
      %dma_start3A_37 = tpu.memref_slice %dma_start3A_36[%mul3A_2] : memref<100352xf32, #tpu.memory_space<hbm>> -> memref<6272xf32, #tpu.memory_space<hbm>>
      %dma_start3A_38 = arith.constant 0 : i32
      %dma_start3A_39 = arith.constant 0 : i32
      %dma_start3A_40 = tpu.memref_slice %arg5[%arg0, %dma_start3A_38, %dma_start3A_39] : memref<2x4x100352xf32, #tpu.memory_space<hbm>> -> memref<1x4x100352xf32, #tpu.memory_space<hbm>>
      %dma_start3A_41 = tpu.memref_squeeze %dma_start3A_40 : memref<1x4x100352xf32, #tpu.memory_space<hbm>> -> memref<4x100352xf32, #tpu.memory_space<hbm>>
      %dma_start3A_42 = arith.constant 0 : i32
      %dma_start3A_43 = tpu.memref_slice %dma_start3A_41[%run_scoped3A_29, %dma_start3A_42] : memref<4x100352xf32, #tpu.memory_space<hbm>> -> memref<1x100352xf32, #tpu.memory_space<hbm>>
      %dma_start3A_44 = tpu.memref_squeeze %dma_start3A_43 : memref<1x100352xf32, #tpu.memory_space<hbm>> -> memref<100352xf32, #tpu.memory_space<hbm>>
      %dma_start3A_45 = tpu.memref_slice %dma_start3A_44[%mul3A_2] : memref<100352xf32, #tpu.memory_space<hbm>> -> memref<6272xf32, #tpu.memory_space<hbm>>
      tpu.enqueue_dma source(%arg12 : memref<6272xf32, #tpu.memory_space<vmem>>) target(%dma_start3A_45 : memref<6272xf32, #tpu.memory_space<hbm>>) target_semaphore(%run_scoped3A_30 : memref<!tpu.dma_semaphore, #tpu.memory_space<semaphore_mem>>)
      %dma_wait3A = arith.constant 0 : i32
      %dma_wait3A_46 = arith.constant 0 : i32
      %dma_wait3A_47 = tpu.memref_slice %arg5[%arg0, %dma_wait3A, %dma_wait3A_46] : memref<2x4x100352xf32, #tpu.memory_space<hbm>> -> memref<1x4x100352xf32, #tpu.memory_space<hbm>>
      %dma_wait3A_48 = tpu.memref_squeeze %dma_wait3A_47 : memref<1x4x100352xf32, #tpu.memory_space<hbm>> -> memref<4x100352xf32, #tpu.memory_space<hbm>>
      %dma_wait3A_49 = arith.constant 0 : i32
      %dma_wait3A_50 = tpu.memref_slice %dma_wait3A_48[%run_scoped3A_29, %dma_wait3A_49] : memref<4x100352xf32, #tpu.memory_space<hbm>> -> memref<1x100352xf32, #tpu.memory_space<hbm>>
      %dma_wait3A_51 = tpu.memref_squeeze %dma_wait3A_50 : memref<1x100352xf32, #tpu.memory_space<hbm>> -> memref<100352xf32, #tpu.memory_space<hbm>>
      %dma_wait3A_52 = tpu.memref_slice %dma_wait3A_51[%mul3A_2] : memref<100352xf32, #tpu.memory_space<hbm>> -> memref<6272xf32, #tpu.memory_space<hbm>>
      %dma_wait3A_53 = arith.constant 0 : i32
      %dma_wait3A_54 = arith.constant 0 : i32
      %dma_wait3A_55 = tpu.memref_slice %arg5[%arg0, %dma_wait3A_53, %dma_wait3A_54] : memref<2x4x100352xf32, #tpu.memory_space<hbm>> -> memref<1x4x100352xf32, #tpu.memory_space<hbm>>
      %dma_wait3A_56 = tpu.memref_squeeze %dma_wait3A_55 : memref<1x4x100352xf32, #tpu.memory_space<hbm>> -> memref<4x100352xf32, #tpu.memory_space<hbm>>
      %dma_wait3A_57 = arith.constant 0 : i32
      %dma_wait3A_58 = tpu.memref_slice %dma_wait3A_56[%run_scoped3A_29, %dma_wait3A_57] : memref<4x100352xf32, #tpu.memory_space<hbm>> -> memref<1x100352xf32, #tpu.memory_space<hbm>>
      %dma_wait3A_59 = tpu.memref_squeeze %dma_wait3A_58 : memref<1x100352xf32, #tpu.memory_space<hbm>> -> memref<100352xf32, #tpu.memory_space<hbm>>
      %dma_wait3A_60 = tpu.memref_slice %dma_wait3A_59[%mul3A_2] : memref<100352xf32, #tpu.memory_space<hbm>> -> memref<6272xf32, #tpu.memory_space<hbm>>
      tpu.wait_dma2 semaphore(%run_scoped3A_30 : memref<!tpu.dma_semaphore, #tpu.memory_space<semaphore_mem>>) src(%arg12 : memref<6272xf32, #tpu.memory_space<vmem>>) dst(%dma_wait3A_60 : memref<6272xf32, #tpu.memory_space<hbm>>)
      tpu.yield
    }) : () -> ()
    return
  }
}

module attributes {stable_mosaic.version = 14 : i64} {
  func.func @_t1_body(%arg0: i32, %arg1: memref<2x6272xf32, #tpu.memory_space<vmem>>, %arg2: memref<2x6272xf32, #tpu.memory_space<vmem>>, %arg3: memref<6272x4xf32, #tpu.memory_space<vmem>>, %arg4: memref<4x6272xf32, #tpu.memory_space<vmem>>, %arg5: memref<6272x1xf32, #tpu.memory_space<vmem>>, %arg6: memref<6272x1xf32, #tpu.memory_space<vmem>>) attributes {dimension_semantics = [#tpu.dimension_semantics<arbitrary>], iteration_bounds = array<i64: 16>, scalar_prefetch = 0 : i64, scratch_operands = 0 : i64, tpu.core_type = #tpu.core_type<tc>, window_params = [{transform_indices = @transform_0, window_bounds = array<i64: 2, 6272>}, {transform_indices = @transform_1, window_bounds = array<i64: 2, 6272>}, {transform_indices = @transform_2, window_bounds = array<i64: 6272, 4>}, {transform_indices = @transform_3, window_bounds = array<i64: 4, 6272>}, {transform_indices = @transform_4, window_bounds = array<i64: 6272, 1>}, {transform_indices = @transform_5, window_bounds = array<i64: 6272, 1>}]} {
    %get3A = arith.constant 0 : index
    %get3A_0 = arith.constant 0 : index
    %get3A_1 = vector.load %arg1[%get3A, %get3A_0] : memref<2x6272xf32, #tpu.memory_space<vmem>>, vector<1x6272xf32>
    %get3A_2 = vector.shape_cast %get3A_1 : vector<1x6272xf32> to vector<6272xf32>
    %get3A_3 = arith.constant 1 : index
    %get3A_4 = arith.constant 0 : index
    %get3A_5 = vector.load %arg1[%get3A_3, %get3A_4] : memref<2x6272xf32, #tpu.memory_space<vmem>>, vector<1x6272xf32>
    %get3A_6 = vector.shape_cast %get3A_5 : vector<1x6272xf32> to vector<6272xf32>
    %add3A = arith.addf %get3A_2, %get3A_6 : vector<6272xf32>
    %get3A_7 = arith.constant 0 : index
    %get3A_8 = arith.constant 0 : index
    %get3A_9 = vector.load %arg2[%get3A_7, %get3A_8] : memref<2x6272xf32, #tpu.memory_space<vmem>>, vector<1x6272xf32>
    %get3A_10 = vector.shape_cast %get3A_9 : vector<1x6272xf32> to vector<6272xf32>
    %get3A_11 = arith.constant 1 : index
    %get3A_12 = arith.constant 0 : index
    %get3A_13 = vector.load %arg2[%get3A_11, %get3A_12] : memref<2x6272xf32, #tpu.memory_space<vmem>>, vector<1x6272xf32>
    %get3A_14 = vector.shape_cast %get3A_13 : vector<1x6272xf32> to vector<6272xf32>
    %add3A_15 = arith.addf %get3A_10, %get3A_14 : vector<6272xf32>
    %max3A = arith.constant 1.000000e+00 : f32
    %max3A_16 = vector.broadcast %max3A : f32 to vector<6272xf32>
    %max3A_17 = arith.maximumf %add3A, %max3A_16 : vector<6272xf32>
    %rsqrt3A = math.rsqrt %max3A_17 : vector<6272xf32>
    %max3A_18 = arith.constant 1.000000e+00 : f32
    %max3A_19 = vector.broadcast %max3A_18 : f32 to vector<6272xf32>
    %max3A_20 = arith.maximumf %add3A_15, %max3A_19 : vector<6272xf32>
    %rsqrt3A_21 = math.rsqrt %max3A_20 : vector<6272xf32>
    %get3A_22 = arith.constant 0 : index
    %get3A_23 = arith.constant 0 : index
    %get3A_24 = vector.load %arg3[%get3A_22, %get3A_23] : memref<6272x4xf32, #tpu.memory_space<vmem>>, vector<6272x4xf32>
    %transpose3A = tpu.transpose %get3A_24, [1, 0] : vector<6272x4xf32> -> vector<4x6272xf32>
    %broadcast_in_dim3A = vector.shape_cast %rsqrt3A : vector<6272xf32> to vector<1x6272xf32>
    %mul3A = vector.broadcast %broadcast_in_dim3A : vector<1x6272xf32> to vector<4x6272xf32>
    %mul3A_25 = arith.mulf %transpose3A, %mul3A : vector<4x6272xf32>
    %swap3A = arith.constant 0 : index
    %swap3A_26 = arith.constant 0 : index
    %swap3A_27 = vector.load %arg4[%swap3A, %swap3A_26] : memref<4x6272xf32, #tpu.memory_space<vmem>>, vector<4x6272xf32>
    tpu.vector_store %arg4[%swap3A, %swap3A_26], %mul3A_25 {strides = array<i32>} : memref<4x6272xf32, #tpu.memory_space<vmem>>, vector<4x6272xf32>,
    %broadcast_in_dim3A_28 = vector.shape_cast %rsqrt3A : vector<6272xf32> to vector<6272x1xf32>
    %swap3A_29 = arith.constant 0 : index
    %swap3A_30 = arith.constant 0 : index
    %swap3A_31 = vector.load %arg5[%swap3A_29, %swap3A_30] : memref<6272x1xf32, #tpu.memory_space<vmem>>, vector<6272x1xf32>
    tpu.vector_store %arg5[%swap3A_29, %swap3A_30], %broadcast_in_dim3A_28 {strides = array<i32>} : memref<6272x1xf32, #tpu.memory_space<vmem>>, vector<6272x1xf32>,
    %broadcast_in_dim3A_32 = vector.shape_cast %rsqrt3A_21 : vector<6272xf32> to vector<6272x1xf32>
    %swap3A_33 = arith.constant 0 : index
    %swap3A_34 = arith.constant 0 : index
    %swap3A_35 = vector.load %arg6[%swap3A_33, %swap3A_34] : memref<6272x1xf32, #tpu.memory_space<vmem>>, vector<6272x1xf32>
    tpu.vector_store %arg6[%swap3A_33, %swap3A_34], %broadcast_in_dim3A_32 {strides = array<i32>} : memref<6272x1xf32, #tpu.memory_space<vmem>>, vector<6272x1xf32>,
    return
  }
  func.func @transform_0(%arg0: i32) -> (i32, i32) {
    %c0_i32 = arith.constant 0 : i32
    %c0_i32_0 = arith.constant 0 : i32
    return %c0_i32, %arg0 : i32, i32
  }
  func.func @transform_1(%arg0: i32) -> (i32, i32) {
    %c0_i32 = arith.constant 0 : i32
    %c0_i32_0 = arith.constant 0 : i32
    return %c0_i32, %arg0 : i32, i32
  }
  func.func @transform_2(%arg0: i32) -> (i32, i32) {
    %c0_i32 = arith.constant 0 : i32
    %c0_i32_0 = arith.constant 0 : i32
    return %arg0, %c0_i32 : i32, i32
  }
  func.func @transform_3(%arg0: i32) -> (i32, i32) {
    %c0_i32 = arith.constant 0 : i32
    %c0_i32_0 = arith.constant 0 : i32
    return %c0_i32, %arg0 : i32, i32
  }
  func.func @transform_4(%arg0: i32) -> (i32, i32) {
    %c0_i32 = arith.constant 0 : i32
    %c0_i32_0 = arith.constant 0 : i32
    return %arg0, %c0_i32 : i32, i32
  }
  func.func @transform_5(%arg0: i32) -> (i32, i32) {
    %c0_i32 = arith.constant 0 : i32
    %c0_i32_0 = arith.constant 0 : i32
    return %arg0, %c0_i32 : i32, i32
  }
}

module attributes {stable_mosaic.version = 14 : i64} {
  func.func @_t2_body(%arg0: i32, %arg1: memref<2x4x6272xf32, #tpu.memory_space<vmem>>, %arg2: memref<6272x1xf32, #tpu.memory_space<vmem>>, %arg3: memref<6272x1xf32, #tpu.memory_space<vmem>>, %arg4: memref<4x64xf32, #tpu.memory_space<vmem>>, %arg5: memref<1x64xf32, #tpu.memory_space<vmem>>, %arg6: memref<64x3xf32, #tpu.memory_space<vmem>>, %arg7: memref<3x6272xf32, #tpu.memory_space<vmem>>) attributes {dimension_semantics = [#tpu.dimension_semantics<arbitrary>], iteration_bounds = array<i64: 16>, scalar_prefetch = 0 : i64, scratch_operands = 0 : i64, tpu.core_type = #tpu.core_type<tc>, window_params = [{transform_indices = @transform_0, window_bounds = array<i64: 2, 4, 6272>}, {transform_indices = @transform_1, window_bounds = array<i64: 6272, 1>}, {transform_indices = @transform_2, window_bounds = array<i64: 6272, 1>}, {pipeline_mode = #tpu.pipeline_mode<synchronous>, transform_indices = @transform_3, window_bounds = array<i64: 4, 64>}, {pipeline_mode = #tpu.pipeline_mode<synchronous>, transform_indices = @transform_4, window_bounds = array<i64: 1, 64>}, {pipeline_mode = #tpu.pipeline_mode<synchronous>, transform_indices = @transform_5, window_bounds = array<i64: 64, 3>}, {transform_indices = @transform_6, window_bounds = array<i64: 3, 6272>}]} {
    %get3A = arith.constant 0 : index
    %get3A_0 = arith.constant 0 : index
    %get3A_1 = arith.constant 0 : index
    %get3A_2 = vector.load %arg1[%get3A, %get3A_0, %get3A_1] : memref<2x4x6272xf32, #tpu.memory_space<vmem>>, vector<1x4x6272xf32>
    %get3A_3 = vector.shape_cast %get3A_2 : vector<1x4x6272xf32> to vector<4x6272xf32>
    %get3A_4 = arith.constant 1 : index
    %get3A_5 = arith.constant 0 : index
    %get3A_6 = arith.constant 0 : index
    %get3A_7 = vector.load %arg1[%get3A_4, %get3A_5, %get3A_6] : memref<2x4x6272xf32, #tpu.memory_space<vmem>>, vector<1x4x6272xf32>
    %get3A_8 = vector.shape_cast %get3A_7 : vector<1x4x6272xf32> to vector<4x6272xf32>
    %add3A = arith.addf %get3A_3, %get3A_8 : vector<4x6272xf32>
    %transpose3A = tpu.transpose %add3A, [1, 0] : vector<4x6272xf32> -> vector<6272x4xf32>
    %get3A_9 = arith.constant 0 : index
    %get3A_10 = arith.constant 0 : index
    %get3A_11 = vector.load %arg2[%get3A_9, %get3A_10] : memref<6272x1xf32, #tpu.memory_space<vmem>>, vector<6272x1xf32>
    %mul3A = vector.broadcast %get3A_11 : vector<6272x1xf32> to vector<6272x4xf32>
    %mul3A_12 = arith.mulf %transpose3A, %mul3A : vector<6272x4xf32>
    %get3A_13 = arith.constant 0 : index
    %get3A_14 = arith.constant 0 : index
    %get3A_15 = vector.load %arg4[%get3A_13, %get3A_14] : memref<4x64xf32, #tpu.memory_space<vmem>>, vector<4x64xf32>
    %dot_general3A = arith.constant dense<0.000000e+00> : vector<6272x64xf32>
    %dot_general3A_16 = tpu.matmul %mul3A_12, %get3A_15, %dot_general3A {dimension_numbers = #tpu.dot_dimension_numbers<[1], [0], [0], [1], [0, 0, 1, 1], [], []>, transpose_lhs_hint = false} : vector<6272x4xf32>, vector<4x64xf32>, vector<6272x64xf32> -> vector<6272x64xf32>
    %get3A_17 = arith.constant 0 : index
    %get3A_18 = arith.constant 0 : index
    %get3A_19 = vector.load %arg5[%get3A_17, %get3A_18] : memref<1x64xf32, #tpu.memory_space<vmem>>, vector<1x64xf32>
    %add3A_20 = vector.broadcast %get3A_19 : vector<1x64xf32> to vector<6272x64xf32>
    %add3A_21 = arith.addf %dot_general3A_16, %add3A_20 : vector<6272x64xf32>
    %ge3A = arith.constant 0.000000e+00 : f32
    %ge3A_22 = vector.broadcast %ge3A : f32 to vector<6272x64xf32>
    %ge3A_23 = arith.cmpf oge, %add3A_21, %ge3A_22 : vector<6272x64xf32>
    %mul3A_24 = arith.constant 0.00999999977 : f32
    %mul3A_25 = vector.broadcast %mul3A_24 : f32 to vector<6272x64xf32>
    %mul3A_26 = arith.mulf %mul3A_25, %add3A_21 : vector<6272x64xf32>
    %select_n3A = arith.select %ge3A_23, %add3A_21, %mul3A_26 : vector<6272x64xi1>, vector<6272x64xf32>
    %get3A_27 = arith.constant 0 : index
    %get3A_28 = arith.constant 0 : index
    %get3A_29 = vector.load %arg3[%get3A_27, %get3A_28] : memref<6272x1xf32, #tpu.memory_space<vmem>>, vector<6272x1xf32>
    %mul3A_30 = vector.broadcast %get3A_29 : vector<6272x1xf32> to vector<6272x64xf32>
    %mul3A_31 = arith.mulf %select_n3A, %mul3A_30 : vector<6272x64xf32>
    %get3A_32 = arith.constant 0 : index
    %get3A_33 = arith.constant 0 : index
    %get3A_34 = vector.load %arg6[%get3A_32, %get3A_33] : memref<64x3xf32, #tpu.memory_space<vmem>>, vector<64x3xf32>
    %dot_general3A_35 = arith.constant dense<0.000000e+00> : vector<6272x3xf32>
    %dot_general3A_36 = tpu.matmul %mul3A_31, %get3A_34, %dot_general3A_35 {dimension_numbers = #tpu.dot_dimension_numbers<[1], [0], [0], [1], [0, 0, 1, 1], [], []>, transpose_lhs_hint = false} : vector<6272x64xf32>, vector<64x3xf32>, vector<6272x3xf32> -> vector<6272x3xf32>
    %transpose3A_37 = tpu.transpose %dot_general3A_36, [1, 0] : vector<6272x3xf32> -> vector<3x6272xf32>
    %swap3A = arith.constant 0 : index
    %swap3A_38 = arith.constant 0 : index
    %swap3A_39 = vector.load %arg7[%swap3A, %swap3A_38] : memref<3x6272xf32, #tpu.memory_space<vmem>>, vector<3x6272xf32>
    tpu.vector_store %arg7[%swap3A, %swap3A_38], %transpose3A_37 {strides = array<i32>} : memref<3x6272xf32, #tpu.memory_space<vmem>>, vector<3x6272xf32>,
    return
  }
  func.func @transform_0(%arg0: i32) -> (i32, i32, i32) {
    %c0_i32 = arith.constant 0 : i32
    %c0_i32_0 = arith.constant 0 : i32
    %c0_i32_1 = arith.constant 0 : i32
    return %c0_i32, %c0_i32_0, %arg0 : i32, i32, i32
  }
  func.func @transform_1(%arg0: i32) -> (i32, i32) {
    %c0_i32 = arith.constant 0 : i32
    %c0_i32_0 = arith.constant 0 : i32
    return %arg0, %c0_i32 : i32, i32
  }
  func.func @transform_2(%arg0: i32) -> (i32, i32) {
    %c0_i32 = arith.constant 0 : i32
    %c0_i32_0 = arith.constant 0 : i32
    return %arg0, %c0_i32 : i32, i32
  }
  func.func @transform_3(%arg0: i32) -> (i32, i32) {
    %c0_i32 = arith.constant 0 : i32
    %c0_i32_0 = arith.constant 0 : i32
    %c0_i32_1 = arith.constant 0 : i32
    return %c0_i32, %c0_i32_0 : i32, i32
  }
  func.func @transform_4(%arg0: i32) -> (i32, i32) {
    %c0_i32 = arith.constant 0 : i32
    %c0_i32_0 = arith.constant 0 : i32
    %c0_i32_1 = arith.constant 0 : i32
    return %c0_i32, %c0_i32_0 : i32, i32
  }
  func.func @transform_5(%arg0: i32) -> (i32, i32) {
    %c0_i32 = arith.constant 0 : i32
    %c0_i32_0 = arith.constant 0 : i32
    %c0_i32_1 = arith.constant 0 : i32
    return %c0_i32, %c0_i32_0 : i32, i32
  }
  func.func @transform_6(%arg0: i32) -> (i32, i32) {
    %c0_i32 = arith.constant 0 : i32
    %c0_i32_0 = arith.constant 0 : i32
    return %c0_i32, %arg0 : i32, i32
  }
}

module attributes {stable_mosaic.version = 14 : i64} {
  func.func @_t3_body(%arg0: i32, %arg1: memref<2x3x6272xf32, #tpu.memory_space<vmem>>, %arg2: memref<6272x1xf32, #tpu.memory_space<vmem>>, %arg3: memref<1x3xf32, #tpu.memory_space<vmem>>, %arg4: memref<6272x3xf32, #tpu.memory_space<vmem>>) attributes {dimension_semantics = [#tpu.dimension_semantics<arbitrary>], iteration_bounds = array<i64: 16>, scalar_prefetch = 0 : i64, scratch_operands = 0 : i64, tpu.core_type = #tpu.core_type<tc>, window_params = [{transform_indices = @transform_0, window_bounds = array<i64: 2, 3, 6272>}, {transform_indices = @transform_1, window_bounds = array<i64: 6272, 1>}, {pipeline_mode = #tpu.pipeline_mode<synchronous>, transform_indices = @transform_2, window_bounds = array<i64: 1, 3>}, {transform_indices = @transform_3, window_bounds = array<i64: 6272, 3>}]} {
    %get3A = arith.constant 0 : index
    %get3A_0 = arith.constant 0 : index
    %get3A_1 = arith.constant 0 : index
    %get3A_2 = vector.load %arg1[%get3A, %get3A_0, %get3A_1] : memref<2x3x6272xf32, #tpu.memory_space<vmem>>, vector<1x3x6272xf32>
    %get3A_3 = vector.shape_cast %get3A_2 : vector<1x3x6272xf32> to vector<3x6272xf32>
    %get3A_4 = arith.constant 1 : index
    %get3A_5 = arith.constant 0 : index
    %get3A_6 = arith.constant 0 : index
    %get3A_7 = vector.load %arg1[%get3A_4, %get3A_5, %get3A_6] : memref<2x3x6272xf32, #tpu.memory_space<vmem>>, vector<1x3x6272xf32>
    %get3A_8 = vector.shape_cast %get3A_7 : vector<1x3x6272xf32> to vector<3x6272xf32>
    %add3A = arith.addf %get3A_3, %get3A_8 : vector<3x6272xf32>
    %transpose3A = tpu.transpose %add3A, [1, 0] : vector<3x6272xf32> -> vector<6272x3xf32>
    %get3A_9 = arith.constant 0 : index
    %get3A_10 = arith.constant 0 : index
    %get3A_11 = vector.load %arg2[%get3A_9, %get3A_10] : memref<6272x1xf32, #tpu.memory_space<vmem>>, vector<6272x1xf32>
    %mul3A = vector.broadcast %get3A_11 : vector<6272x1xf32> to vector<6272x3xf32>
    %mul3A_12 = arith.mulf %transpose3A, %mul3A : vector<6272x3xf32>
    %get3A_13 = arith.constant 0 : index
    %get3A_14 = arith.constant 0 : index
    %get3A_15 = vector.load %arg3[%get3A_13, %get3A_14] : memref<1x3xf32, #tpu.memory_space<vmem>>, vector<1x3xf32>
    %add3A_16 = vector.broadcast %get3A_15 : vector<1x3xf32> to vector<6272x3xf32>
    %add3A_17 = arith.addf %mul3A_12, %add3A_16 : vector<6272x3xf32>
    %swap3A = arith.constant 0 : index
    %swap3A_18 = arith.constant 0 : index
    %swap3A_19 = vector.load %arg4[%swap3A, %swap3A_18] : memref<6272x3xf32, #tpu.memory_space<vmem>>, vector<6272x3xf32>
    tpu.vector_store %arg4[%swap3A, %swap3A_18], %add3A_17 {strides = array<i32>} : memref<6272x3xf32, #tpu.memory_space<vmem>>, vector<6272x3xf32>,
    return
  }
  func.func @transform_0(%arg0: i32) -> (i32, i32, i32) {
    %c0_i32 = arith.constant 0 : i32
    %c0_i32_0 = arith.constant 0 : i32
    %c0_i32_1 = arith.constant 0 : i32
    return %c0_i32, %c0_i32_0, %arg0 : i32, i32, i32
  }
  func.func @transform_1(%arg0: i32) -> (i32, i32) {
    %c0_i32 = arith.constant 0 : i32
    %c0_i32_0 = arith.constant 0 : i32
    return %arg0, %c0_i32 : i32, i32
  }
  func.func @transform_2(%arg0: i32) -> (i32, i32) {
    %c0_i32 = arith.constant 0 : i32
    %c0_i32_0 = arith.constant 0 : i32
    %c0_i32_1 = arith.constant 0 : i32
    return %c0_i32, %c0_i32_0 : i32, i32
  }
  func.func @transform_3(%arg0: i32) -> (i32, i32) {
    %c0_i32 = arith.constant 0 : i32
    %c0_i32_0 = arith.constant 0 : i32
    return %arg0, %c0_i32 : i32, i32
  }
}

</mosaic_0001>

<sc_bundles>
// kernel: kernel.11.cloned.1.call-start
scs
__scs_entry_jumppad:
0x0: {  	(pc) =	sbr.rel $0x88, $3  }
0x1: {  	(tag) =	ssettag $0x0;
	lr =	simm.s32 $0x1  }
0x2: {  	[smem:$0x3F9B] =	sst lr;
	_ =	strace $0xD0000000  }
0x3: {  	_ = 	snop  }
0x4: {  	_ = 	snop  }
0x5: {  	_ = 	snop  }
0x6: {  	_ = 	snop  }
0x7: {  	_ = 	snop  }
__scs_overlays_trampoline_lowered:
0x8: {  	[smem:$0x3FAA] =	sst s0  }
0x9: {  	[smem:$0x3FAB] =	sst s1  }
0xa: {  	[smem:$0x3FAC] =	sst s2  }
0xb: {  	[smem:$0x3FAD] =	sst s3  }
0xc: {  	[smem:$0x3FAE] =	sst s4  }
0xd: {  	[smem:$0x3FAF] =	sst s5  }
0xe: {  	[smem:$0x3FB0] =	sst s6  }
0xf: {  	[smem:$0x3FB1] =	sst s7  }
0x10: {  	[smem:$0x3FB2] =	sst s8  }
0x11: {  	[smem:$0x3FB3] =	sst s9;
	s0 =	simm.s32 @!p0 $0x0  }
0x12: {  	s1 =	sld [smem:$0x3F99];
	s0 =	simm.s32 @p0 $0x1  }
0x13: {  	[smem:$0x3FB4] =	sst s0;
	s0 =	simm.s32 @!p1 $0x0  }
0x14: {  	s2 =	sld [smem:$0x3F98];
	s0 =	simm.s32 @p1 $0x1  }
0x15: {  	[smem:$0x3FB5] =	sst s0;
	s0 =	simm.s32 @!p2 $0x0  }
0x16: {  	s3 =	sld [smem:$0x3FDB];
	s0 =	simm.s32 @p2 $0x1  }
0x17: {  	s4 =	simm.s32 $0x1BF5;
	[smem:$0x3FB7] =	sst s0  }
0x18: {  	s0 =	sld [smem:$0x3F9A];
	_ =	swait.ge [sflag:s4], $0x0  }
0x19: {  	s7 =	sld [smem:$0x3F9B]  }
0x1a: {  	s8 =	sadd.s32 $0xFFFFE003, lr  }
0x1b: {  	s9 =	sadd.s32 $0xFFFFFEF7, lr;
	s5 =	simm.s32 $0xFFFFFFFF;
	p2 =	slt.u32 s8, $0xFFFFF086  }
0x1c: {  	p1 =	slt.u32 s9, $0xF7A;
	s5 =	simm.s32 @!p2 $0x0  }
0x1d: {  	s5 =	simm.s32 @p1 $0x1;
	p0 =	seq.s32 s7, s2  }
0x1e: {  	s7 =	smul.u32 @!p0 $0xF7A, s2;
	p2 =	seq.s32 @!p0 s5, $0x0  }
0x1f: {  	s9 =	smul.u32 $0xF7A, s1;
	s8 =	simm.s32 @!p0 $0x1BF5;
	p2 =	por !p2, p0  }
0x20: {  	[sflag:s8] =	ssyncset.s32 @!p0 $0xFFFFF086;
	s6 =	sadd.s32 @!p0 s3, s7;
	s7 =	simm.s32 @!p0 $0x108  }
0x21: {  	s3 =	sadd.s32 s3, s9;
	s6 =	sadd.s32 @!p0 $0x88, s6;
	s7 =	simm.s32 @p2 $0x1082  }
0x22: {  	[simem:s7], [sflag:s8] =	dma.local @!p0 [hbm:s6], $0xF7A  }
0x23: {  	s9 =	sor.u32 $0xD0000000, s2;
	s6 =	simm.s32 $0x108;
	_ =	swait.ge @!p0 [sflag:s8], $0x0  }
0x24: {  	s3 =	sadd.s32 $0x88, s3;
	s6 =	simm.s32 @!p1 $0x1082;
	[sflag:s4] =	ssyncset.s32 $0xFFFFF086  }
0x25: {  	[simem:s6], [sflag:s4] =	dma.local [hbm:s3], $0xF7A  }
0x26: {  	[smem:$0x3F9B] =	sst s1;
	(tag) =	ssettag s2;
	_ =	strace s9  }
0x27: {  	s1 =	sld [smem:$0x3FAB]  }
0x28: {  	s2 =	sld [smem:$0x3FAC]  }
0x29: {  	s4 =	sld [smem:$0x3FAE]  }
0x2a: {  	p0 =	seq.s32 s5, $0x0;
	s5 =	sld [smem:$0x3FAF]  }
0x2b: {  	s6 =	sld [smem:$0x3FB0]  }
0x2c: {  	s7 =	sld [smem:$0x3FB1]  }
0x2d: {  	s3 =	simm.s32 $0x108;
	s8 =	sld [smem:$0x3FB2]  }
0x2e: {  	s3 =	simm.s32 @!p0 $0x1082;
	s9 =	sld [smem:$0x3FB3]  }
0x2f: {  	lr =	sadd.s32 s0, s3;
	s0 =	sld [smem:$0x3FAA]  }
0x30: {  	s3 =	sld [smem:$0x3FAD]  }
0x31: {  	[smem:$0x3FB6] =	sst s10  }
0x32: {  	s10 =	sld [smem:$0x3FB4];
	_ =	sdelay $0x3  }
0x33: {  	p0 =	seq.s32 s10, $0x1;
	s10 =	sld [smem:$0x3FB6];
	_ =	sdelay $0x3  }
0x34: {  	[smem:$0x3FB6] =	sst s10  }
0x35: {  	s10 =	sld [smem:$0x3FB5];
	_ =	sdelay $0x3  }
0x36: {  	p1 =	seq.s32 s10, $0x1;
	s10 =	sld [smem:$0x3FB6];
	_ =	sdelay $0x3  }
0x37: {  	[smem:$0x3FB6] =	sst s10  }
0x38: {  	s10 =	sld [smem:$0x3FB7]  }
0x39: {  	_ = 	snop;
	(pc) =	sbr.ind lr, $3  }
0x3a: {  	_ = 	snop  }
0x3b: {  	_ = 	snop  }
0x3c: {  	p2 =	seq.s32 s10, $0x1;
	s10 =	sld [smem:$0x3FB6]  }
0x3d: {  	_ =	shalt  }
0x3e: {  	_ =	shalt  }
0x3f: {  	_ =	shalt  }
0x40: {  	_ =	shalt  }
0x41: {  	_ =	shalt  }
0x42: {  	_ =	shalt  }
0x43: {  	_ =	shalt  }
0x44: {  	_ =	shalt  }
0x45: {  	_ =	shalt  }
0x46: {  	_ =	shalt  }
0x47: {  	_ =	shalt  }
0x48: {  	_ =	shalt  }
0x49: {  	_ =	shalt  }
0x4a: {  	_ =	shalt  }
0x4b: {  	_ =	shalt  }
0x4c: {  	_ =	shalt  }
0x4d: {  	_ =	shalt  }
0x4e: {  	_ =	shalt  }
0x4f: {  	_ =	shalt  }
0x50: {  	_ =	shalt  }
0x51: {  	_ =	shalt  }
0x52: {  	_ =	shalt  }
0x53: {  	_ =	shalt  }
0x54: {  	_ =	shalt  }
0x55: {  	_ =	shalt  }
0x56: {  	_ =	shalt  }
0x57: {  	_ =	shalt  }
0x58: {  	_ =	shalt  }
0x59: {  	_ =	shalt  }
0x5a: {  	_ =	shalt  }
0x5b: {  	_ =	shalt  }
0x5c: {  	_ =	shalt  }
0x5d: {  	_ =	shalt  }
0x5e: {  	_ =	shalt  }
0x5f: {  	_ =	shalt  }
0x60: {  	_ =	shalt  }
0x61: {  	_ =	shalt  }
0x62: {  	_ =	shalt  }
0x63: {  	_ =	shalt  }
0x64: {  	_ =	shalt  }
0x65: {  	_ =	shalt  }
0x66: {  	_ =	shalt  }
0x67: {  	_ =	shalt  }
0x68: {  	_ =	shalt  }
0x69: {  	_ =	shalt  }
0x6a: {  	_ =	shalt  }
0x6b: {  	_ =	shalt  }
0x6c: {  	_ =	shalt  }
0x6d: {  	_ =	shalt  }
0x6e: {  	_ =	shalt  }
0x6f: {  	_ =	shalt  }
0x70: {  	_ =	shalt  }
0x71: {  	_ =	shalt  }
0x72: {  	_ =	shalt  }
0x73: {  	_ =	shalt  }
0x74: {  	_ =	shalt  }
0x75: {  	_ =	shalt  }
0x76: {  	_ =	shalt  }
0x77: {  	_ =	shalt  }
0x78: {  	_ =	shalt  }
0x79: {  	_ =	shalt  }
0x7a: {  	_ =	shalt  }
0x7b: {  	_ =	shalt  }
0x7c: {  	_ =	shalt  }
0x7d: {  	_ =	shalt  }
0x7e: {  	_ =	shalt  }
0x7f: {  	_ =	shalt  }
0x80: {  	_ =	shalt  }
0x81: {  	_ =	shalt  }
0x82: {  	_ =	shalt  }
0x83: {  	_ =	shalt  }
0x84: {  	_ =	shalt  }
0x85: {  	_ =	shalt  }
0x86: {  	_ =	shalt  }
0x87: {  	_ =	shalt  }
.Lfunc_end0:
.L_simem_size_0:
called_computation.1_lowered:
.L_overlay_start_0:
0x88: {  	s2 =	sld [smem:$0x3FD9]  }
0x89: {  	s3 =	sld [smem:$0x3FFE];
	_ =	sdelay $0x1  }
0x8a: {  	s1 =	srdreg.scid  }
0x8b: {  	s0 =	sand.u32 $0x1, s1  }
0x8c: {  	s16 =	sshll.u32 s0, $0xA;
	s2 =	sadd.s32 s3, s2  }
0x8d: {  	s2 =	sadd.s32 s2, s16  }
0x8e: {  	[smem:$0x3FC2] =	sst s2  }
0x8f: {  	_ = 	snop  }
0x90: {  	(tm) =	ssettm $0x1  }
0x91: {  	s17 =	sld [smem:$0x3FFB];
	_ =	sdelay $0x3  }
0x92: {  	_ =	strace s17  }
0x93: {  	s2 =	sld [smem:$0x3FFC];
	_ =	sdelay $0x3  }
0x94: {  	_ =	strace s2  }
0x95: {  	s2 =	sld [smem:$0x3FFD];
	_ =	sdelay $0x3  }
0x96: {  	_ =	strace s2  }
0x97: {  	_ =	strace $0x8FFFFFFF  }
0x98: {  	s18 =	sld [smem:$0x3FDB];
	_ =	sdelay $0x1  }
0x99: {  	s19 =	simm.s32 $_scs_section_size  }
0x9a: {  	s4 =	simm.s32 $_size__tile_overlayer_lowered;
	s5 =	simm.s32 $_tile_overlayer_lowered  }
0x9b: {  	s22 =	simm.s32 $0x1BFF;
	s21 =	sshll.u32 s5, $0x1;
	s2 =	sadd.s32 s19, s18  }
0x9c: {  	s6 =	simm.s32 $0x0;
	s20 =	sshll.u32 s4, $0x1;
	s4 =	sadd.s32 s21, s2  }
0x9d: {  	[timem:s6], [sflag:s22] =	dma.local [hbm:s4], s20  }
0x9e: {  	_ =	swait.ge [sflag:s22], s20  }
0x9f: {  	s3 =	ssub.s32 $0x0, s20;
	[sflag:s22] =	ssyncset.done $0x0  }
0xa0: {  	[sflag:s22] =	ssyncadd.s32 s3;
	_ =	sdelay $0x1  }
0xa1: {  	s23 =	simm.s32 $0x1B8B  }
0xa2: {  	_ =	swait.ge [sflag:s23], $0x1  }
0xa3: {  	[sflag:s23] =	ssyncset.done $0x0  }
0xa4: {  	s25 =	simm.s32 $0x1B8E;
	s24 =	sld [smem:$0x3FFE];
	[sflag:s23] =	ssyncadd.s32 $0xFFFFFFFF  }
0xa5: {  	s26 =	simm.s32 $execute0_lowered;
	[smem:$0x3FD2] =	sst s25  }
0xa6: {  	s4 =	sshll.u32 s26, $0x1;
	_ =	strace $0x80000049;
	[dreg:$0x1] =	wrdreg $0xFFFFFFFF  }
0xa7: {  	s28 =	simm.s32 $_size_execute0_lowered;
	s2 =	sadd.s32 s2, s4;
	[dreg:$0x0] =	wrdreg $0x0  }
0xa8: {  	s4 =	sshll.u32 s28, $0x1;
	[dreg:$0x2] =	wrdreg s2  }
0xa9: {  	[dreg:$0x3] =	wrdreg s4  }
0xaa: {  	[dreg:$0x4] =	wrdreg $0xC0  }
0xab: {  	_ =	task [dreg:s6], $0x5FFFF  }
0xac: {  	[dreg:$0x1] =	wrdreg $0xFFFFFFFF  }
0xad: {  	[dreg:$0x0] =	wrdreg $0x60  }
0xae: {  	[dreg:$0x2] =	wrdreg s24  }
0xaf: {  	[dreg:$0x3] =	wrdreg $0xDA800  }
0xb0: {  	[dreg:$0x4] =	wrdreg $0x78800  }
0xb1: {  	[dreg:$0x5] =	wrdreg $0x9  }
0xb2: {  	_ =	task.clear_ibuf [dreg:s6], $0x6FFFF;
	_ =	strace $0x90000049  }
0xb3: {  	s29 =	simm.s32 $0x9;
	_ =	strace $0x8000004B  }
0xb4: {  	_ =	swait.ge [sflag:s29], $0x1  }
0xb5: {  	[sflag:s29] =	ssyncadd.s32 $0xFFFFFFFF  }
0xb6: {  	_ =	strace $0x9000004B  }
0xb7: {  	_ =	sfence  }
0xb8: {  	s30 =	sld [smem:$0x0];
	_ =	sdelay $0x2  }
0xb9: {  	s31 =	sshll.u32 s1, $0xD;
	s1 =	sshrl.u32 s1, $0x2  }
0xba: {  	s3 =	sand.u32 $0x4000, s31;
	s1 =	sadd.s32 s1, s30  }
0xbb: {  	s0 =	sor.u32 s3, s0;
	s1 =	sshll.u32 s1, $0x11  }
0xbc: {  	s0 =	sor.u32 s1, s0  }
0xbd: {  	s0 =	sadd.s32 $0x8F2B, s0  }
0xbe: {  	[sflag:s0] =	ssyncadd.remote.s32 $0x1  }
0xbf: {  	_ =	sfence.sel $0xFFFF  }
0xc0: {  	[dreg:$0x0] =	wrdreg $0xFFFFFFFF;
	(pc) =	sbr.abs _section_cstart, $3  }
0xc1: {  	[dreg:$0x1] =	wrdreg $0xFFFFFFFF  }
0xc2: {  	_ =	task.clear_ibuf [dreg:s6], $0x2FFFF;
	_ =	strace $0x9FFFFFFF  }
0xc3: {  	(tm) =	ssettm $0x7FFFFFFF  }
tec
execute0_lowered:
.L_overlay_start_1:
0x0: {  	(tag) =	ssettag $0x1  }
0x1: {  	s0 =	rddreg [dreg:$0x0]  }
0x2: {  	s1 =	rddreg [dreg:$0x1]  }
0x3: {  	s3 =	rddreg [dreg:$0x2];
	s4 =	srdreg.scid  }
0x4: {  	s2 =	simm.s32 $0x0;
	s11 =	stileid.u32;
	s28 =	simm.s32 $0x800  }
0x5: {  	s29 =	simm.s32 $0x2000;
	s30 =	simm.s32 $0x2800;
	s31 =	simm.s32 $0x1  }
0x6: {  	[smem:$0x7FF] =	sst s2;
	s13 =	smul.u32 $0x1880, s11;
	s10 =	sadd.s32 $0x49800, s1  }
0x7: {  	s5 =	sand.u32 $0x1, s4;
	s22 =	sadd.s32 $0x316C00, s0;
	s16 =	sadd.s32 $0x313B00, s0  }
0x8: {  	s4 =	sshll.u32 s5, $0xC;
	_ =	strace $0x8000004A;
	s6 =	smul.u32 $0xC400, s5  }
0x9: {  	s7 =	ssub.s32 $0x2, s5;
	s5 =	sshll.u32 s5, $0x4;
	s8 =	sadd.s32 s4, s0  }
0xa: {  	s4 =	sadd.s32 $0x310A00, s0;
	s9 =	sshrl.u32 s7, $0x1;
	s5 =	sor.u32 s11, s5  }
0xb: {  	s12 =	sadd.s32 s13, s10;
	s23 =	sshrl.u32 s13, $0x3;
	s11 =	sshll.u32 s11, $0x8  }
0xc: {  	s15 =	sadd.s32 s6, s0;
	s17 =	ssub.s32 s7, s9;
	s9 =	sadd.s32 s13, s1  }
0xd: {  	s6 =	sadd.s32 $0x18800, s1;
	s7 =	sadd.s32 $0x31000, s1;
	[dreg:$0x7] =	wrdreg s12  }
0xe: {  	s12 =	sadd.s32 $0x31000, s3;
	s8 =	sadd.s32 s11, s8;
	s25 =	sor.u32 $0x20, s5  }
0xf: {  	p0 =	sgt.u32 s5, $0x14;
	s26 =	sadd.s32 s23, s22;
	[dreg:$0xb] =	wrdreg s25  }
0x10: {  	s20 =	sadd.s32 s13, s6;
	s24 =	sadd.s32 s13, s7;
	[dreg:$0xc] =	wrdreg s26  }
0x11: {  	s14 =	sadd.s32 s13, s12;
	s15 =	sadd.s32 $0x31CE00, s15;
	[dreg:$0x4] =	wrdreg s9  }
0x12: {  	s21 =	smax.u32 s17, $0x1;
	s18 =	sadd.s32 $0x1E00, s8;
	[dreg:$0x8] =	wrdreg s14  }
0x13: {  	s19 =	sadd.s32 $0xC5400, s8;
	s25 =	simm.s32 $0x3;
	[dreg:$0xa] =	wrdreg s21  }
0x14: {  	s26 =	simm.s32 $0x1000;
	s14 =	sadd.s32 $0x49800, s3;
	[dreg:$0x5] =	wrdreg s20  }
0x15: {  	s3 =	sadd.s32 $0x319D00, s0;
	s0 =	sadd.s32 s23, s15;
	[dreg:$0x6] =	wrdreg s24  }
0x16: {  	s21 =	simm.s32 $0x6000;
	s13 =	sadd.s32 s13, s14;
	[dreg:$0xe] =	wrdreg s0  }
0x17: {  	s3 =	sadd.s32 s23, s3;
	s0 =	simm.s32 $0x3000;
	[dreg:$0x9] =	wrdreg s13  }
0x18: {  	v0 =	vimm.f32 $0.0e+00;
	[dreg:$0xd] =	wrdreg s3;
	s3 =	simm.s32 $0x3800;
	s13 =	simm.s32 $0x0  }
.LBB2_1:
0x19: {  	s5 =	simm.s32 $0x40;
	s8 =	simm.s32 $0x0  }
.LBB2_2:
0x1a: {  	p1 =	sne.s32 s5, $0x61C0;
	[tilespmem:s8+$0x6000] =	vst v0;
	s8 =	smov.u32 s5;
	s5 =	sadd.s32 $0x40, s5  }
.Ltmp0:
0x1b: {  	(pc) =	sbr.rel @p1 .LBB2_2-.Ltmp0, $2  }
0x1c: {  	_ =	sdelay $0x2  }
0x1d: {  	s8 =	sshra.s32 s8, $0x2  }
0x1e: {  	[tilespmem:s8+$0x6000] =	vst v0  }
0x1f: {  	[spmem:s9] =	stream.linear.scatter [tilespmem:s21], [sflag:$0x3], $0x1880, $0x38;
	[tilespmem:$0x13C80] =	vst v63  }
0x20: {  	_ =	swait.ge [sflag:s25], $0x1880  }
0x21: {  	[sflag:s25] =	ssyncset.done $0x0  }
0x22: {  	[sflag:s25] =	ssyncadd.s32 $0xFFFFE780  }
0x23: {  	[spmem:s20] =	stream.linear.scatter [tilespmem:s21], [sflag:$0x3], $0x1880, $0x38;
	[tilespmem:$0x13C80] =	vst v63  }
0x24: {  	_ =	swait.ge [sflag:s25], $0x1880  }
0x25: {  	[sflag:s25] =	ssyncset.done $0x0  }
0x26: {  	[sflag:s25] =	ssyncadd.s32 $0xFFFFE780  }
0x27: {  	[spmem:s24] =	stream.linear.scatter [tilespmem:s21], [sflag:$0x3], $0x1880, $0x38;
	[tilespmem:$0x13C80] =	vst v63  }
0x28: {  	_ =	swait.ge [sflag:s25], $0x1880  }
0x29: {  	[sflag:s25] =	ssyncset.done $0x0  }
0x2a: {  	s5 =	rddreg [dreg:$0x7];
	[sflag:s25] =	ssyncadd.s32 $0xFFFFE780  }
0x2b: {  	[spmem:s5] =	stream.linear.scatter [tilespmem:s21], [sflag:$0x3], $0x1880, $0x38;
	[tilespmem:$0x13C80] =	vst v63  }
0x2c: {  	_ =	swait.ge [sflag:s25], $0x1880  }
0x2d: {  	[sflag:s25] =	ssyncset.done $0x0  }
0x2e: {  	s9 =	simm.s32 $0x0;
	s11 =	rddreg [dreg:$0xc];
	[sflag:s25] =	ssyncadd.s32 $0xFFFFE780  }
0x2f: {  	[tilespmem:s21], [sflag:$0x3] =	stream.linear.gather [hbm4b:s11+s9], $0x1880, $0x38;
	[tilespmem:$0x13C80] =	vst v63  }
0x30: {  	_ =	swait.ge [sflag:s25], $0x1880  }
0x31: {  	[sflag:s25] =	ssyncset.done $0x0  }
0x32: {  	s15 =	rddreg [dreg:$0x8];
	[sflag:s25] =	ssyncadd.s32 $0xFFFFE780  }
0x33: {  	[spmem:s15] =	stream.linear.scatter [tilespmem:s21], [sflag:$0x3], $0x1880, $0x38;
	[tilespmem:$0x13C80] =	vst v63  }
0x34: {  	_ =	swait.ge [sflag:s25], $0x1880  }
0x35: {  	[sflag:s25] =	ssyncset.done $0x0  }
0x36: {  	s17 =	rddreg [dreg:$0xd];
	[sflag:s25] =	ssyncadd.s32 $0xFFFFE780  }
0x37: {  	[tilespmem:s21], [sflag:$0x3] =	stream.linear.gather [hbm4b:s17+s9], $0x1880, $0x38;
	[tilespmem:$0x13C80] =	vst v63  }
0x38: {  	_ =	swait.ge [sflag:s25], $0x1880  }
0x39: {  	[sflag:s25] =	ssyncset.done $0x0  }
0x3a: {  	s20 =	rddreg [dreg:$0x9];
	[sflag:s25] =	ssyncadd.s32 $0xFFFFE780  }
0x3b: {  	[spmem:s20] =	stream.linear.scatter [tilespmem:s21], [sflag:$0x3], $0x1880, $0x38;
	[tilespmem:$0x13C80] =	vst v63  }
0x3c: {  	_ =	swait.ge [sflag:s25], $0x1880  }
0x3d: {  	p1 =	por $0x1, $0x1;
	[sflag:s25] =	ssyncset.done $0x0  }
0x3e: {  	p1 =	por p1, p1;
	[sflag:s25] =	ssyncadd.s32 $0xFFFFE780  }
0x3f: {  	s5 =	simm.s32 @!p1 $0x2;
	[bflag:$0x0] =	sbarrier.arrive $0xFFFF  }
0x40: {  	_ =	swait.ge @!p1 [sflag:s5], $0x800  }
0x41: {  	[sflag:s5] =	ssyncset.done @!p1 $0x0  }
0x42: {  	[sflag:s5] =	ssyncadd.s32 @!p1 $0xFFFFF800  }
0x43: {  	_ =	swait.ge @!p1 [sflag:s5], $0x800  }
0x44: {  	s8 =	simm.s32 @!p1 $0x3;
	[sflag:s5] =	ssyncset.done @!p1 $0x0  }
0x45: {  	s15 =	simm.s32 @!p1 $0x5000;
	[sflag:s5] =	ssyncadd.s32 @!p1 $0xFFFFF800;
	s5 =	simm.s32 @!p1 $0x800  }
0x46: {  	[tilespmem:s15], [sflag:$0x3] =	stream.indirect.gather @!p1 [spmem:s12], $0x1, s5, s5, $0xb8;
	[tilespmem:$0x13C80] =	vst v63  }
0x47: {  	_ =	swait.ge @!p1 [sflag:s8], $0x800  }
0x48: {  	[sflag:s8] =	ssyncset.done @!p1 $0x0  }
0x49: {  	s17 =	simm.s32 @!p1 $0x5800;
	[sflag:s8] =	ssyncadd.s32 @!p1 $0xFFFFF800  }
0x4a: {  	[tilespmem:s17], [sflag:$0x3] =	stream.indirect.gather @!p1 [spmem:s14], $0x1, s5, s5, $0xb8;
	[tilespmem:$0x13C80] =	vst v63  }
0x4b: {  	_ =	swait.ge @!p1 [sflag:s8], $0x800  }
0x4c: {  	[sflag:s8] =	ssyncset.done @!p1 $0x0  }
0x4d: {  	s22 =	simm.s32 @!p1 $0x1800;
	s23 =	simm.s32 @!p1 $0x4000;
	[sflag:s8] =	ssyncadd.s32 @!p1 $0xFFFFF800  }
0x4e: {  	[spmem:s1] =	stream.indirect.scatter.add.f32 @!p1 [tilespmem:s23], [sflag:$0x3], $0x1, s22, s5, $0xb8;
	[tilespmem:$0x13C80] =	vst v63  }
0x4f: {  	_ =	swait.ge @!p1 [sflag:s8], $0x800  }
0x50: {  	[sflag:s8] =	ssyncset.done @!p1 $0x0  }
0x51: {  	s23 =	simm.s32 @!p1 $0x4800;
	[sflag:s8] =	ssyncadd.s32 @!p1 $0xFFFFF800  }
0x52: {  	[spmem:s6] =	stream.indirect.scatter.add.f32 @!p1 [tilespmem:s23], [sflag:$0x3], $0x1, s22, s5, $0xb8;
	[tilespmem:$0x13C80] =	vst v63  }
0x53: {  	_ =	swait.ge @!p1 [sflag:s8], $0x800  }
0x54: {  	[sflag:s8] =	ssyncset.done @!p1 $0x0  }
0x55: {  	[sflag:s8] =	ssyncadd.s32 @!p1 $0xFFFFF800  }
0x56: {  	[spmem:s7] =	stream.indirect.scatter.add.f32 @!p1 [tilespmem:s15], [sflag:$0x3], $0x1, s22, s5, $0xb8;
	[tilespmem:$0x13C80] =	vst v63  }
0x57: {  	_ =	swait.ge @!p1 [sflag:s8], $0x800  }
0x58: {  	[sflag:s8] =	ssyncset.done @!p1 $0x0  }
0x59: {  	[sflag:s8] =	ssyncadd.s32 @!p1 $0xFFFFF800  }
0x5a: {  	[spmem:s10] =	stream.indirect.scatter.add.f32 @!p1 [tilespmem:s17], [sflag:$0x3], $0x1, s22, s5, $0xb8;
	[tilespmem:$0x13C80] =	vst v63  }
0x5b: {  	_ =	swait.ge @!p1 [sflag:s8], $0x800  }
0x5c: {  	[sflag:s8] =	ssyncset.done @!p1 $0x0  }
0x5d: {  	s22 =	sadd.s32 $0x0, s19;
	[sflag:s8] =	ssyncadd.s32 @!p1 $0xFFFFF800  }
0x5e: {  	[tilespmem:s2], [sflag:$0x3] =	stream.linear.gather [hbm4b:s22+s2], $0x800, $0x38;
	[tilespmem:$0x13C80] =	vst v63  }
0x5f: {  	_ =	swait.ge [sflag:s25], $0x800  }
0x60: {  	[sflag:s25] =	ssyncset.done $0x0  }
0x61: {  	s23 =	sadd.s32 $0x0, s18;
	[sflag:s25] =	ssyncadd.s32 $0xFFFFF800  }
0x62: {  	[tilespmem:s26], [sflag:$0x3] =	stream.linear.gather [hbm4b:s23+s2], $0x800, $0x38;
	[tilespmem:$0x13C80] =	vst v63  }
0x63: {  	_ =	swait.ge [sflag:s25], $0x800  }
0x64: {  	[sflag:s25] =	ssyncset.done $0x0  }
0x65: {  	[sflag:s25] =	ssyncadd.s32 $0xFFFFF800  }
0x66: {  	[tilespmem:s29], [sflag:$0x1] =	stream.indirect.gather [hbm4b:s4+s28], $0x1, s2, s28, $0xb8;
	[tilespmem:$0x13C80] =	vst v63  }
0x67: {  	_ = 	snop  }
0x68: {  	[tilespmem:s30], [sflag:$0x1] =	stream.indirect.gather [hbm4b:s16+s28], $0x1, s2, s28, $0xb8;
	[tilespmem:$0x13C80] =	vst v63  }
0x69: {  	_ =	swait.ge [sflag:s31], $0x800  }
0x6a: {  	[sflag:s31] =	ssyncset.done $0x0  }
0x6b: {  	[sflag:s31] =	ssyncadd.s32 $0xFFFFF800  }
0x6c: {  	_ =	swait.ge [sflag:s31], $0x800  }
0x6d: {  	[sflag:s31] =	ssyncset.done $0x0  }
0x6e: {  	[sflag:s31] =	ssyncadd.s32 $0xFFFFF800  }
0x6f: {  	[tilespmem:s0], [sflag:$0x3] =	stream.indirect.gather [spmem:s12], $0x1, s2, s28, $0xb8;
	[tilespmem:$0x13C80] =	vst v63  }
0x70: {  	_ =	swait.ge [sflag:s25], $0x800  }
0x71: {  	[sflag:s25] =	ssyncset.done $0x0  }
0x72: {  	[sflag:s25] =	ssyncadd.s32 $0xFFFFF800  }
0x73: {  	[tilespmem:s3], [sflag:$0x3] =	stream.indirect.gather [spmem:s14], $0x1, s2, s28, $0xb8;
	[tilespmem:$0x13C80] =	vst v63  }
0x74: {  	_ =	swait.ge [sflag:s25], $0x800  }
0x75: {  	[sflag:s25] =	ssyncset.done $0x0  }
0x76: {  	[sflag:s25] =	ssyncadd.s32 $0xFFFFF800  }
0x77: {  	[spmem:s1] =	stream.indirect.scatter.add.f32 [tilespmem:s29], [sflag:$0x3], $0x1, s26, s28, $0xb8;
	[tilespmem:$0x13C80] =	vst v63  }
0x78: {  	_ =	swait.ge [sflag:s25], $0x800  }
0x79: {  	[sflag:s25] =	ssyncset.done $0x0  }
0x7a: {  	[sflag:s25] =	ssyncadd.s32 $0xFFFFF800  }
0x7b: {  	[spmem:s6] =	stream.indirect.scatter.add.f32 [tilespmem:s30], [sflag:$0x3], $0x1, s26, s28, $0xb8;
	[tilespmem:$0x13C80] =	vst v63  }
0x7c: {  	_ =	swait.ge [sflag:s25], $0x800  }
0x7d: {  	[sflag:s25] =	ssyncset.done $0x0  }
0x7e: {  	[sflag:s25] =	ssyncadd.s32 $0xFFFFF800  }
0x7f: {  	[spmem:s7] =	stream.indirect.scatter.add.f32 [tilespmem:s0], [sflag:$0x3], $0x1, s26, s28, $0xb8;
	[tilespmem:$0x13C80] =	vst v63  }
0x80: {  	_ =	swait.ge [sflag:s25], $0x800  }
0x81: {  	[sflag:s25] =	ssyncset.done $0x0  }
0x82: {  	[sflag:s25] =	ssyncadd.s32 $0xFFFFF800  }
0x83: {  	[spmem:s10] =	stream.indirect.scatter.add.f32 [tilespmem:s3], [sflag:$0x3], $0x1, s26, s28, $0xb8;
	[tilespmem:$0x13C80] =	vst v63  }
0x84: {  	_ =	swait.ge [sflag:s25], $0x800  }
0x85: {  	s24 =	rddreg [dreg:$0xb]  }
0x86: {  	[sflag:s25] =	ssyncset.done $0x0;
	p4 =	sgt.u32 s24, $0xC34  }
0x87: {  	[sflag:s25] =	ssyncadd.s32 $0xFFFFF800;
	s5 =	sadd.s32 @!p4 $0x0, s19  }
0x88: {  	s8 =	simm.s32 @!p4 $0x0;
	s15 =	sadd.s32 @!p4 $0x2000, s5;
	s5 =	simm.s32 @!p4 $0x800  }
0x89: {  	[tilespmem:s5], [sflag:$0x3] =	stream.linear.gather @!p4 [hbm4b:s15+s8], $0x800, $0x38;
	[tilespmem:$0x13C80] =	vst v63  }
0x8a: {  	s15 =	simm.s32 @!p4 $0x3  }
0x8b: {  	_ =	swait.ge @!p4 [sflag:s15], $0x800  }
0x8c: {  	s17 =	sadd.s32 @!p4 $0x0, s18;
	[sflag:s15] =	ssyncset.done @!p4 $0x0  }
0x8d: {  	s22 =	simm.s32 @!p4 $0x1800;
	s17 =	sadd.s32 @!p4 $0x2000, s17;
	[sflag:s15] =	ssyncadd.s32 @!p4 $0xFFFFF800  }
0x8e: {  	[tilespmem:s22], [sflag:$0x3] =	stream.linear.gather @!p4 [hbm4b:s17+s8], $0x800, $0x38;
	[tilespmem:$0x13C80] =	vst v63  }
0x8f: {  	p6 =	por $0x0, $0x0;
	_ =	swait.ge @!p4 [sflag:s15], $0x800  }
0x90: {  	p1 =	por p6, p6;
	[sflag:s15] =	ssyncset.done @!p4 $0x0  }
0x91: {  	s8 =	simm.s32 @!p4 $0x4000;
	s22 =	simm.s32 $0x8000;
	[sflag:s15] =	ssyncadd.s32 @!p4 $0xFFFFF800  }
0x92: {  	[tilespmem:s8], [sflag:$0x2] =	stream.indirect.gather @!p4 [hbm4b:s4+s5], $0x1, s5, s5, $0xb8;
	[tilespmem:$0x13C80] =	vst v63  }
0x93: {  	s17 =	sadd.s32 $0x40, s24;
	s15 =	simm.s32 $0x4000;
	s8 =	simm.s32 @!p4 $0x4800  }
.LBB2_4:
0x94: {  	p3 =	seq.s32 s22, $0x0  }
0x95: {  	s9 =	simm.s32 @!p1 $0x2;
	s23 =	smov.u32 s22;
	s22 =	sadd.s32 $0x4000, s22  }
0x96: {  	[tilespmem:s8], [sflag:$0x2] =	stream.indirect.gather @!p4 [hbm4b:s16+s5], $0x1, s5, s5, $0xb8;
	[tilespmem:$0x13C80] =	vst v63  }
0x97: {  	p2 =	sne.s32 s22, $0xC4000;
	_ =	swait.ge @!p1 [sflag:s9], $0x800  }
0x98: {  	[sflag:s9] =	ssyncset.done @!p1 $0x0  }
0x99: {  	[sflag:s9] =	ssyncadd.s32 @!p1 $0xFFFFF800  }
0x9a: {  	_ =	swait.ge @!p1 [sflag:s9], $0x800  }
0x9b: {  	s5 =	simm.s32 @!p1 $0x3;
	[sflag:s9] =	ssyncset.done @!p1 $0x0  }
0x9c: {  	s8 =	simm.s32 @!p1 $0x800;
	[sflag:s9] =	ssyncadd.s32 @!p1 $0xFFFFF800;
	s9 =	simm.s32 @!p1 $0x5000  }
0x9d: {  	[tilespmem:s9], [sflag:$0x3] =	stream.indirect.gather @!p1 [spmem:s12], $0x1, s8, s8, $0xb8;
	[tilespmem:$0x13C80] =	vst v63  }
0x9e: {  	_ =	swait.ge @!p1 [sflag:s5], $0x800  }
0x9f: {  	[sflag:s5] =	ssyncset.done @!p1 $0x0  }
0xa0: {  	s11 =	simm.s32 @!p1 $0x5800;
	[sflag:s5] =	ssyncadd.s32 @!p1 $0xFFFFF800  }
0xa1: {  	[tilespmem:s11], [sflag:$0x3] =	stream.indirect.gather @!p1 [spmem:s14], $0x1, s8, s8, $0xb8;
	[tilespmem:$0x13C80] =	vst v63  }
0xa2: {  	_ =	swait.ge @!p1 [sflag:s5], $0x800  }
0xa3: {  	[sflag:s5] =	ssyncset.done @!p1 $0x0  }
0xa4: {  	s20 =	simm.s32 @!p1 $0x1800;
	s24 =	simm.s32 @!p1 $0x4000;
	[sflag:s5] =	ssyncadd.s32 @!p1 $0xFFFFF800  }
0xa5: {  	[spmem:s1] =	stream.indirect.scatter.add.f32 @!p1 [tilespmem:s24], [sflag:$0x3], $0x1, s20, s8, $0xb8;
	[tilespmem:$0x13C80] =	vst v63  }
0xa6: {  	_ =	swait.ge @!p1 [sflag:s5], $0x800  }
0xa7: {  	[sflag:s5] =	ssyncset.done @!p1 $0x0  }
0xa8: {  	s24 =	simm.s32 @!p1 $0x4800;
	[sflag:s5] =	ssyncadd.s32 @!p1 $0xFFFFF800  }
0xa9: {  	[spmem:s6] =	stream.indirect.scatter.add.f32 @!p1 [tilespmem:s24], [sflag:$0x3], $0x1, s20, s8, $0xb8;
	[tilespmem:$0x13C80] =	vst v63  }
0xaa: {  	_ =	swait.ge @!p1 [sflag:s5], $0x800  }
0xab: {  	[sflag:s5] =	ssyncset.done @!p1 $0x0  }
0xac: {  	[sflag:s5] =	ssyncadd.s32 @!p1 $0xFFFFF800  }
0xad: {  	[spmem:s7] =	stream.indirect.scatter.add.f32 @!p1 [tilespmem:s9], [sflag:$0x3], $0x1, s20, s8, $0xb8;
	[tilespmem:$0x13C80] =	vst v63  }
0xae: {  	_ =	swait.ge @!p1 [sflag:s5], $0x800  }
0xaf: {  	[sflag:s5] =	ssyncset.done @!p1 $0x0  }
0xb0: {  	[sflag:s5] =	ssyncadd.s32 @!p1 $0xFFFFF800  }
0xb1: {  	[spmem:s10] =	stream.indirect.scatter.add.f32 @!p1 [tilespmem:s11], [sflag:$0x3], $0x1, s20, s8, $0xb8;
	[tilespmem:$0x13C80] =	vst v63  }
0xb2: {  	_ =	swait.ge @!p1 [sflag:s5], $0x800  }
0xb3: {  	[sflag:s5] =	ssyncset.done @!p1 $0x0  }
0xb4: {  	[sflag:s5] =	ssyncadd.s32 @!p1 $0xFFFFF800;
	s5 =	sadd.s32 s15, s19;
	p1 =	por p3, p3  }
0xb5: {  	[tilespmem:s2], [sflag:$0x3] =	stream.linear.gather [hbm4b:s5+s2], $0x800, $0x38;
	[tilespmem:$0x13C80] =	vst v63  }
0xb6: {  	_ =	swait.ge [sflag:s25], $0x800  }
0xb7: {  	[sflag:s25] =	ssyncset.done $0x0  }
0xb8: {  	s5 =	sadd.s32 s15, s18;
	[sflag:s25] =	ssyncadd.s32 $0xFFFFF800  }
0xb9: {  	[tilespmem:s26], [sflag:$0x3] =	stream.linear.gather [hbm4b:s5+s2], $0x800, $0x38;
	[tilespmem:$0x13C80] =	vst v63  }
0xba: {  	_ =	swait.ge [sflag:s25], $0x800  }
0xbb: {  	[sflag:s25] =	ssyncset.done $0x0  }
0xbc: {  	[sflag:s25] =	ssyncadd.s32 $0xFFFFF800  }
0xbd: {  	[tilespmem:s29], [sflag:$0x1] =	stream.indirect.gather [hbm4b:s4+s28], $0x1, s2, s28, $0xb8;
	[tilespmem:$0x13C80] =	vst v63  }
0xbe: {  	_ = 	snop  }
0xbf: {  	[tilespmem:s30], [sflag:$0x1] =	stream.indirect.gather [hbm4b:s16+s28], $0x1, s2, s28, $0xb8;
	[tilespmem:$0x13C80] =	vst v63  }
0xc0: {  	_ =	swait.ge [sflag:s31], $0x800  }
0xc1: {  	[sflag:s31] =	ssyncset.done $0x0  }
0xc2: {  	[sflag:s31] =	ssyncadd.s32 $0xFFFFF800  }
0xc3: {  	_ =	swait.ge [sflag:s31], $0x800  }
0xc4: {  	[sflag:s31] =	ssyncset.done $0x0  }
0xc5: {  	[sflag:s31] =	ssyncadd.s32 $0xFFFFF800  }
0xc6: {  	[tilespmem:s0], [sflag:$0x3] =	stream.indirect.gather [spmem:s12], $0x1, s2, s28, $0xb8;
	[tilespmem:$0x13C80] =	vst v63  }
0xc7: {  	_ =	swait.ge [sflag:s25], $0x800  }
0xc8: {  	[sflag:s25] =	ssyncset.done $0x0  }
0xc9: {  	[sflag:s25] =	ssyncadd.s32 $0xFFFFF800  }
0xca: {  	[tilespmem:s3], [sflag:$0x3] =	stream.indirect.gather [spmem:s14], $0x1, s2, s28, $0xb8;
	[tilespmem:$0x13C80] =	vst v63  }
0xcb: {  	_ =	swait.ge [sflag:s25], $0x800  }
0xcc: {  	[sflag:s25] =	ssyncset.done $0x0  }
0xcd: {  	[sflag:s25] =	ssyncadd.s32 $0xFFFFF800  }
0xce: {  	[spmem:s1] =	stream.indirect.scatter.add.f32 [tilespmem:s29], [sflag:$0x3], $0x1, s26, s28, $0xb8;
	[tilespmem:$0x13C80] =	vst v63  }
0xcf: {  	_ =	swait.ge [sflag:s25], $0x800  }
0xd0: {  	[sflag:s25] =	ssyncset.done $0x0  }
0xd1: {  	[sflag:s25] =	ssyncadd.s32 $0xFFFFF800  }
0xd2: {  	[spmem:s6] =	stream.indirect.scatter.add.f32 [tilespmem:s30], [sflag:$0x3], $0x1, s26, s28, $0xb8;
	[tilespmem:$0x13C80] =	vst v63  }
0xd3: {  	_ =	swait.ge [sflag:s25], $0x800  }
0xd4: {  	[sflag:s25] =	ssyncset.done $0x0  }
0xd5: {  	[sflag:s25] =	ssyncadd.s32 $0xFFFFF800  }
0xd6: {  	[spmem:s7] =	stream.indirect.scatter.add.f32 [tilespmem:s0], [sflag:$0x3], $0x1, s26, s28, $0xb8;
	[tilespmem:$0x13C80] =	vst v63  }
0xd7: {  	_ =	swait.ge [sflag:s25], $0x800  }
0xd8: {  	[sflag:s25] =	ssyncset.done $0x0  }
0xd9: {  	[sflag:s25] =	ssyncadd.s32 $0xFFFFF800  }
0xda: {  	[spmem:s10] =	stream.indirect.scatter.add.f32 [tilespmem:s3], [sflag:$0x3], $0x1, s26, s28, $0xb8;
	[tilespmem:$0x13C80] =	vst v63  }
0xdb: {  	p4 =	sgt.u32 s17, $0xC34;
	_ =	swait.ge [sflag:s25], $0x800  }
0xdc: {  	s8 =	simm.s32 @!p4 $0x0;
	s5 =	sadd.s32 @!p4 s15, s19;
	[sflag:s25] =	ssyncset.done $0x0  }
0xdd: {  	s9 =	sadd.s32 @!p4 $0x2000, s5;
	s5 =	simm.s32 @!p4 $0x800;
	[sflag:s25] =	ssyncadd.s32 $0xFFFFF800  }
0xde: {  	[tilespmem:s5], [sflag:$0x3] =	stream.linear.gather @!p4 [hbm4b:s9+s8], $0x800, $0x38;
	[tilespmem:$0x13C80] =	vst v63  }
0xdf: {  	s11 =	sadd.s32 @!p4 s15, s18;
	s15 =	smov.u32 s23;
	s9 =	simm.s32 @!p4 $0x3  }
0xe0: {  	s11 =	sadd.s32 @!p4 $0x2000, s11;
	_ =	swait.ge @!p4 [sflag:s9], $0x800  }
0xe1: {  	s20 =	simm.s32 @!p4 $0x1800;
	[sflag:s9] =	ssyncset.done @!p4 $0x0  }
0xe2: {  	[sflag:s9] =	ssyncadd.s32 @!p4 $0xFFFFF800  }
0xe3: {  	[tilespmem:s20], [sflag:$0x3] =	stream.linear.gather @!p4 [hbm4b:s11+s8], $0x800, $0x38;
	[tilespmem:$0x13C80] =	vst v63  }
.Ltmp1:
0xe4: {  	_ = 	snop;
	(pc) =	sbr.rel @p2 .LBB2_4-.Ltmp1, $4  }
0xe5: {  	_ =	swait.ge @!p4 [sflag:s9], $0x800  }
0xe6: {  	s11 =	simm.s32 @!p4 $0x4000;
	[sflag:s9] =	ssyncset.done @!p4 $0x0  }
0xe7: {  	s17 =	sadd.s32 $0x40, s17;
	s8 =	simm.s32 @!p4 $0x4800;
	[sflag:s9] =	ssyncadd.s32 @!p4 $0xFFFFF800  }
0xe8: {  	[tilespmem:s11], [sflag:$0x2] =	stream.indirect.gather @!p4 [hbm4b:s4+s5], $0x1, s5, s5, $0xb8;
	[tilespmem:$0x13C80] =	vst v63  }
0xe9: {  	s9 =	simm.s32 @!p1 $0x2  }
0xea: {  	[tilespmem:s8], [sflag:$0x2] =	stream.indirect.gather @!p4 [hbm4b:s16+s5], $0x1, s5, s5, $0xb8;
	[tilespmem:$0x13C80] =	vst v63  }
0xeb: {  	_ =	swait.ge @!p1 [sflag:s9], $0x800  }
0xec: {  	[sflag:s9] =	ssyncset.done @!p1 $0x0  }
0xed: {  	[sflag:s9] =	ssyncadd.s32 @!p1 $0xFFFFF800  }
0xee: {  	_ =	swait.ge @!p1 [sflag:s9], $0x800  }
0xef: {  	s5 =	simm.s32 @!p1 $0x3;
	[sflag:s9] =	ssyncset.done @!p1 $0x0  }
0xf0: {  	s8 =	simm.s32 @!p1 $0x800;
	[sflag:s9] =	ssyncadd.s32 @!p1 $0xFFFFF800;
	s9 =	simm.s32 @!p1 $0x5000  }
0xf1: {  	[tilespmem:s9], [sflag:$0x3] =	stream.indirect.gather @!p1 [spmem:s12], $0x1, s8, s8, $0xb8;
	[tilespmem:$0x13C80] =	vst v63  }
0xf2: {  	_ =	swait.ge @!p1 [sflag:s5], $0x800  }
0xf3: {  	[sflag:s5] =	ssyncset.done @!p1 $0x0  }
0xf4: {  	s11 =	simm.s32 @!p1 $0x5800;
	[sflag:s5] =	ssyncadd.s32 @!p1 $0xFFFFF800  }
0xf5: {  	[tilespmem:s11], [sflag:$0x3] =	stream.indirect.gather @!p1 [spmem:s14], $0x1, s8, s8, $0xb8;
	[tilespmem:$0x13C80] =	vst v63  }
0xf6: {  	_ =	swait.ge @!p1 [sflag:s5], $0x800  }
0xf7: {  	[sflag:s5] =	ssyncset.done @!p1 $0x0  }
0xf8: {  	s20 =	simm.s32 @!p1 $0x1800;
	s22 =	simm.s32 @!p1 $0x4000;
	[sflag:s5] =	ssyncadd.s32 @!p1 $0xFFFFF800  }
0xf9: {  	[spmem:s1] =	stream.indirect.scatter.add.f32 @!p1 [tilespmem:s22], [sflag:$0x3], $0x1, s20, s8, $0xb8;
	[tilespmem:$0x13C80] =	vst v63  }
0xfa: {  	_ =	swait.ge @!p1 [sflag:s5], $0x800  }
0xfb: {  	[sflag:s5] =	ssyncset.done @!p1 $0x0  }
0xfc: {  	s22 =	simm.s32 @!p1 $0x4800;
	[sflag:s5] =	ssyncadd.s32 @!p1 $0xFFFFF800  }
0xfd: {  	[spmem:s6] =	stream.indirect.scatter.add.f32 @!p1 [tilespmem:s22], [sflag:$0x3], $0x1, s20, s8, $0xb8;
	[tilespmem:$0x13C80] =	vst v63  }
0xfe: {  	_ =	swait.ge @!p1 [sflag:s5], $0x800  }
0xff: {  	[sflag:s5] =	ssyncset.done @!p1 $0x0  }
0x100: {  	[sflag:s5] =	ssyncadd.s32 @!p1 $0xFFFFF800  }
0x101: {  	[spmem:s7] =	stream.indirect.scatter.add.f32 @!p1 [tilespmem:s9], [sflag:$0x3], $0x1, s20, s8, $0xb8;
	[tilespmem:$0x13C80] =	vst v63  }
0x102: {  	_ =	swait.ge @!p1 [sflag:s5], $0x800  }
0x103: {  	[sflag:s5] =	ssyncset.done @!p1 $0x0  }
0x104: {  	[sflag:s5] =	ssyncadd.s32 @!p1 $0xFFFFF800  }
0x105: {  	[spmem:s10] =	stream.indirect.scatter.add.f32 @!p1 [tilespmem:s11], [sflag:$0x3], $0x1, s20, s8, $0xb8;
	[tilespmem:$0x13C80] =	vst v63  }
0x106: {  	_ =	swait.ge @!p1 [sflag:s5], $0x800  }
0x107: {  	[sflag:s5] =	ssyncset.done @!p1 $0x0  }
0x108: {  	s20 =	sadd.s32 s15, s19;
	[sflag:s5] =	ssyncadd.s32 @!p1 $0xFFFFF800  }
0x109: {  	[tilespmem:s2], [sflag:$0x3] =	stream.linear.gather [hbm4b:s20+s2], $0x800, $0x38;
	[tilespmem:$0x13C80] =	vst v63  }
0x10a: {  	_ =	swait.ge [sflag:s25], $0x800  }
0x10b: {  	[sflag:s25] =	ssyncset.done $0x0  }
0x10c: {  	s22 =	sadd.s32 s15, s18;
	[sflag:s25] =	ssyncadd.s32 $0xFFFFF800  }
0x10d: {  	[tilespmem:s26], [sflag:$0x3] =	stream.linear.gather [hbm4b:s22+s2], $0x800, $0x38;
	[tilespmem:$0x13C80] =	vst v63  }
0x10e: {  	_ =	swait.ge [sflag:s25], $0x800  }
0x10f: {  	[sflag:s25] =	ssyncset.done $0x0  }
0x110: {  	[sflag:s25] =	ssyncadd.s32 $0xFFFFF800  }
0x111: {  	[tilespmem:s29], [sflag:$0x1] =	stream.indirect.gather [hbm4b:s4+s28], $0x1, s2, s28, $0xb8;
	[tilespmem:$0x13C80] =	vst v63  }
0x112: {  	_ = 	snop  }
0x113: {  	[tilespmem:s30], [sflag:$0x1] =	stream.indirect.gather [hbm4b:s16+s28], $0x1, s2, s28, $0xb8;
	[tilespmem:$0x13C80] =	vst v63  }
0x114: {  	_ =	swait.ge [sflag:s31], $0x800  }
0x115: {  	[sflag:s31] =	ssyncset.done $0x0  }
0x116: {  	[sflag:s31] =	ssyncadd.s32 $0xFFFFF800  }
0x117: {  	_ =	swait.ge [sflag:s31], $0x800  }
0x118: {  	[sflag:s31] =	ssyncset.done $0x0  }
0x119: {  	[sflag:s31] =	ssyncadd.s32 $0xFFFFF800  }
0x11a: {  	[tilespmem:s0], [sflag:$0x3] =	stream.indirect.gather [spmem:s12], $0x1, s2, s28, $0xb8;
	[tilespmem:$0x13C80] =	vst v63  }
0x11b: {  	_ =	swait.ge [sflag:s25], $0x800  }
0x11c: {  	[sflag:s25] =	ssyncset.done $0x0  }
0x11d: {  	[sflag:s25] =	ssyncadd.s32 $0xFFFFF800  }
0x11e: {  	[tilespmem:s3], [sflag:$0x3] =	stream.indirect.gather [spmem:s14], $0x1, s2, s28, $0xb8;
	[tilespmem:$0x13C80] =	vst v63  }
0x11f: {  	_ =	swait.ge [sflag:s25], $0x800  }
0x120: {  	[sflag:s25] =	ssyncset.done $0x0  }
0x121: {  	[sflag:s25] =	ssyncadd.s32 $0xFFFFF800  }
0x122: {  	[spmem:s1] =	stream.indirect.scatter.add.f32 [tilespmem:s29], [sflag:$0x3], $0x1, s26, s28, $0xb8;
	[tilespmem:$0x13C80] =	vst v63  }
0x123: {  	_ =	swait.ge [sflag:s25], $0x800  }
0x124: {  	[sflag:s25] =	ssyncset.done $0x0  }
0x125: {  	[sflag:s25] =	ssyncadd.s32 $0xFFFFF800  }
0x126: {  	[spmem:s6] =	stream.indirect.scatter.add.f32 [tilespmem:s30], [sflag:$0x3], $0x1, s26, s28, $0xb8;
	[tilespmem:$0x13C80] =	vst v63  }
0x127: {  	_ =	swait.ge [sflag:s25], $0x800  }
0x128: {  	[sflag:s25] =	ssyncset.done $0x0  }
0x129: {  	[sflag:s25] =	ssyncadd.s32 $0xFFFFF800  }
0x12a: {  	[spmem:s7] =	stream.indirect.scatter.add.f32 [tilespmem:s0], [sflag:$0x3], $0x1, s26, s28, $0xb8;
	[tilespmem:$0x13C80] =	vst v63  }
0x12b: {  	_ =	swait.ge [sflag:s25], $0x800  }
0x12c: {  	[sflag:s25] =	ssyncset.done $0x0  }
0x12d: {  	[sflag:s25] =	ssyncadd.s32 $0xFFFFF800  }
0x12e: {  	[spmem:s10] =	stream.indirect.scatter.add.f32 [tilespmem:s3], [sflag:$0x3], $0x1, s26, s28, $0xb8;
	[tilespmem:$0x13C80] =	vst v63  }
0x12f: {  	p1 =	sgt.u32 s17, $0xC34;
	_ =	swait.ge [sflag:s25], $0x800  }
0x130: {  	s5 =	sadd.s32 @!p1 s15, s19;
	s8 =	simm.s32 @!p1 $0x0;
	[sflag:s25] =	ssyncset.done $0x0  }
0x131: {  	s9 =	simm.s32 @!p1 $0x800;
	s5 =	sadd.s32 @!p1 $0x2000, s5;
	[sflag:s25] =	ssyncadd.s32 $0xFFFFF800  }
0x132: {  	[tilespmem:s9], [sflag:$0x3] =	stream.linear.gather @!p1 [hbm4b:s5+s8], $0x800, $0x38;
	[tilespmem:$0x13C80] =	vst v63  }
0x133: {  	s5 =	simm.s32 @!p1 $0x3  }
0x134: {  	_ =	swait.ge @!p1 [sflag:s5], $0x800  }
0x135: {  	s11 =	sadd.s32 @!p1 s15, s18;
	[sflag:s5] =	ssyncset.done @!p1 $0x0  }
0x136: {  	s15 =	simm.s32 @!p1 $0x1800;
	s11 =	sadd.s32 @!p1 $0x2000, s11;
	[sflag:s5] =	ssyncadd.s32 @!p1 $0xFFFFF800  }
0x137: {  	[tilespmem:s15], [sflag:$0x3] =	stream.linear.gather @!p1 [hbm4b:s11+s8], $0x800, $0x38;
	[tilespmem:$0x13C80] =	vst v63  }
0x138: {  	_ =	swait.ge @!p1 [sflag:s5], $0x800  }
0x139: {  	[sflag:s5] =	ssyncset.done @!p1 $0x0  }
0x13a: {  	s8 =	simm.s32 @!p1 $0x4000;
	[sflag:s5] =	ssyncadd.s32 @!p1 $0xFFFFF800  }
0x13b: {  	[tilespmem:s8], [sflag:$0x2] =	stream.indirect.gather @!p1 [hbm4b:s4+s9], $0x1, s9, s9, $0xb8;
	[tilespmem:$0x13C80] =	vst v63  }
0x13c: {  	s5 =	simm.s32 @!p1 $0x4800  }
0x13d: {  	[tilespmem:s5], [sflag:$0x2] =	stream.indirect.gather @!p1 [hbm4b:s16+s9], $0x1, s9, s9, $0xb8;
	[tilespmem:$0x13C80] =	vst v63  }
0x13e: {  	s5 =	simm.s32 @!p0 $0x2  }
0x13f: {  	_ =	swait.ge @!p0 [sflag:s5], $0x800  }
0x140: {  	[sflag:s5] =	ssyncset.done @!p0 $0x0  }
0x141: {  	[sflag:s5] =	ssyncadd.s32 @!p0 $0xFFFFF800  }
0x142: {  	_ =	swait.ge @!p0 [sflag:s5], $0x800  }
0x143: {  	s8 =	simm.s32 @!p0 $0x5000;
	[sflag:s5] =	ssyncset.done @!p0 $0x0  }
0x144: {  	s9 =	simm.s32 @!p0 $0x3;
	[sflag:s5] =	ssyncadd.s32 @!p0 $0xFFFFF800;
	s5 =	simm.s32 @!p0 $0x800  }
0x145: {  	[tilespmem:s8], [sflag:$0x3] =	stream.indirect.gather @!p0 [spmem:s12], $0x1, s5, s5, $0xb8;
	[tilespmem:$0x13C80] =	vst v63  }
0x146: {  	_ =	swait.ge @!p0 [sflag:s9], $0x800  }
0x147: {  	[sflag:s9] =	ssyncset.done @!p0 $0x0  }
0x148: {  	s11 =	simm.s32 @!p0 $0x5800;
	[sflag:s9] =	ssyncadd.s32 @!p0 $0xFFFFF800  }
0x149: {  	[tilespmem:s11], [sflag:$0x3] =	stream.indirect.gather @!p0 [spmem:s14], $0x1, s5, s5, $0xb8;
	[tilespmem:$0x13C80] =	vst v63  }
0x14a: {  	_ =	swait.ge @!p0 [sflag:s9], $0x800  }
0x14b: {  	[sflag:s9] =	ssyncset.done @!p0 $0x0  }
0x14c: {  	s17 =	simm.s32 @!p0 $0x4000;
	s15 =	simm.s32 @!p0 $0x1800;
	[sflag:s9] =	ssyncadd.s32 @!p0 $0xFFFFF800  }
0x14d: {  	[spmem:s1] =	stream.indirect.scatter.add.f32 @!p0 [tilespmem:s17], [sflag:$0x3], $0x1, s15, s5, $0xb8;
	[tilespmem:$0x13C80] =	vst v63  }
0x14e: {  	_ =	swait.ge @!p0 [sflag:s9], $0x800  }
0x14f: {  	[sflag:s9] =	ssyncset.done @!p0 $0x0  }
0x150: {  	s17 =	simm.s32 @!p0 $0x4800;
	[sflag:s9] =	ssyncadd.s32 @!p0 $0xFFFFF800  }
0x151: {  	[spmem:s6] =	stream.indirect.scatter.add.f32 @!p0 [tilespmem:s17], [sflag:$0x3], $0x1, s15, s5, $0xb8;
	[tilespmem:$0x13C80] =	vst v63  }
0x152: {  	_ =	swait.ge @!p0 [sflag:s9], $0x800  }
0x153: {  	[sflag:s9] =	ssyncset.done @!p0 $0x0  }
0x154: {  	[sflag:s9] =	ssyncadd.s32 @!p0 $0xFFFFF800  }
0x155: {  	[spmem:s7] =	stream.indirect.scatter.add.f32 @!p0 [tilespmem:s8], [sflag:$0x3], $0x1, s15, s5, $0xb8;
	[tilespmem:$0x13C80] =	vst v63  }
0x156: {  	_ =	swait.ge @!p0 [sflag:s9], $0x800  }
0x157: {  	[sflag:s9] =	ssyncset.done @!p0 $0x0  }
0x158: {  	[sflag:s9] =	ssyncadd.s32 @!p0 $0xFFFFF800  }
0x159: {  	[spmem:s10] =	stream.indirect.scatter.add.f32 @!p0 [tilespmem:s11], [sflag:$0x3], $0x1, s15, s5, $0xb8;
	[tilespmem:$0x13C80] =	vst v63  }
0x15a: {  	_ =	swait.ge @!p0 [sflag:s9], $0x800  }
0x15b: {  	[sflag:s9] =	ssyncset.done @!p0 $0x0  }
0x15c: {  	[sflag:s9] =	ssyncadd.s32 @!p0 $0xFFFFF800  }
0x15d: {  	[bflag:$0x0] =	sbarrier.arrive $0xFFFF  }
0x15e: {  	s9 =	rddreg [dreg:$0x4]  }
0x15f: {  	[tilespmem:s21], [sflag:$0x3] =	stream.linear.gather [spmem:s9], $0x1880, $0x38;
	[tilespmem:$0x13C80] =	vst v63  }
0x160: {  	_ =	swait.ge [sflag:s25], $0x1880  }
0x161: {  	[sflag:s25] =	ssyncset.done $0x0  }
0x162: {  	s23 =	rddreg [dreg:$0xe];
	[sflag:s25] =	ssyncadd.s32 $0xFFFFE780  }
0x163: {  	[hbm4b:s23+s2] =	stream.linear.scatter [tilespmem:s21], [sflag:$0x3], $0x1880, $0x38;
	[tilespmem:$0x13C80] =	vst v63  }
0x164: {  	_ =	swait.ge [sflag:s25], $0x1880  }
0x165: {  	[sflag:s25] =	ssyncset.done $0x0  }
0x166: {  	s20 =	rddreg [dreg:$0x5];
	[sflag:s25] =	ssyncadd.s32 $0xFFFFE780  }
0x167: {  	[tilespmem:s21], [sflag:$0x3] =	stream.linear.gather [spmem:s20], $0x1880, $0x38;
	[tilespmem:$0x13C80] =	vst v63  }
0x168: {  	_ =	swait.ge [sflag:s25], $0x1880  }
0x169: {  	[sflag:s25] =	ssyncset.done $0x0  }
0x16a: {  	s11 =	sadd.s32 $0x3100, s23;
	[sflag:s25] =	ssyncadd.s32 $0xFFFFE780  }
0x16b: {  	[hbm4b:s11+s2] =	stream.linear.scatter [tilespmem:s21], [sflag:$0x3], $0x1880, $0x38;
	[tilespmem:$0x13C80] =	vst v63  }
0x16c: {  	_ =	swait.ge [sflag:s25], $0x1880  }
0x16d: {  	[sflag:s25] =	ssyncset.done $0x0  }
0x16e: {  	s24 =	rddreg [dreg:$0x6];
	[sflag:s25] =	ssyncadd.s32 $0xFFFFE780  }
0x16f: {  	[tilespmem:s21], [sflag:$0x3] =	stream.linear.gather [spmem:s24], $0x1880, $0x38;
	[tilespmem:$0x13C80] =	vst v63  }
0x170: {  	_ =	swait.ge [sflag:s25], $0x1880  }
0x171: {  	[sflag:s25] =	ssyncset.done $0x0  }
0x172: {  	s15 =	sadd.s32 $0x6200, s23;
	[sflag:s25] =	ssyncadd.s32 $0xFFFFE780  }
0x173: {  	[hbm4b:s15+s2] =	stream.linear.scatter [tilespmem:s21], [sflag:$0x3], $0x1880, $0x38;
	[tilespmem:$0x13C80] =	vst v63  }
0x174: {  	_ =	swait.ge [sflag:s25], $0x1880  }
0x175: {  	[sflag:s25] =	ssyncset.done $0x0  }
0x176: {  	s17 =	rddreg [dreg:$0x7];
	[sflag:s25] =	ssyncadd.s32 $0xFFFFE780  }
0x177: {  	[tilespmem:s21], [sflag:$0x3] =	stream.linear.gather [spmem:s17], $0x1880, $0x38;
	[tilespmem:$0x13C80] =	vst v63  }
0x178: {  	_ =	swait.ge [sflag:s25], $0x1880  }
0x179: {  	[sflag:s25] =	ssyncset.done $0x0  }
0x17a: {  	s22 =	sadd.s32 $0x9300, s23;
	[sflag:s25] =	ssyncadd.s32 $0xFFFFE780  }
0x17b: {  	[hbm4b:s22+s2] =	stream.linear.scatter [tilespmem:s21], [sflag:$0x3], $0x1880, $0x38;
	[tilespmem:$0x13C80] =	vst v63  }
0x17c: {  	_ =	swait.ge [sflag:s25], $0x1880  }
0x17d: {  	s13 =	sadd.s32 $0x1, s13;
	s23 =	rddreg [dreg:$0xa]  }
0x17e: {  	p1 =	sne.s32 s13, s23  }
.Ltmp2:
0x17f: {  	_ = 	snop;
	(pc) =	sbr.rel @p1 .LBB2_1-.Ltmp2, $3  }
0x180: {  	_ =	sdelay $0x1  }
0x181: {  	[sflag:s25] =	ssyncset.done $0x0  }
0x182: {  	[sflag:s25] =	ssyncadd.s32 $0xFFFFE780  }
0x183: {  	_ =	sfence.sel $0x180000  }
0x184: {  	[bflag:$0x0] =	sbarrier.arrive $0xFFFF  }
0x185: {  	_ =	strace $0x9000004A  }
0x186: {  	s0 =	stileid.u32;
	[bflag:$0x2] =	sbarrier.arrive $0xFFFF  }
0x187: {  	p0 =	sne.s32 s0, $0x0;
	s0 =	rddreg [dreg:$0x3]  }
0x188: {  	s0 =	sadd.s32 @!p0 $0x100000, s0  }
0x189: {  	[sflag:s0] =	ssyncadd.tile.s32 @!p0 $0x1;
	_ =	shalt  }
.Lfunc_end2:
_tile_overlayer_lowered:
.L_overlay_start_2:
0x18a: {  	(tag) =	ssettag $0x2  }
0x18b: {  	s0 =	rddreg [dreg:$0x0];
	s2 =	stileid.u32  }
0x18c: {  	s1 =	rddreg [dreg:$0x1];
	p0 =	sne.s32 s2, $0x0  }
0x18d: {  	s3 =	rddreg [dreg:$0x2];
	[bflag:$0x3] =	sbarrier.arrive $0xFFFF;
	s2 =	simm.s32 @!p0 $0x1C03  }
0x18e: {  	[timem:s3], [sflag:s2] =	dma.local @!p0 [hbm:s0], s1  }
0x18f: {  	s0 =	simm.s32 @!p0 $0x3  }
0x190: {  	_ =	swait.ge @!p0 [sflag:s0], s1  }
0x191: {  	s1 =	ssub.s32 @!p0 $0x0, s1;
	[sflag:s0] =	ssyncset.done @!p0 $0x0  }
0x192: {  	[sflag:s0] =	ssyncadd.s32 @!p0 s1  }
0x193: {  	[bflag:$0x3] =	sbarrier.arrive $0xFFFF  }
0x194: {  	_ =	shalt  }

// kernel: kernel.14.cloned.1.call-start
scs
__scs_entry_jumppad:
0x0: {  	(pc) =	sbr.rel $0x88, $3  }
0x1: {  	(tag) =	ssettag $0x0;
	lr =	simm.s32 $0x1  }
0x2: {  	[smem:$0x3F9B] =	sst lr;
	_ =	strace $0xD0000000  }
0x3: {  	_ = 	snop  }
0x4: {  	_ = 	snop  }
0x5: {  	_ = 	snop  }
0x6: {  	_ = 	snop  }
0x7: {  	_ = 	snop  }
__scs_overlays_trampoline_lowered:
0x8: {  	[smem:$0x3FAA] =	sst s0  }
0x9: {  	[smem:$0x3FAB] =	sst s1  }
0xa: {  	[smem:$0x3FAC] =	sst s2  }
0xb: {  	[smem:$0x3FAD] =	sst s3  }
0xc: {  	[smem:$0x3FAE] =	sst s4  }
0xd: {  	[smem:$0x3FAF] =	sst s5  }
0xe: {  	[smem:$0x3FB0] =	sst s6  }
0xf: {  	[smem:$0x3FB1] =	sst s7  }
0x10: {  	[smem:$0x3FB2] =	sst s8  }
0x11: {  	[smem:$0x3FB3] =	sst s9;
	s0 =	simm.s32 @!p0 $0x0  }
0x12: {  	s1 =	sld [smem:$0x3F99];
	s0 =	simm.s32 @p0 $0x1  }
0x13: {  	[smem:$0x3FB4] =	sst s0;
	s0 =	simm.s32 @!p1 $0x0  }
0x14: {  	s2 =	sld [smem:$0x3F98];
	s0 =	simm.s32 @p1 $0x1  }
0x15: {  	[smem:$0x3FB5] =	sst s0;
	s0 =	simm.s32 @!p2 $0x0  }
0x16: {  	s3 =	sld [smem:$0x3FDB];
	s0 =	simm.s32 @p2 $0x1  }
0x17: {  	s4 =	simm.s32 $0x1BF5;
	[smem:$0x3FB7] =	sst s0  }
0x18: {  	s0 =	sld [smem:$0x3F9A];
	_ =	swait.ge [sflag:s4], $0x0  }
0x19: {  	s7 =	sld [smem:$0x3F9B]  }
0x1a: {  	s8 =	sadd.s32 $0xFFFFE003, lr  }
0x1b: {  	s9 =	sadd.s32 $0xFFFFFEF7, lr;
	s5 =	simm.s32 $0xFFFFFFFF;
	p2 =	slt.u32 s8, $0xFFFFF086  }
0x1c: {  	p1 =	slt.u32 s9, $0xF7A;
	s5 =	simm.s32 @!p2 $0x0  }
0x1d: {  	s5 =	simm.s32 @p1 $0x1;
	p0 =	seq.s32 s7, s2  }
0x1e: {  	s7 =	smul.u32 @!p0 $0xF7A, s2;
	p2 =	seq.s32 @!p0 s5, $0x0  }
0x1f: {  	s9 =	smul.u32 $0xF7A, s1;
	s8 =	simm.s32 @!p0 $0x1BF5;
	p2 =	por !p2, p0  }
0x20: {  	[sflag:s8] =	ssyncset.s32 @!p0 $0xFFFFF086;
	s6 =	sadd.s32 @!p0 s3, s7;
	s7 =	simm.s32 @!p0 $0x108  }
0x21: {  	s3 =	sadd.s32 s3, s9;
	s6 =	sadd.s32 @!p0 $0x88, s6;
	s7 =	simm.s32 @p2 $0x1082  }
0x22: {  	[simem:s7], [sflag:s8] =	dma.local @!p0 [hbm:s6], $0xF7A  }
0x23: {  	s9 =	sor.u32 $0xD0000000, s2;
	s6 =	simm.s32 $0x108;
	_ =	swait.ge @!p0 [sflag:s8], $0x0  }
0x24: {  	s3 =	sadd.s32 $0x88, s3;
	s6 =	simm.s32 @!p1 $0x1082;
	[sflag:s4] =	ssyncset.s32 $0xFFFFF086  }
0x25: {  	[simem:s6], [sflag:s4] =	dma.local [hbm:s3], $0xF7A  }
0x26: {  	[smem:$0x3F9B] =	sst s1;
	(tag) =	ssettag s2;
	_ =	strace s9  }
0x27: {  	s1 =	sld [smem:$0x3FAB]  }
0x28: {  	s2 =	sld [smem:$0x3FAC]  }
0x29: {  	s4 =	sld [smem:$0x3FAE]  }
0x2a: {  	p0 =	seq.s32 s5, $0x0;
	s5 =	sld [smem:$0x3FAF]  }
0x2b: {  	s6 =	sld [smem:$0x3FB0]  }
0x2c: {  	s7 =	sld [smem:$0x3FB1]  }
0x2d: {  	s3 =	simm.s32 $0x108;
	s8 =	sld [smem:$0x3FB2]  }
0x2e: {  	s3 =	simm.s32 @!p0 $0x1082;
	s9 =	sld [smem:$0x3FB3]  }
0x2f: {  	lr =	sadd.s32 s0, s3;
	s0 =	sld [smem:$0x3FAA]  }
0x30: {  	s3 =	sld [smem:$0x3FAD]  }
0x31: {  	[smem:$0x3FB6] =	sst s10  }
0x32: {  	s10 =	sld [smem:$0x3FB4];
	_ =	sdelay $0x3  }
0x33: {  	p0 =	seq.s32 s10, $0x1;
	s10 =	sld [smem:$0x3FB6];
	_ =	sdelay $0x3  }
0x34: {  	[smem:$0x3FB6] =	sst s10  }
0x35: {  	s10 =	sld [smem:$0x3FB5];
	_ =	sdelay $0x3  }
0x36: {  	p1 =	seq.s32 s10, $0x1;
	s10 =	sld [smem:$0x3FB6];
	_ =	sdelay $0x3  }
0x37: {  	[smem:$0x3FB6] =	sst s10  }
0x38: {  	s10 =	sld [smem:$0x3FB7]  }
0x39: {  	_ = 	snop;
	(pc) =	sbr.ind lr, $3  }
0x3a: {  	_ = 	snop  }
0x3b: {  	_ = 	snop  }
0x3c: {  	p2 =	seq.s32 s10, $0x1;
	s10 =	sld [smem:$0x3FB6]  }
0x3d: {  	_ =	shalt  }
0x3e: {  	_ =	shalt  }
0x3f: {  	_ =	shalt  }
0x40: {  	_ =	shalt  }
0x41: {  	_ =	shalt  }
0x42: {  	_ =	shalt  }
0x43: {  	_ =	shalt  }
0x44: {  	_ =	shalt  }
0x45: {  	_ =	shalt  }
0x46: {  	_ =	shalt  }
0x47: {  	_ =	shalt  }
0x48: {  	_ =	shalt  }
0x49: {  	_ =	shalt  }
0x4a: {  	_ =	shalt  }
0x4b: {  	_ =	shalt  }
0x4c: {  	_ =	shalt  }
0x4d: {  	_ =	shalt  }
0x4e: {  	_ =	shalt  }
0x4f: {  	_ =	shalt  }
0x50: {  	_ =	shalt  }
0x51: {  	_ =	shalt  }
0x52: {  	_ =	shalt  }
0x53: {  	_ =	shalt  }
0x54: {  	_ =	shalt  }
0x55: {  	_ =	shalt  }
0x56: {  	_ =	shalt  }
0x57: {  	_ =	shalt  }
0x58: {  	_ =	shalt  }
0x59: {  	_ =	shalt  }
0x5a: {  	_ =	shalt  }
0x5b: {  	_ =	shalt  }
0x5c: {  	_ =	shalt  }
0x5d: {  	_ =	shalt  }
0x5e: {  	_ =	shalt  }
0x5f: {  	_ =	shalt  }
0x60: {  	_ =	shalt  }
0x61: {  	_ =	shalt  }
0x62: {  	_ =	shalt  }
0x63: {  	_ =	shalt  }
0x64: {  	_ =	shalt  }
0x65: {  	_ =	shalt  }
0x66: {  	_ =	shalt  }
0x67: {  	_ =	shalt  }
0x68: {  	_ =	shalt  }
0x69: {  	_ =	shalt  }
0x6a: {  	_ =	shalt  }
0x6b: {  	_ =	shalt  }
0x6c: {  	_ =	shalt  }
0x6d: {  	_ =	shalt  }
0x6e: {  	_ =	shalt  }
0x6f: {  	_ =	shalt  }
0x70: {  	_ =	shalt  }
0x71: {  	_ =	shalt  }
0x72: {  	_ =	shalt  }
0x73: {  	_ =	shalt  }
0x74: {  	_ =	shalt  }
0x75: {  	_ =	shalt  }
0x76: {  	_ =	shalt  }
0x77: {  	_ =	shalt  }
0x78: {  	_ =	shalt  }
0x79: {  	_ =	shalt  }
0x7a: {  	_ =	shalt  }
0x7b: {  	_ =	shalt  }
0x7c: {  	_ =	shalt  }
0x7d: {  	_ =	shalt  }
0x7e: {  	_ =	shalt  }
0x7f: {  	_ =	shalt  }
0x80: {  	_ =	shalt  }
0x81: {  	_ =	shalt  }
0x82: {  	_ =	shalt  }
0x83: {  	_ =	shalt  }
0x84: {  	_ =	shalt  }
0x85: {  	_ =	shalt  }
0x86: {  	_ =	shalt  }
0x87: {  	_ =	shalt  }
.Lfunc_end0:
.L_simem_size_0:
called_computation.2_lowered:
.L_overlay_start_0:
0x88: {  	s2 =	sld [smem:$0x3FD9]  }
0x89: {  	s3 =	sld [smem:$0x3FFE];
	_ =	sdelay $0x1  }
0x8a: {  	s1 =	srdreg.scid  }
0x8b: {  	s0 =	sand.u32 $0x1, s1  }
0x8c: {  	s17 =	sshll.u32 s0, $0xA;
	s2 =	sadd.s32 s3, s2  }
0x8d: {  	s2 =	sadd.s32 s2, s17  }
0x8e: {  	[smem:$0x3FC2] =	sst s2  }
0x8f: {  	_ = 	snop  }
0x90: {  	s2 =	sld [smem:$0x3FD0];
	(tm) =	ssettm $0x1  }
0x91: {  	s18 =	sld [smem:$0x3FFB];
	_ =	sdelay $0x3  }
0x92: {  	_ =	strace s18  }
0x93: {  	s3 =	sld [smem:$0x3FFC];
	_ =	sdelay $0x3  }
0x94: {  	_ =	strace s3  }
0x95: {  	s3 =	sld [smem:$0x3FFD];
	_ =	sdelay $0x3  }
0x96: {  	_ =	strace s3  }
0x97: {  	_ =	strace $0x8FFFFFFF  }
0x98: {  	s19 =	sld [smem:$0x3FDB];
	_ =	sdelay $0x1  }
0x99: {  	s4 =	simm.s32 $_scs_section_size  }
0x9a: {  	s5 =	simm.s32 $_size__tile_overlayer_lowered;
	s6 =	simm.s32 $_tile_overlayer_lowered  }
0x9b: {  	s22 =	simm.s32 $0x1BFF;
	s21 =	sshll.u32 s6, $0x1;
	s3 =	sadd.s32 s4, s19  }
0x9c: {  	s7 =	simm.s32 $0x0;
	s20 =	sshll.u32 s5, $0x1;
	s5 =	sadd.s32 s21, s3  }
0x9d: {  	[timem:s7], [sflag:s22] =	dma.local [hbm:s5], s20  }
0x9e: {  	_ =	swait.ge [sflag:s22], s20  }
0x9f: {  	s4 =	ssub.s32 $0x0, s20;
	[sflag:s22] =	ssyncset.done $0x0  }
0xa0: {  	[sflag:s22] =	ssyncadd.s32 s4;
	_ =	sdelay $0x1  }
0xa1: {  	s23 =	simm.s32 $0x1B8B  }
0xa2: {  	_ =	swait.ge [sflag:s23], $0x1  }
0xa3: {  	[sflag:s23] =	ssyncset.done $0x0  }
0xa4: {  	s25 =	simm.s32 $0x1B8E;
	s24 =	sld [smem:$0x3FFE];
	[sflag:s23] =	ssyncadd.s32 $0xFFFFFFFF  }
0xa5: {  	s26 =	simm.s32 $execute0_lowered;
	[smem:$0x3FD2] =	sst s25  }
0xa6: {  	s5 =	sshll.u32 s26, $0x1;
	_ =	strace $0x8000004C;
	[dreg:$0x1] =	wrdreg $0xFFFFFFFF  }
0xa7: {  	s28 =	simm.s32 $_size_execute0_lowered;
	s3 =	sadd.s32 s3, s5;
	[dreg:$0x0] =	wrdreg $0x0  }
0xa8: {  	s5 =	sshll.u32 s28, $0x1;
	[dreg:$0x2] =	wrdreg s3  }
0xa9: {  	[dreg:$0x3] =	wrdreg s5  }
0xaa: {  	[dreg:$0x4] =	wrdreg $0xC0  }
0xab: {  	_ =	task [dreg:s7], $0x5FFFF  }
0xac: {  	[dreg:$0x1] =	wrdreg $0xFFFFFFFF  }
0xad: {  	[dreg:$0x0] =	wrdreg $0x60  }
0xae: {  	[dreg:$0x2] =	wrdreg s24  }
0xaf: {  	[dreg:$0x3] =	wrdreg s2  }
0xb0: {  	[dreg:$0x4] =	wrdreg $0xB2000  }
0xb1: {  	[dreg:$0x5] =	wrdreg $0x68800  }
0xb2: {  	[dreg:$0x6] =	wrdreg $0x9  }
0xb3: {  	_ =	task.clear_ibuf [dreg:s7], $0x7FFFF;
	_ =	strace $0x9000004C  }
0xb4: {  	s29 =	simm.s32 $0x9;
	_ =	strace $0x8000004E  }
0xb5: {  	_ =	swait.ge [sflag:s29], $0x1  }
0xb6: {  	[sflag:s29] =	ssyncadd.s32 $0xFFFFFFFF  }
0xb7: {  	_ =	strace $0x9000004E  }
0xb8: {  	_ =	sfence  }
0xb9: {  	s30 =	sld [smem:$0x0];
	_ =	sdelay $0x2  }
0xba: {  	s31 =	sshll.u32 s1, $0xD;
	s1 =	sshrl.u32 s1, $0x2  }
0xbb: {  	s3 =	sand.u32 $0x4000, s31;
	s1 =	sadd.s32 s1, s30  }
0xbc: {  	s0 =	sor.u32 s3, s0;
	s1 =	sshll.u32 s1, $0x11  }
0xbd: {  	s0 =	sor.u32 s1, s0  }
0xbe: {  	s0 =	sadd.s32 $0x8F2B, s0  }
0xbf: {  	[sflag:s0] =	ssyncadd.remote.s32 $0x1  }
0xc0: {  	_ =	sfence.sel $0xFFFF  }
0xc1: {  	[dreg:$0x0] =	wrdreg $0xFFFFFFFF;
	(pc) =	sbr.abs _section_cstart, $3  }
0xc2: {  	[dreg:$0x1] =	wrdreg $0xFFFFFFFF  }
0xc3: {  	_ =	task.clear_ibuf [dreg:s7], $0x2FFFF;
	_ =	strace $0x9FFFFFFF  }
0xc4: {  	(tm) =	ssettm $0x7FFFFFFF  }
0xc5: {  	_ =	shalt  }
tec
execute0_lowered:
.L_overlay_start_1:
0x0: {  	(tag) =	ssettag $0x1  }
0x1: {  	s0 =	rddreg [dreg:$0x0]  }
0x2: {  	s1 =	rddreg [dreg:$0x1]  }
0x3: {  	s2 =	rddreg [dreg:$0x2]  }
0x4: {  	s4 =	rddreg [dreg:$0x3];
	s5 =	srdreg.scid  }
0x5: {  	s3 =	simm.s32 $0x0;
	s8 =	stileid.u32;
	s28 =	simm.s32 $0x2800  }
0x6: {  	s29 =	simm.s32 $0x3000;
	s30 =	simm.s32 $0x0;
	s5 =	sand.u32 $0x1, s5  }
0x7: {  	[smem:$0x7FF] =	sst s3;
	s21 =	sadd.s32 $0x3100, s1;
	s10 =	sadd.s32 $0x18800, s4  }
0x8: {  	s12 =	sadd.s32 $0x31000, s4;
	s17 =	sshll.u32 s8, $0x8;
	s22 =	sadd.s32 $0x6200, s1  }
0x9: {  	s6 =	sshll.u32 s5, $0xC;
	s7 =	smul.u32 $0x9300, s5;
	_ =	strace $0x8000004D  }
0xa: {  	s14 =	ssub.s32 $0x2, s5;
	s5 =	sshll.u32 s5, $0x4;
	s11 =	sadd.s32 s6, s0  }
0xb: {  	s15 =	sshrl.u32 s14, $0x1;
	s20 =	sor.u32 s8, s5;
	s5 =	sadd.s32 $0x18800, s2  }
0xc: {  	s6 =	sadd.s32 $0x31000, s2;
	s0 =	sadd.s32 s7, s0;
	s13 =	ssub.s32 s14, s15  }
0xd: {  	s14 =	smul.u32 $0x1880, s8;
	s4 =	sadd.s32 s17, s11;
	s23 =	sor.u32 $0x20, s20  }
0xe: {  	p0 =	sgt.u32 s20, $0x14;
	s0 =	sadd.s32 $0x188A00, s0;
	s19 =	smax.u32 s13, $0x1  }
0xf: {  	s15 =	sadd.s32 $0x1E00, s4;
	[dreg:$0x9] =	wrdreg s23;
	s23 =	simm.s32 $0x800  }
0x10: {  	s7 =	sadd.s32 s14, s2;
	s9 =	sadd.s32 s14, s6;
	[dreg:$0x8] =	wrdreg s19  }
0x11: {  	s31 =	sadd.s32 s14, s5;
	s16 =	sadd.s32 s14, s10;
	[dreg:$0x5] =	wrdreg s9  }
0x12: {  	s24 =	sshrl.u32 s14, $0x3;
	s18 =	sadd.s32 s14, s12;
	[dreg:$0x6] =	wrdreg s16  }
0x13: {  	s19 =	simm.s32 $0x3;
	[dreg:$0x7] =	wrdreg s18;
	s16 =	sadd.s32 $0xC5400, s4  }
0x14: {  	s18 =	simm.s32 $0x5000;
	s25 =	sadd.s32 s24, s21;
	s26 =	sadd.s32 s24, s22  }
0x15: {  	s22 =	simm.s32 $0x1000;
	s24 =	sadd.s32 s24, s0;
	[dreg:$0xa] =	wrdreg s25  }
0x16: {  	v0 =	vimm.f32 $0.0e+00;
	[dreg:$0xb] =	wrdreg s26;
	s25 =	simm.s32 $0x2000;
	s26 =	simm.s32 $0x1  }
.LBB2_1:
0x17: {  	s0 =	simm.s32 $0x40;
	s4 =	simm.s32 $0x0  }
.LBB2_2:
0x18: {  	p1 =	sne.s32 s0, $0x61C0;
	[tilespmem:s4+$0x5000] =	vst v0;
	s4 =	smov.u32 s0;
	s0 =	sadd.s32 $0x40, s0  }
.Ltmp0:
0x19: {  	(pc) =	sbr.rel @p1 .LBB2_2-.Ltmp0, $2  }
0x1a: {  	_ =	sdelay $0x2  }
0x1b: {  	s4 =	sshra.s32 s4, $0x2  }
0x1c: {  	[tilespmem:s4+$0x5000] =	vst v0  }
0x1d: {  	[spmem:s7] =	stream.linear.scatter [tilespmem:s18], [sflag:$0x3], $0x1880, $0x38;
	[tilespmem:$0xFB80] =	vst v63  }
0x1e: {  	_ =	swait.ge [sflag:s19], $0x1880  }
0x1f: {  	[sflag:s19] =	ssyncset.done $0x0  }
0x20: {  	[sflag:s19] =	ssyncadd.s32 $0xFFFFE780  }
0x21: {  	[spmem:s31] =	stream.linear.scatter [tilespmem:s18], [sflag:$0x3], $0x1880, $0x38;
	[tilespmem:$0xFB80] =	vst v63  }
0x22: {  	_ =	swait.ge [sflag:s19], $0x1880  }
0x23: {  	[sflag:s19] =	ssyncset.done $0x0  }
0x24: {  	s0 =	rddreg [dreg:$0x5];
	[sflag:s19] =	ssyncadd.s32 $0xFFFFE780  }
0x25: {  	[spmem:s0] =	stream.linear.scatter [tilespmem:s18], [sflag:$0x3], $0x1880, $0x38;
	[tilespmem:$0xFB80] =	vst v63  }
0x26: {  	_ =	swait.ge [sflag:s19], $0x1880  }
0x27: {  	s9 =	smov.u32 s7;
	[sflag:s19] =	ssyncset.done $0x0  }
0x28: {  	s21 =	simm.s32 $0x0;
	s7 =	rddreg [dreg:$0xa];
	[sflag:s19] =	ssyncadd.s32 $0xFFFFE780  }
0x29: {  	[tilespmem:s18], [sflag:$0x3] =	stream.linear.gather [hbm4b:s7+s21], $0x1880, $0x38;
	[tilespmem:$0xFB80] =	vst v63  }
0x2a: {  	_ =	swait.ge [sflag:s19], $0x1880  }
0x2b: {  	[sflag:s19] =	ssyncset.done $0x0  }
0x2c: {  	s8 =	rddreg [dreg:$0x6];
	[sflag:s19] =	ssyncadd.s32 $0xFFFFE780  }
0x2d: {  	[spmem:s8] =	stream.linear.scatter [tilespmem:s18], [sflag:$0x3], $0x1880, $0x38;
	[tilespmem:$0xFB80] =	vst v63  }
0x2e: {  	_ =	swait.ge [sflag:s19], $0x1880  }
0x2f: {  	[sflag:s19] =	ssyncset.done $0x0  }
0x30: {  	s11 =	rddreg [dreg:$0xb];
	[sflag:s19] =	ssyncadd.s32 $0xFFFFE780  }
0x31: {  	[tilespmem:s18], [sflag:$0x3] =	stream.linear.gather [hbm4b:s11+s21], $0x1880, $0x38;
	[tilespmem:$0xFB80] =	vst v63  }
0x32: {  	_ =	swait.ge [sflag:s19], $0x1880  }
0x33: {  	[sflag:s19] =	ssyncset.done $0x0  }
0x34: {  	s13 =	rddreg [dreg:$0x7];
	[sflag:s19] =	ssyncadd.s32 $0xFFFFE780  }
0x35: {  	[spmem:s13] =	stream.linear.scatter [tilespmem:s18], [sflag:$0x3], $0x1880, $0x38;
	[tilespmem:$0xFB80] =	vst v63  }
0x36: {  	_ =	swait.ge [sflag:s19], $0x1880  }
0x37: {  	[sflag:s19] =	ssyncset.done $0x0  }
0x38: {  	p1 =	por $0x1, $0x1;
	[sflag:s19] =	ssyncadd.s32 $0xFFFFE780  }
0x39: {  	s0 =	simm.s32 @!p1 $0x2;
	[bflag:$0x0] =	sbarrier.arrive $0xFFFF  }
0x3a: {  	_ =	swait.ge @!p1 [sflag:s0], $0x800  }
0x3b: {  	s4 =	simm.s32 @!p1 $0x3;
	[sflag:s0] =	ssyncset.done @!p1 $0x0  }
0x3c: {  	s11 =	simm.s32 @!p1 $0x800;
	s13 =	simm.s32 @!p1 $0x4000;
	[sflag:s0] =	ssyncadd.s32 @!p1 $0xFFFFF800  }
0x3d: {  	[tilespmem:s13], [sflag:$0x3] =	stream.indirect.gather @!p1 [spmem:s10], $0x1, s11, s11, $0xb8;
	[tilespmem:$0xFB80] =	vst v63  }
0x3e: {  	_ =	swait.ge @!p1 [sflag:s4], $0x800  }
0x3f: {  	[sflag:s4] =	ssyncset.done @!p1 $0x0  }
0x40: {  	s0 =	simm.s32 @!p1 $0x4800;
	[sflag:s4] =	ssyncadd.s32 @!p1 $0xFFFFF800  }
0x41: {  	[tilespmem:s0], [sflag:$0x3] =	stream.indirect.gather @!p1 [spmem:s12], $0x1, s11, s11, $0xb8;
	[tilespmem:$0xFB80] =	vst v63  }
0x42: {  	_ =	swait.ge @!p1 [sflag:s4], $0x800  }
0x43: {  	[sflag:s4] =	ssyncset.done @!p1 $0x0  }
0x44: {  	s14 =	simm.s32 @!p1 $0x1800;
	s20 =	simm.s32 @!p1 $0x3800;
	[sflag:s4] =	ssyncadd.s32 @!p1 $0xFFFFF800  }
0x45: {  	[spmem:s2] =	stream.indirect.scatter.add.f32 @!p1 [tilespmem:s20], [sflag:$0x3], $0x1, s14, s11, $0xb8;
	[tilespmem:$0xFB80] =	vst v63  }
0x46: {  	_ =	swait.ge @!p1 [sflag:s4], $0x800  }
0x47: {  	[sflag:s4] =	ssyncset.done @!p1 $0x0  }
0x48: {  	[sflag:s4] =	ssyncadd.s32 @!p1 $0xFFFFF800  }
0x49: {  	[spmem:s5] =	stream.indirect.scatter.add.f32 @!p1 [tilespmem:s13], [sflag:$0x3], $0x1, s14, s11, $0xb8;
	[tilespmem:$0xFB80] =	vst v63  }
0x4a: {  	_ =	swait.ge @!p1 [sflag:s4], $0x800  }
0x4b: {  	[sflag:s4] =	ssyncset.done @!p1 $0x0  }
0x4c: {  	[sflag:s4] =	ssyncadd.s32 @!p1 $0xFFFFF800  }
0x4d: {  	[spmem:s6] =	stream.indirect.scatter.add.f32 @!p1 [tilespmem:s0], [sflag:$0x3], $0x1, s14, s11, $0xb8;
	[tilespmem:$0xFB80] =	vst v63  }
0x4e: {  	_ =	swait.ge @!p1 [sflag:s4], $0x800  }
0x4f: {  	[sflag:s4] =	ssyncset.done @!p1 $0x0  }
0x50: {  	s14 =	sadd.s32 $0x0, s16;
	[sflag:s4] =	ssyncadd.s32 @!p1 $0xFFFFF800  }
0x51: {  	[tilespmem:s3], [sflag:$0x3] =	stream.linear.gather [hbm4b:s14+s3], $0x800, $0x38;
	[tilespmem:$0xFB80] =	vst v63  }
0x52: {  	_ =	swait.ge [sflag:s19], $0x800  }
0x53: {  	[sflag:s19] =	ssyncset.done $0x0  }
0x54: {  	s20 =	sadd.s32 $0x0, s15;
	[sflag:s19] =	ssyncadd.s32 $0xFFFFF800  }
0x55: {  	[tilespmem:s22], [sflag:$0x3] =	stream.linear.gather [hbm4b:s20+s3], $0x800, $0x38;
	[tilespmem:$0xFB80] =	vst v63  }
0x56: {  	_ =	swait.ge [sflag:s19], $0x800  }
0x57: {  	[sflag:s19] =	ssyncset.done $0x0  }
0x58: {  	[sflag:s19] =	ssyncadd.s32 $0xFFFFF800  }
0x59: {  	[tilespmem:s25], [sflag:$0x1] =	stream.indirect.gather [hbm4b:s1+s23], $0x1, s3, s23, $0xb8;
	[tilespmem:$0xFB80] =	vst v63  }
0x5a: {  	_ =	swait.ge [sflag:s26], $0x800  }
0x5b: {  	[sflag:s26] =	ssyncset.done $0x0  }
0x5c: {  	[sflag:s26] =	ssyncadd.s32 $0xFFFFF800  }
0x5d: {  	[tilespmem:s28], [sflag:$0x3] =	stream.indirect.gather [spmem:s10], $0x1, s3, s23, $0xb8;
	[tilespmem:$0xFB80] =	vst v63  }
0x5e: {  	_ =	swait.ge [sflag:s19], $0x800  }
0x5f: {  	[sflag:s19] =	ssyncset.done $0x0  }
0x60: {  	[sflag:s19] =	ssyncadd.s32 $0xFFFFF800  }
0x61: {  	[tilespmem:s29], [sflag:$0x3] =	stream.indirect.gather [spmem:s12], $0x1, s3, s23, $0xb8;
	[tilespmem:$0xFB80] =	vst v63  }
0x62: {  	_ =	swait.ge [sflag:s19], $0x800  }
0x63: {  	[sflag:s19] =	ssyncset.done $0x0  }
0x64: {  	[sflag:s19] =	ssyncadd.s32 $0xFFFFF800  }
0x65: {  	[spmem:s2] =	stream.indirect.scatter.add.f32 [tilespmem:s25], [sflag:$0x3], $0x1, s22, s23, $0xb8;
	[tilespmem:$0xFB80] =	vst v63  }
0x66: {  	_ =	swait.ge [sflag:s19], $0x800  }
0x67: {  	[sflag:s19] =	ssyncset.done $0x0  }
0x68: {  	[sflag:s19] =	ssyncadd.s32 $0xFFFFF800  }
0x69: {  	[spmem:s5] =	stream.indirect.scatter.add.f32 [tilespmem:s28], [sflag:$0x3], $0x1, s22, s23, $0xb8;
	[tilespmem:$0xFB80] =	vst v63  }
0x6a: {  	_ =	swait.ge [sflag:s19], $0x800  }
0x6b: {  	[sflag:s19] =	ssyncset.done $0x0;
	s21 =	rddreg [dreg:$0x9]  }
0x6c: {  	[sflag:s19] =	ssyncadd.s32 $0xFFFFF800;
	p3 =	sgt.u32 s21, $0xC34  }
0x6d: {  	[spmem:s6] =	stream.indirect.scatter.add.f32 [tilespmem:s29], [sflag:$0x3], $0x1, s22, s23, $0xb8;
	[tilespmem:$0xFB80] =	vst v63  }
0x6e: {  	s17 =	smov.u32 s31;
	s0 =	sadd.s32 @!p3 $0x0, s16;
	_ =	swait.ge [sflag:s19], $0x800  }
0x6f: {  	s4 =	simm.s32 @!p3 $0x0;
	s13 =	simm.s32 @!p3 $0x800;
	[sflag:s19] =	ssyncset.done $0x0  }
0x70: {  	s14 =	simm.s32 @!p3 $0x3;
	s0 =	sadd.s32 @!p3 $0x2000, s0;
	[sflag:s19] =	ssyncadd.s32 $0xFFFFF800  }
0x71: {  	[tilespmem:s13], [sflag:$0x3] =	stream.linear.gather @!p3 [hbm4b:s0+s4], $0x800, $0x38;
	[tilespmem:$0xFB80] =	vst v63  }
0x72: {  	p2 =	por $0x0, $0x0;
	s31 =	simm.s32 $0x4000;
	_ =	swait.ge @!p3 [sflag:s14], $0x800  }
0x73: {  	s11 =	simm.s32 @!p3 $0x1800;
	s0 =	sadd.s32 @!p3 $0x0, s15;
	[sflag:s14] =	ssyncset.done @!p3 $0x0  }
0x74: {  	s20 =	simm.s32 @!p3 $0x3800;
	s0 =	sadd.s32 @!p3 $0x2000, s0;
	[sflag:s14] =	ssyncadd.s32 @!p3 $0xFFFFF800  }
0x75: {  	[tilespmem:s11], [sflag:$0x3] =	stream.linear.gather @!p3 [hbm4b:s0+s4], $0x800, $0x38;
	[tilespmem:$0xFB80] =	vst v63  }
0x76: {  	s4 =	simm.s32 $0x8000;
	s0 =	sadd.s32 $0x40, s21;
	_ =	swait.ge @!p3 [sflag:s14], $0x800  }
.LBB2_4:
0x77: {  	s21 =	simm.s32 @!p2 $0x2  }
0x78: {  	[sflag:s14] =	ssyncset.done @!p3 $0x0;
	s11 =	smov.u32 s4;
	s4 =	sadd.s32 $0x4000, s4  }
0x79: {  	p1 =	sne.s32 s4, $0xC4000;
	[sflag:s14] =	ssyncadd.s32 @!p3 $0xFFFFF800  }
0x7a: {  	[tilespmem:s20], [sflag:$0x2] =	stream.indirect.gather @!p3 [hbm4b:s1+s13], $0x1, s13, s13, $0xb8;
	[tilespmem:$0xFB80] =	vst v63  }
0x7b: {  	s13 =	simm.s32 @!p2 $0x3;
	_ =	swait.ge @!p2 [sflag:s21], $0x800  }
0x7c: {  	s14 =	simm.s32 @!p2 $0x800;
	s20 =	simm.s32 @!p2 $0x4000;
	[sflag:s21] =	ssyncset.done @!p2 $0x0  }
0x7d: {  	[sflag:s21] =	ssyncadd.s32 @!p2 $0xFFFFF800  }
0x7e: {  	[tilespmem:s20], [sflag:$0x3] =	stream.indirect.gather @!p2 [spmem:s10], $0x1, s14, s14, $0xb8;
	[tilespmem:$0xFB80] =	vst v63  }
0x7f: {  	_ =	swait.ge @!p2 [sflag:s13], $0x800  }
0x80: {  	s21 =	simm.s32 @!p2 $0x4800;
	[sflag:s13] =	ssyncset.done @!p2 $0x0  }
0x81: {  	[sflag:s13] =	ssyncadd.s32 @!p2 $0xFFFFF800  }
0x82: {  	[tilespmem:s21], [sflag:$0x3] =	stream.indirect.gather @!p2 [spmem:s12], $0x1, s14, s14, $0xb8;
	[tilespmem:$0xFB80] =	vst v63  }
0x83: {  	_ =	swait.ge @!p2 [sflag:s13], $0x800  }
0x84: {  	s7 =	simm.s32 @!p2 $0x1800;
	s8 =	simm.s32 @!p2 $0x3800;
	[sflag:s13] =	ssyncset.done @!p2 $0x0  }
0x85: {  	[sflag:s13] =	ssyncadd.s32 @!p2 $0xFFFFF800  }
0x86: {  	[spmem:s2] =	stream.indirect.scatter.add.f32 @!p2 [tilespmem:s8], [sflag:$0x3], $0x1, s7, s14, $0xb8;
	[tilespmem:$0xFB80] =	vst v63  }
0x87: {  	_ =	swait.ge @!p2 [sflag:s13], $0x800  }
0x88: {  	[sflag:s13] =	ssyncset.done @!p2 $0x0  }
0x89: {  	[sflag:s13] =	ssyncadd.s32 @!p2 $0xFFFFF800  }
0x8a: {  	[spmem:s5] =	stream.indirect.scatter.add.f32 @!p2 [tilespmem:s20], [sflag:$0x3], $0x1, s7, s14, $0xb8;
	[tilespmem:$0xFB80] =	vst v63  }
0x8b: {  	_ =	swait.ge @!p2 [sflag:s13], $0x800  }
0x8c: {  	[sflag:s13] =	ssyncset.done @!p2 $0x0  }
0x8d: {  	[sflag:s13] =	ssyncadd.s32 @!p2 $0xFFFFF800  }
0x8e: {  	[spmem:s6] =	stream.indirect.scatter.add.f32 @!p2 [tilespmem:s21], [sflag:$0x3], $0x1, s7, s14, $0xb8;
	[tilespmem:$0xFB80] =	vst v63  }
0x8f: {  	_ =	swait.ge @!p2 [sflag:s13], $0x800  }
0x90: {  	s7 =	sadd.s32 s31, s16;
	[sflag:s13] =	ssyncset.done @!p2 $0x0  }
0x91: {  	[sflag:s13] =	ssyncadd.s32 @!p2 $0xFFFFF800  }
0x92: {  	[tilespmem:s3], [sflag:$0x3] =	stream.linear.gather [hbm4b:s7+s3], $0x800, $0x38;
	[tilespmem:$0xFB80] =	vst v63  }
0x93: {  	_ =	swait.ge [sflag:s19], $0x800  }
0x94: {  	s7 =	sadd.s32 s31, s15;
	[sflag:s19] =	ssyncset.done $0x0  }
0x95: {  	[sflag:s19] =	ssyncadd.s32 $0xFFFFF800  }
0x96: {  	[tilespmem:s22], [sflag:$0x3] =	stream.linear.gather [hbm4b:s7+s3], $0x800, $0x38;
	[tilespmem:$0xFB80] =	vst v63  }
0x97: {  	_ =	swait.ge [sflag:s19], $0x800  }
0x98: {  	[sflag:s19] =	ssyncset.done $0x0  }
0x99: {  	[sflag:s19] =	ssyncadd.s32 $0xFFFFF800  }
0x9a: {  	[tilespmem:s25], [sflag:$0x1] =	stream.indirect.gather [hbm4b:s1+s23], $0x1, s3, s23, $0xb8;
	[tilespmem:$0xFB80] =	vst v63  }
0x9b: {  	_ =	swait.ge [sflag:s26], $0x800  }
0x9c: {  	[sflag:s26] =	ssyncset.done $0x0  }
0x9d: {  	[sflag:s26] =	ssyncadd.s32 $0xFFFFF800  }
0x9e: {  	[tilespmem:s28], [sflag:$0x3] =	stream.indirect.gather [spmem:s10], $0x1, s3, s23, $0xb8;
	[tilespmem:$0xFB80] =	vst v63  }
0x9f: {  	_ =	swait.ge [sflag:s19], $0x800  }
0xa0: {  	[sflag:s19] =	ssyncset.done $0x0  }
0xa1: {  	[sflag:s19] =	ssyncadd.s32 $0xFFFFF800  }
0xa2: {  	[tilespmem:s29], [sflag:$0x3] =	stream.indirect.gather [spmem:s12], $0x1, s3, s23, $0xb8;
	[tilespmem:$0xFB80] =	vst v63  }
0xa3: {  	_ =	swait.ge [sflag:s19], $0x800  }
0xa4: {  	[sflag:s19] =	ssyncset.done $0x0  }
0xa5: {  	[sflag:s19] =	ssyncadd.s32 $0xFFFFF800  }
0xa6: {  	[spmem:s2] =	stream.indirect.scatter.add.f32 [tilespmem:s25], [sflag:$0x3], $0x1, s22, s23, $0xb8;
	[tilespmem:$0xFB80] =	vst v63  }
0xa7: {  	_ =	swait.ge [sflag:s19], $0x800  }
0xa8: {  	[sflag:s19] =	ssyncset.done $0x0  }
0xa9: {  	[sflag:s19] =	ssyncadd.s32 $0xFFFFF800  }
0xaa: {  	[spmem:s5] =	stream.indirect.scatter.add.f32 [tilespmem:s28], [sflag:$0x3], $0x1, s22, s23, $0xb8;
	[tilespmem:$0xFB80] =	vst v63  }
0xab: {  	_ =	swait.ge [sflag:s19], $0x800  }
0xac: {  	[sflag:s19] =	ssyncset.done $0x0  }
0xad: {  	p3 =	sgt.u32 s0, $0xC34;
	[sflag:s19] =	ssyncadd.s32 $0xFFFFF800  }
0xae: {  	[spmem:s6] =	stream.indirect.scatter.add.f32 [tilespmem:s29], [sflag:$0x3], $0x1, s22, s23, $0xb8;
	[tilespmem:$0xFB80] =	vst v63  }
0xaf: {  	s8 =	simm.s32 @!p3 $0x0;
	s7 =	sadd.s32 @!p3 s31, s16;
	_ =	swait.ge [sflag:s19], $0x800  }
0xb0: {  	s13 =	simm.s32 @!p3 $0x800;
	s7 =	sadd.s32 @!p3 $0x2000, s7;
	[sflag:s19] =	ssyncset.done $0x0  }
0xb1: {  	s20 =	sadd.s32 @!p3 s31, s15;
	s14 =	simm.s32 @!p3 $0x3;
	[sflag:s19] =	ssyncadd.s32 $0xFFFFF800  }
0xb2: {  	[tilespmem:s13], [sflag:$0x3] =	stream.linear.gather @!p3 [hbm4b:s7+s8], $0x800, $0x38;
	[tilespmem:$0xFB80] =	vst v63  }
.Ltmp1:
0xb3: {  	s7 =	sadd.s32 @!p3 $0x2000, s20;
	_ =	swait.ge @!p3 [sflag:s14], $0x800;
	(pc) =	sbr.rel @p1 .LBB2_4-.Ltmp1, $4  }
0xb4: {  	s21 =	simm.s32 @!p3 $0x1800;
	s20 =	simm.s32 @!p3 $0x3800;
	[sflag:s14] =	ssyncset.done @!p3 $0x0  }
0xb5: {  	s31 =	smov.u32 s11;
	[sflag:s14] =	ssyncadd.s32 @!p3 $0xFFFFF800  }
0xb6: {  	[tilespmem:s21], [sflag:$0x3] =	stream.linear.gather @!p3 [hbm4b:s7+s8], $0x800, $0x38;
	[tilespmem:$0xFB80] =	vst v63  }
0xb7: {  	s0 =	sadd.s32 $0x40, s0;
	p2 =	seq.s32 s31, $0x0;
	_ =	swait.ge @!p3 [sflag:s14], $0x800  }
0xb8: {  	[sflag:s14] =	ssyncset.done @!p3 $0x0  }
0xb9: {  	s4 =	simm.s32 @!p2 $0x2;
	[sflag:s14] =	ssyncadd.s32 @!p3 $0xFFFFF800  }
0xba: {  	[tilespmem:s20], [sflag:$0x2] =	stream.indirect.gather @!p3 [hbm4b:s1+s13], $0x1, s13, s13, $0xb8;
	[tilespmem:$0xFB80] =	vst v63  }
0xbb: {  	_ =	swait.ge @!p2 [sflag:s4], $0x800  }
0xbc: {  	s7 =	simm.s32 @!p2 $0x3;
	[sflag:s4] =	ssyncset.done @!p2 $0x0  }
0xbd: {  	s8 =	simm.s32 @!p2 $0x800;
	s11 =	simm.s32 @!p2 $0x4000;
	[sflag:s4] =	ssyncadd.s32 @!p2 $0xFFFFF800  }
0xbe: {  	[tilespmem:s11], [sflag:$0x3] =	stream.indirect.gather @!p2 [spmem:s10], $0x1, s8, s8, $0xb8;
	[tilespmem:$0xFB80] =	vst v63  }
0xbf: {  	_ =	swait.ge @!p2 [sflag:s7], $0x800  }
0xc0: {  	[sflag:s7] =	ssyncset.done @!p2 $0x0  }
0xc1: {  	s4 =	simm.s32 @!p2 $0x4800;
	[sflag:s7] =	ssyncadd.s32 @!p2 $0xFFFFF800  }
0xc2: {  	[tilespmem:s4], [sflag:$0x3] =	stream.indirect.gather @!p2 [spmem:s12], $0x1, s8, s8, $0xb8;
	[tilespmem:$0xFB80] =	vst v63  }
0xc3: {  	_ =	swait.ge @!p2 [sflag:s7], $0x800  }
0xc4: {  	[sflag:s7] =	ssyncset.done @!p2 $0x0  }
0xc5: {  	s14 =	simm.s32 @!p2 $0x3800;
	s13 =	simm.s32 @!p2 $0x1800;
	[sflag:s7] =	ssyncadd.s32 @!p2 $0xFFFFF800  }
0xc6: {  	[spmem:s2] =	stream.indirect.scatter.add.f32 @!p2 [tilespmem:s14], [sflag:$0x3], $0x1, s13, s8, $0xb8;
	[tilespmem:$0xFB80] =	vst v63  }
0xc7: {  	_ =	swait.ge @!p2 [sflag:s7], $0x800  }
0xc8: {  	[sflag:s7] =	ssyncset.done @!p2 $0x0  }
0xc9: {  	[sflag:s7] =	ssyncadd.s32 @!p2 $0xFFFFF800  }
0xca: {  	[spmem:s5] =	stream.indirect.scatter.add.f32 @!p2 [tilespmem:s11], [sflag:$0x3], $0x1, s13, s8, $0xb8;
	[tilespmem:$0xFB80] =	vst v63  }
0xcb: {  	_ =	swait.ge @!p2 [sflag:s7], $0x800  }
0xcc: {  	[sflag:s7] =	ssyncset.done @!p2 $0x0  }
0xcd: {  	[sflag:s7] =	ssyncadd.s32 @!p2 $0xFFFFF800  }
0xce: {  	[spmem:s6] =	stream.indirect.scatter.add.f32 @!p2 [tilespmem:s4], [sflag:$0x3], $0x1, s13, s8, $0xb8;
	[tilespmem:$0xFB80] =	vst v63  }
0xcf: {  	_ =	swait.ge @!p2 [sflag:s7], $0x800  }
0xd0: {  	[sflag:s7] =	ssyncset.done @!p2 $0x0  }
0xd1: {  	s11 =	sadd.s32 s31, s16;
	[sflag:s7] =	ssyncadd.s32 @!p2 $0xFFFFF800  }
0xd2: {  	[tilespmem:s3], [sflag:$0x3] =	stream.linear.gather [hbm4b:s11+s3], $0x800, $0x38;
	[tilespmem:$0xFB80] =	vst v63  }
0xd3: {  	_ =	swait.ge [sflag:s19], $0x800  }
0xd4: {  	[sflag:s19] =	ssyncset.done $0x0  }
0xd5: {  	s13 =	sadd.s32 s31, s15;
	[sflag:s19] =	ssyncadd.s32 $0xFFFFF800  }
0xd6: {  	[tilespmem:s22], [sflag:$0x3] =	stream.linear.gather [hbm4b:s13+s3], $0x800, $0x38;
	[tilespmem:$0xFB80] =	vst v63  }
0xd7: {  	_ =	swait.ge [sflag:s19], $0x800  }
0xd8: {  	[sflag:s19] =	ssyncset.done $0x0  }
0xd9: {  	[sflag:s19] =	ssyncadd.s32 $0xFFFFF800  }
0xda: {  	[tilespmem:s25], [sflag:$0x1] =	stream.indirect.gather [hbm4b:s1+s23], $0x1, s3, s23, $0xb8;
	[tilespmem:$0xFB80] =	vst v63  }
0xdb: {  	_ =	swait.ge [sflag:s26], $0x800  }
0xdc: {  	[sflag:s26] =	ssyncset.done $0x0  }
0xdd: {  	[sflag:s26] =	ssyncadd.s32 $0xFFFFF800  }
0xde: {  	[tilespmem:s28], [sflag:$0x3] =	stream.indirect.gather [spmem:s10], $0x1, s3, s23, $0xb8;
	[tilespmem:$0xFB80] =	vst v63  }
0xdf: {  	_ =	swait.ge [sflag:s19], $0x800  }
0xe0: {  	[sflag:s19] =	ssyncset.done $0x0  }
0xe1: {  	[sflag:s19] =	ssyncadd.s32 $0xFFFFF800  }
0xe2: {  	[tilespmem:s29], [sflag:$0x3] =	stream.indirect.gather [spmem:s12], $0x1, s3, s23, $0xb8;
	[tilespmem:$0xFB80] =	vst v63  }
0xe3: {  	_ =	swait.ge [sflag:s19], $0x800  }
0xe4: {  	[sflag:s19] =	ssyncset.done $0x0  }
0xe5: {  	[sflag:s19] =	ssyncadd.s32 $0xFFFFF800  }
0xe6: {  	[spmem:s2] =	stream.indirect.scatter.add.f32 [tilespmem:s25], [sflag:$0x3], $0x1, s22, s23, $0xb8;
	[tilespmem:$0xFB80] =	vst v63  }
0xe7: {  	_ =	swait.ge [sflag:s19], $0x800  }
0xe8: {  	[sflag:s19] =	ssyncset.done $0x0  }
0xe9: {  	[sflag:s19] =	ssyncadd.s32 $0xFFFFF800  }
0xea: {  	[spmem:s5] =	stream.indirect.scatter.add.f32 [tilespmem:s28], [sflag:$0x3], $0x1, s22, s23, $0xb8;
	[tilespmem:$0xFB80] =	vst v63  }
0xeb: {  	_ =	swait.ge [sflag:s19], $0x800  }
0xec: {  	[sflag:s19] =	ssyncset.done $0x0  }
0xed: {  	p1 =	sgt.u32 s0, $0xC34;
	[sflag:s19] =	ssyncadd.s32 $0xFFFFF800  }
0xee: {  	[spmem:s6] =	stream.indirect.scatter.add.f32 [tilespmem:s29], [sflag:$0x3], $0x1, s22, s23, $0xb8;
	[tilespmem:$0xFB80] =	vst v63  }
0xef: {  	s0 =	sadd.s32 @!p1 s31, s16;
	_ =	swait.ge [sflag:s19], $0x800  }
0xf0: {  	s0 =	sadd.s32 @!p1 $0x2000, s0;
	s4 =	simm.s32 @!p1 $0x0;
	[sflag:s19] =	ssyncset.done $0x0  }
0xf1: {  	s8 =	simm.s32 @!p1 $0x3;
	s7 =	simm.s32 @!p1 $0x800;
	[sflag:s19] =	ssyncadd.s32 $0xFFFFF800  }
0xf2: {  	[tilespmem:s7], [sflag:$0x3] =	stream.linear.gather @!p1 [hbm4b:s0+s4], $0x800, $0x38;
	[tilespmem:$0xFB80] =	vst v63  }
0xf3: {  	_ =	swait.ge @!p1 [sflag:s8], $0x800  }
0xf4: {  	s0 =	sadd.s32 @!p1 s31, s15;
	[sflag:s8] =	ssyncset.done @!p1 $0x0  }
0xf5: {  	s11 =	simm.s32 @!p1 $0x1800;
	s0 =	sadd.s32 @!p1 $0x2000, s0;
	[sflag:s8] =	ssyncadd.s32 @!p1 $0xFFFFF800  }
0xf6: {  	[tilespmem:s11], [sflag:$0x3] =	stream.linear.gather @!p1 [hbm4b:s0+s4], $0x800, $0x38;
	[tilespmem:$0xFB80] =	vst v63  }
0xf7: {  	_ =	swait.ge @!p1 [sflag:s8], $0x800  }
0xf8: {  	[sflag:s8] =	ssyncset.done @!p1 $0x0  }
0xf9: {  	s0 =	simm.s32 @!p1 $0x3800;
	[sflag:s8] =	ssyncadd.s32 @!p1 $0xFFFFF800  }
0xfa: {  	[tilespmem:s0], [sflag:$0x2] =	stream.indirect.gather @!p1 [hbm4b:s1+s7], $0x1, s7, s7, $0xb8;
	[tilespmem:$0xFB80] =	vst v63  }
0xfb: {  	s0 =	simm.s32 @!p0 $0x2  }
0xfc: {  	_ =	swait.ge @!p0 [sflag:s0], $0x800  }
0xfd: {  	s4 =	simm.s32 @!p0 $0x4000;
	[sflag:s0] =	ssyncset.done @!p0 $0x0  }
0xfe: {  	s7 =	simm.s32 @!p0 $0x3;
	[sflag:s0] =	ssyncadd.s32 @!p0 $0xFFFFF800;
	s0 =	simm.s32 @!p0 $0x800  }
0xff: {  	[tilespmem:s4], [sflag:$0x3] =	stream.indirect.gather @!p0 [spmem:s10], $0x1, s0, s0, $0xb8;
	[tilespmem:$0xFB80] =	vst v63  }
0x100: {  	_ =	swait.ge @!p0 [sflag:s7], $0x800  }
0x101: {  	[sflag:s7] =	ssyncset.done @!p0 $0x0  }
0x102: {  	s8 =	simm.s32 @!p0 $0x4800;
	[sflag:s7] =	ssyncadd.s32 @!p0 $0xFFFFF800  }
0x103: {  	[tilespmem:s8], [sflag:$0x3] =	stream.indirect.gather @!p0 [spmem:s12], $0x1, s0, s0, $0xb8;
	[tilespmem:$0xFB80] =	vst v63  }
0x104: {  	_ =	swait.ge @!p0 [sflag:s7], $0x800  }
0x105: {  	[sflag:s7] =	ssyncset.done @!p0 $0x0  }
0x106: {  	s13 =	simm.s32 @!p0 $0x3800;
	s11 =	simm.s32 @!p0 $0x1800;
	[sflag:s7] =	ssyncadd.s32 @!p0 $0xFFFFF800  }
0x107: {  	[spmem:s2] =	stream.indirect.scatter.add.f32 @!p0 [tilespmem:s13], [sflag:$0x3], $0x1, s11, s0, $0xb8;
	[tilespmem:$0xFB80] =	vst v63  }
0x108: {  	_ =	swait.ge @!p0 [sflag:s7], $0x800  }
0x109: {  	[sflag:s7] =	ssyncset.done @!p0 $0x0  }
0x10a: {  	[sflag:s7] =	ssyncadd.s32 @!p0 $0xFFFFF800  }
0x10b: {  	[spmem:s5] =	stream.indirect.scatter.add.f32 @!p0 [tilespmem:s4], [sflag:$0x3], $0x1, s11, s0, $0xb8;
	[tilespmem:$0xFB80] =	vst v63  }
0x10c: {  	_ =	swait.ge @!p0 [sflag:s7], $0x800  }
0x10d: {  	[sflag:s7] =	ssyncset.done @!p0 $0x0  }
0x10e: {  	[sflag:s7] =	ssyncadd.s32 @!p0 $0xFFFFF800  }
0x10f: {  	[spmem:s6] =	stream.indirect.scatter.add.f32 @!p0 [tilespmem:s8], [sflag:$0x3], $0x1, s11, s0, $0xb8;
	[tilespmem:$0xFB80] =	vst v63  }
0x110: {  	_ =	swait.ge @!p0 [sflag:s7], $0x800  }
0x111: {  	[sflag:s7] =	ssyncset.done @!p0 $0x0  }
0x112: {  	[sflag:s7] =	ssyncadd.s32 @!p0 $0xFFFFF800  }
0x113: {  	[bflag:$0x0] =	sbarrier.arrive $0xFFFF  }
0x114: {  	[tilespmem:s18], [sflag:$0x3] =	stream.linear.gather [spmem:s9], $0x1880, $0x38;
	[tilespmem:$0xFB80] =	vst v63  }
0x115: {  	_ =	swait.ge [sflag:s19], $0x1880  }
0x116: {  	[sflag:s19] =	ssyncset.done $0x0  }
0x117: {  	[sflag:s19] =	ssyncadd.s32 $0xFFFFE780  }
0x118: {  	[hbm4b:s24+s3] =	stream.linear.scatter [tilespmem:s18], [sflag:$0x3], $0x1880, $0x38;
	[tilespmem:$0xFB80] =	vst v63  }
0x119: {  	_ =	swait.ge [sflag:s19], $0x1880  }
0x11a: {  	[sflag:s19] =	ssyncset.done $0x0  }
0x11b: {  	[sflag:s19] =	ssyncadd.s32 $0xFFFFE780  }
0x11c: {  	[tilespmem:s18], [sflag:$0x3] =	stream.linear.gather [spmem:s17], $0x1880, $0x38;
	[tilespmem:$0xFB80] =	vst v63  }
0x11d: {  	_ =	swait.ge [sflag:s19], $0x1880  }
0x11e: {  	[sflag:s19] =	ssyncset.done $0x0  }
0x11f: {  	s14 =	sadd.s32 $0x3100, s24;
	[sflag:s19] =	ssyncadd.s32 $0xFFFFE780  }
0x120: {  	[hbm4b:s14+s3] =	stream.linear.scatter [tilespmem:s18], [sflag:$0x3], $0x1880, $0x38;
	[tilespmem:$0xFB80] =	vst v63  }
0x121: {  	_ =	swait.ge [sflag:s19], $0x1880  }
0x122: {  	[sflag:s19] =	ssyncset.done $0x0  }
0x123: {  	s31 =	smov.u32 s17;
	s17 =	rddreg [dreg:$0x5];
	[sflag:s19] =	ssyncadd.s32 $0xFFFFE780  }
0x124: {  	[tilespmem:s18], [sflag:$0x3] =	stream.linear.gather [spmem:s17], $0x1880, $0x38;
	[tilespmem:$0xFB80] =	vst v63  }
0x125: {  	_ =	swait.ge [sflag:s19], $0x1880  }
0x126: {  	[sflag:s19] =	ssyncset.done $0x0  }
0x127: {  	s20 =	sadd.s32 $0x6200, s24;
	[sflag:s19] =	ssyncadd.s32 $0xFFFFE780  }
0x128: {  	[hbm4b:s20+s3] =	stream.linear.scatter [tilespmem:s18], [sflag:$0x3], $0x1880, $0x38;
	[tilespmem:$0xFB80] =	vst v63  }
0x129: {  	_ =	swait.ge [sflag:s19], $0x1880  }
0x12a: {  	s30 =	sadd.s32 $0x1, s30;
	s21 =	rddreg [dreg:$0x8]  }
0x12b: {  	p1 =	sne.s32 s30, s21  }
.Ltmp2:
0x12c: {  	_ = 	snop;
	(pc) =	sbr.rel @p1 .LBB2_1-.Ltmp2, $3  }
0x12d: {  	_ =	sdelay $0x1  }
0x12e: {  	[sflag:s19] =	ssyncset.done $0x0  }
0x12f: {  	s7 =	smov.u32 s9;
	[sflag:s19] =	ssyncadd.s32 $0xFFFFE780  }
0x130: {  	_ =	sfence.sel $0x180000  }
0x131: {  	[bflag:$0x0] =	sbarrier.arrive $0xFFFF  }
0x132: {  	_ =	strace $0x9000004D  }
0x133: {  	s0 =	stileid.u32;
	[bflag:$0x2] =	sbarrier.arrive $0xFFFF  }
0x134: {  	p0 =	sne.s32 s0, $0x0;
	s0 =	rddreg [dreg:$0x4]  }
0x135: {  	s0 =	sadd.s32 @!p0 $0x100000, s0  }
0x136: {  	[sflag:s0] =	ssyncadd.tile.s32 @!p0 $0x1;
	_ =	shalt  }
.Lfunc_end2:
_tile_overlayer_lowered:
.L_overlay_start_2:
0x137: {  	(tag) =	ssettag $0x2  }
0x138: {  	s0 =	rddreg [dreg:$0x0];
	s2 =	stileid.u32  }
0x139: {  	s1 =	rddreg [dreg:$0x1];
	p0 =	sne.s32 s2, $0x0  }
0x13a: {  	s3 =	rddreg [dreg:$0x2];
	[bflag:$0x3] =	sbarrier.arrive $0xFFFF;
	s2 =	simm.s32 @!p0 $0x1C03  }
0x13b: {  	[timem:s3], [sflag:s2] =	dma.local @!p0 [hbm:s0], s1  }
0x13c: {  	s0 =	simm.s32 @!p0 $0x3  }
0x13d: {  	_ =	swait.ge @!p0 [sflag:s0], s1  }
0x13e: {  	s1 =	ssub.s32 @!p0 $0x0, s1;
	[sflag:s0] =	ssyncset.done @!p0 $0x0  }
0x13f: {  	[sflag:s0] =	ssyncadd.s32 @!p0 s1  }
0x140: {  	[bflag:$0x3] =	sbarrier.arrive $0xFFFF  }
0x141: {  	_ =	shalt  }

// kernel: kernel.8.cloned.1.call-start
scs
__scs_entry_jumppad:
0x0: {  	(pc) =	sbr.rel $0x88, $3  }
0x1: {  	(tag) =	ssettag $0x0;
	lr =	simm.s32 $0x1  }
0x2: {  	[smem:$0x3F9B] =	sst lr;
	_ =	strace $0xD0000000  }
0x3: {  	_ = 	snop  }
0x4: {  	_ = 	snop  }
0x5: {  	_ = 	snop  }
0x6: {  	_ = 	snop  }
0x7: {  	_ = 	snop  }
__scs_overlays_trampoline_lowered:
0x8: {  	[smem:$0x3FAA] =	sst s0  }
0x9: {  	[smem:$0x3FAB] =	sst s1  }
0xa: {  	[smem:$0x3FAC] =	sst s2  }
0xb: {  	[smem:$0x3FAD] =	sst s3  }
0xc: {  	[smem:$0x3FAE] =	sst s4  }
0xd: {  	[smem:$0x3FAF] =	sst s5  }
0xe: {  	[smem:$0x3FB0] =	sst s6  }
0xf: {  	[smem:$0x3FB1] =	sst s7  }
0x10: {  	[smem:$0x3FB2] =	sst s8  }
0x11: {  	[smem:$0x3FB3] =	sst s9;
	s0 =	simm.s32 @!p0 $0x0  }
0x12: {  	s1 =	sld [smem:$0x3F99];
	s0 =	simm.s32 @p0 $0x1  }
0x13: {  	[smem:$0x3FB4] =	sst s0;
	s0 =	simm.s32 @!p1 $0x0  }
0x14: {  	s2 =	sld [smem:$0x3F98];
	s0 =	simm.s32 @p1 $0x1  }
0x15: {  	[smem:$0x3FB5] =	sst s0;
	s0 =	simm.s32 @!p2 $0x0  }
0x16: {  	s3 =	sld [smem:$0x3FDB];
	s0 =	simm.s32 @p2 $0x1  }
0x17: {  	s4 =	simm.s32 $0x1BF5;
	[smem:$0x3FB7] =	sst s0  }
0x18: {  	s0 =	sld [smem:$0x3F9A];
	_ =	swait.ge [sflag:s4], $0x0  }
0x19: {  	s7 =	sld [smem:$0x3F9B]  }
0x1a: {  	s8 =	sadd.s32 $0xFFFFE003, lr  }
0x1b: {  	s9 =	sadd.s32 $0xFFFFFEF7, lr;
	s5 =	simm.s32 $0xFFFFFFFF;
	p2 =	slt.u32 s8, $0xFFFFF086  }
0x1c: {  	p1 =	slt.u32 s9, $0xF7A;
	s5 =	simm.s32 @!p2 $0x0  }
0x1d: {  	s5 =	simm.s32 @p1 $0x1;
	p0 =	seq.s32 s7, s2  }
0x1e: {  	s7 =	smul.u32 @!p0 $0xF7A, s2;
	p2 =	seq.s32 @!p0 s5, $0x0  }
0x1f: {  	s9 =	smul.u32 $0xF7A, s1;
	s8 =	simm.s32 @!p0 $0x1BF5;
	p2 =	por !p2, p0  }
0x20: {  	[sflag:s8] =	ssyncset.s32 @!p0 $0xFFFFF086;
	s6 =	sadd.s32 @!p0 s3, s7;
	s7 =	simm.s32 @!p0 $0x108  }
0x21: {  	s3 =	sadd.s32 s3, s9;
	s6 =	sadd.s32 @!p0 $0x88, s6;
	s7 =	simm.s32 @p2 $0x1082  }
0x22: {  	[simem:s7], [sflag:s8] =	dma.local @!p0 [hbm:s6], $0xF7A  }
0x23: {  	s9 =	sor.u32 $0xD0000000, s2;
	s6 =	simm.s32 $0x108;
	_ =	swait.ge @!p0 [sflag:s8], $0x0  }
0x24: {  	s3 =	sadd.s32 $0x88, s3;
	s6 =	simm.s32 @!p1 $0x1082;
	[sflag:s4] =	ssyncset.s32 $0xFFFFF086  }
0x25: {  	[simem:s6], [sflag:s4] =	dma.local [hbm:s3], $0xF7A  }
0x26: {  	[smem:$0x3F9B] =	sst s1;
	(tag) =	ssettag s2;
	_ =	strace s9  }
0x27: {  	s1 =	sld [smem:$0x3FAB]  }
0x28: {  	s2 =	sld [smem:$0x3FAC]  }
0x29: {  	s4 =	sld [smem:$0x3FAE]  }
0x2a: {  	p0 =	seq.s32 s5, $0x0;
	s5 =	sld [smem:$0x3FAF]  }
0x2b: {  	s6 =	sld [smem:$0x3FB0]  }
0x2c: {  	s7 =	sld [smem:$0x3FB1]  }
0x2d: {  	s3 =	simm.s32 $0x108;
	s8 =	sld [smem:$0x3FB2]  }
0x2e: {  	s3 =	simm.s32 @!p0 $0x1082;
	s9 =	sld [smem:$0x3FB3]  }
0x2f: {  	lr =	sadd.s32 s0, s3;
	s0 =	sld [smem:$0x3FAA]  }
0x30: {  	s3 =	sld [smem:$0x3FAD]  }
0x31: {  	[smem:$0x3FB6] =	sst s10  }
0x32: {  	s10 =	sld [smem:$0x3FB4];
	_ =	sdelay $0x3  }
0x33: {  	p0 =	seq.s32 s10, $0x1;
	s10 =	sld [smem:$0x3FB6];
	_ =	sdelay $0x3  }
0x34: {  	[smem:$0x3FB6] =	sst s10  }
0x35: {  	s10 =	sld [smem:$0x3FB5];
	_ =	sdelay $0x3  }
0x36: {  	p1 =	seq.s32 s10, $0x1;
	s10 =	sld [smem:$0x3FB6];
	_ =	sdelay $0x3  }
0x37: {  	[smem:$0x3FB6] =	sst s10  }
0x38: {  	s10 =	sld [smem:$0x3FB7]  }
0x39: {  	_ = 	snop;
	(pc) =	sbr.ind lr, $3  }
0x3a: {  	_ = 	snop  }
0x3b: {  	_ = 	snop  }
0x3c: {  	p2 =	seq.s32 s10, $0x1;
	s10 =	sld [smem:$0x3FB6]  }
0x3d: {  	_ =	shalt  }
0x3e: {  	_ =	shalt  }
0x3f: {  	_ =	shalt  }
0x40: {  	_ =	shalt  }
0x41: {  	_ =	shalt  }
0x42: {  	_ =	shalt  }
0x43: {  	_ =	shalt  }
0x44: {  	_ =	shalt  }
0x45: {  	_ =	shalt  }
0x46: {  	_ =	shalt  }
0x47: {  	_ =	shalt  }
0x48: {  	_ =	shalt  }
0x49: {  	_ =	shalt  }
0x4a: {  	_ =	shalt  }
0x4b: {  	_ =	shalt  }
0x4c: {  	_ =	shalt  }
0x4d: {  	_ =	shalt  }
0x4e: {  	_ =	shalt  }
0x4f: {  	_ =	shalt  }
0x50: {  	_ =	shalt  }
0x51: {  	_ =	shalt  }
0x52: {  	_ =	shalt  }
0x53: {  	_ =	shalt  }
0x54: {  	_ =	shalt  }
0x55: {  	_ =	shalt  }
0x56: {  	_ =	shalt  }
0x57: {  	_ =	shalt  }
0x58: {  	_ =	shalt  }
0x59: {  	_ =	shalt  }
0x5a: {  	_ =	shalt  }
0x5b: {  	_ =	shalt  }
0x5c: {  	_ =	shalt  }
0x5d: {  	_ =	shalt  }
0x5e: {  	_ =	shalt  }
0x5f: {  	_ =	shalt  }
0x60: {  	_ =	shalt  }
0x61: {  	_ =	shalt  }
0x62: {  	_ =	shalt  }
0x63: {  	_ =	shalt  }
0x64: {  	_ =	shalt  }
0x65: {  	_ =	shalt  }
0x66: {  	_ =	shalt  }
0x67: {  	_ =	shalt  }
0x68: {  	_ =	shalt  }
0x69: {  	_ =	shalt  }
0x6a: {  	_ =	shalt  }
0x6b: {  	_ =	shalt  }
0x6c: {  	_ =	shalt  }
0x6d: {  	_ =	shalt  }
0x6e: {  	_ =	shalt  }
0x6f: {  	_ =	shalt  }
0x70: {  	_ =	shalt  }
0x71: {  	_ =	shalt  }
0x72: {  	_ =	shalt  }
0x73: {  	_ =	shalt  }
0x74: {  	_ =	shalt  }
0x75: {  	_ =	shalt  }
0x76: {  	_ =	shalt  }
0x77: {  	_ =	shalt  }
0x78: {  	_ =	shalt  }
0x79: {  	_ =	shalt  }
0x7a: {  	_ =	shalt  }
0x7b: {  	_ =	shalt  }
0x7c: {  	_ =	shalt  }
0x7d: {  	_ =	shalt  }
0x7e: {  	_ =	shalt  }
0x7f: {  	_ =	shalt  }
0x80: {  	_ =	shalt  }
0x81: {  	_ =	shalt  }
0x82: {  	_ =	shalt  }
0x83: {  	_ =	shalt  }
0x84: {  	_ =	shalt  }
0x85: {  	_ =	shalt  }
0x86: {  	_ =	shalt  }
0x87: {  	_ =	shalt  }
.Lfunc_end0:
.L_simem_size_0:
called_computation_lowered:
.L_overlay_start_0:
0x88: {  	s2 =	sld [smem:$0x3FD9]  }
0x89: {  	s3 =	sld [smem:$0x3FFE];
	_ =	sdelay $0x1  }
0x8a: {  	s1 =	srdreg.scid  }
0x8b: {  	s0 =	sand.u32 $0x1, s1  }
0x8c: {  	s17 =	sshll.u32 s0, $0xA;
	s2 =	sadd.s32 s3, s2  }
0x8d: {  	s2 =	sadd.s32 s2, s17  }
0x8e: {  	[smem:$0x3FC2] =	sst s2  }
0x8f: {  	_ = 	snop  }
0x90: {  	s2 =	sld [smem:$0x3FD0];
	(tm) =	ssettm $0x1  }
0x91: {  	s18 =	sld [smem:$0x3FFB];
	_ =	sdelay $0x3  }
0x92: {  	_ =	strace s18  }
0x93: {  	s3 =	sld [smem:$0x3FFC];
	_ =	sdelay $0x3  }
0x94: {  	_ =	strace s3  }
0x95: {  	s3 =	sld [smem:$0x3FFD];
	_ =	sdelay $0x3  }
0x96: {  	_ =	strace s3  }
0x97: {  	_ =	strace $0x8FFFFFFF  }
0x98: {  	s19 =	sld [smem:$0x3FDB];
	_ =	sdelay $0x1  }
0x99: {  	s4 =	simm.s32 $_scs_section_size  }
0x9a: {  	s5 =	simm.s32 $_size__tile_overlayer_lowered;
	s6 =	simm.s32 $_tile_overlayer_lowered  }
0x9b: {  	s22 =	simm.s32 $0x1BFF;
	s21 =	sshll.u32 s6, $0x1;
	s3 =	sadd.s32 s4, s19  }
0x9c: {  	s7 =	simm.s32 $0x0;
	s20 =	sshll.u32 s5, $0x1;
	s5 =	sadd.s32 s21, s3  }
0x9d: {  	[timem:s7], [sflag:s22] =	dma.local [hbm:s5], s20  }
0x9e: {  	_ =	swait.ge [sflag:s22], s20  }
0x9f: {  	s4 =	ssub.s32 $0x0, s20;
	[sflag:s22] =	ssyncset.done $0x0  }
0xa0: {  	[sflag:s22] =	ssyncadd.s32 s4;
	_ =	sdelay $0x1  }
0xa1: {  	s23 =	simm.s32 $0x1B8B  }
0xa2: {  	_ =	swait.ge [sflag:s23], $0x1  }
0xa3: {  	[sflag:s23] =	ssyncset.done $0x0  }
0xa4: {  	s25 =	simm.s32 $0x1B8E;
	s24 =	sld [smem:$0x3FFE];
	[sflag:s23] =	ssyncadd.s32 $0xFFFFFFFF  }
0xa5: {  	s26 =	simm.s32 $execute0_lowered;
	[smem:$0x3FD2] =	sst s25  }
0xa6: {  	s5 =	sshll.u32 s26, $0x1;
	_ =	strace $0x80000046;
	[dreg:$0x1] =	wrdreg $0xFFFFFFFF  }
0xa7: {  	s28 =	simm.s32 $_size_execute0_lowered;
	s3 =	sadd.s32 s3, s5;
	[dreg:$0x0] =	wrdreg $0x0  }
0xa8: {  	s5 =	sshll.u32 s28, $0x1;
	[dreg:$0x2] =	wrdreg s3  }
0xa9: {  	[dreg:$0x3] =	wrdreg s5  }
0xaa: {  	[dreg:$0x4] =	wrdreg $0xC0  }
0xab: {  	_ =	task [dreg:s7], $0x5FFFF  }
0xac: {  	[dreg:$0x1] =	wrdreg $0xFFFFFFFF  }
0xad: {  	[dreg:$0x0] =	wrdreg $0x60  }
0xae: {  	[dreg:$0x2] =	wrdreg s24  }
0xaf: {  	[dreg:$0x3] =	wrdreg s2  }
0xb0: {  	[dreg:$0x4] =	wrdreg $0x30800  }
0xb1: {  	[dreg:$0x5] =	wrdreg $0x49000  }
0xb2: {  	[dreg:$0x6] =	wrdreg $0x9  }
0xb3: {  	_ =	task.clear_ibuf [dreg:s7], $0x7FFFF;
	_ =	strace $0x90000046  }
0xb4: {  	s29 =	simm.s32 $0x9;
	_ =	strace $0x80000048  }
0xb5: {  	_ =	swait.ge [sflag:s29], $0x1  }
0xb6: {  	[sflag:s29] =	ssyncadd.s32 $0xFFFFFFFF  }
0xb7: {  	_ =	strace $0x90000048  }
0xb8: {  	_ =	sfence  }
0xb9: {  	s30 =	sld [smem:$0x0];
	_ =	sdelay $0x2  }
0xba: {  	s31 =	sshll.u32 s1, $0xD;
	s1 =	sshrl.u32 s1, $0x2  }
0xbb: {  	s3 =	sand.u32 $0x4000, s31;
	s1 =	sadd.s32 s1, s30  }
0xbc: {  	s0 =	sor.u32 s3, s0;
	s1 =	sshll.u32 s1, $0x11  }
0xbd: {  	s0 =	sor.u32 s1, s0  }
0xbe: {  	s0 =	sadd.s32 $0x8F2B, s0  }
0xbf: {  	[sflag:s0] =	ssyncadd.remote.s32 $0x1  }
0xc0: {  	_ =	sfence.sel $0xFFFF  }
0xc1: {  	[dreg:$0x0] =	wrdreg $0xFFFFFFFF;
	(pc) =	sbr.abs _section_cstart, $3  }
0xc2: {  	[dreg:$0x1] =	wrdreg $0xFFFFFFFF  }
0xc3: {  	_ =	task.clear_ibuf [dreg:s7], $0x2FFFF;
	_ =	strace $0x9FFFFFFF  }
0xc4: {  	(tm) =	ssettm $0x7FFFFFFF  }
0xc5: {  	_ =	shalt  }
tec
execute0_lowered:
.L_overlay_start_1:
0x0: {  	(tag) =	ssettag $0x1  }
0x1: {  	s5 =	rddreg [dreg:$0x0]  }
0x2: {  	s7 =	rddreg [dreg:$0x1]  }
0x3: {  	s1 =	rddreg [dreg:$0x2]  }
0x4: {  	s2 =	rddreg [dreg:$0x3]  }
0x5: {  	s0 =	rddreg [dreg:$0x4];
	s3 =	simm.s32 $0x0;
	s4 =	srdreg.scid  }
0x6: {  	[smem:$0x7FF] =	sst s3;
	s6 =	sand.u32 $0x1, s4  }
0x7: {  	s4 =	stileid.u32;
	_ =	strace $0x80000047;
	s8 =	smul.u32 $0x3100, s6  }
0x8: {  	s9 =	sshll.u32 s6, $0xC;
	s10 =	ssub.s32 $0x2, s6;
	s11 =	smul.u32 $0x1880, s4  }
0x9: {  	s13 =	sshll.u32 s6, $0x4;
	s31 =	sshll.u32 s4, $0x8;
	s30 =	sshrl.u32 s10, $0x1  }
0xa: {  	s9 =	sadd.s32 s9, s5;
	s12 =	sadd.s32 s8, s5;
	s10 =	ssub.s32 s10, s30  }
0xb: {  	s5 =	sadd.s32 s11, s1;
	s6 =	sadd.s32 s11, s2;
	s14 =	sadd.s32 s7, s8  }
0xc: {  	s15 =	sshrl.u32 s11, $0x3;
	s9 =	sadd.s32 s31, s9;
	s11 =	simm.s32 $0x1800  }
0xd: {  	s16 =	sadd.s32 $0x188A00, s12;
	s7 =	smax.u32 s10, $0x1;
	s8 =	sadd.s32 $0x1E00, s9  }
0xe: {  	s9 =	sadd.s32 $0xC5400, s9;
	s10 =	sor.u32 s13, s4;
	s12 =	simm.s32 $0x1  }
0xf: {  	v0 =	vimm.f32 $1.000000000e+00;
	v1 =	vimm.f32 $0.0e+00;
	s13 =	sadd.s32 s15, s14;
	s14 =	sadd.s32 s15, s16;
	s15 =	simm.s32 $0x0  }
.LBB2_1:
0x10: {  	s16 =	simm.s32 $0x0  }
.LBB2_2:
0x11: {  	p0 =	sne.s32 s16, $0x1FC0  }
.Ltmp0:
0x12: {  	_ = 	snop;
	(pc) =	sbr.rel @p0 .LBB2_2-.Ltmp0, $3  }
0x13: {  	_ =	sdelay $0x1  }
0x14: {  	s17 =	sshra.s32 s16, $0x2  }
0x15: {  	s16 =	sadd.s32 $0x40, s16;
	[tilespmem:s17+$0x1000] =	vst v0  }
0x16: {  	s16 =	simm.s32 $0x40;
	s17 =	simm.s32 $0x0  }
.LBB2_4:
0x17: {  	p0 =	sne.s32 s16, $0x61C0;
	[tilespmem:s17+$0x1800] =	vst v1;
	s17 =	smov.u32 s16;
	s16 =	sadd.s32 $0x40, s16  }
.Ltmp1:
0x18: {  	(pc) =	sbr.rel @p0 .LBB2_4-.Ltmp1, $2  }
0x19: {  	_ =	sdelay $0x2  }
0x1a: {  	s17 =	sshra.s32 s17, $0x2  }
0x1b: {  	[tilespmem:s17+$0x1800] =	vst v1  }
0x1c: {  	[spmem:s5] =	stream.linear.scatter [tilespmem:s11], [sflag:$0x1], $0x1880, $0x38;
	[tilespmem:$0x6180] =	vst v63  }
0x1d: {  	_ =	swait.ge [sflag:s12], $0x1880  }
0x1e: {  	[sflag:s12] =	ssyncset.done $0x0  }
0x1f: {  	[sflag:s12] =	ssyncadd.s32 $0xFFFFE780  }
0x20: {  	[spmem:s6] =	stream.linear.scatter [tilespmem:s11], [sflag:$0x1], $0x1880, $0x38;
	[tilespmem:$0x6180] =	vst v63  }
0x21: {  	_ =	swait.ge [sflag:s12], $0x1880  }
0x22: {  	p0 =	sgt.u32 s10, $0xC34;
	[sflag:s12] =	ssyncset.done $0x0  }
0x23: {  	s16 =	sadd.s32 @!p0 $0x0, s9;
	[sflag:s12] =	ssyncadd.s32 $0xFFFFE780  }
0x24: {  	s17 =	simm.s32 @!p0 $0x0;
	s18 =	simm.s32 @!p0 $0x2;
	[bflag:$0x0] =	sbarrier.arrive $0xFFFF  }
0x25: {  	[tilespmem:s17], [sflag:$0x2] =	stream.linear.gather @!p0 [hbm4b:s16+s17], $0x800, $0x38;
	[tilespmem:$0x6180] =	vst v63  }
0x26: {  	_ =	swait.ge @!p0 [sflag:s18], $0x800;
	p0 =	por p0, p0  }
0x27: {  	[sflag:s18] =	ssyncset.done @!p0 $0x0  }
0x28: {  	s16 =	sadd.s32 @!p0 $0x0, s8;
	s19 =	simm.s32 @!p0 $0x800;
	[sflag:s18] =	ssyncadd.s32 @!p0 $0xFFFFF800  }
0x29: {  	[tilespmem:s19], [sflag:$0x2] =	stream.linear.gather @!p0 [hbm4b:s16+s17], $0x800, $0x38;
	[tilespmem:$0x6180] =	vst v63  }
0x2a: {  	_ =	swait.ge @!p0 [sflag:s18], $0x800  }
0x2b: {  	[sflag:s18] =	ssyncset.done @!p0 $0x0  }
0x2c: {  	s16 =	simm.s32 @!p0 $0x1000;
	[sflag:s18] =	ssyncadd.s32 @!p0 $0xFFFFF800  }
0x2d: {  	[spmem:s1] =	stream.indirect.scatter.add.f32 @!p0 [tilespmem:s16], [sflag:$0x2], $0x1, s17, s19, $0xb8;
	[tilespmem:$0x6180] =	vst v63  }
0x2e: {  	_ =	swait.ge @!p0 [sflag:s18], $0x800  }
0x2f: {  	[sflag:s18] =	ssyncset.done @!p0 $0x0  }
0x30: {  	s17 =	sadd.s32 $0x20, s10;
	[sflag:s18] =	ssyncadd.s32 @!p0 $0xFFFFF800  }
0x31: {  	[spmem:s2] =	stream.indirect.scatter.add.f32 @!p0 [tilespmem:s16], [sflag:$0x1], $0x1, s19, s19, $0xb8;
	[tilespmem:$0x6180] =	vst v63  }
0x32: {  	p2 =	sgt.u32 s17, $0xC34;
	s19 =	simm.s32 @!p0 $0x1  }
0x33: {  	s18 =	simm.s32 $0x4000;
	s16 =	simm.s32 $0x2000;
	_ =	swait.ge @!p0 [sflag:s19], $0x800  }
.LBB2_6:
0x34: {  	s20 =	sadd.s32 @!p2 s16, s9  }
0x35: {  	s21 =	simm.s32 @!p2 $0x0;
	[sflag:s19] =	ssyncset.done @!p0 $0x0;
	s22 =	smov.u32 s18  }
0x36: {  	s18 =	sadd.s32 $0x2000, s18;
	s23 =	simm.s32 @!p2 $0x2;
	[sflag:s19] =	ssyncadd.s32 @!p0 $0xFFFFF800  }
0x37: {  	[tilespmem:s21], [sflag:$0x2] =	stream.linear.gather @!p2 [hbm4b:s20+s21], $0x800, $0x38;
	[tilespmem:$0x6180] =	vst v63  }
0x38: {  	p1 =	sne.s32 s18, $0xC4000;
	p0 =	por p2, p2;
	_ =	swait.ge @!p2 [sflag:s23], $0x800  }
0x39: {  	[sflag:s23] =	ssyncset.done @!p0 $0x0  }
0x3a: {  	s16 =	sadd.s32 @!p0 s16, s8;
	s20 =	simm.s32 @!p0 $0x800;
	[sflag:s23] =	ssyncadd.s32 @!p0 $0xFFFFF800  }
0x3b: {  	[tilespmem:s20], [sflag:$0x2] =	stream.linear.gather @!p0 [hbm4b:s16+s21], $0x800, $0x38;
	[tilespmem:$0x6180] =	vst v63  }
0x3c: {  	s16 =	smov.u32 s22;
	_ =	swait.ge @!p0 [sflag:s23], $0x800  }
0x3d: {  	[sflag:s23] =	ssyncset.done @!p0 $0x0  }
0x3e: {  	s22 =	simm.s32 @!p0 $0x1000;
	[sflag:s23] =	ssyncadd.s32 @!p0 $0xFFFFF800  }
0x3f: {  	[spmem:s1] =	stream.indirect.scatter.add.f32 @!p0 [tilespmem:s22], [sflag:$0x2], $0x1, s21, s20, $0xb8;
	[tilespmem:$0x6180] =	vst v63  }
.Ltmp2:
0x40: {  	_ =	swait.ge @!p0 [sflag:s23], $0x800;
	(pc) =	sbr.rel @p1 .LBB2_6-.Ltmp2, $4  }
0x41: {  	[sflag:s23] =	ssyncset.done @!p0 $0x0  }
0x42: {  	s17 =	sadd.s32 $0x20, s17;
	s19 =	simm.s32 @!p0 $0x1;
	[sflag:s23] =	ssyncadd.s32 @!p0 $0xFFFFF800  }
0x43: {  	[spmem:s2] =	stream.indirect.scatter.add.f32 @!p0 [tilespmem:s22], [sflag:$0x1], $0x1, s20, s20, $0xb8;
	[tilespmem:$0x6180] =	vst v63  }
0x44: {  	p2 =	sgt.u32 s17, $0xC34;
	_ =	swait.ge @!p0 [sflag:s19], $0x800  }
0x45: {  	s17 =	sadd.s32 @!p2 s16, s9;
	[sflag:s19] =	ssyncset.done @!p0 $0x0  }
0x46: {  	s18 =	simm.s32 @!p2 $0x0;
	s20 =	simm.s32 @!p2 $0x2;
	[sflag:s19] =	ssyncadd.s32 @!p0 $0xFFFFF800  }
0x47: {  	[tilespmem:s18], [sflag:$0x2] =	stream.linear.gather @!p2 [hbm4b:s17+s18], $0x800, $0x38;
	[tilespmem:$0x6180] =	vst v63  }
0x48: {  	p0 =	por p2, p2;
	_ =	swait.ge @!p2 [sflag:s20], $0x800  }
0x49: {  	[sflag:s20] =	ssyncset.done @!p0 $0x0  }
0x4a: {  	s16 =	sadd.s32 @!p0 s16, s8;
	s17 =	simm.s32 @!p0 $0x800;
	[sflag:s20] =	ssyncadd.s32 @!p0 $0xFFFFF800  }
0x4b: {  	[tilespmem:s17], [sflag:$0x2] =	stream.linear.gather @!p0 [hbm4b:s16+s18], $0x800, $0x38;
	[tilespmem:$0x6180] =	vst v63  }
0x4c: {  	_ =	swait.ge @!p0 [sflag:s20], $0x800  }
0x4d: {  	[sflag:s20] =	ssyncset.done @!p0 $0x0  }
0x4e: {  	s16 =	simm.s32 @!p0 $0x1000;
	[sflag:s20] =	ssyncadd.s32 @!p0 $0xFFFFF800  }
0x4f: {  	[spmem:s1] =	stream.indirect.scatter.add.f32 @!p0 [tilespmem:s16], [sflag:$0x2], $0x1, s18, s17, $0xb8;
	[tilespmem:$0x6180] =	vst v63  }
0x50: {  	_ =	swait.ge @!p0 [sflag:s20], $0x800  }
0x51: {  	[sflag:s20] =	ssyncset.done @!p0 $0x0  }
0x52: {  	s18 =	simm.s32 @!p0 $0x1;
	[sflag:s20] =	ssyncadd.s32 @!p0 $0xFFFFF800  }
0x53: {  	[spmem:s2] =	stream.indirect.scatter.add.f32 @!p0 [tilespmem:s16], [sflag:$0x1], $0x1, s17, s17, $0xb8;
	[tilespmem:$0x6180] =	vst v63  }
0x54: {  	_ =	swait.ge @!p0 [sflag:s18], $0x800  }
0x55: {  	[sflag:s18] =	ssyncset.done @!p0 $0x0  }
0x56: {  	[sflag:s18] =	ssyncadd.s32 @!p0 $0xFFFFF800  }
0x57: {  	[bflag:$0x0] =	sbarrier.arrive $0xFFFF  }
0x58: {  	[tilespmem:s11], [sflag:$0x1] =	stream.linear.gather [spmem:s5], $0x1880, $0x38;
	[tilespmem:$0x6180] =	vst v63  }
0x59: {  	_ =	swait.ge [sflag:s12], $0x1880  }
0x5a: {  	[sflag:s12] =	ssyncset.done $0x0  }
0x5b: {  	[sflag:s12] =	ssyncadd.s32 $0xFFFFE780  }
0x5c: {  	[hbm4b:s13+s3] =	stream.linear.scatter [tilespmem:s11], [sflag:$0x1], $0x1880, $0x38;
	[tilespmem:$0x6180] =	vst v63  }
0x5d: {  	_ =	swait.ge [sflag:s12], $0x1880  }
0x5e: {  	[sflag:s12] =	ssyncset.done $0x0  }
0x5f: {  	[sflag:s12] =	ssyncadd.s32 $0xFFFFE780  }
0x60: {  	[tilespmem:s11], [sflag:$0x1] =	stream.linear.gather [spmem:s6], $0x1880, $0x38;
	[tilespmem:$0x6180] =	vst v63  }
0x61: {  	s15 =	sadd.s32 $0x1, s15;
	_ =	swait.ge [sflag:s12], $0x1880  }
0x62: {  	p0 =	sne.s32 s15, s7;
	[sflag:s12] =	ssyncset.done $0x0  }
.Ltmp3:
0x63: {  	[sflag:s12] =	ssyncadd.s32 $0xFFFFE780;
	(pc) =	sbr.rel @p0 .LBB2_1-.Ltmp3, $4  }
0x64: {  	[hbm4b:s14+s3] =	stream.linear.scatter [tilespmem:s11], [sflag:$0x1], $0x1880, $0x38;
	[tilespmem:$0x6180] =	vst v63  }
0x65: {  	_ =	swait.ge [sflag:s12], $0x1880  }
0x66: {  	[sflag:s12] =	ssyncset.done $0x0  }
0x67: {  	[sflag:s12] =	ssyncadd.s32 $0xFFFFE780  }
0x68: {  	_ =	sfence.sel $0x180000  }
0x69: {  	[bflag:$0x0] =	sbarrier.arrive $0xFFFF  }
0x6a: {  	p0 =	sne.s32 s4, $0x0;
	_ =	strace $0x90000047  }
0x6b: {  	s0 =	sadd.s32 @!p0 $0x100000, s0;
	[bflag:$0x2] =	sbarrier.arrive $0xFFFF  }
0x6c: {  	[sflag:s0] =	ssyncadd.tile.s32 @!p0 $0x1;
	_ =	shalt  }
.Lfunc_end2:
_tile_overlayer_lowered:
.L_overlay_start_2:
0x6d: {  	(tag) =	ssettag $0x2  }
0x6e: {  	s0 =	rddreg [dreg:$0x0];
	s2 =	stileid.u32  }
0x6f: {  	s1 =	rddreg [dreg:$0x1];
	p0 =	sne.s32 s2, $0x0  }
0x70: {  	s3 =	rddreg [dreg:$0x2];
	[bflag:$0x3] =	sbarrier.arrive $0xFFFF;
	s2 =	simm.s32 @!p0 $0x1C01  }
0x71: {  	[timem:s3], [sflag:s2] =	dma.local @!p0 [hbm:s0], s1  }
0x72: {  	s0 =	simm.s32 @!p0 $0x1  }
0x73: {  	_ =	swait.ge @!p0 [sflag:s0], s1  }
0x74: {  	s1 =	ssub.s32 @!p0 $0x0, s1;
	[sflag:s0] =	ssyncset.done @!p0 $0x0  }
0x75: {  	[sflag:s0] =	ssyncadd.s32 @!p0 s1  }
0x76: {  	[bflag:$0x3] =	sbarrier.arrive $0xFFFF  }
0x77: {  	_ =	shalt  }

</sc_bundles>
